<compile_context>
chip_gen: v7x
topology: tpu7x:2x2x1
jax: 0.10.2.dev20260603
libtpu: 0.0.44.dev20260713+nightly
codegen_flags: <defaults>
</compile_context>

<pallas_src>
import functools

import jax
import jax.numpy as jnp
from jax import lax
from jax.experimental import pallas as pl
from jax.experimental.pallas import tpu as pltpu
from jax.experimental.pallas import tpu_sc as plsc

NN = 10000
DD = 128
EE = 320000

NC = 2
NS = 16
LL = 16

NW = NC * NS
EPW = EE // NW
CHUNK = 80
NCHUNKS = EPW // CHUNK
NPAD = 10240
RPT = NPAD // NS

_mesh = plsc.VectorSubcoreMesh(
    core_axis_name="c", subcore_axis_name="s", num_cores=NC, num_subcores=NS)
_sc_params = pltpu.CompilerParams(needs_layout_passes=False)


@functools.partial(
    pl.kernel,
    out_type=jax.ShapeDtypeStruct((NC, NPAD), jnp.float32),
    mesh=_mesh,
    compiler_params=_sc_params,
    scratch_types=[
        pltpu.VMEM((EPW,), jnp.int32),
        pltpu.VMEM((EPW,), jnp.float32),
        pltpu.VMEM((NPAD,), jnp.float32),
        pltpu.VMEM((NS, RPT), jnp.float32),
        pltpu.VMEM((RPT,), jnp.float32),
        pltpu.VMEM_SHARED((NS, NPAD), jnp.float32),
    ],
)
def _deg_kernel(dst_hbm, ew_hbm, out_hbm, dst_v, ew_v, deg_v, red_v, outb_v,
                shared):
    c = lax.axis_index("c")
    s = lax.axis_index("s")
    wid = c * NS + s

    def zero(i, _):
        deg_v[pl.ds(i * LL, LL)] = jnp.zeros((LL,), jnp.float32)
        return 0
    lax.fori_loop(0, NPAD // LL, zero, 0)

    pltpu.sync_copy(dst_hbm.at[pl.ds(wid * EPW, EPW)], dst_v)
    pltpu.sync_copy(ew_hbm.at[pl.ds(wid * EPW, EPW)], ew_v)

    def accum(i, _):
        idx = dst_v[pl.ds(i * LL, LL)]
        w = ew_v[pl.ds(i * LL, LL)]
        plsc.addupdate_scatter(deg_v, [idx], w)
        return 0
    lax.fori_loop(0, EPW // LL, accum, 0)

    pltpu.sync_copy(deg_v, shared.at[s])
    plsc.subcore_barrier()

    base = s * RPT
    pltpu.sync_copy(shared.at[:, pl.ds(base, RPT)], red_v)

    def reduce_vreg(j, _):
        acc = red_v[0, pl.ds(j * LL, LL)]
        for p in range(1, NS):
            acc = acc + red_v[p, pl.ds(j * LL, LL)]
        outb_v[pl.ds(j * LL, LL)] = acc
        return 0
    lax.fori_loop(0, RPT // LL, reduce_vreg, 0)
    pltpu.sync_copy(outb_v, out_hbm.at[c, pl.ds(base, RPT)])


@functools.partial(
    pl.kernel,
    out_type=jax.ShapeDtypeStruct((NC, NPAD, DD), jnp.float32),
    mesh=_mesh,
    compiler_params=_sc_params,
    scratch_types=[
        pltpu.VMEM((3, CHUNK), jnp.int32),
        pltpu.VMEM((3, CHUNK), jnp.int32),
        pltpu.VMEM((3, CHUNK), jnp.int32),
        pltpu.VMEM((3, CHUNK), jnp.int32),
        pltpu.VMEM((CHUNK, DD), jnp.float32),
        pltpu.VMEM((CHUNK, DD), jnp.float32),
        pltpu.VMEM((CHUNK, DD), jnp.float32),
        pltpu.VMEM((CHUNK, DD), jnp.float32),
        pltpu.VMEM_SHARED((NPAD, DD), jnp.float32),
        pltpu.SemaphoreType.DMA,
        pltpu.SemaphoreType.DMA,
        pltpu.SemaphoreType.DMA,
        pltpu.SemaphoreType.DMA,
        pltpu.SemaphoreType.DMA,
    ],
)
def _agg_kernel(hs_hbm, ed_hbm, out_hbm,
                ed_t0, ed_t1, ed_t2, ed_t3, gbuf_a, gbuf_b, sbuf_c, sbuf_d,
                acc, sem_ga, sem_gb, sem_sc, sem_sd, sem_ed):
    c = lax.axis_index("c")
    s = lax.axis_index("s")
    wid = c * NS + s
    ed_bufs = [ed_t0, ed_t1, ed_t2, ed_t3]

    def zfill(i, _):
        r = i // (DD // LL)
        d = i % (DD // LL)
        sbuf_c[r, pl.ds(d * LL, LL)] = jnp.zeros((LL,), jnp.float32)
        return 0
    lax.fori_loop(0, CHUNK * (DD // LL), zfill, 0)

    rbase = s * RPT

    def zacc(i, _):
        pltpu.sync_copy(sbuf_c, acc.at[pl.ds(rbase + i * CHUNK, CHUNK)])
        return 0
    lax.fori_loop(0, RPT // CHUNK, zacc, 0)
    plsc.subcore_barrier()

    def load_slot(ci, k):
        row = wid * NCHUNKS + ci
        pltpu.async_copy(ed_hbm.at[row], ed_bufs[k], sem_ed)

    def wait_slot(k):
        pltpu.make_async_copy(ed_hbm.at[0], ed_bufs[k], sem_ed).wait()

    def start_gather(k, gbuf, sem):
        pltpu.async_copy(hs_hbm.at[ed_bufs[k].at[0]], gbuf, sem)

    def wait_gather(gbuf, sem):
        pltpu.make_async_copy(hs_hbm.at[pl.ds(0, CHUNK)], gbuf, sem).wait()

    def start_scatter(k, sbuf, sem):
        pltpu.async_copy(sbuf, acc.at[ed_bufs[k].at[1]], sem, add=True)

    def wait_scatter(sbuf, sem):
        pltpu.make_async_copy(sbuf, acc.at[pl.ds(0, CHUNK)], sem).wait()

    def scale(k, gbuf, sbuf):
        rvec = jnp.full((LL,), 2, jnp.int32)
        ed_k = ed_bufs[k]

        @plsc.parallel_loop(0, CHUNK, unroll=16)
        def _(e):
            b = plsc.bitcast(
                plsc.load_gather(ed_k, [rvec, jnp.full((LL,), e, jnp.int32)]),
                jnp.float32)
            for d in range(DD // LL):
                sbuf[e, pl.ds(d * LL, LL)] = gbuf[e, pl.ds(d * LL, LL)] * b

    def step(ci, k_use, k_load, gbuf, sbuf, gsem, ssem):
        wait_gather(gbuf, gsem)

        @pl.when(ci >= 2)
        def _():
            wait_scatter(sbuf, ssem)

        @pl.when(ci + 2 < NCHUNKS)
        def _():
            load_slot(ci + 2, k_load)

        scale(k_use, gbuf, sbuf)

        @pl.when(ci + 2 < NCHUNKS)
        def _():
            wait_slot(k_load)
            start_gather(k_load, gbuf, gsem)

        start_scatter(k_use, sbuf, ssem)

    load_slot(0, 0)
    load_slot(1, 1)
    wait_slot(0)
    start_gather(0, gbuf_a, sem_ga)
    wait_slot(1)
    start_gather(1, gbuf_b, sem_gb)

    def quad(q, _):
        ci = 4 * q
        step(ci, 0, 2, gbuf_a, sbuf_c, sem_ga, sem_sc)
        step(ci + 1, 1, 3, gbuf_b, sbuf_d, sem_gb, sem_sd)
        step(ci + 2, 2, 0, gbuf_a, sbuf_c, sem_ga, sem_sc)
        step(ci + 3, 3, 1, gbuf_b, sbuf_d, sem_gb, sem_sd)
        return 0
    lax.fori_loop(0, NCHUNKS // 4, quad, 0)

    step(NCHUNKS - 1, 0, 2, gbuf_a, sbuf_c, sem_ga, sem_sc)
    wait_scatter(sbuf_c, sem_sc)
    wait_scatter(sbuf_d, sem_sd)

    plsc.subcore_barrier()
    pltpu.sync_copy(acc.at[pl.ds(rbase, RPT)], out_hbm.at[c, pl.ds(rbase, RPT)])


RB = 400
GRID = NN // RB


def _tc1_body(x_ref, w_ref, d0_ref, d1_ref, o_ref):
    deg = d0_ref[...] + d1_ref[...] + 1.0
    dis = lax.rsqrt(deg)
    h = jnp.dot(x_ref[...], w_ref[...], preferred_element_type=jnp.float32)
    o_ref[...] = h * dis


def _tc2_body(p0_ref, p1_ref, hs_ref, d0_ref, d1_ref, w_ref, b_ref, a_ref,
              o_ref):
    deg = d0_ref[...] + d1_ref[...] + 1.0
    dis = lax.rsqrt(deg)
    t = dis * (p0_ref[0] + p1_ref[0] + hs_ref[...]) + b_ref[...]
    z = jnp.where(t > 0, t, a_ref[...] * t)
    m = jnp.dot(z, w_ref[...], preferred_element_type=jnp.float32)
    o_ref[...] = m * dis


def _tc3_body(p0_ref, p1_ref, hs_ref, d0_ref, d1_ref, b_ref, a_ref, o_ref):
    deg = d0_ref[...] + d1_ref[...] + 1.0
    dis = lax.rsqrt(deg)
    t = dis * (p0_ref[0] + p1_ref[0] + hs_ref[...]) + b_ref[...]
    o_ref[...] = jnp.where(t > 0, t, a_ref[...] * t)


_row_spec = pl.BlockSpec((RB, DD), lambda i: (i, 0))
_col_spec = pl.BlockSpec((RB, 1), lambda i: (i, 0))
_w_spec = pl.BlockSpec((DD, DD), lambda i: (0, 0))
_vec_spec = pl.BlockSpec((1, DD), lambda i: (0, 0))
_p0_spec = pl.BlockSpec((1, RB, DD), lambda i: (0, i, 0))
_p1_spec = pl.BlockSpec((1, RB, DD), lambda i: (1, i, 0))
_out_sds = jax.ShapeDtypeStruct((NN, DD), jnp.float32)

_tc1 = pl.pallas_call(
    _tc1_body, grid=(GRID,),
    in_specs=[_row_spec, _w_spec, _col_spec, _col_spec],
    out_specs=_row_spec, out_shape=_out_sds)

_tc2 = pl.pallas_call(
    _tc2_body, grid=(GRID,),
    in_specs=[_p0_spec, _p1_spec, _row_spec, _col_spec, _col_spec,
              _w_spec, _vec_spec, _vec_spec],
    out_specs=_row_spec, out_shape=_out_sds)

_tc3 = pl.pallas_call(
    _tc3_body, grid=(GRID,),
    in_specs=[_p0_spec, _p1_spec, _row_spec, _col_spec, _col_spec,
              _vec_spec, _vec_spec],
    out_specs=_row_spec, out_shape=_out_sds)


def kernel(x, edge_index, edge_weights, W1, b1, W2, b2, alpha):
    src = edge_index[0].astype(jnp.int32)
    dst = edge_index[1].astype(jnp.int32)
    ew = edge_weights.astype(jnp.float32)

    ed = jnp.stack([src.reshape(NW * NCHUNKS, CHUNK),
                    dst.reshape(NW * NCHUNKS, CHUNK),
                    lax.bitcast_convert_type(ew, jnp.int32)
                       .reshape(NW * NCHUNKS, CHUNK)], axis=1)

    degp = _deg_kernel(dst, ew)
    d0 = degp[0, :NN].reshape(NN, 1)
    d1 = degp[1, :NN].reshape(NN, 1)
    b1r = b1.reshape(1, DD)
    b2r = b2.reshape(1, DD)
    ar = alpha.reshape(1, DD)

    hs1 = _tc1(x, W1, d0, d1)
    p = _agg_kernel(hs1, ed)
    hs2 = _tc2(p, p, hs1, d0, d1, W2, b1r, ar)
    q = _agg_kernel(hs2, ed)
    out = _tc3(q, q, hs2, d0, d1, b2r, ar)
    return out

# --- scband reference (transcript-rebuilt; emitter-appended) ---
"""Pipeline reference for scband-gconv-87780541595781 (READ-ONLY COPY).

The authoritative reference and input builder live on the scoring server;
editing this copy changes nothing except your own understanding.
"""

import jax, jax.numpy as jnp
import numpy as np

N = 10000
E = 320000
D = 128

def gcn_conv(x, src, dst, ew, W, b, num_nodes):
    # x: [N, in], W: [in, out]
    h = x @ W
    # add self loops with weight 1 (PyG GCNConv default, add_self_loops=True)
    loop = jnp.arange(num_nodes, dtype=src.dtype)
    src_f = jnp.concatenate([src, loop])
    dst_f = jnp.concatenate([dst, loop])
    ew_f = jnp.concatenate([ew, jnp.ones((num_nodes,), dtype=ew.dtype)])
    # symmetric normalization: deg computed by scattering edge weights onto dst (col)
    deg = jnp.zeros((num_nodes,), dtype=ew.dtype).at[dst_f].add(ew_f)
    deg_inv_sqrt = jnp.where(deg > 0, deg ** -0.5, 0.0)
    norm = deg_inv_sqrt[src_f] * ew_f * deg_inv_sqrt[dst_f]
    msg = h[src_f] * norm[:, None]
    out = jnp.zeros_like(h).at[dst_f].add(msg)
    return out + b

def prelu(z, alpha):
    return jnp.where(z > 0, z, alpha[None, :] * z)

def setup_inputs(seed: int = 0) -> dict:
    key = jax.random.key(seed)
    k1, k2, k3, k4, k5, k6, k7 = jax.random.split(key, 7)
    x = jax.random.normal(k1, (N, D), dtype=jnp.float32)
    edge_index = jax.random.randint(k2, (2, E), 0, N, dtype=jnp.int64)
    edge_weights = jax.random.uniform(k3, (E,), dtype=jnp.float32)
    s = 1.0 / np.sqrt(D)
    W1 = jax.random.uniform(k4, (D, D), dtype=jnp.float32, minval=-s, maxval=s)
    b1 = jnp.zeros((D,), dtype=jnp.float32)
    W2 = jax.random.uniform(k5, (D, D), dtype=jnp.float32, minval=-s, maxval=s)
    b2 = jnp.zeros((D,), dtype=jnp.float32)
    alpha = jnp.full((D,), 0.25, dtype=jnp.float32)
    return {"x": x, "edge_index": edge_index, "edge_weights": edge_weights,
            "W1": W1, "b1": b1, "W2": W2, "b2": b2, "alpha": alpha}

def reference(x, edge_index, edge_weights, W1, b1, W2, b2, alpha):
    src = edge_index[0]
    dst = edge_index[1]
    z = gcn_conv(x, src, dst, edge_weights, W1, b1, N)
    z = prelu(z, alpha)
    z = gcn_conv(z, src, dst, edge_weights, W2, b2, N)
    z = prelu(z, alpha)
    return z

if __name__ == "__main__":
    import jax
    _d = setup_inputs()
    print(jax.jit(kernel)(*tuple(_d.values())))

</pallas_src>

<mosaic_0001>
#map = affine_map<(d0, d1) -> (0)>
#map1 = affine_map<(d0, d1) -> (0, 0)>
module attributes {stable_mosaic.version = 14 : i64} {
  func.func @_deg_kernel(%arg0: i32, %arg1: i32, %arg2: memref<320000xi32, #tpu.memory_space<hbm>>, %arg3: memref<320000xf32, #tpu.memory_space<hbm>>, %arg4: memref<2x10240xf32, #tpu.memory_space<hbm>>, %arg5: memref<10000xi32, #tpu.memory_space<vmem>>, %arg6: memref<10000xf32, #tpu.memory_space<vmem>>, %arg7: memref<10240xf32, #tpu.memory_space<vmem>>, %arg8: memref<16x640xf32, #tpu.memory_space<vmem>>, %arg9: memref<640xf32, #tpu.memory_space<vmem>>, %arg10: memref<16x10240xf32, #tpu.memory_space<vmem_shared>>) attributes {dimension_semantics = [#tpu.dimension_semantics<core_parallel>, #tpu.dimension_semantics<subcore_parallel>], iteration_bounds = array<i64: 2, 16>, scalar_prefetch = 0 : i64, scratch_operands = 6 : i64, tpu.core_type = #tpu.core_type<sc_vector_subcore>, window_params = [{transform_indices = #map}, {transform_indices = #map}, {transform_indices = #map1}]} {
    %mul3A = arith.constant 16 : i32
    %mul3A_0 = arith.muli %arg0, %mul3A : i32
    %add3A = arith.addi %mul3A_0, %arg1 : i32
    %scan3A = arith.constant 0 : i32
    %scan3A_1 = arith.constant 0 : i32
    %scan3A_2 = arith.constant 640 : i32
    %scan3A_3 = arith.addi %scan3A_1, %scan3A_2 : i32
    %scan3A_4 = arith.constant 1 : i32
    %scan3A_5 = scf.for %scan3A_27 = %scan3A_1 to %scan3A_3 step %scan3A_4 iter_args(%scan3A_28 = %scan3A) -> (i32)  : i32 {
      %broadcast_in_dim3A = arith.constant 0.000000e+00 : f32
      %broadcast_in_dim3A_29 = vector.broadcast %broadcast_in_dim3A : f32 to vector<16xf32>
      %mul3A_30 = arith.constant 16 : i32
      %mul3A_31 = arith.muli %scan3A_27, %mul3A_30 : i32
      %swap3A = arith.index_cast %mul3A_31 : i32 to index
      %swap3A_32 = tpu.vector_load %arg7[%swap3A] {strides = array<i32>} : memref<10240xf32, #tpu.memory_space<vmem>>, vector<16xf32>,
      tpu.vector_store %arg7[%swap3A], %broadcast_in_dim3A_29 {strides = array<i32>} : memref<10240xf32, #tpu.memory_space<vmem>>, vector<16xf32>,
      %scan3A_33 = arith.constant 0 : i32
      scf.yield %scan3A_33 : i32
    }
    %scan3A_6 = arith.constant 640 : i32
    %mul3A_7 = arith.constant 10000 : i32
    %mul3A_8 = arith.muli %add3A, %mul3A_7 : i32
    "tpu.region"() ({
      %run_scoped3A = tpu.sem_alloc : memref<!tpu.dma_semaphore, #tpu.memory_space<semaphore_mem>>
      %dma_start3A = tpu.memref_slice %arg2[%mul3A_8] : memref<320000xi32, #tpu.memory_space<hbm>> -> memref<10000xi32, #tpu.memory_space<hbm>>
      %dma_start3A_27 = tpu.memref_slice %arg2[%mul3A_8] : memref<320000xi32, #tpu.memory_space<hbm>> -> memref<10000xi32, #tpu.memory_space<hbm>>
      tpu.enqueue_dma source(%dma_start3A_27 : memref<10000xi32, #tpu.memory_space<hbm>>) target(%arg5 : memref<10000xi32, #tpu.memory_space<vmem>>) target_semaphore(%run_scoped3A : memref<!tpu.dma_semaphore, #tpu.memory_space<semaphore_mem>>)
      %dma_wait3A = tpu.memref_slice %arg2[%mul3A_8] : memref<320000xi32, #tpu.memory_space<hbm>> -> memref<10000xi32, #tpu.memory_space<hbm>>
      %dma_wait3A_28 = tpu.memref_slice %arg2[%mul3A_8] : memref<320000xi32, #tpu.memory_space<hbm>> -> memref<10000xi32, #tpu.memory_space<hbm>>
      tpu.wait_dma2 semaphore(%run_scoped3A : memref<!tpu.dma_semaphore, #tpu.memory_space<semaphore_mem>>) src(%dma_wait3A_28 : memref<10000xi32, #tpu.memory_space<hbm>>) dst(%arg5 : memref<10000xi32, #tpu.memory_space<vmem>>)
      tpu.yield
    }) : () -> ()
    %mul3A_9 = arith.constant 10000 : i32
    %mul3A_10 = arith.muli %add3A, %mul3A_9 : i32
    "tpu.region"() ({
      %run_scoped3A = tpu.sem_alloc : memref<!tpu.dma_semaphore, #tpu.memory_space<semaphore_mem>>
      %dma_start3A = tpu.memref_slice %arg3[%mul3A_10] : memref<320000xf32, #tpu.memory_space<hbm>> -> memref<10000xf32, #tpu.memory_space<hbm>>
      %dma_start3A_27 = tpu.memref_slice %arg3[%mul3A_10] : memref<320000xf32, #tpu.memory_space<hbm>> -> memref<10000xf32, #tpu.memory_space<hbm>>
      tpu.enqueue_dma source(%dma_start3A_27 : memref<10000xf32, #tpu.memory_space<hbm>>) target(%arg6 : memref<10000xf32, #tpu.memory_space<vmem>>) target_semaphore(%run_scoped3A : memref<!tpu.dma_semaphore, #tpu.memory_space<semaphore_mem>>)
      %dma_wait3A = tpu.memref_slice %arg3[%mul3A_10] : memref<320000xf32, #tpu.memory_space<hbm>> -> memref<10000xf32, #tpu.memory_space<hbm>>
      %dma_wait3A_28 = tpu.memref_slice %arg3[%mul3A_10] : memref<320000xf32, #tpu.memory_space<hbm>> -> memref<10000xf32, #tpu.memory_space<hbm>>
      tpu.wait_dma2 semaphore(%run_scoped3A : memref<!tpu.dma_semaphore, #tpu.memory_space<semaphore_mem>>) src(%dma_wait3A_28 : memref<10000xf32, #tpu.memory_space<hbm>>) dst(%arg6 : memref<10000xf32, #tpu.memory_space<vmem>>)
      tpu.yield
    }) : () -> ()
    %scan3A_11 = arith.constant 0 : i32
    %scan3A_12 = arith.constant 0 : i32
    %scan3A_13 = arith.constant 625 : i32
    %scan3A_14 = arith.addi %scan3A_12, %scan3A_13 : i32
    %scan3A_15 = arith.constant 1 : i32
    %scan3A_16 = scf.for %scan3A_27 = %scan3A_12 to %scan3A_14 step %scan3A_15 iter_args(%scan3A_28 = %scan3A_11) -> (i32)  : i32 {
      %mul3A_29 = arith.constant 16 : i32
      %mul3A_30 = arith.muli %scan3A_27, %mul3A_29 : i32
      %get3A = arith.index_cast %mul3A_30 : i32 to index
      %get3A_31 = tpu.vector_load %arg5[%get3A] {strides = array<i32>} : memref<10000xi32, #tpu.memory_space<vmem>>, vector<16xi32>,
      %mul3A_32 = arith.constant 16 : i32
      %mul3A_33 = arith.muli %scan3A_27, %mul3A_32 : i32
      %get3A_34 = arith.index_cast %mul3A_33 : i32 to index
      %get3A_35 = tpu.vector_load %arg6[%get3A_34] {strides = array<i32>} : memref<10000xf32, #tpu.memory_space<vmem>>, vector<16xf32>,
      tpu.vector_store_idx %arg7[%get3A_31], %get3A_35 {add = true} : memref<10240xf32, #tpu.memory_space<vmem>>[vector<16xi32>], vector<16xf32>,
      %scan3A_36 = arith.constant 0 : i32
      scf.yield %scan3A_36 : i32
    }
    %scan3A_17 = arith.constant 625 : i32
    "tpu.region"() ({
      %run_scoped3A = tpu.sem_alloc : memref<!tpu.dma_semaphore, #tpu.memory_space<semaphore_mem>>
      %dma_start3A = arith.constant 0 : i32
      %dma_start3A_27 = tpu.memref_slice %arg10[%arg1, %dma_start3A] : memref<16x10240xf32, #tpu.memory_space<vmem_shared>> -> memref<1x10240xf32, #tpu.memory_space<vmem_shared>>
      %dma_start3A_28 = tpu.memref_squeeze %dma_start3A_27 : memref<1x10240xf32, #tpu.memory_space<vmem_shared>> -> memref<10240xf32, #tpu.memory_space<vmem_shared>>
      %dma_start3A_29 = arith.constant 0 : i32
      %dma_start3A_30 = tpu.memref_slice %arg10[%arg1, %dma_start3A_29] : memref<16x10240xf32, #tpu.memory_space<vmem_shared>> -> memref<1x10240xf32, #tpu.memory_space<vmem_shared>>
      %dma_start3A_31 = tpu.memref_squeeze %dma_start3A_30 : memref<1x10240xf32, #tpu.memory_space<vmem_shared>> -> memref<10240xf32, #tpu.memory_space<vmem_shared>>
      tpu.enqueue_dma source(%arg7 : memref<10240xf32, #tpu.memory_space<vmem>>) target(%dma_start3A_31 : memref<10240xf32, #tpu.memory_space<vmem_shared>>) target_semaphore(%run_scoped3A : memref<!tpu.dma_semaphore, #tpu.memory_space<semaphore_mem>>)
      %dma_wait3A = arith.constant 0 : i32
      %dma_wait3A_32 = tpu.memref_slice %arg10[%arg1, %dma_wait3A] : memref<16x10240xf32, #tpu.memory_space<vmem_shared>> -> memref<1x10240xf32, #tpu.memory_space<vmem_shared>>
      %dma_wait3A_33 = tpu.memref_squeeze %dma_wait3A_32 : memref<1x10240xf32, #tpu.memory_space<vmem_shared>> -> memref<10240xf32, #tpu.memory_space<vmem_shared>>
      %dma_wait3A_34 = arith.constant 0 : i32
      %dma_wait3A_35 = tpu.memref_slice %arg10[%arg1, %dma_wait3A_34] : memref<16x10240xf32, #tpu.memory_space<vmem_shared>> -> memref<1x10240xf32, #tpu.memory_space<vmem_shared>>
      %dma_wait3A_36 = tpu.memref_squeeze %dma_wait3A_35 : memref<1x10240xf32, #tpu.memory_space<vmem_shared>> -> memref<10240xf32, #tpu.memory_space<vmem_shared>>
      tpu.wait_dma2 semaphore(%run_scoped3A : memref<!tpu.dma_semaphore, #tpu.memory_space<semaphore_mem>>) src(%arg7 : memref<10240xf32, #tpu.memory_space<vmem>>) dst(%dma_wait3A_36 : memref<10240xf32, #tpu.memory_space<vmem_shared>>)
      tpu.yield
    }) : () -> ()
    %barrier3A = arith.constant 0 : index
    tpu.barrier barrier_id(%barrier3A)
    %mul3A_18 = arith.constant 640 : i32
    %mul3A_19 = arith.muli %arg1, %mul3A_18 : i32
    "tpu.region"() ({
      %run_scoped3A = tpu.sem_alloc : memref<!tpu.dma_semaphore, #tpu.memory_space<semaphore_mem>>
      %dma_start3A = arith.constant 0 : i32
      %dma_start3A_27 = tpu.memref_slice %arg10[%dma_start3A, %mul3A_19] : memref<16x10240xf32, #tpu.memory_space<vmem_shared>> -> memref<16x640xf32, #tpu.memory_space<vmem_shared>>
      %dma_start3A_28 = arith.constant 0 : i32
      %dma_start3A_29 = tpu.memref_slice %arg10[%dma_start3A_28, %mul3A_19] : memref<16x10240xf32, #tpu.memory_space<vmem_shared>> -> memref<16x640xf32, #tpu.memory_space<vmem_shared>>
      tpu.enqueue_dma source(%dma_start3A_29 : memref<16x640xf32, #tpu.memory_space<vmem_shared>>) target(%arg8 : memref<16x640xf32, #tpu.memory_space<vmem>>) target_semaphore(%run_scoped3A : memref<!tpu.dma_semaphore, #tpu.memory_space<semaphore_mem>>)
      %dma_wait3A = arith.constant 0 : i32
      %dma_wait3A_30 = tpu.memref_slice %arg10[%dma_wait3A, %mul3A_19] : memref<16x10240xf32, #tpu.memory_space<vmem_shared>> -> memref<16x640xf32, #tpu.memory_space<vmem_shared>>
      %dma_wait3A_31 = arith.constant 0 : i32
      %dma_wait3A_32 = tpu.memref_slice %arg10[%dma_wait3A_31, %mul3A_19] : memref<16x10240xf32, #tpu.memory_space<vmem_shared>> -> memref<16x640xf32, #tpu.memory_space<vmem_shared>>
      tpu.wait_dma2 semaphore(%run_scoped3A : memref<!tpu.dma_semaphore, #tpu.memory_space<semaphore_mem>>) src(%dma_wait3A_32 : memref<16x640xf32, #tpu.memory_space<vmem_shared>>) dst(%arg8 : memref<16x640xf32, #tpu.memory_space<vmem>>)
      tpu.yield
    }) : () -> ()
    %scan3A_20 = arith.constant 0 : i32
    %scan3A_21 = arith.constant 0 : i32
    %scan3A_22 = arith.constant 40 : i32
    %scan3A_23 = arith.addi %scan3A_21, %scan3A_22 : i32
    %scan3A_24 = arith.constant 1 : i32
    %scan3A_25 = scf.for %scan3A_27 = %scan3A_21 to %scan3A_23 step %scan3A_24 iter_args(%scan3A_28 = %scan3A_20) -> (i32)  : i32 {
      %mul3A_29 = arith.constant 16 : i32
      %mul3A_30 = arith.muli %scan3A_27, %mul3A_29 : i32
      %get3A = arith.constant 0 : i32
      %get3A_31 = arith.index_cast %get3A : i32 to index
      %get3A_32 = arith.index_cast %mul3A_30 : i32 to index
      %get3A_33 = tpu.vector_load %arg8[%get3A_31, %get3A_32] {strides = array<i32>} : memref<16x640xf32, #tpu.memory_space<vmem>>, vector<16xf32>,
      %mul3A_34 = arith.constant 16 : i32
      %mul3A_35 = arith.muli %scan3A_27, %mul3A_34 : i32
      %get3A_36 = arith.constant 1 : i32
      %get3A_37 = arith.index_cast %get3A_36 : i32 to index
      %get3A_38 = arith.index_cast %mul3A_35 : i32 to index
      %get3A_39 = tpu.vector_load %arg8[%get3A_37, %get3A_38] {strides = array<i32>} : memref<16x640xf32, #tpu.memory_space<vmem>>, vector<16xf32>,
      %add3A_40 = arith.addf %get3A_33, %get3A_39 : vector<16xf32>
      %mul3A_41 = arith.constant 16 : i32
      %mul3A_42 = arith.muli %scan3A_27, %mul3A_41 : i32
      %get3A_43 = arith.constant 2 : i32
      %get3A_44 = arith.index_cast %get3A_43 : i32 to index
      %get3A_45 = arith.index_cast %mul3A_42 : i32 to index
      %get3A_46 = tpu.vector_load %arg8[%get3A_44, %get3A_45] {strides = array<i32>} : memref<16x640xf32, #tpu.memory_space<vmem>>, vector<16xf32>,
      %add3A_47 = arith.addf %add3A_40, %get3A_46 : vector<16xf32>
      %mul3A_48 = arith.constant 16 : i32
      %mul3A_49 = arith.muli %scan3A_27, %mul3A_48 : i32
      %get3A_50 = arith.constant 3 : i32
      %get3A_51 = arith.index_cast %get3A_50 : i32 to index
      %get3A_52 = arith.index_cast %mul3A_49 : i32 to index
      %get3A_53 = tpu.vector_load %arg8[%get3A_51, %get3A_52] {strides = array<i32>} : memref<16x640xf32, #tpu.memory_space<vmem>>, vector<16xf32>,
      %add3A_54 = arith.addf %add3A_47, %get3A_53 : vector<16xf32>
      %mul3A_55 = arith.constant 16 : i32
      %mul3A_56 = arith.muli %scan3A_27, %mul3A_55 : i32
      %get3A_57 = arith.constant 4 : i32
      %get3A_58 = arith.index_cast %get3A_57 : i32 to index
      %get3A_59 = arith.index_cast %mul3A_56 : i32 to index
      %get3A_60 = tpu.vector_load %arg8[%get3A_58, %get3A_59] {strides = array<i32>} : memref<16x640xf32, #tpu.memory_space<vmem>>, vector<16xf32>,
      %add3A_61 = arith.addf %add3A_54, %get3A_60 : vector<16xf32>
      %mul3A_62 = arith.constant 16 : i32
      %mul3A_63 = arith.muli %scan3A_27, %mul3A_62 : i32
      %get3A_64 = arith.constant 5 : i32
      %get3A_65 = arith.index_cast %get3A_64 : i32 to index
      %get3A_66 = arith.index_cast %mul3A_63 : i32 to index
      %get3A_67 = tpu.vector_load %arg8[%get3A_65, %get3A_66] {strides = array<i32>} : memref<16x640xf32, #tpu.memory_space<vmem>>, vector<16xf32>,
      %add3A_68 = arith.addf %add3A_61, %get3A_67 : vector<16xf32>
      %mul3A_69 = arith.constant 16 : i32
      %mul3A_70 = arith.muli %scan3A_27, %mul3A_69 : i32
      %get3A_71 = arith.constant 6 : i32
      %get3A_72 = arith.index_cast %get3A_71 : i32 to index
      %get3A_73 = arith.index_cast %mul3A_70 : i32 to index
      %get3A_74 = tpu.vector_load %arg8[%get3A_72, %get3A_73] {strides = array<i32>} : memref<16x640xf32, #tpu.memory_space<vmem>>, vector<16xf32>,
      %add3A_75 = arith.addf %add3A_68, %get3A_74 : vector<16xf32>
      %mul3A_76 = arith.constant 16 : i32
      %mul3A_77 = arith.muli %scan3A_27, %mul3A_76 : i32
      %get3A_78 = arith.constant 7 : i32
      %get3A_79 = arith.index_cast %get3A_78 : i32 to index
      %get3A_80 = arith.index_cast %mul3A_77 : i32 to index
      %get3A_81 = tpu.vector_load %arg8[%get3A_79, %get3A_80] {strides = array<i32>} : memref<16x640xf32, #tpu.memory_space<vmem>>, vector<16xf32>,
      %add3A_82 = arith.addf %add3A_75, %get3A_81 : vector<16xf32>
      %mul3A_83 = arith.constant 16 : i32
      %mul3A_84 = arith.muli %scan3A_27, %mul3A_83 : i32
      %get3A_85 = arith.constant 8 : i32
      %get3A_86 = arith.index_cast %get3A_85 : i32 to index
      %get3A_87 = arith.index_cast %mul3A_84 : i32 to index
      %get3A_88 = tpu.vector_load %arg8[%get3A_86, %get3A_87] {strides = array<i32>} : memref<16x640xf32, #tpu.memory_space<vmem>>, vector<16xf32>,
      %add3A_89 = arith.addf %add3A_82, %get3A_88 : vector<16xf32>
      %mul3A_90 = arith.constant 16 : i32
      %mul3A_91 = arith.muli %scan3A_27, %mul3A_90 : i32
      %get3A_92 = arith.constant 9 : i32
      %get3A_93 = arith.index_cast %get3A_92 : i32 to index
      %get3A_94 = arith.index_cast %mul3A_91 : i32 to index
      %get3A_95 = tpu.vector_load %arg8[%get3A_93, %get3A_94] {strides = array<i32>} : memref<16x640xf32, #tpu.memory_space<vmem>>, vector<16xf32>,
      %add3A_96 = arith.addf %add3A_89, %get3A_95 : vector<16xf32>
      %mul3A_97 = arith.constant 16 : i32
      %mul3A_98 = arith.muli %scan3A_27, %mul3A_97 : i32
      %get3A_99 = arith.constant 10 : i32
      %get3A_100 = arith.index_cast %get3A_99 : i32 to index
      %get3A_101 = arith.index_cast %mul3A_98 : i32 to index
      %get3A_102 = tpu.vector_load %arg8[%get3A_100, %get3A_101] {strides = array<i32>} : memref<16x640xf32, #tpu.memory_space<vmem>>, vector<16xf32>,
      %add3A_103 = arith.addf %add3A_96, %get3A_102 : vector<16xf32>
      %mul3A_104 = arith.constant 16 : i32
      %mul3A_105 = arith.muli %scan3A_27, %mul3A_104 : i32
      %get3A_106 = arith.constant 11 : i32
      %get3A_107 = arith.index_cast %get3A_106 : i32 to index
      %get3A_108 = arith.index_cast %mul3A_105 : i32 to index
      %get3A_109 = tpu.vector_load %arg8[%get3A_107, %get3A_108] {strides = array<i32>} : memref<16x640xf32, #tpu.memory_space<vmem>>, vector<16xf32>,
      %add3A_110 = arith.addf %add3A_103, %get3A_109 : vector<16xf32>
      %mul3A_111 = arith.constant 16 : i32
      %mul3A_112 = arith.muli %scan3A_27, %mul3A_111 : i32
      %get3A_113 = arith.constant 12 : i32
      %get3A_114 = arith.index_cast %get3A_113 : i32 to index
      %get3A_115 = arith.index_cast %mul3A_112 : i32 to index
      %get3A_116 = tpu.vector_load %arg8[%get3A_114, %get3A_115] {strides = array<i32>} : memref<16x640xf32, #tpu.memory_space<vmem>>, vector<16xf32>,
      %add3A_117 = arith.addf %add3A_110, %get3A_116 : vector<16xf32>
      %mul3A_118 = arith.constant 16 : i32
      %mul3A_119 = arith.muli %scan3A_27, %mul3A_118 : i32
      %get3A_120 = arith.constant 13 : i32
      %get3A_121 = arith.index_cast %get3A_120 : i32 to index
      %get3A_122 = arith.index_cast %mul3A_119 : i32 to index
      %get3A_123 = tpu.vector_load %arg8[%get3A_121, %get3A_122] {strides = array<i32>} : memref<16x640xf32, #tpu.memory_space<vmem>>, vector<16xf32>,
      %add3A_124 = arith.addf %add3A_117, %get3A_123 : vector<16xf32>
      %mul3A_125 = arith.constant 16 : i32
      %mul3A_126 = arith.muli %scan3A_27, %mul3A_125 : i32
      %get3A_127 = arith.constant 14 : i32
      %get3A_128 = arith.index_cast %get3A_127 : i32 to index
      %get3A_129 = arith.index_cast %mul3A_126 : i32 to index
      %get3A_130 = tpu.vector_load %arg8[%get3A_128, %get3A_129] {strides = array<i32>} : memref<16x640xf32, #tpu.memory_space<vmem>>, vector<16xf32>,
      %add3A_131 = arith.addf %add3A_124, %get3A_130 : vector<16xf32>
      %mul3A_132 = arith.constant 16 : i32
      %mul3A_133 = arith.muli %scan3A_27, %mul3A_132 : i32
      %get3A_134 = arith.constant 15 : i32
      %get3A_135 = arith.index_cast %get3A_134 : i32 to index
      %get3A_136 = arith.index_cast %mul3A_133 : i32 to index
      %get3A_137 = tpu.vector_load %arg8[%get3A_135, %get3A_136] {strides = array<i32>} : memref<16x640xf32, #tpu.memory_space<vmem>>, vector<16xf32>,
      %add3A_138 = arith.addf %add3A_131, %get3A_137 : vector<16xf32>
      %mul3A_139 = arith.constant 16 : i32
      %mul3A_140 = arith.muli %scan3A_27, %mul3A_139 : i32
      %swap3A = arith.index_cast %mul3A_140 : i32 to index
      %swap3A_141 = tpu.vector_load %arg9[%swap3A] {strides = array<i32>} : memref<640xf32, #tpu.memory_space<vmem>>, vector<16xf32>,
      tpu.vector_store %arg9[%swap3A], %add3A_138 {strides = array<i32>} : memref<640xf32, #tpu.memory_space<vmem>>, vector<16xf32>,
      %scan3A_142 = arith.constant 0 : i32
      scf.yield %scan3A_142 : i32
    }
    %scan3A_26 = arith.constant 40 : i32
    "tpu.region"() ({
      %run_scoped3A = tpu.sem_alloc : memref<!tpu.dma_semaphore, #tpu.memory_space<semaphore_mem>>
      %dma_start3A = tpu.memref_slice %arg4[%arg0, %mul3A_19] : memref<2x10240xf32, #tpu.memory_space<hbm>> -> memref<1x640xf32, #tpu.memory_space<hbm>>
      %dma_start3A_27 = tpu.memref_squeeze %dma_start3A : memref<1x640xf32, #tpu.memory_space<hbm>> -> memref<640xf32, #tpu.memory_space<hbm>>
      %dma_start3A_28 = tpu.memref_slice %arg4[%arg0, %mul3A_19] : memref<2x10240xf32, #tpu.memory_space<hbm>> -> memref<1x640xf32, #tpu.memory_space<hbm>>
      %dma_start3A_29 = tpu.memref_squeeze %dma_start3A_28 : memref<1x640xf32, #tpu.memory_space<hbm>> -> memref<640xf32, #tpu.memory_space<hbm>>
      tpu.enqueue_dma source(%arg9 : memref<640xf32, #tpu.memory_space<vmem>>) target(%dma_start3A_29 : memref<640xf32, #tpu.memory_space<hbm>>) target_semaphore(%run_scoped3A : memref<!tpu.dma_semaphore, #tpu.memory_space<semaphore_mem>>)
      %dma_wait3A = tpu.memref_slice %arg4[%arg0, %mul3A_19] : memref<2x10240xf32, #tpu.memory_space<hbm>> -> memref<1x640xf32, #tpu.memory_space<hbm>>
      %dma_wait3A_30 = tpu.memref_squeeze %dma_wait3A : memref<1x640xf32, #tpu.memory_space<hbm>> -> memref<640xf32, #tpu.memory_space<hbm>>
      %dma_wait3A_31 = tpu.memref_slice %arg4[%arg0, %mul3A_19] : memref<2x10240xf32, #tpu.memory_space<hbm>> -> memref<1x640xf32, #tpu.memory_space<hbm>>
      %dma_wait3A_32 = tpu.memref_squeeze %dma_wait3A_31 : memref<1x640xf32, #tpu.memory_space<hbm>> -> memref<640xf32, #tpu.memory_space<hbm>>
      tpu.wait_dma2 semaphore(%run_scoped3A : memref<!tpu.dma_semaphore, #tpu.memory_space<semaphore_mem>>) src(%arg9 : memref<640xf32, #tpu.memory_space<vmem>>) dst(%dma_wait3A_32 : memref<640xf32, #tpu.memory_space<hbm>>)
      tpu.yield
    }) : () -> ()
    return
  }
}

#map = affine_map<(d0, d1) -> (0, 0)>
#map1 = affine_map<(d0, d1) -> (0, 0, 0)>
module attributes {stable_mosaic.version = 14 : i64} {
  func.func @_agg_kernel(%arg0: i32, %arg1: i32, %arg2: memref<10000x128xf32, #tpu.memory_space<hbm>>, %arg3: memref<4000x3x80xi32, #tpu.memory_space<hbm>>, %arg4: memref<2x10240x128xf32, #tpu.memory_space<hbm>>, %arg5: memref<3x80xi32, #tpu.memory_space<vmem>>, %arg6: memref<3x80xi32, #tpu.memory_space<vmem>>, %arg7: memref<3x80xi32, #tpu.memory_space<vmem>>, %arg8: memref<3x80xi32, #tpu.memory_space<vmem>>, %arg9: memref<80x128xf32, #tpu.memory_space<vmem>>, %arg10: memref<80x128xf32, #tpu.memory_space<vmem>>, %arg11: memref<80x128xf32, #tpu.memory_space<vmem>>, %arg12: memref<80x128xf32, #tpu.memory_space<vmem>>, %arg13: memref<10240x128xf32, #tpu.memory_space<vmem_shared>>, %arg14: memref<!tpu.dma_semaphore, #tpu.memory_space<semaphore_mem>>, %arg15: memref<!tpu.dma_semaphore, #tpu.memory_space<semaphore_mem>>, %arg16: memref<!tpu.dma_semaphore, #tpu.memory_space<semaphore_mem>>, %arg17: memref<!tpu.dma_semaphore, #tpu.memory_space<semaphore_mem>>, %arg18: memref<!tpu.dma_semaphore, #tpu.memory_space<semaphore_mem>>) attributes {dimension_semantics = [#tpu.dimension_semantics<core_parallel>, #tpu.dimension_semantics<subcore_parallel>], iteration_bounds = array<i64: 2, 16>, scalar_prefetch = 0 : i64, scratch_operands = 14 : i64, tpu.core_type = #tpu.core_type<sc_vector_subcore>, window_params = [{transform_indices = #map}, {transform_indices = #map1}, {transform_indices = #map1}]} {
    %mul3A = arith.constant 16 : i32
    %mul3A_0 = arith.muli %arg0, %mul3A : i32
    %add3A = arith.addi %mul3A_0, %arg1 : i32
    %scan3A = arith.constant 0 : i32
    %scan3A_1 = arith.constant 0 : i32
    %scan3A_2 = arith.constant 640 : i32
    %scan3A_3 = arith.addi %scan3A_1, %scan3A_2 : i32
    %scan3A_4 = arith.constant 1 : i32
    %scan3A_5 = scf.for %scan3A_112 = %scan3A_1 to %scan3A_3 step %scan3A_4 iter_args(%scan3A_113 = %scan3A) -> (i32)  : i32 {
      %jit3A = arith.constant 8 : i32
      %div3A = arith.divsi %scan3A_112, %jit3A : i32
      %sign3A = arith.constant 0 : i32
      %sign3A_114 = arith.cmpi sgt, %scan3A_112, %sign3A : i32
      %sign3A_115 = arith.extui %sign3A_114 : i1 to i32
      %sign3A_116 = arith.constant 0 : i32
      %sign3A_117 = arith.cmpi slt, %scan3A_112, %sign3A_116 : i32
      %sign3A_118 = arith.extui %sign3A_117 : i1 to i32
      %sign3A_119 = arith.subi %sign3A_115, %sign3A_118 : i32
      %sign3A_120 = arith.constant 0 : i32
      %sign3A_121 = arith.cmpi sgt, %jit3A, %sign3A_120 : i32
      %sign3A_122 = arith.extui %sign3A_121 : i1 to i32
      %sign3A_123 = arith.constant 0 : i32
      %sign3A_124 = arith.cmpi slt, %jit3A, %sign3A_123 : i32
      %sign3A_125 = arith.extui %sign3A_124 : i1 to i32
      %sign3A_126 = arith.subi %sign3A_122, %sign3A_125 : i32
      %ne3A = arith.cmpi ne, %sign3A_119, %sign3A_126 : i32
      %rem3A = arith.remsi %scan3A_112, %jit3A : i32
      %ne3A_127 = arith.constant 0 : i32
      %ne3A_128 = arith.cmpi ne, %rem3A, %ne3A_127 : i32
      %and3A = arith.andi %ne3A, %ne3A_128 : i1
      %sub3A = arith.constant 1 : i32
      %sub3A_129 = arith.subi %div3A, %sub3A : i32
      %select_n3A = arith.select %and3A, %sub3A_129, %div3A : i32
      %jit3A_130 = arith.constant 8 : i32
      %eq3A = arith.constant 0 : i32
      %eq3A_131 = arith.cmpi eq, %jit3A_130, %eq3A : i32
      %jit3A_132 = arith.constant 1 : i32
      %select_n3A_133 = arith.select %eq3A_131, %jit3A_132, %jit3A_130 : i32
      %rem3A_134 = arith.remsi %scan3A_112, %select_n3A_133 : i32
      %ne3A_135 = arith.constant 0 : i32
      %ne3A_136 = arith.cmpi ne, %rem3A_134, %ne3A_135 : i32
      %lt3A = arith.constant 0 : i32
      %lt3A_137 = arith.cmpi slt, %rem3A_134, %lt3A : i32
      %lt3A_138 = arith.constant 0 : i32
      %lt3A_139 = arith.cmpi slt, %select_n3A_133, %lt3A_138 : i32
      %ne3A_140 = arith.xori %lt3A_137, %lt3A_139 : i1
      %and3A_141 = arith.andi %ne3A_140, %ne3A_136 : i1
      %add3A_142 = arith.addi %rem3A_134, %select_n3A_133 : i32
      %select_n3A_143 = arith.select %and3A_141, %add3A_142, %rem3A_134 : i32
      %broadcast_in_dim3A_144 = arith.constant 0.000000e+00 : f32
      %broadcast_in_dim3A_145 = vector.broadcast %broadcast_in_dim3A_144 : f32 to vector<16xf32>
      %mul3A_146 = arith.constant 16 : i32
      %mul3A_147 = arith.muli %select_n3A_143, %mul3A_146 : i32
      %swap3A = arith.index_cast %select_n3A : i32 to index
      %swap3A_148 = arith.index_cast %mul3A_147 : i32 to index
      %swap3A_149 = tpu.vector_load %arg11[%swap3A, %swap3A_148] {strides = array<i32>} : memref<80x128xf32, #tpu.memory_space<vmem>>, vector<16xf32>,
      tpu.vector_store %arg11[%swap3A, %swap3A_148], %broadcast_in_dim3A_145 {strides = array<i32>} : memref<80x128xf32, #tpu.memory_space<vmem>>, vector<16xf32>,
      %scan3A_150 = arith.constant 0 : i32
      scf.yield %scan3A_150 : i32
    }
    %scan3A_6 = arith.constant 640 : i32
    %mul3A_7 = arith.constant 640 : i32
    %mul3A_8 = arith.muli %arg1, %mul3A_7 : i32
    %scan3A_9 = arith.constant 0 : i32
    %scan3A_10 = arith.constant 0 : i32
    %scan3A_11 = arith.constant 8 : i32
    %scan3A_12 = arith.addi %scan3A_10, %scan3A_11 : i32
    %scan3A_13 = arith.constant 1 : i32
    %scan3A_14 = scf.for %scan3A_112 = %scan3A_10 to %scan3A_12 step %scan3A_13 iter_args(%scan3A_113 = %scan3A_9) -> (i32)  : i32 {
      %mul3A_114 = arith.constant 80 : i32
      %mul3A_115 = arith.muli %scan3A_112, %mul3A_114 : i32
      %add3A_116 = arith.addi %mul3A_8, %mul3A_115 : i32
      "tpu.region"() ({
        %run_scoped3A = tpu.sem_alloc : memref<!tpu.dma_semaphore, #tpu.memory_space<semaphore_mem>>
        %dma_start3A_118 = arith.constant 0 : i32
        %dma_start3A_119 = tpu.memref_slice %arg13[%add3A_116, %dma_start3A_118] : memref<10240x128xf32, #tpu.memory_space<vmem_shared>> -> memref<80x128xf32, #tpu.memory_space<vmem_shared>>
        %dma_start3A_120 = arith.constant 0 : i32
        %dma_start3A_121 = tpu.memref_slice %arg13[%add3A_116, %dma_start3A_120] : memref<10240x128xf32, #tpu.memory_space<vmem_shared>> -> memref<80x128xf32, #tpu.memory_space<vmem_shared>>
        tpu.enqueue_dma source(%arg11 : memref<80x128xf32, #tpu.memory_space<vmem>>) target(%dma_start3A_121 : memref<80x128xf32, #tpu.memory_space<vmem_shared>>) target_semaphore(%run_scoped3A : memref<!tpu.dma_semaphore, #tpu.memory_space<semaphore_mem>>)
        %dma_wait3A_122 = arith.constant 0 : i32
        %dma_wait3A_123 = tpu.memref_slice %arg13[%add3A_116, %dma_wait3A_122] : memref<10240x128xf32, #tpu.memory_space<vmem_shared>> -> memref<80x128xf32, #tpu.memory_space<vmem_shared>>
        %dma_wait3A_124 = arith.constant 0 : i32
        %dma_wait3A_125 = tpu.memref_slice %arg13[%add3A_116, %dma_wait3A_124] : memref<10240x128xf32, #tpu.memory_space<vmem_shared>> -> memref<80x128xf32, #tpu.memory_space<vmem_shared>>
        tpu.wait_dma2 semaphore(%run_scoped3A : memref<!tpu.dma_semaphore, #tpu.memory_space<semaphore_mem>>) src(%arg11 : memref<80x128xf32, #tpu.memory_space<vmem>>) dst(%dma_wait3A_125 : memref<80x128xf32, #tpu.memory_space<vmem_shared>>)
        tpu.yield
      }) : () -> ()
      %scan3A_117 = arith.constant 0 : i32
      scf.yield %scan3A_117 : i32
    }
    %scan3A_15 = arith.constant 8 : i32
    %barrier3A = arith.constant 0 : index
    tpu.barrier barrier_id(%barrier3A)
    %mul3A_16 = arith.constant 125 : i32
    %mul3A_17 = arith.muli %add3A, %mul3A_16 : i32
    %add3A_18 = arith.constant 0 : i32
    %add3A_19 = arith.addi %mul3A_17, %add3A_18 : i32
    %dma_start3A = arith.constant 0 : i32
    %dma_start3A_20 = arith.constant 0 : i32
    %dma_start3A_21 = tpu.memref_slice %arg3[%add3A_19, %dma_start3A, %dma_start3A_20] : memref<4000x3x80xi32, #tpu.memory_space<hbm>> -> memref<1x3x80xi32, #tpu.memory_space<hbm>>
    %dma_start3A_22 = tpu.memref_squeeze %dma_start3A_21 : memref<1x3x80xi32, #tpu.memory_space<hbm>> -> memref<3x80xi32, #tpu.memory_space<hbm>>
    %dma_start3A_23 = arith.constant 0 : i32
    %dma_start3A_24 = arith.constant 0 : i32
    %dma_start3A_25 = tpu.memref_slice %arg3[%add3A_19, %dma_start3A_23, %dma_start3A_24] : memref<4000x3x80xi32, #tpu.memory_space<hbm>> -> memref<1x3x80xi32, #tpu.memory_space<hbm>>
    %dma_start3A_26 = tpu.memref_squeeze %dma_start3A_25 : memref<1x3x80xi32, #tpu.memory_space<hbm>> -> memref<3x80xi32, #tpu.memory_space<hbm>>
    tpu.enqueue_dma source(%dma_start3A_26 : memref<3x80xi32, #tpu.memory_space<hbm>>) target(%arg5 : memref<3x80xi32, #tpu.memory_space<vmem>>) target_semaphore(%arg18 : memref<!tpu.dma_semaphore, #tpu.memory_space<semaphore_mem>>)
    %mul3A_27 = arith.constant 125 : i32
    %mul3A_28 = arith.muli %add3A, %mul3A_27 : i32
    %add3A_29 = arith.constant 1 : i32
    %add3A_30 = arith.addi %mul3A_28, %add3A_29 : i32
    %dma_start3A_31 = arith.constant 0 : i32
    %dma_start3A_32 = arith.constant 0 : i32
    %dma_start3A_33 = tpu.memref_slice %arg3[%add3A_30, %dma_start3A_31, %dma_start3A_32] : memref<4000x3x80xi32, #tpu.memory_space<hbm>> -> memref<1x3x80xi32, #tpu.memory_space<hbm>>
    %dma_start3A_34 = tpu.memref_squeeze %dma_start3A_33 : memref<1x3x80xi32, #tpu.memory_space<hbm>> -> memref<3x80xi32, #tpu.memory_space<hbm>>
    %dma_start3A_35 = arith.constant 0 : i32
    %dma_start3A_36 = arith.constant 0 : i32
    %dma_start3A_37 = tpu.memref_slice %arg3[%add3A_30, %dma_start3A_35, %dma_start3A_36] : memref<4000x3x80xi32, #tpu.memory_space<hbm>> -> memref<1x3x80xi32, #tpu.memory_space<hbm>>
    %dma_start3A_38 = tpu.memref_squeeze %dma_start3A_37 : memref<1x3x80xi32, #tpu.memory_space<hbm>> -> memref<3x80xi32, #tpu.memory_space<hbm>>
    tpu.enqueue_dma source(%dma_start3A_38 : memref<3x80xi32, #tpu.memory_space<hbm>>) target(%arg6 : memref<3x80xi32, #tpu.memory_space<vmem>>) target_semaphore(%arg18 : memref<!tpu.dma_semaphore, #tpu.memory_space<semaphore_mem>>)
    %dma_wait3A = arith.constant 0 : i32
    %dma_wait3A_39 = arith.constant 0 : i32
    %dma_wait3A_40 = arith.constant 0 : i32
    %dma_wait3A_41 = tpu.memref_slice %arg3[%dma_wait3A, %dma_wait3A_39, %dma_wait3A_40] : memref<4000x3x80xi32, #tpu.memory_space<hbm>> -> memref<1x3x80xi32, #tpu.memory_space<hbm>>
    %dma_wait3A_42 = tpu.memref_squeeze %dma_wait3A_41 : memref<1x3x80xi32, #tpu.memory_space<hbm>> -> memref<3x80xi32, #tpu.memory_space<hbm>>
    %dma_wait3A_43 = arith.constant 0 : i32
    %dma_wait3A_44 = arith.constant 0 : i32
    %dma_wait3A_45 = tpu.memref_slice %arg3[%dma_wait3A, %dma_wait3A_43, %dma_wait3A_44] : memref<4000x3x80xi32, #tpu.memory_space<hbm>> -> memref<1x3x80xi32, #tpu.memory_space<hbm>>
    %dma_wait3A_46 = tpu.memref_squeeze %dma_wait3A_45 : memref<1x3x80xi32, #tpu.memory_space<hbm>> -> memref<3x80xi32, #tpu.memory_space<hbm>>
    tpu.wait_dma2 semaphore(%arg18 : memref<!tpu.dma_semaphore, #tpu.memory_space<semaphore_mem>>) src(%dma_wait3A_46 : memref<3x80xi32, #tpu.memory_space<hbm>>) dst(%arg5 : memref<3x80xi32, #tpu.memory_space<vmem>>)
    %dma_start3A_47 = arith.constant 0 : i32
    %dma_start3A_48 = arith.constant 0 : i32
    %dma_start3A_49 = tpu.memref_slice %arg5[%dma_start3A_47, %dma_start3A_48] : memref<3x80xi32, #tpu.memory_space<vmem>> -> memref<1x80xi32, #tpu.memory_space<vmem>>
    %dma_start3A_50 = tpu.memref_squeeze %dma_start3A_49 : memref<1x80xi32, #tpu.memory_space<vmem>> -> memref<80xi32, #tpu.memory_space<vmem>>
    %dma_start3A_51 = arith.constant 0 : i32
    %dma_start3A_52 = arith.constant 0 : i32
    %dma_start3A_53 = tpu.memref_slice %arg2[%dma_start3A_51, %dma_start3A_52] : memref<10000x128xf32, #tpu.memory_space<hbm>> -> memref<10000x128xf32, #tpu.memory_space<hbm>>
    tpu.enqueue_indirect_dma source(%dma_start3A_53 : memref<10000x128xf32, #tpu.memory_space<hbm>>) target(%arg9 : memref<80x128xf32, #tpu.memory_space<vmem>>) offsets(%dma_start3A_50 : memref<80xi32, #tpu.memory_space<vmem>>) semaphore(%arg14 : memref<!tpu.dma_semaphore, #tpu.memory_space<semaphore_mem>>)
    %dma_wait3A_54 = arith.constant 0 : i32
    %dma_wait3A_55 = arith.constant 0 : i32
    %dma_wait3A_56 = arith.constant 0 : i32
    %dma_wait3A_57 = tpu.memref_slice %arg3[%dma_wait3A_54, %dma_wait3A_55, %dma_wait3A_56] : memref<4000x3x80xi32, #tpu.memory_space<hbm>> -> memref<1x3x80xi32, #tpu.memory_space<hbm>>
    %dma_wait3A_58 = tpu.memref_squeeze %dma_wait3A_57 : memref<1x3x80xi32, #tpu.memory_space<hbm>> -> memref<3x80xi32, #tpu.memory_space<hbm>>
    %dma_wait3A_59 = arith.constant 0 : i32
    %dma_wait3A_60 = arith.constant 0 : i32
    %dma_wait3A_61 = tpu.memref_slice %arg3[%dma_wait3A_54, %dma_wait3A_59, %dma_wait3A_60] : memref<4000x3x80xi32, #tpu.memory_space<hbm>> -> memref<1x3x80xi32, #tpu.memory_space<hbm>>
    %dma_wait3A_62 = tpu.memref_squeeze %dma_wait3A_61 : memref<1x3x80xi32, #tpu.memory_space<hbm>> -> memref<3x80xi32, #tpu.memory_space<hbm>>
    tpu.wait_dma2 semaphore(%arg18 : memref<!tpu.dma_semaphore, #tpu.memory_space<semaphore_mem>>) src(%dma_wait3A_62 : memref<3x80xi32, #tpu.memory_space<hbm>>) dst(%arg6 : memref<3x80xi32, #tpu.memory_space<vmem>>)
    %dma_start3A_63 = arith.constant 0 : i32
    %dma_start3A_64 = arith.constant 0 : i32
    %dma_start3A_65 = tpu.memref_slice %arg6[%dma_start3A_63, %dma_start3A_64] : memref<3x80xi32, #tpu.memory_space<vmem>> -> memref<1x80xi32, #tpu.memory_space<vmem>>
    %dma_start3A_66 = tpu.memref_squeeze %dma_start3A_65 : memref<1x80xi32, #tpu.memory_space<vmem>> -> memref<80xi32, #tpu.memory_space<vmem>>
    %dma_start3A_67 = arith.constant 0 : i32
    %dma_start3A_68 = arith.constant 0 : i32
    %dma_start3A_69 = tpu.memref_slice %arg2[%dma_start3A_67, %dma_start3A_68] : memref<10000x128xf32, #tpu.memory_space<hbm>> -> memref<10000x128xf32, #tpu.memory_space<hbm>>
    tpu.enqueue_indirect_dma source(%dma_start3A_69 : memref<10000x128xf32, #tpu.memory_space<hbm>>) target(%arg10 : memref<80x128xf32, #tpu.memory_space<vmem>>) offsets(%dma_start3A_66 : memref<80xi32, #tpu.memory_space<vmem>>) semaphore(%arg15 : memref<!tpu.dma_semaphore, #tpu.memory_space<semaphore_mem>>)
    %scan3A_70 = arith.constant 0 : i32
    %scan3A_71 = arith.constant 0 : i32
    %scan3A_72 = arith.constant 31 : i32
    %scan3A_73 = arith.addi %scan3A_71, %scan3A_72 : i32
    %scan3A_74 = arith.constant 1 : i32
    %scan3A_75 = scf.for %scan3A_112 = %scan3A_71 to %scan3A_73 step %scan3A_74 iter_args(%scan3A_113 = %scan3A_70) -> (i32)  : i32 {
      %mul3A_114 = arith.constant 4 : i32
      %mul3A_115 = arith.muli %mul3A_114, %scan3A_112 : i32
      %dma_wait3A_116 = arith.constant 0 : i32
      %dma_wait3A_117 = arith.constant 0 : i32
      %dma_wait3A_118 = tpu.memref_slice %arg2[%dma_wait3A_116, %dma_wait3A_117] : memref<10000x128xf32, #tpu.memory_space<hbm>> -> memref<80x128xf32, #tpu.memory_space<hbm>>
      %dma_wait3A_119 = arith.constant 0 : i32
      %dma_wait3A_120 = arith.constant 0 : i32
      %dma_wait3A_121 = tpu.memref_slice %arg2[%dma_wait3A_119, %dma_wait3A_120] : memref<10000x128xf32, #tpu.memory_space<hbm>> -> memref<80x128xf32, #tpu.memory_space<hbm>>
      tpu.wait_dma2 semaphore(%arg14 : memref<!tpu.dma_semaphore, #tpu.memory_space<semaphore_mem>>) src(%dma_wait3A_121 : memref<80x128xf32, #tpu.memory_space<hbm>>) dst(%arg9 : memref<80x128xf32, #tpu.memory_space<vmem>>)
      %ge3A = arith.constant 2 : i32
      %ge3A_122 = arith.cmpi sge, %mul3A_115, %ge3A : i32
      %convert_element_type3A = arith.extui %ge3A_122 : i1 to i32
      %cond3A = arith.constant 0 : i32
      %cond3A_123 = arith.cmpi ne, %convert_element_type3A, %cond3A : i32
      scf.if %cond3A_123 {
        %dma_wait3A_267 = arith.constant 0 : i32
        %dma_wait3A_268 = arith.constant 0 : i32
        %dma_wait3A_269 = tpu.memref_slice %arg13[%dma_wait3A_267, %dma_wait3A_268] : memref<10240x128xf32, #tpu.memory_space<vmem_shared>> -> memref<80x128xf32, #tpu.memory_space<vmem_shared>>
        %dma_wait3A_270 = arith.constant 0 : i32
        %dma_wait3A_271 = arith.constant 0 : i32
        %dma_wait3A_272 = tpu.memref_slice %arg13[%dma_wait3A_270, %dma_wait3A_271] : memref<10240x128xf32, #tpu.memory_space<vmem_shared>> -> memref<80x128xf32, #tpu.memory_space<vmem_shared>>
        tpu.wait_dma2 semaphore(%arg16 : memref<!tpu.dma_semaphore, #tpu.memory_space<semaphore_mem>>) src(%arg11 : memref<80x128xf32, #tpu.memory_space<vmem>>) dst(%dma_wait3A_272 : memref<80x128xf32, #tpu.memory_space<vmem_shared>>)
      } else {
      }
      %add3A_124 = arith.constant 2 : i32
      %add3A_125 = arith.addi %mul3A_115, %add3A_124 : i32
      %lt3A = arith.constant 125 : i32
      %lt3A_126 = arith.cmpi slt, %add3A_125, %lt3A : i32
      %convert_element_type3A_127 = arith.extui %lt3A_126 : i1 to i32
      %cond3A_128 = arith.constant 0 : i32
      %cond3A_129 = arith.cmpi ne, %convert_element_type3A_127, %cond3A_128 : i32
      scf.if %cond3A_129 {
        %add3A_267 = arith.constant 2 : i32
        %add3A_268 = arith.addi %mul3A_115, %add3A_267 : i32
        %mul3A_269 = arith.constant 125 : i32
        %mul3A_270 = arith.muli %add3A, %mul3A_269 : i32
        %add3A_271 = arith.addi %mul3A_270, %add3A_268 : i32
        %dma_start3A_272 = arith.constant 0 : i32
        %dma_start3A_273 = arith.constant 0 : i32
        %dma_start3A_274 = tpu.memref_slice %arg3[%add3A_271, %dma_start3A_272, %dma_start3A_273] : memref<4000x3x80xi32, #tpu.memory_space<hbm>> -> memref<1x3x80xi32, #tpu.memory_space<hbm>>
        %dma_start3A_275 = tpu.memref_squeeze %dma_start3A_274 : memref<1x3x80xi32, #tpu.memory_space<hbm>> -> memref<3x80xi32, #tpu.memory_space<hbm>>
        %dma_start3A_276 = arith.constant 0 : i32
        %dma_start3A_277 = arith.constant 0 : i32
        %dma_start3A_278 = tpu.memref_slice %arg3[%add3A_271, %dma_start3A_276, %dma_start3A_277] : memref<4000x3x80xi32, #tpu.memory_space<hbm>> -> memref<1x3x80xi32, #tpu.memory_space<hbm>>
        %dma_start3A_279 = tpu.memref_squeeze %dma_start3A_278 : memref<1x3x80xi32, #tpu.memory_space<hbm>> -> memref<3x80xi32, #tpu.memory_space<hbm>>
        tpu.enqueue_dma source(%dma_start3A_279 : memref<3x80xi32, #tpu.memory_space<hbm>>) target(%arg7 : memref<3x80xi32, #tpu.memory_space<vmem>>) target_semaphore(%arg18 : memref<!tpu.dma_semaphore, #tpu.memory_space<semaphore_mem>>)
      } else {
      }
      %broadcast_in_dim3A_130 = arith.constant 2 : i32
      %broadcast_in_dim3A_131 = vector.broadcast %broadcast_in_dim3A_130 : i32 to vector<16xi32>
      %parallel_loop3A_132 = arith.constant 0 : i32
      %parallel_loop3A_133 = arith.constant 80 : i32
      %parallel_loop3A_134 = arith.constant 1 : i32
      scf.for %parallel_loop3A_267 = %parallel_loop3A_132 to %parallel_loop3A_133 step %parallel_loop3A_134  : i32 {
        %parallel_loop3A_268 = vector.broadcast %parallel_loop3A_267 : i32 to vector<16xi32>
        %parallel_loop3A_269 = tpu.vector_load_idx %arg5[%broadcast_in_dim3A_131, %parallel_loop3A_268] : memref<3x80xi32, #tpu.memory_space<vmem>>[vector<16xi32>, vector<16xi32>], vector<16xi32>,
        %parallel_loop3A_270 = vector.bitcast %parallel_loop3A_269 : vector<16xi32> to vector<16xf32>
        %parallel_loop3A_271 = arith.index_cast %parallel_loop3A_267 : i32 to index
        %parallel_loop3A_272 = arith.constant 0 : index
        %parallel_loop3A_273 = tpu.vector_load %arg9[%parallel_loop3A_271, %parallel_loop3A_272] {strides = array<i32>} : memref<80x128xf32, #tpu.memory_space<vmem>>, vector<16xf32>,
        %parallel_loop3A_274 = arith.mulf %parallel_loop3A_273, %parallel_loop3A_270 : vector<16xf32>
        %parallel_loop3A_275 = arith.index_cast %parallel_loop3A_267 : i32 to index
        %parallel_loop3A_276 = arith.constant 0 : index
        %parallel_loop3A_277 = tpu.vector_load %arg11[%parallel_loop3A_275, %parallel_loop3A_276] {strides = array<i32>} : memref<80x128xf32, #tpu.memory_space<vmem>>, vector<16xf32>,
        tpu.vector_store %arg11[%parallel_loop3A_275, %parallel_loop3A_276], %parallel_loop3A_274 {strides = array<i32>} : memref<80x128xf32, #tpu.memory_space<vmem>>, vector<16xf32>,
        %parallel_loop3A_278 = arith.index_cast %parallel_loop3A_267 : i32 to index
        %parallel_loop3A_279 = arith.constant 16 : index
        %parallel_loop3A_280 = tpu.vector_load %arg9[%parallel_loop3A_278, %parallel_loop3A_279] {strides = array<i32>} : memref<80x128xf32, #tpu.memory_space<vmem>>, vector<16xf32>,
        %parallel_loop3A_281 = arith.mulf %parallel_loop3A_280, %parallel_loop3A_270 : vector<16xf32>
        %parallel_loop3A_282 = arith.index_cast %parallel_loop3A_267 : i32 to index
        %parallel_loop3A_283 = arith.constant 16 : index
        %parallel_loop3A_284 = tpu.vector_load %arg11[%parallel_loop3A_282, %parallel_loop3A_283] {strides = array<i32>} : memref<80x128xf32, #tpu.memory_space<vmem>>, vector<16xf32>,
        tpu.vector_store %arg11[%parallel_loop3A_282, %parallel_loop3A_283], %parallel_loop3A_281 {strides = array<i32>} : memref<80x128xf32, #tpu.memory_space<vmem>>, vector<16xf32>,
        %parallel_loop3A_285 = arith.index_cast %parallel_loop3A_267 : i32 to index
        %parallel_loop3A_286 = arith.constant 32 : index
        %parallel_loop3A_287 = tpu.vector_load %arg9[%parallel_loop3A_285, %parallel_loop3A_286] {strides = array<i32>} : memref<80x128xf32, #tpu.memory_space<vmem>>, vector<16xf32>,
        %parallel_loop3A_288 = arith.mulf %parallel_loop3A_287, %parallel_loop3A_270 : vector<16xf32>
        %parallel_loop3A_289 = arith.index_cast %parallel_loop3A_267 : i32 to index
        %parallel_loop3A_290 = arith.constant 32 : index
        %parallel_loop3A_291 = tpu.vector_load %arg11[%parallel_loop3A_289, %parallel_loop3A_290] {strides = array<i32>} : memref<80x128xf32, #tpu.memory_space<vmem>>, vector<16xf32>,
        tpu.vector_store %arg11[%parallel_loop3A_289, %parallel_loop3A_290], %parallel_loop3A_288 {strides = array<i32>} : memref<80x128xf32, #tpu.memory_space<vmem>>, vector<16xf32>,
        %parallel_loop3A_292 = arith.index_cast %parallel_loop3A_267 : i32 to index
        %parallel_loop3A_293 = arith.constant 48 : index
        %parallel_loop3A_294 = tpu.vector_load %arg9[%parallel_loop3A_292, %parallel_loop3A_293] {strides = array<i32>} : memref<80x128xf32, #tpu.memory_space<vmem>>, vector<16xf32>,
        %parallel_loop3A_295 = arith.mulf %parallel_loop3A_294, %parallel_loop3A_270 : vector<16xf32>
        %parallel_loop3A_296 = arith.index_cast %parallel_loop3A_267 : i32 to index
        %parallel_loop3A_297 = arith.constant 48 : index
        %parallel_loop3A_298 = tpu.vector_load %arg11[%parallel_loop3A_296, %parallel_loop3A_297] {strides = array<i32>} : memref<80x128xf32, #tpu.memory_space<vmem>>, vector<16xf32>,
        tpu.vector_store %arg11[%parallel_loop3A_296, %parallel_loop3A_297], %parallel_loop3A_295 {strides = array<i32>} : memref<80x128xf32, #tpu.memory_space<vmem>>, vector<16xf32>,
        %parallel_loop3A_299 = arith.index_cast %parallel_loop3A_267 : i32 to index
        %parallel_loop3A_300 = arith.constant 64 : index
        %parallel_loop3A_301 = tpu.vector_load %arg9[%parallel_loop3A_299, %parallel_loop3A_300] {strides = array<i32>} : memref<80x128xf32, #tpu.memory_space<vmem>>, vector<16xf32>,
        %parallel_loop3A_302 = arith.mulf %parallel_loop3A_301, %parallel_loop3A_270 : vector<16xf32>
        %parallel_loop3A_303 = arith.index_cast %parallel_loop3A_267 : i32 to index
        %parallel_loop3A_304 = arith.constant 64 : index
        %parallel_loop3A_305 = tpu.vector_load %arg11[%parallel_loop3A_303, %parallel_loop3A_304] {strides = array<i32>} : memref<80x128xf32, #tpu.memory_space<vmem>>, vector<16xf32>,
        tpu.vector_store %arg11[%parallel_loop3A_303, %parallel_loop3A_304], %parallel_loop3A_302 {strides = array<i32>} : memref<80x128xf32, #tpu.memory_space<vmem>>, vector<16xf32>,
        %parallel_loop3A_306 = arith.index_cast %parallel_loop3A_267 : i32 to index
        %parallel_loop3A_307 = arith.constant 80 : index
        %parallel_loop3A_308 = tpu.vector_load %arg9[%parallel_loop3A_306, %parallel_loop3A_307] {strides = array<i32>} : memref<80x128xf32, #tpu.memory_space<vmem>>, vector<16xf32>,
        %parallel_loop3A_309 = arith.mulf %parallel_loop3A_308, %parallel_loop3A_270 : vector<16xf32>
        %parallel_loop3A_310 = arith.index_cast %parallel_loop3A_267 : i32 to index
        %parallel_loop3A_311 = arith.constant 80 : index
        %parallel_loop3A_312 = tpu.vector_load %arg11[%parallel_loop3A_310, %parallel_loop3A_311] {strides = array<i32>} : memref<80x128xf32, #tpu.memory_space<vmem>>, vector<16xf32>,
        tpu.vector_store %arg11[%parallel_loop3A_310, %parallel_loop3A_311], %parallel_loop3A_309 {strides = array<i32>} : memref<80x128xf32, #tpu.memory_space<vmem>>, vector<16xf32>,
        %parallel_loop3A_313 = arith.index_cast %parallel_loop3A_267 : i32 to index
        %parallel_loop3A_314 = arith.constant 96 : index
        %parallel_loop3A_315 = tpu.vector_load %arg9[%parallel_loop3A_313, %parallel_loop3A_314] {strides = array<i32>} : memref<80x128xf32, #tpu.memory_space<vmem>>, vector<16xf32>,
        %parallel_loop3A_316 = arith.mulf %parallel_loop3A_315, %parallel_loop3A_270 : vector<16xf32>
        %parallel_loop3A_317 = arith.index_cast %parallel_loop3A_267 : i32 to index
        %parallel_loop3A_318 = arith.constant 96 : index
        %parallel_loop3A_319 = tpu.vector_load %arg11[%parallel_loop3A_317, %parallel_loop3A_318] {strides = array<i32>} : memref<80x128xf32, #tpu.memory_space<vmem>>, vector<16xf32>,
        tpu.vector_store %arg11[%parallel_loop3A_317, %parallel_loop3A_318], %parallel_loop3A_316 {strides = array<i32>} : memref<80x128xf32, #tpu.memory_space<vmem>>, vector<16xf32>,
        %parallel_loop3A_320 = arith.index_cast %parallel_loop3A_267 : i32 to index
        %parallel_loop3A_321 = arith.constant 112 : index
        %parallel_loop3A_322 = tpu.vector_load %arg9[%parallel_loop3A_320, %parallel_loop3A_321] {strides = array<i32>} : memref<80x128xf32, #tpu.memory_space<vmem>>, vector<16xf32>,
        %parallel_loop3A_323 = arith.mulf %parallel_loop3A_322, %parallel_loop3A_270 : vector<16xf32>
        %parallel_loop3A_324 = arith.index_cast %parallel_loop3A_267 : i32 to index
        %parallel_loop3A_325 = arith.constant 112 : index
        %parallel_loop3A_326 = tpu.vector_load %arg11[%parallel_loop3A_324, %parallel_loop3A_325] {strides = array<i32>} : memref<80x128xf32, #tpu.memory_space<vmem>>, vector<16xf32>,
        tpu.vector_store %arg11[%parallel_loop3A_324, %parallel_loop3A_325], %parallel_loop3A_323 {strides = array<i32>} : memref<80x128xf32, #tpu.memory_space<vmem>>, vector<16xf32>,
      } {sc.loop_unroll_factor = 16 : i64, sc.parallel_access}
      %add3A_135 = arith.constant 2 : i32
      %add3A_136 = arith.addi %mul3A_115, %add3A_135 : i32
      %lt3A_137 = arith.constant 125 : i32
      %lt3A_138 = arith.cmpi slt, %add3A_136, %lt3A_137 : i32
      %convert_element_type3A_139 = arith.extui %lt3A_138 : i1 to i32
      %cond3A_140 = arith.constant 0 : i32
      %cond3A_141 = arith.cmpi ne, %convert_element_type3A_139, %cond3A_140 : i32
      scf.if %cond3A_141 {
        %dma_wait3A_267 = arith.constant 0 : i32
        %dma_wait3A_268 = arith.constant 0 : i32
        %dma_wait3A_269 = arith.constant 0 : i32
        %dma_wait3A_270 = tpu.memref_slice %arg3[%dma_wait3A_267, %dma_wait3A_268, %dma_wait3A_269] : memref<4000x3x80xi32, #tpu.memory_space<hbm>> -> memref<1x3x80xi32, #tpu.memory_space<hbm>>
        %dma_wait3A_271 = tpu.memref_squeeze %dma_wait3A_270 : memref<1x3x80xi32, #tpu.memory_space<hbm>> -> memref<3x80xi32, #tpu.memory_space<hbm>>
        %dma_wait3A_272 = arith.constant 0 : i32
        %dma_wait3A_273 = arith.constant 0 : i32
        %dma_wait3A_274 = tpu.memref_slice %arg3[%dma_wait3A_267, %dma_wait3A_272, %dma_wait3A_273] : memref<4000x3x80xi32, #tpu.memory_space<hbm>> -> memref<1x3x80xi32, #tpu.memory_space<hbm>>
        %dma_wait3A_275 = tpu.memref_squeeze %dma_wait3A_274 : memref<1x3x80xi32, #tpu.memory_space<hbm>> -> memref<3x80xi32, #tpu.memory_space<hbm>>
        tpu.wait_dma2 semaphore(%arg18 : memref<!tpu.dma_semaphore, #tpu.memory_space<semaphore_mem>>) src(%dma_wait3A_275 : memref<3x80xi32, #tpu.memory_space<hbm>>) dst(%arg7 : memref<3x80xi32, #tpu.memory_space<vmem>>)
        %dma_start3A_276 = arith.constant 0 : i32
        %dma_start3A_277 = arith.constant 0 : i32
        %dma_start3A_278 = tpu.memref_slice %arg7[%dma_start3A_276, %dma_start3A_277] : memref<3x80xi32, #tpu.memory_space<vmem>> -> memref<1x80xi32, #tpu.memory_space<vmem>>
        %dma_start3A_279 = tpu.memref_squeeze %dma_start3A_278 : memref<1x80xi32, #tpu.memory_space<vmem>> -> memref<80xi32, #tpu.memory_space<vmem>>
        %dma_start3A_280 = arith.constant 0 : i32
        %dma_start3A_281 = arith.constant 0 : i32
        %dma_start3A_282 = tpu.memref_slice %arg2[%dma_start3A_280, %dma_start3A_281] : memref<10000x128xf32, #tpu.memory_space<hbm>> -> memref<10000x128xf32, #tpu.memory_space<hbm>>
        tpu.enqueue_indirect_dma source(%dma_start3A_282 : memref<10000x128xf32, #tpu.memory_space<hbm>>) target(%arg9 : memref<80x128xf32, #tpu.memory_space<vmem>>) offsets(%dma_start3A_279 : memref<80xi32, #tpu.memory_space<vmem>>) semaphore(%arg14 : memref<!tpu.dma_semaphore, #tpu.memory_space<semaphore_mem>>)
      } else {
      }
      %dma_start3A_142 = arith.constant 1 : i32
      %dma_start3A_143 = arith.constant 0 : i32
      %dma_start3A_144 = tpu.memref_slice %arg5[%dma_start3A_142, %dma_start3A_143] : memref<3x80xi32, #tpu.memory_space<vmem>> -> memref<1x80xi32, #tpu.memory_space<vmem>>
      %dma_start3A_145 = tpu.memref_squeeze %dma_start3A_144 : memref<1x80xi32, #tpu.memory_space<vmem>> -> memref<80xi32, #tpu.memory_space<vmem>>
      %dma_start3A_146 = arith.constant 0 : i32
      %dma_start3A_147 = arith.constant 0 : i32
      %dma_start3A_148 = tpu.memref_slice %arg13[%dma_start3A_146, %dma_start3A_147] : memref<10240x128xf32, #tpu.memory_space<vmem_shared>> -> memref<10240x128xf32, #tpu.memory_space<vmem_shared>>
      tpu.enqueue_indirect_dma source(%arg11 : memref<80x128xf32, #tpu.memory_space<vmem>>) target(%dma_start3A_148 : memref<10240x128xf32, #tpu.memory_space<vmem_shared>>) offsets(%dma_start3A_145 : memref<80xi32, #tpu.memory_space<vmem>>) semaphore(%arg16 : memref<!tpu.dma_semaphore, #tpu.memory_space<semaphore_mem>>) {add = true}
      %add3A_149 = arith.constant 1 : i32
      %add3A_150 = arith.addi %mul3A_115, %add3A_149 : i32
      %dma_wait3A_151 = arith.constant 0 : i32
      %dma_wait3A_152 = arith.constant 0 : i32
      %dma_wait3A_153 = tpu.memref_slice %arg2[%dma_wait3A_151, %dma_wait3A_152] : memref<10000x128xf32, #tpu.memory_space<hbm>> -> memref<80x128xf32, #tpu.memory_space<hbm>>
      %dma_wait3A_154 = arith.constant 0 : i32
      %dma_wait3A_155 = arith.constant 0 : i32
      %dma_wait3A_156 = tpu.memref_slice %arg2[%dma_wait3A_154, %dma_wait3A_155] : memref<10000x128xf32, #tpu.memory_space<hbm>> -> memref<80x128xf32, #tpu.memory_space<hbm>>
      tpu.wait_dma2 semaphore(%arg15 : memref<!tpu.dma_semaphore, #tpu.memory_space<semaphore_mem>>) src(%dma_wait3A_156 : memref<80x128xf32, #tpu.memory_space<hbm>>) dst(%arg10 : memref<80x128xf32, #tpu.memory_space<vmem>>)
      %ge3A_157 = arith.constant 2 : i32
      %ge3A_158 = arith.cmpi sge, %add3A_150, %ge3A_157 : i32
      %convert_element_type3A_159 = arith.extui %ge3A_158 : i1 to i32
      %cond3A_160 = arith.constant 0 : i32
      %cond3A_161 = arith.cmpi ne, %convert_element_type3A_159, %cond3A_160 : i32
      scf.if %cond3A_161 {
        %dma_wait3A_267 = arith.constant 0 : i32
        %dma_wait3A_268 = arith.constant 0 : i32
        %dma_wait3A_269 = tpu.memref_slice %arg13[%dma_wait3A_267, %dma_wait3A_268] : memref<10240x128xf32, #tpu.memory_space<vmem_shared>> -> memref<80x128xf32, #tpu.memory_space<vmem_shared>>
        %dma_wait3A_270 = arith.constant 0 : i32
        %dma_wait3A_271 = arith.constant 0 : i32
        %dma_wait3A_272 = tpu.memref_slice %arg13[%dma_wait3A_270, %dma_wait3A_271] : memref<10240x128xf32, #tpu.memory_space<vmem_shared>> -> memref<80x128xf32, #tpu.memory_space<vmem_shared>>
        tpu.wait_dma2 semaphore(%arg17 : memref<!tpu.dma_semaphore, #tpu.memory_space<semaphore_mem>>) src(%arg12 : memref<80x128xf32, #tpu.memory_space<vmem>>) dst(%dma_wait3A_272 : memref<80x128xf32, #tpu.memory_space<vmem_shared>>)
      } else {
      }
      %add3A_162 = arith.constant 2 : i32
      %add3A_163 = arith.addi %add3A_150, %add3A_162 : i32
      %lt3A_164 = arith.constant 125 : i32
      %lt3A_165 = arith.cmpi slt, %add3A_163, %lt3A_164 : i32
      %convert_element_type3A_166 = arith.extui %lt3A_165 : i1 to i32
      %cond3A_167 = arith.constant 0 : i32
      %cond3A_168 = arith.cmpi ne, %convert_element_type3A_166, %cond3A_167 : i32
      scf.if %cond3A_168 {
        %add3A_267 = arith.constant 2 : i32
        %add3A_268 = arith.addi %add3A_150, %add3A_267 : i32
        %mul3A_269 = arith.constant 125 : i32
        %mul3A_270 = arith.muli %add3A, %mul3A_269 : i32
        %add3A_271 = arith.addi %mul3A_270, %add3A_268 : i32
        %dma_start3A_272 = arith.constant 0 : i32
        %dma_start3A_273 = arith.constant 0 : i32
        %dma_start3A_274 = tpu.memref_slice %arg3[%add3A_271, %dma_start3A_272, %dma_start3A_273] : memref<4000x3x80xi32, #tpu.memory_space<hbm>> -> memref<1x3x80xi32, #tpu.memory_space<hbm>>
        %dma_start3A_275 = tpu.memref_squeeze %dma_start3A_274 : memref<1x3x80xi32, #tpu.memory_space<hbm>> -> memref<3x80xi32, #tpu.memory_space<hbm>>
        %dma_start3A_276 = arith.constant 0 : i32
        %dma_start3A_277 = arith.constant 0 : i32
        %dma_start3A_278 = tpu.memref_slice %arg3[%add3A_271, %dma_start3A_276, %dma_start3A_277] : memref<4000x3x80xi32, #tpu.memory_space<hbm>> -> memref<1x3x80xi32, #tpu.memory_space<hbm>>
        %dma_start3A_279 = tpu.memref_squeeze %dma_start3A_278 : memref<1x3x80xi32, #tpu.memory_space<hbm>> -> memref<3x80xi32, #tpu.memory_space<hbm>>
        tpu.enqueue_dma source(%dma_start3A_279 : memref<3x80xi32, #tpu.memory_space<hbm>>) target(%arg8 : memref<3x80xi32, #tpu.memory_space<vmem>>) target_semaphore(%arg18 : memref<!tpu.dma_semaphore, #tpu.memory_space<semaphore_mem>>)
      } else {
      }
      %broadcast_in_dim3A_169 = arith.constant 2 : i32
      %broadcast_in_dim3A_170 = vector.broadcast %broadcast_in_dim3A_169 : i32 to vector<16xi32>
      %parallel_loop3A_171 = arith.constant 0 : i32
      %parallel_loop3A_172 = arith.constant 80 : i32
      %parallel_loop3A_173 = arith.constant 1 : i32
      scf.for %parallel_loop3A_267 = %parallel_loop3A_171 to %parallel_loop3A_172 step %parallel_loop3A_173  : i32 {
        %parallel_loop3A_268 = vector.broadcast %parallel_loop3A_267 : i32 to vector<16xi32>
        %parallel_loop3A_269 = tpu.vector_load_idx %arg6[%broadcast_in_dim3A_170, %parallel_loop3A_268] : memref<3x80xi32, #tpu.memory_space<vmem>>[vector<16xi32>, vector<16xi32>], vector<16xi32>,
        %parallel_loop3A_270 = vector.bitcast %parallel_loop3A_269 : vector<16xi32> to vector<16xf32>
        %parallel_loop3A_271 = arith.index_cast %parallel_loop3A_267 : i32 to index
        %parallel_loop3A_272 = arith.constant 0 : index
        %parallel_loop3A_273 = tpu.vector_load %arg10[%parallel_loop3A_271, %parallel_loop3A_272] {strides = array<i32>} : memref<80x128xf32, #tpu.memory_space<vmem>>, vector<16xf32>,
        %parallel_loop3A_274 = arith.mulf %parallel_loop3A_273, %parallel_loop3A_270 : vector<16xf32>
        %parallel_loop3A_275 = arith.index_cast %parallel_loop3A_267 : i32 to index
        %parallel_loop3A_276 = arith.constant 0 : index
        %parallel_loop3A_277 = tpu.vector_load %arg12[%parallel_loop3A_275, %parallel_loop3A_276] {strides = array<i32>} : memref<80x128xf32, #tpu.memory_space<vmem>>, vector<16xf32>,
        tpu.vector_store %arg12[%parallel_loop3A_275, %parallel_loop3A_276], %parallel_loop3A_274 {strides = array<i32>} : memref<80x128xf32, #tpu.memory_space<vmem>>, vector<16xf32>,
        %parallel_loop3A_278 = arith.index_cast %parallel_loop3A_267 : i32 to index
        %parallel_loop3A_279 = arith.constant 16 : index
        %parallel_loop3A_280 = tpu.vector_load %arg10[%parallel_loop3A_278, %parallel_loop3A_279] {strides = array<i32>} : memref<80x128xf32, #tpu.memory_space<vmem>>, vector<16xf32>,
        %parallel_loop3A_281 = arith.mulf %parallel_loop3A_280, %parallel_loop3A_270 : vector<16xf32>
        %parallel_loop3A_282 = arith.index_cast %parallel_loop3A_267 : i32 to index
        %parallel_loop3A_283 = arith.constant 16 : index
        %parallel_loop3A_284 = tpu.vector_load %arg12[%parallel_loop3A_282, %parallel_loop3A_283] {strides = array<i32>} : memref<80x128xf32, #tpu.memory_space<vmem>>, vector<16xf32>,
        tpu.vector_store %arg12[%parallel_loop3A_282, %parallel_loop3A_283], %parallel_loop3A_281 {strides = array<i32>} : memref<80x128xf32, #tpu.memory_space<vmem>>, vector<16xf32>,
        %parallel_loop3A_285 = arith.index_cast %parallel_loop3A_267 : i32 to index
        %parallel_loop3A_286 = arith.constant 32 : index
        %parallel_loop3A_287 = tpu.vector_load %arg10[%parallel_loop3A_285, %parallel_loop3A_286] {strides = array<i32>} : memref<80x128xf32, #tpu.memory_space<vmem>>, vector<16xf32>,
        %parallel_loop3A_288 = arith.mulf %parallel_loop3A_287, %parallel_loop3A_270 : vector<16xf32>
        %parallel_loop3A_289 = arith.index_cast %parallel_loop3A_267 : i32 to index
        %parallel_loop3A_290 = arith.constant 32 : index
        %parallel_loop3A_291 = tpu.vector_load %arg12[%parallel_loop3A_289, %parallel_loop3A_290] {strides = array<i32>} : memref<80x128xf32, #tpu.memory_space<vmem>>, vector<16xf32>,
        tpu.vector_store %arg12[%parallel_loop3A_289, %parallel_loop3A_290], %parallel_loop3A_288 {strides = array<i32>} : memref<80x128xf32, #tpu.memory_space<vmem>>, vector<16xf32>,
        %parallel_loop3A_292 = arith.index_cast %parallel_loop3A_267 : i32 to index
        %parallel_loop3A_293 = arith.constant 48 : index
        %parallel_loop3A_294 = tpu.vector_load %arg10[%parallel_loop3A_292, %parallel_loop3A_293] {strides = array<i32>} : memref<80x128xf32, #tpu.memory_space<vmem>>, vector<16xf32>,
        %parallel_loop3A_295 = arith.mulf %parallel_loop3A_294, %parallel_loop3A_270 : vector<16xf32>
        %parallel_loop3A_296 = arith.index_cast %parallel_loop3A_267 : i32 to index
        %parallel_loop3A_297 = arith.constant 48 : index
        %parallel_loop3A_298 = tpu.vector_load %arg12[%parallel_loop3A_296, %parallel_loop3A_297] {strides = array<i32>} : memref<80x128xf32, #tpu.memory_space<vmem>>, vector<16xf32>,
        tpu.vector_store %arg12[%parallel_loop3A_296, %parallel_loop3A_297], %parallel_loop3A_295 {strides = array<i32>} : memref<80x128xf32, #tpu.memory_space<vmem>>, vector<16xf32>,
        %parallel_loop3A_299 = arith.index_cast %parallel_loop3A_267 : i32 to index
        %parallel_loop3A_300 = arith.constant 64 : index
        %parallel_loop3A_301 = tpu.vector_load %arg10[%parallel_loop3A_299, %parallel_loop3A_300] {strides = array<i32>} : memref<80x128xf32, #tpu.memory_space<vmem>>, vector<16xf32>,
        %parallel_loop3A_302 = arith.mulf %parallel_loop3A_301, %parallel_loop3A_270 : vector<16xf32>
        %parallel_loop3A_303 = arith.index_cast %parallel_loop3A_267 : i32 to index
        %parallel_loop3A_304 = arith.constant 64 : index
        %parallel_loop3A_305 = tpu.vector_load %arg12[%parallel_loop3A_303, %parallel_loop3A_304] {strides = array<i32>} : memref<80x128xf32, #tpu.memory_space<vmem>>, vector<16xf32>,
        tpu.vector_store %arg12[%parallel_loop3A_303, %parallel_loop3A_304], %parallel_loop3A_302 {strides = array<i32>} : memref<80x128xf32, #tpu.memory_space<vmem>>, vector<16xf32>,
        %parallel_loop3A_306 = arith.index_cast %parallel_loop3A_267 : i32 to index
        %parallel_loop3A_307 = arith.constant 80 : index
        %parallel_loop3A_308 = tpu.vector_load %arg10[%parallel_loop3A_306, %parallel_loop3A_307] {strides = array<i32>} : memref<80x128xf32, #tpu.memory_space<vmem>>, vector<16xf32>,
        %parallel_loop3A_309 = arith.mulf %parallel_loop3A_308, %parallel_loop3A_270 : vector<16xf32>
        %parallel_loop3A_310 = arith.index_cast %parallel_loop3A_267 : i32 to index
        %parallel_loop3A_311 = arith.constant 80 : index
        %parallel_loop3A_312 = tpu.vector_load %arg12[%parallel_loop3A_310, %parallel_loop3A_311] {strides = array<i32>} : memref<80x128xf32, #tpu.memory_space<vmem>>, vector<16xf32>,
        tpu.vector_store %arg12[%parallel_loop3A_310, %parallel_loop3A_311], %parallel_loop3A_309 {strides = array<i32>} : memref<80x128xf32, #tpu.memory_space<vmem>>, vector<16xf32>,
        %parallel_loop3A_313 = arith.index_cast %parallel_loop3A_267 : i32 to index
        %parallel_loop3A_314 = arith.constant 96 : index
        %parallel_loop3A_315 = tpu.vector_load %arg10[%parallel_loop3A_313, %parallel_loop3A_314] {strides = array<i32>} : memref<80x128xf32, #tpu.memory_space<vmem>>, vector<16xf32>,
        %parallel_loop3A_316 = arith.mulf %parallel_loop3A_315, %parallel_loop3A_270 : vector<16xf32>
        %parallel_loop3A_317 = arith.index_cast %parallel_loop3A_267 : i32 to index
        %parallel_loop3A_318 = arith.constant 96 : index
        %parallel_loop3A_319 = tpu.vector_load %arg12[%parallel_loop3A_317, %parallel_loop3A_318] {strides = array<i32>} : memref<80x128xf32, #tpu.memory_space<vmem>>, vector<16xf32>,
        tpu.vector_store %arg12[%parallel_loop3A_317, %parallel_loop3A_318], %parallel_loop3A_316 {strides = array<i32>} : memref<80x128xf32, #tpu.memory_space<vmem>>, vector<16xf32>,
        %parallel_loop3A_320 = arith.index_cast %parallel_loop3A_267 : i32 to index
        %parallel_loop3A_321 = arith.constant 112 : index
        %parallel_loop3A_322 = tpu.vector_load %arg10[%parallel_loop3A_320, %parallel_loop3A_321] {strides = array<i32>} : memref<80x128xf32, #tpu.memory_space<vmem>>, vector<16xf32>,
        %parallel_loop3A_323 = arith.mulf %parallel_loop3A_322, %parallel_loop3A_270 : vector<16xf32>
        %parallel_loop3A_324 = arith.index_cast %parallel_loop3A_267 : i32 to index
        %parallel_loop3A_325 = arith.constant 112 : index
        %parallel_loop3A_326 = tpu.vector_load %arg12[%parallel_loop3A_324, %parallel_loop3A_325] {strides = array<i32>} : memref<80x128xf32, #tpu.memory_space<vmem>>, vector<16xf32>,
        tpu.vector_store %arg12[%parallel_loop3A_324, %parallel_loop3A_325], %parallel_loop3A_323 {strides = array<i32>} : memref<80x128xf32, #tpu.memory_space<vmem>>, vector<16xf32>,
      } {sc.loop_unroll_factor = 16 : i64, sc.parallel_access}
      %add3A_174 = arith.constant 2 : i32
      %add3A_175 = arith.addi %add3A_150, %add3A_174 : i32
      %lt3A_176 = arith.constant 125 : i32
      %lt3A_177 = arith.cmpi slt, %add3A_175, %lt3A_176 : i32
      %convert_element_type3A_178 = arith.extui %lt3A_177 : i1 to i32
      %cond3A_179 = arith.constant 0 : i32
      %cond3A_180 = arith.cmpi ne, %convert_element_type3A_178, %cond3A_179 : i32
      scf.if %cond3A_180 {
        %dma_wait3A_267 = arith.constant 0 : i32
        %dma_wait3A_268 = arith.constant 0 : i32
        %dma_wait3A_269 = arith.constant 0 : i32
        %dma_wait3A_270 = tpu.memref_slice %arg3[%dma_wait3A_267, %dma_wait3A_268, %dma_wait3A_269] : memref<4000x3x80xi32, #tpu.memory_space<hbm>> -> memref<1x3x80xi32, #tpu.memory_space<hbm>>
        %dma_wait3A_271 = tpu.memref_squeeze %dma_wait3A_270 : memref<1x3x80xi32, #tpu.memory_space<hbm>> -> memref<3x80xi32, #tpu.memory_space<hbm>>
        %dma_wait3A_272 = arith.constant 0 : i32
        %dma_wait3A_273 = arith.constant 0 : i32
        %dma_wait3A_274 = tpu.memref_slice %arg3[%dma_wait3A_267, %dma_wait3A_272, %dma_wait3A_273] : memref<4000x3x80xi32, #tpu.memory_space<hbm>> -> memref<1x3x80xi32, #tpu.memory_space<hbm>>
        %dma_wait3A_275 = tpu.memref_squeeze %dma_wait3A_274 : memref<1x3x80xi32, #tpu.memory_space<hbm>> -> memref<3x80xi32, #tpu.memory_space<hbm>>
        tpu.wait_dma2 semaphore(%arg18 : memref<!tpu.dma_semaphore, #tpu.memory_space<semaphore_mem>>) src(%dma_wait3A_275 : memref<3x80xi32, #tpu.memory_space<hbm>>) dst(%arg8 : memref<3x80xi32, #tpu.memory_space<vmem>>)
        %dma_start3A_276 = arith.constant 0 : i32
        %dma_start3A_277 = arith.constant 0 : i32
        %dma_start3A_278 = tpu.memref_slice %arg8[%dma_start3A_276, %dma_start3A_277] : memref<3x80xi32, #tpu.memory_space<vmem>> -> memref<1x80xi32, #tpu.memory_space<vmem>>
        %dma_start3A_279 = tpu.memref_squeeze %dma_start3A_278 : memref<1x80xi32, #tpu.memory_space<vmem>> -> memref<80xi32, #tpu.memory_space<vmem>>
        %dma_start3A_280 = arith.constant 0 : i32
        %dma_start3A_281 = arith.constant 0 : i32
        %dma_start3A_282 = tpu.memref_slice %arg2[%dma_start3A_280, %dma_start3A_281] : memref<10000x128xf32, #tpu.memory_space<hbm>> -> memref<10000x128xf32, #tpu.memory_space<hbm>>
        tpu.enqueue_indirect_dma source(%dma_start3A_282 : memref<10000x128xf32, #tpu.memory_space<hbm>>) target(%arg10 : memref<80x128xf32, #tpu.memory_space<vmem>>) offsets(%dma_start3A_279 : memref<80xi32, #tpu.memory_space<vmem>>) semaphore(%arg15 : memref<!tpu.dma_semaphore, #tpu.memory_space<semaphore_mem>>)
      } else {
      }
      %dma_start3A_181 = arith.constant 1 : i32
      %dma_start3A_182 = arith.constant 0 : i32
      %dma_start3A_183 = tpu.memref_slice %arg6[%dma_start3A_181, %dma_start3A_182] : memref<3x80xi32, #tpu.memory_space<vmem>> -> memref<1x80xi32, #tpu.memory_space<vmem>>
      %dma_start3A_184 = tpu.memref_squeeze %dma_start3A_183 : memref<1x80xi32, #tpu.memory_space<vmem>> -> memref<80xi32, #tpu.memory_space<vmem>>
      %dma_start3A_185 = arith.constant 0 : i32
      %dma_start3A_186 = arith.constant 0 : i32
      %dma_start3A_187 = tpu.memref_slice %arg13[%dma_start3A_185, %dma_start3A_186] : memref<10240x128xf32, #tpu.memory_space<vmem_shared>> -> memref<10240x128xf32, #tpu.memory_space<vmem_shared>>
      tpu.enqueue_indirect_dma source(%arg12 : memref<80x128xf32, #tpu.memory_space<vmem>>) target(%dma_start3A_187 : memref<10240x128xf32, #tpu.memory_space<vmem_shared>>) offsets(%dma_start3A_184 : memref<80xi32, #tpu.memory_space<vmem>>) semaphore(%arg17 : memref<!tpu.dma_semaphore, #tpu.memory_space<semaphore_mem>>) {add = true}
      %add3A_188 = arith.constant 2 : i32
      %add3A_189 = arith.addi %mul3A_115, %add3A_188 : i32
      %dma_wait3A_190 = arith.constant 0 : i32
      %dma_wait3A_191 = arith.constant 0 : i32
      %dma_wait3A_192 = tpu.memref_slice %arg2[%dma_wait3A_190, %dma_wait3A_191] : memref<10000x128xf32, #tpu.memory_space<hbm>> -> memref<80x128xf32, #tpu.memory_space<hbm>>
      %dma_wait3A_193 = arith.constant 0 : i32
      %dma_wait3A_194 = arith.constant 0 : i32
      %dma_wait3A_195 = tpu.memref_slice %arg2[%dma_wait3A_193, %dma_wait3A_194] : memref<10000x128xf32, #tpu.memory_space<hbm>> -> memref<80x128xf32, #tpu.memory_space<hbm>>
      tpu.wait_dma2 semaphore(%arg14 : memref<!tpu.dma_semaphore, #tpu.memory_space<semaphore_mem>>) src(%dma_wait3A_195 : memref<80x128xf32, #tpu.memory_space<hbm>>) dst(%arg9 : memref<80x128xf32, #tpu.memory_space<vmem>>)
      %ge3A_196 = arith.constant 2 : i32
      %ge3A_197 = arith.cmpi sge, %add3A_189, %ge3A_196 : i32
      %convert_element_type3A_198 = arith.extui %ge3A_197 : i1 to i32
      %cond3A_199 = arith.constant 0 : i32
      %cond3A_200 = arith.cmpi ne, %convert_element_type3A_198, %cond3A_199 : i32
      scf.if %cond3A_200 {
        %dma_wait3A_267 = arith.constant 0 : i32
        %dma_wait3A_268 = arith.constant 0 : i32
        %dma_wait3A_269 = tpu.memref_slice %arg13[%dma_wait3A_267, %dma_wait3A_268] : memref<10240x128xf32, #tpu.memory_space<vmem_shared>> -> memref<80x128xf32, #tpu.memory_space<vmem_shared>>
        %dma_wait3A_270 = arith.constant 0 : i32
        %dma_wait3A_271 = arith.constant 0 : i32
        %dma_wait3A_272 = tpu.memref_slice %arg13[%dma_wait3A_270, %dma_wait3A_271] : memref<10240x128xf32, #tpu.memory_space<vmem_shared>> -> memref<80x128xf32, #tpu.memory_space<vmem_shared>>
        tpu.wait_dma2 semaphore(%arg16 : memref<!tpu.dma_semaphore, #tpu.memory_space<semaphore_mem>>) src(%arg11 : memref<80x128xf32, #tpu.memory_space<vmem>>) dst(%dma_wait3A_272 : memref<80x128xf32, #tpu.memory_space<vmem_shared>>)
      } else {
      }
      %add3A_201 = arith.constant 2 : i32
      %add3A_202 = arith.addi %add3A_189, %add3A_201 : i32
      %lt3A_203 = arith.constant 125 : i32
      %lt3A_204 = arith.cmpi slt, %add3A_202, %lt3A_203 : i32
      %convert_element_type3A_205 = arith.extui %lt3A_204 : i1 to i32
      %cond3A_206 = arith.constant 0 : i32
      %cond3A_207 = arith.cmpi ne, %convert_element_type3A_205, %cond3A_206 : i32
      scf.if %cond3A_207 {
        %add3A_267 = arith.constant 2 : i32
        %add3A_268 = arith.addi %add3A_189, %add3A_267 : i32
        %mul3A_269 = arith.constant 125 : i32
        %mul3A_270 = arith.muli %add3A, %mul3A_269 : i32
        %add3A_271 = arith.addi %mul3A_270, %add3A_268 : i32
        %dma_start3A_272 = arith.constant 0 : i32
        %dma_start3A_273 = arith.constant 0 : i32
        %dma_start3A_274 = tpu.memref_slice %arg3[%add3A_271, %dma_start3A_272, %dma_start3A_273] : memref<4000x3x80xi32, #tpu.memory_space<hbm>> -> memref<1x3x80xi32, #tpu.memory_space<hbm>>
        %dma_start3A_275 = tpu.memref_squeeze %dma_start3A_274 : memref<1x3x80xi32, #tpu.memory_space<hbm>> -> memref<3x80xi32, #tpu.memory_space<hbm>>
        %dma_start3A_276 = arith.constant 0 : i32
        %dma_start3A_277 = arith.constant 0 : i32
        %dma_start3A_278 = tpu.memref_slice %arg3[%add3A_271, %dma_start3A_276, %dma_start3A_277] : memref<4000x3x80xi32, #tpu.memory_space<hbm>> -> memref<1x3x80xi32, #tpu.memory_space<hbm>>
        %dma_start3A_279 = tpu.memref_squeeze %dma_start3A_278 : memref<1x3x80xi32, #tpu.memory_space<hbm>> -> memref<3x80xi32, #tpu.memory_space<hbm>>
        tpu.enqueue_dma source(%dma_start3A_279 : memref<3x80xi32, #tpu.memory_space<hbm>>) target(%arg5 : memref<3x80xi32, #tpu.memory_space<vmem>>) target_semaphore(%arg18 : memref<!tpu.dma_semaphore, #tpu.memory_space<semaphore_mem>>)
      } else {
      }
      %broadcast_in_dim3A_208 = arith.constant 2 : i32
      %broadcast_in_dim3A_209 = vector.broadcast %broadcast_in_dim3A_208 : i32 to vector<16xi32>
      %parallel_loop3A_210 = arith.constant 0 : i32
      %parallel_loop3A_211 = arith.constant 80 : i32
      %parallel_loop3A_212 = arith.constant 1 : i32
      scf.for %parallel_loop3A_267 = %parallel_loop3A_210 to %parallel_loop3A_211 step %parallel_loop3A_212  : i32 {
        %parallel_loop3A_268 = vector.broadcast %parallel_loop3A_267 : i32 to vector<16xi32>
        %parallel_loop3A_269 = tpu.vector_load_idx %arg7[%broadcast_in_dim3A_209, %parallel_loop3A_268] : memref<3x80xi32, #tpu.memory_space<vmem>>[vector<16xi32>, vector<16xi32>], vector<16xi32>,
        %parallel_loop3A_270 = vector.bitcast %parallel_loop3A_269 : vector<16xi32> to vector<16xf32>
        %parallel_loop3A_271 = arith.index_cast %parallel_loop3A_267 : i32 to index
        %parallel_loop3A_272 = arith.constant 0 : index
        %parallel_loop3A_273 = tpu.vector_load %arg9[%parallel_loop3A_271, %parallel_loop3A_272] {strides = array<i32>} : memref<80x128xf32, #tpu.memory_space<vmem>>, vector<16xf32>,
        %parallel_loop3A_274 = arith.mulf %parallel_loop3A_273, %parallel_loop3A_270 : vector<16xf32>
        %parallel_loop3A_275 = arith.index_cast %parallel_loop3A_267 : i32 to index
        %parallel_loop3A_276 = arith.constant 0 : index
        %parallel_loop3A_277 = tpu.vector_load %arg11[%parallel_loop3A_275, %parallel_loop3A_276] {strides = array<i32>} : memref<80x128xf32, #tpu.memory_space<vmem>>, vector<16xf32>,
        tpu.vector_store %arg11[%parallel_loop3A_275, %parallel_loop3A_276], %parallel_loop3A_274 {strides = array<i32>} : memref<80x128xf32, #tpu.memory_space<vmem>>, vector<16xf32>,
        %parallel_loop3A_278 = arith.index_cast %parallel_loop3A_267 : i32 to index
        %parallel_loop3A_279 = arith.constant 16 : index
        %parallel_loop3A_280 = tpu.vector_load %arg9[%parallel_loop3A_278, %parallel_loop3A_279] {strides = array<i32>} : memref<80x128xf32, #tpu.memory_space<vmem>>, vector<16xf32>,
        %parallel_loop3A_281 = arith.mulf %parallel_loop3A_280, %parallel_loop3A_270 : vector<16xf32>
        %parallel_loop3A_282 = arith.index_cast %parallel_loop3A_267 : i32 to index
        %parallel_loop3A_283 = arith.constant 16 : index
        %parallel_loop3A_284 = tpu.vector_load %arg11[%parallel_loop3A_282, %parallel_loop3A_283] {strides = array<i32>} : memref<80x128xf32, #tpu.memory_space<vmem>>, vector<16xf32>,
        tpu.vector_store %arg11[%parallel_loop3A_282, %parallel_loop3A_283], %parallel_loop3A_281 {strides = array<i32>} : memref<80x128xf32, #tpu.memory_space<vmem>>, vector<16xf32>,
        %parallel_loop3A_285 = arith.index_cast %parallel_loop3A_267 : i32 to index
        %parallel_loop3A_286 = arith.constant 32 : index
        %parallel_loop3A_287 = tpu.vector_load %arg9[%parallel_loop3A_285, %parallel_loop3A_286] {strides = array<i32>} : memref<80x128xf32, #tpu.memory_space<vmem>>, vector<16xf32>,
        %parallel_loop3A_288 = arith.mulf %parallel_loop3A_287, %parallel_loop3A_270 : vector<16xf32>
        %parallel_loop3A_289 = arith.index_cast %parallel_loop3A_267 : i32 to index
        %parallel_loop3A_290 = arith.constant 32 : index
        %parallel_loop3A_291 = tpu.vector_load %arg11[%parallel_loop3A_289, %parallel_loop3A_290] {strides = array<i32>} : memref<80x128xf32, #tpu.memory_space<vmem>>, vector<16xf32>,
        tpu.vector_store %arg11[%parallel_loop3A_289, %parallel_loop3A_290], %parallel_loop3A_288 {strides = array<i32>} : memref<80x128xf32, #tpu.memory_space<vmem>>, vector<16xf32>,
        %parallel_loop3A_292 = arith.index_cast %parallel_loop3A_267 : i32 to index
        %parallel_loop3A_293 = arith.constant 48 : index
        %parallel_loop3A_294 = tpu.vector_load %arg9[%parallel_loop3A_292, %parallel_loop3A_293] {strides = array<i32>} : memref<80x128xf32, #tpu.memory_space<vmem>>, vector<16xf32>,
        %parallel_loop3A_295 = arith.mulf %parallel_loop3A_294, %parallel_loop3A_270 : vector<16xf32>
        %parallel_loop3A_296 = arith.index_cast %parallel_loop3A_267 : i32 to index
        %parallel_loop3A_297 = arith.constant 48 : index
        %parallel_loop3A_298 = tpu.vector_load %arg11[%parallel_loop3A_296, %parallel_loop3A_297] {strides = array<i32>} : memref<80x128xf32, #tpu.memory_space<vmem>>, vector<16xf32>,
        tpu.vector_store %arg11[%parallel_loop3A_296, %parallel_loop3A_297], %parallel_loop3A_295 {strides = array<i32>} : memref<80x128xf32, #tpu.memory_space<vmem>>, vector<16xf32>,
        %parallel_loop3A_299 = arith.index_cast %parallel_loop3A_267 : i32 to index
        %parallel_loop3A_300 = arith.constant 64 : index
        %parallel_loop3A_301 = tpu.vector_load %arg9[%parallel_loop3A_299, %parallel_loop3A_300] {strides = array<i32>} : memref<80x128xf32, #tpu.memory_space<vmem>>, vector<16xf32>,
        %parallel_loop3A_302 = arith.mulf %parallel_loop3A_301, %parallel_loop3A_270 : vector<16xf32>
        %parallel_loop3A_303 = arith.index_cast %parallel_loop3A_267 : i32 to index
        %parallel_loop3A_304 = arith.constant 64 : index
        %parallel_loop3A_305 = tpu.vector_load %arg11[%parallel_loop3A_303, %parallel_loop3A_304] {strides = array<i32>} : memref<80x128xf32, #tpu.memory_space<vmem>>, vector<16xf32>,
        tpu.vector_store %arg11[%parallel_loop3A_303, %parallel_loop3A_304], %parallel_loop3A_302 {strides = array<i32>} : memref<80x128xf32, #tpu.memory_space<vmem>>, vector<16xf32>,
        %parallel_loop3A_306 = arith.index_cast %parallel_loop3A_267 : i32 to index
        %parallel_loop3A_307 = arith.constant 80 : index
        %parallel_loop3A_308 = tpu.vector_load %arg9[%parallel_loop3A_306, %parallel_loop3A_307] {strides = array<i32>} : memref<80x128xf32, #tpu.memory_space<vmem>>, vector<16xf32>,
        %parallel_loop3A_309 = arith.mulf %parallel_loop3A_308, %parallel_loop3A_270 : vector<16xf32>
        %parallel_loop3A_310 = arith.index_cast %parallel_loop3A_267 : i32 to index
        %parallel_loop3A_311 = arith.constant 80 : index
        %parallel_loop3A_312 = tpu.vector_load %arg11[%parallel_loop3A_310, %parallel_loop3A_311] {strides = array<i32>} : memref<80x128xf32, #tpu.memory_space<vmem>>, vector<16xf32>,
        tpu.vector_store %arg11[%parallel_loop3A_310, %parallel_loop3A_311], %parallel_loop3A_309 {strides = array<i32>} : memref<80x128xf32, #tpu.memory_space<vmem>>, vector<16xf32>,
        %parallel_loop3A_313 = arith.index_cast %parallel_loop3A_267 : i32 to index
        %parallel_loop3A_314 = arith.constant 96 : index
        %parallel_loop3A_315 = tpu.vector_load %arg9[%parallel_loop3A_313, %parallel_loop3A_314] {strides = array<i32>} : memref<80x128xf32, #tpu.memory_space<vmem>>, vector<16xf32>,
        %parallel_loop3A_316 = arith.mulf %parallel_loop3A_315, %parallel_loop3A_270 : vector<16xf32>
        %parallel_loop3A_317 = arith.index_cast %parallel_loop3A_267 : i32 to index
        %parallel_loop3A_318 = arith.constant 96 : index
        %parallel_loop3A_319 = tpu.vector_load %arg11[%parallel_loop3A_317, %parallel_loop3A_318] {strides = array<i32>} : memref<80x128xf32, #tpu.memory_space<vmem>>, vector<16xf32>,
        tpu.vector_store %arg11[%parallel_loop3A_317, %parallel_loop3A_318], %parallel_loop3A_316 {strides = array<i32>} : memref<80x128xf32, #tpu.memory_space<vmem>>, vector<16xf32>,
        %parallel_loop3A_320 = arith.index_cast %parallel_loop3A_267 : i32 to index
        %parallel_loop3A_321 = arith.constant 112 : index
        %parallel_loop3A_322 = tpu.vector_load %arg9[%parallel_loop3A_320, %parallel_loop3A_321] {strides = array<i32>} : memref<80x128xf32, #tpu.memory_space<vmem>>, vector<16xf32>,
        %parallel_loop3A_323 = arith.mulf %parallel_loop3A_322, %parallel_loop3A_270 : vector<16xf32>
        %parallel_loop3A_324 = arith.index_cast %parallel_loop3A_267 : i32 to index
        %parallel_loop3A_325 = arith.constant 112 : index
        %parallel_loop3A_326 = tpu.vector_load %arg11[%parallel_loop3A_324, %parallel_loop3A_325] {strides = array<i32>} : memref<80x128xf32, #tpu.memory_space<vmem>>, vector<16xf32>,
        tpu.vector_store %arg11[%parallel_loop3A_324, %parallel_loop3A_325], %parallel_loop3A_323 {strides = array<i32>} : memref<80x128xf32, #tpu.memory_space<vmem>>, vector<16xf32>,
      } {sc.loop_unroll_factor = 16 : i64, sc.parallel_access}
      %add3A_213 = arith.constant 2 : i32
      %add3A_214 = arith.addi %add3A_189, %add3A_213 : i32
      %lt3A_215 = arith.constant 125 : i32
      %lt3A_216 = arith.cmpi slt, %add3A_214, %lt3A_215 : i32
      %convert_element_type3A_217 = arith.extui %lt3A_216 : i1 to i32
      %cond3A_218 = arith.constant 0 : i32
      %cond3A_219 = arith.cmpi ne, %convert_element_type3A_217, %cond3A_218 : i32
      scf.if %cond3A_219 {
        %dma_wait3A_267 = arith.constant 0 : i32
        %dma_wait3A_268 = arith.constant 0 : i32
        %dma_wait3A_269 = arith.constant 0 : i32
        %dma_wait3A_270 = tpu.memref_slice %arg3[%dma_wait3A_267, %dma_wait3A_268, %dma_wait3A_269] : memref<4000x3x80xi32, #tpu.memory_space<hbm>> -> memref<1x3x80xi32, #tpu.memory_space<hbm>>
        %dma_wait3A_271 = tpu.memref_squeeze %dma_wait3A_270 : memref<1x3x80xi32, #tpu.memory_space<hbm>> -> memref<3x80xi32, #tpu.memory_space<hbm>>
        %dma_wait3A_272 = arith.constant 0 : i32
        %dma_wait3A_273 = arith.constant 0 : i32
        %dma_wait3A_274 = tpu.memref_slice %arg3[%dma_wait3A_267, %dma_wait3A_272, %dma_wait3A_273] : memref<4000x3x80xi32, #tpu.memory_space<hbm>> -> memref<1x3x80xi32, #tpu.memory_space<hbm>>
        %dma_wait3A_275 = tpu.memref_squeeze %dma_wait3A_274 : memref<1x3x80xi32, #tpu.memory_space<hbm>> -> memref<3x80xi32, #tpu.memory_space<hbm>>
        tpu.wait_dma2 semaphore(%arg18 : memref<!tpu.dma_semaphore, #tpu.memory_space<semaphore_mem>>) src(%dma_wait3A_275 : memref<3x80xi32, #tpu.memory_space<hbm>>) dst(%arg5 : memref<3x80xi32, #tpu.memory_space<vmem>>)
        %dma_start3A_276 = arith.constant 0 : i32
        %dma_start3A_277 = arith.constant 0 : i32
        %dma_start3A_278 = tpu.memref_slice %arg5[%dma_start3A_276, %dma_start3A_277] : memref<3x80xi32, #tpu.memory_space<vmem>> -> memref<1x80xi32, #tpu.memory_space<vmem>>
        %dma_start3A_279 = tpu.memref_squeeze %dma_start3A_278 : memref<1x80xi32, #tpu.memory_space<vmem>> -> memref<80xi32, #tpu.memory_space<vmem>>
        %dma_start3A_280 = arith.constant 0 : i32
        %dma_start3A_281 = arith.constant 0 : i32
        %dma_start3A_282 = tpu.memref_slice %arg2[%dma_start3A_280, %dma_start3A_281] : memref<10000x128xf32, #tpu.memory_space<hbm>> -> memref<10000x128xf32, #tpu.memory_space<hbm>>
        tpu.enqueue_indirect_dma source(%dma_start3A_282 : memref<10000x128xf32, #tpu.memory_space<hbm>>) target(%arg9 : memref<80x128xf32, #tpu.memory_space<vmem>>) offsets(%dma_start3A_279 : memref<80xi32, #tpu.memory_space<vmem>>) semaphore(%arg14 : memref<!tpu.dma_semaphore, #tpu.memory_space<semaphore_mem>>)
      } else {
      }
      %dma_start3A_220 = arith.constant 1 : i32
      %dma_start3A_221 = arith.constant 0 : i32
      %dma_start3A_222 = tpu.memref_slice %arg7[%dma_start3A_220, %dma_start3A_221] : memref<3x80xi32, #tpu.memory_space<vmem>> -> memref<1x80xi32, #tpu.memory_space<vmem>>
      %dma_start3A_223 = tpu.memref_squeeze %dma_start3A_222 : memref<1x80xi32, #tpu.memory_space<vmem>> -> memref<80xi32, #tpu.memory_space<vmem>>
      %dma_start3A_224 = arith.constant 0 : i32
      %dma_start3A_225 = arith.constant 0 : i32
      %dma_start3A_226 = tpu.memref_slice %arg13[%dma_start3A_224, %dma_start3A_225] : memref<10240x128xf32, #tpu.memory_space<vmem_shared>> -> memref<10240x128xf32, #tpu.memory_space<vmem_shared>>
      tpu.enqueue_indirect_dma source(%arg11 : memref<80x128xf32, #tpu.memory_space<vmem>>) target(%dma_start3A_226 : memref<10240x128xf32, #tpu.memory_space<vmem_shared>>) offsets(%dma_start3A_223 : memref<80xi32, #tpu.memory_space<vmem>>) semaphore(%arg16 : memref<!tpu.dma_semaphore, #tpu.memory_space<semaphore_mem>>) {add = true}
      %add3A_227 = arith.constant 3 : i32
      %add3A_228 = arith.addi %mul3A_115, %add3A_227 : i32
      %dma_wait3A_229 = arith.constant 0 : i32
      %dma_wait3A_230 = arith.constant 0 : i32
      %dma_wait3A_231 = tpu.memref_slice %arg2[%dma_wait3A_229, %dma_wait3A_230] : memref<10000x128xf32, #tpu.memory_space<hbm>> -> memref<80x128xf32, #tpu.memory_space<hbm>>
      %dma_wait3A_232 = arith.constant 0 : i32
      %dma_wait3A_233 = arith.constant 0 : i32
      %dma_wait3A_234 = tpu.memref_slice %arg2[%dma_wait3A_232, %dma_wait3A_233] : memref<10000x128xf32, #tpu.memory_space<hbm>> -> memref<80x128xf32, #tpu.memory_space<hbm>>
      tpu.wait_dma2 semaphore(%arg15 : memref<!tpu.dma_semaphore, #tpu.memory_space<semaphore_mem>>) src(%dma_wait3A_234 : memref<80x128xf32, #tpu.memory_space<hbm>>) dst(%arg10 : memref<80x128xf32, #tpu.memory_space<vmem>>)
      %ge3A_235 = arith.constant 2 : i32
      %ge3A_236 = arith.cmpi sge, %add3A_228, %ge3A_235 : i32
      %convert_element_type3A_237 = arith.extui %ge3A_236 : i1 to i32
      %cond3A_238 = arith.constant 0 : i32
      %cond3A_239 = arith.cmpi ne, %convert_element_type3A_237, %cond3A_238 : i32
      scf.if %cond3A_239 {
        %dma_wait3A_267 = arith.constant 0 : i32
        %dma_wait3A_268 = arith.constant 0 : i32
        %dma_wait3A_269 = tpu.memref_slice %arg13[%dma_wait3A_267, %dma_wait3A_268] : memref<10240x128xf32, #tpu.memory_space<vmem_shared>> -> memref<80x128xf32, #tpu.memory_space<vmem_shared>>
        %dma_wait3A_270 = arith.constant 0 : i32
        %dma_wait3A_271 = arith.constant 0 : i32
        %dma_wait3A_272 = tpu.memref_slice %arg13[%dma_wait3A_270, %dma_wait3A_271] : memref<10240x128xf32, #tpu.memory_space<vmem_shared>> -> memref<80x128xf32, #tpu.memory_space<vmem_shared>>
        tpu.wait_dma2 semaphore(%arg17 : memref<!tpu.dma_semaphore, #tpu.memory_space<semaphore_mem>>) src(%arg12 : memref<80x128xf32, #tpu.memory_space<vmem>>) dst(%dma_wait3A_272 : memref<80x128xf32, #tpu.memory_space<vmem_shared>>)
      } else {
      }
      %add3A_240 = arith.constant 2 : i32
      %add3A_241 = arith.addi %add3A_228, %add3A_240 : i32
      %lt3A_242 = arith.constant 125 : i32
      %lt3A_243 = arith.cmpi slt, %add3A_241, %lt3A_242 : i32
      %convert_element_type3A_244 = arith.extui %lt3A_243 : i1 to i32
      %cond3A_245 = arith.constant 0 : i32
      %cond3A_246 = arith.cmpi ne, %convert_element_type3A_244, %cond3A_245 : i32
      scf.if %cond3A_246 {
        %add3A_267 = arith.constant 2 : i32
        %add3A_268 = arith.addi %add3A_228, %add3A_267 : i32
        %mul3A_269 = arith.constant 125 : i32
        %mul3A_270 = arith.muli %add3A, %mul3A_269 : i32
        %add3A_271 = arith.addi %mul3A_270, %add3A_268 : i32
        %dma_start3A_272 = arith.constant 0 : i32
        %dma_start3A_273 = arith.constant 0 : i32
        %dma_start3A_274 = tpu.memref_slice %arg3[%add3A_271, %dma_start3A_272, %dma_start3A_273] : memref<4000x3x80xi32, #tpu.memory_space<hbm>> -> memref<1x3x80xi32, #tpu.memory_space<hbm>>
        %dma_start3A_275 = tpu.memref_squeeze %dma_start3A_274 : memref<1x3x80xi32, #tpu.memory_space<hbm>> -> memref<3x80xi32, #tpu.memory_space<hbm>>
        %dma_start3A_276 = arith.constant 0 : i32
        %dma_start3A_277 = arith.constant 0 : i32
        %dma_start3A_278 = tpu.memref_slice %arg3[%add3A_271, %dma_start3A_276, %dma_start3A_277] : memref<4000x3x80xi32, #tpu.memory_space<hbm>> -> memref<1x3x80xi32, #tpu.memory_space<hbm>>
        %dma_start3A_279 = tpu.memref_squeeze %dma_start3A_278 : memref<1x3x80xi32, #tpu.memory_space<hbm>> -> memref<3x80xi32, #tpu.memory_space<hbm>>
        tpu.enqueue_dma source(%dma_start3A_279 : memref<3x80xi32, #tpu.memory_space<hbm>>) target(%arg6 : memref<3x80xi32, #tpu.memory_space<vmem>>) target_semaphore(%arg18 : memref<!tpu.dma_semaphore, #tpu.memory_space<semaphore_mem>>)
      } else {
      }
      %broadcast_in_dim3A_247 = arith.constant 2 : i32
      %broadcast_in_dim3A_248 = vector.broadcast %broadcast_in_dim3A_247 : i32 to vector<16xi32>
      %parallel_loop3A_249 = arith.constant 0 : i32
      %parallel_loop3A_250 = arith.constant 80 : i32
      %parallel_loop3A_251 = arith.constant 1 : i32
      scf.for %parallel_loop3A_267 = %parallel_loop3A_249 to %parallel_loop3A_250 step %parallel_loop3A_251  : i32 {
        %parallel_loop3A_268 = vector.broadcast %parallel_loop3A_267 : i32 to vector<16xi32>
        %parallel_loop3A_269 = tpu.vector_load_idx %arg8[%broadcast_in_dim3A_248, %parallel_loop3A_268] : memref<3x80xi32, #tpu.memory_space<vmem>>[vector<16xi32>, vector<16xi32>], vector<16xi32>,
        %parallel_loop3A_270 = vector.bitcast %parallel_loop3A_269 : vector<16xi32> to vector<16xf32>
        %parallel_loop3A_271 = arith.index_cast %parallel_loop3A_267 : i32 to index
        %parallel_loop3A_272 = arith.constant 0 : index
        %parallel_loop3A_273 = tpu.vector_load %arg10[%parallel_loop3A_271, %parallel_loop3A_272] {strides = array<i32>} : memref<80x128xf32, #tpu.memory_space<vmem>>, vector<16xf32>,
        %parallel_loop3A_274 = arith.mulf %parallel_loop3A_273, %parallel_loop3A_270 : vector<16xf32>
        %parallel_loop3A_275 = arith.index_cast %parallel_loop3A_267 : i32 to index
        %parallel_loop3A_276 = arith.constant 0 : index
        %parallel_loop3A_277 = tpu.vector_load %arg12[%parallel_loop3A_275, %parallel_loop3A_276] {strides = array<i32>} : memref<80x128xf32, #tpu.memory_space<vmem>>, vector<16xf32>,
        tpu.vector_store %arg12[%parallel_loop3A_275, %parallel_loop3A_276], %parallel_loop3A_274 {strides = array<i32>} : memref<80x128xf32, #tpu.memory_space<vmem>>, vector<16xf32>,
        %parallel_loop3A_278 = arith.index_cast %parallel_loop3A_267 : i32 to index
        %parallel_loop3A_279 = arith.constant 16 : index
        %parallel_loop3A_280 = tpu.vector_load %arg10[%parallel_loop3A_278, %parallel_loop3A_279] {strides = array<i32>} : memref<80x128xf32, #tpu.memory_space<vmem>>, vector<16xf32>,
        %parallel_loop3A_281 = arith.mulf %parallel_loop3A_280, %parallel_loop3A_270 : vector<16xf32>
        %parallel_loop3A_282 = arith.index_cast %parallel_loop3A_267 : i32 to index
        %parallel_loop3A_283 = arith.constant 16 : index
        %parallel_loop3A_284 = tpu.vector_load %arg12[%parallel_loop3A_282, %parallel_loop3A_283] {strides = array<i32>} : memref<80x128xf32, #tpu.memory_space<vmem>>, vector<16xf32>,
        tpu.vector_store %arg12[%parallel_loop3A_282, %parallel_loop3A_283], %parallel_loop3A_281 {strides = array<i32>} : memref<80x128xf32, #tpu.memory_space<vmem>>, vector<16xf32>,
        %parallel_loop3A_285 = arith.index_cast %parallel_loop3A_267 : i32 to index
        %parallel_loop3A_286 = arith.constant 32 : index
        %parallel_loop3A_287 = tpu.vector_load %arg10[%parallel_loop3A_285, %parallel_loop3A_286] {strides = array<i32>} : memref<80x128xf32, #tpu.memory_space<vmem>>, vector<16xf32>,
        %parallel_loop3A_288 = arith.mulf %parallel_loop3A_287, %parallel_loop3A_270 : vector<16xf32>
        %parallel_loop3A_289 = arith.index_cast %parallel_loop3A_267 : i32 to index
        %parallel_loop3A_290 = arith.constant 32 : index
        %parallel_loop3A_291 = tpu.vector_load %arg12[%parallel_loop3A_289, %parallel_loop3A_290] {strides = array<i32>} : memref<80x128xf32, #tpu.memory_space<vmem>>, vector<16xf32>,
        tpu.vector_store %arg12[%parallel_loop3A_289, %parallel_loop3A_290], %parallel_loop3A_288 {strides = array<i32>} : memref<80x128xf32, #tpu.memory_space<vmem>>, vector<16xf32>,
        %parallel_loop3A_292 = arith.index_cast %parallel_loop3A_267 : i32 to index
        %parallel_loop3A_293 = arith.constant 48 : index
        %parallel_loop3A_294 = tpu.vector_load %arg10[%parallel_loop3A_292, %parallel_loop3A_293] {strides = array<i32>} : memref<80x128xf32, #tpu.memory_space<vmem>>, vector<16xf32>,
        %parallel_loop3A_295 = arith.mulf %parallel_loop3A_294, %parallel_loop3A_270 : vector<16xf32>
        %parallel_loop3A_296 = arith.index_cast %parallel_loop3A_267 : i32 to index
        %parallel_loop3A_297 = arith.constant 48 : index
        %parallel_loop3A_298 = tpu.vector_load %arg12[%parallel_loop3A_296, %parallel_loop3A_297] {strides = array<i32>} : memref<80x128xf32, #tpu.memory_space<vmem>>, vector<16xf32>,
        tpu.vector_store %arg12[%parallel_loop3A_296, %parallel_loop3A_297], %parallel_loop3A_295 {strides = array<i32>} : memref<80x128xf32, #tpu.memory_space<vmem>>, vector<16xf32>,
        %parallel_loop3A_299 = arith.index_cast %parallel_loop3A_267 : i32 to index
        %parallel_loop3A_300 = arith.constant 64 : index
        %parallel_loop3A_301 = tpu.vector_load %arg10[%parallel_loop3A_299, %parallel_loop3A_300] {strides = array<i32>} : memref<80x128xf32, #tpu.memory_space<vmem>>, vector<16xf32>,
        %parallel_loop3A_302 = arith.mulf %parallel_loop3A_301, %parallel_loop3A_270 : vector<16xf32>
        %parallel_loop3A_303 = arith.index_cast %parallel_loop3A_267 : i32 to index
        %parallel_loop3A_304 = arith.constant 64 : index
        %parallel_loop3A_305 = tpu.vector_load %arg12[%parallel_loop3A_303, %parallel_loop3A_304] {strides = array<i32>} : memref<80x128xf32, #tpu.memory_space<vmem>>, vector<16xf32>,
        tpu.vector_store %arg12[%parallel_loop3A_303, %parallel_loop3A_304], %parallel_loop3A_302 {strides = array<i32>} : memref<80x128xf32, #tpu.memory_space<vmem>>, vector<16xf32>,
        %parallel_loop3A_306 = arith.index_cast %parallel_loop3A_267 : i32 to index
        %parallel_loop3A_307 = arith.constant 80 : index
        %parallel_loop3A_308 = tpu.vector_load %arg10[%parallel_loop3A_306, %parallel_loop3A_307] {strides = array<i32>} : memref<80x128xf32, #tpu.memory_space<vmem>>, vector<16xf32>,
        %parallel_loop3A_309 = arith.mulf %parallel_loop3A_308, %parallel_loop3A_270 : vector<16xf32>
        %parallel_loop3A_310 = arith.index_cast %parallel_loop3A_267 : i32 to index
        %parallel_loop3A_311 = arith.constant 80 : index
        %parallel_loop3A_312 = tpu.vector_load %arg12[%parallel_loop3A_310, %parallel_loop3A_311] {strides = array<i32>} : memref<80x128xf32, #tpu.memory_space<vmem>>, vector<16xf32>,
        tpu.vector_store %arg12[%parallel_loop3A_310, %parallel_loop3A_311], %parallel_loop3A_309 {strides = array<i32>} : memref<80x128xf32, #tpu.memory_space<vmem>>, vector<16xf32>,
        %parallel_loop3A_313 = arith.index_cast %parallel_loop3A_267 : i32 to index
        %parallel_loop3A_314 = arith.constant 96 : index
        %parallel_loop3A_315 = tpu.vector_load %arg10[%parallel_loop3A_313, %parallel_loop3A_314] {strides = array<i32>} : memref<80x128xf32, #tpu.memory_space<vmem>>, vector<16xf32>,
        %parallel_loop3A_316 = arith.mulf %parallel_loop3A_315, %parallel_loop3A_270 : vector<16xf32>
        %parallel_loop3A_317 = arith.index_cast %parallel_loop3A_267 : i32 to index
        %parallel_loop3A_318 = arith.constant 96 : index
        %parallel_loop3A_319 = tpu.vector_load %arg12[%parallel_loop3A_317, %parallel_loop3A_318] {strides = array<i32>} : memref<80x128xf32, #tpu.memory_space<vmem>>, vector<16xf32>,
        tpu.vector_store %arg12[%parallel_loop3A_317, %parallel_loop3A_318], %parallel_loop3A_316 {strides = array<i32>} : memref<80x128xf32, #tpu.memory_space<vmem>>, vector<16xf32>,
        %parallel_loop3A_320 = arith.index_cast %parallel_loop3A_267 : i32 to index
        %parallel_loop3A_321 = arith.constant 112 : index
        %parallel_loop3A_322 = tpu.vector_load %arg10[%parallel_loop3A_320, %parallel_loop3A_321] {strides = array<i32>} : memref<80x128xf32, #tpu.memory_space<vmem>>, vector<16xf32>,
        %parallel_loop3A_323 = arith.mulf %parallel_loop3A_322, %parallel_loop3A_270 : vector<16xf32>
        %parallel_loop3A_324 = arith.index_cast %parallel_loop3A_267 : i32 to index
        %parallel_loop3A_325 = arith.constant 112 : index
        %parallel_loop3A_326 = tpu.vector_load %arg12[%parallel_loop3A_324, %parallel_loop3A_325] {strides = array<i32>} : memref<80x128xf32, #tpu.memory_space<vmem>>, vector<16xf32>,
        tpu.vector_store %arg12[%parallel_loop3A_324, %parallel_loop3A_325], %parallel_loop3A_323 {strides = array<i32>} : memref<80x128xf32, #tpu.memory_space<vmem>>, vector<16xf32>,
      } {sc.loop_unroll_factor = 16 : i64, sc.parallel_access}
      %add3A_252 = arith.constant 2 : i32
      %add3A_253 = arith.addi %add3A_228, %add3A_252 : i32
      %lt3A_254 = arith.constant 125 : i32
      %lt3A_255 = arith.cmpi slt, %add3A_253, %lt3A_254 : i32
      %convert_element_type3A_256 = arith.extui %lt3A_255 : i1 to i32
      %cond3A_257 = arith.constant 0 : i32
      %cond3A_258 = arith.cmpi ne, %convert_element_type3A_256, %cond3A_257 : i32
      scf.if %cond3A_258 {
        %dma_wait3A_267 = arith.constant 0 : i32
        %dma_wait3A_268 = arith.constant 0 : i32
        %dma_wait3A_269 = arith.constant 0 : i32
        %dma_wait3A_270 = tpu.memref_slice %arg3[%dma_wait3A_267, %dma_wait3A_268, %dma_wait3A_269] : memref<4000x3x80xi32, #tpu.memory_space<hbm>> -> memref<1x3x80xi32, #tpu.memory_space<hbm>>
        %dma_wait3A_271 = tpu.memref_squeeze %dma_wait3A_270 : memref<1x3x80xi32, #tpu.memory_space<hbm>> -> memref<3x80xi32, #tpu.memory_space<hbm>>
        %dma_wait3A_272 = arith.constant 0 : i32
        %dma_wait3A_273 = arith.constant 0 : i32
        %dma_wait3A_274 = tpu.memref_slice %arg3[%dma_wait3A_267, %dma_wait3A_272, %dma_wait3A_273] : memref<4000x3x80xi32, #tpu.memory_space<hbm>> -> memref<1x3x80xi32, #tpu.memory_space<hbm>>
        %dma_wait3A_275 = tpu.memref_squeeze %dma_wait3A_274 : memref<1x3x80xi32, #tpu.memory_space<hbm>> -> memref<3x80xi32, #tpu.memory_space<hbm>>
        tpu.wait_dma2 semaphore(%arg18 : memref<!tpu.dma_semaphore, #tpu.memory_space<semaphore_mem>>) src(%dma_wait3A_275 : memref<3x80xi32, #tpu.memory_space<hbm>>) dst(%arg6 : memref<3x80xi32, #tpu.memory_space<vmem>>)
        %dma_start3A_276 = arith.constant 0 : i32
        %dma_start3A_277 = arith.constant 0 : i32
        %dma_start3A_278 = tpu.memref_slice %arg6[%dma_start3A_276, %dma_start3A_277] : memref<3x80xi32, #tpu.memory_space<vmem>> -> memref<1x80xi32, #tpu.memory_space<vmem>>
        %dma_start3A_279 = tpu.memref_squeeze %dma_start3A_278 : memref<1x80xi32, #tpu.memory_space<vmem>> -> memref<80xi32, #tpu.memory_space<vmem>>
        %dma_start3A_280 = arith.constant 0 : i32
        %dma_start3A_281 = arith.constant 0 : i32
        %dma_start3A_282 = tpu.memref_slice %arg2[%dma_start3A_280, %dma_start3A_281] : memref<10000x128xf32, #tpu.memory_space<hbm>> -> memref<10000x128xf32, #tpu.memory_space<hbm>>
        tpu.enqueue_indirect_dma source(%dma_start3A_282 : memref<10000x128xf32, #tpu.memory_space<hbm>>) target(%arg10 : memref<80x128xf32, #tpu.memory_space<vmem>>) offsets(%dma_start3A_279 : memref<80xi32, #tpu.memory_space<vmem>>) semaphore(%arg15 : memref<!tpu.dma_semaphore, #tpu.memory_space<semaphore_mem>>)
      } else {
      }
      %dma_start3A_259 = arith.constant 1 : i32
      %dma_start3A_260 = arith.constant 0 : i32
      %dma_start3A_261 = tpu.memref_slice %arg8[%dma_start3A_259, %dma_start3A_260] : memref<3x80xi32, #tpu.memory_space<vmem>> -> memref<1x80xi32, #tpu.memory_space<vmem>>
      %dma_start3A_262 = tpu.memref_squeeze %dma_start3A_261 : memref<1x80xi32, #tpu.memory_space<vmem>> -> memref<80xi32, #tpu.memory_space<vmem>>
      %dma_start3A_263 = arith.constant 0 : i32
      %dma_start3A_264 = arith.constant 0 : i32
      %dma_start3A_265 = tpu.memref_slice %arg13[%dma_start3A_263, %dma_start3A_264] : memref<10240x128xf32, #tpu.memory_space<vmem_shared>> -> memref<10240x128xf32, #tpu.memory_space<vmem_shared>>
      tpu.enqueue_indirect_dma source(%arg12 : memref<80x128xf32, #tpu.memory_space<vmem>>) target(%dma_start3A_265 : memref<10240x128xf32, #tpu.memory_space<vmem_shared>>) offsets(%dma_start3A_262 : memref<80xi32, #tpu.memory_space<vmem>>) semaphore(%arg17 : memref<!tpu.dma_semaphore, #tpu.memory_space<semaphore_mem>>) {add = true}
      %scan3A_266 = arith.constant 0 : i32
      scf.yield %scan3A_266 : i32
    }
    %scan3A_76 = arith.constant 31 : i32
    %dma_wait3A_77 = arith.constant 0 : i32
    %dma_wait3A_78 = arith.constant 0 : i32
    %dma_wait3A_79 = tpu.memref_slice %arg2[%dma_wait3A_77, %dma_wait3A_78] : memref<10000x128xf32, #tpu.memory_space<hbm>> -> memref<80x128xf32, #tpu.memory_space<hbm>>
    %dma_wait3A_80 = arith.constant 0 : i32
    %dma_wait3A_81 = arith.constant 0 : i32
    %dma_wait3A_82 = tpu.memref_slice %arg2[%dma_wait3A_80, %dma_wait3A_81] : memref<10000x128xf32, #tpu.memory_space<hbm>> -> memref<80x128xf32, #tpu.memory_space<hbm>>
    tpu.wait_dma2 semaphore(%arg14 : memref<!tpu.dma_semaphore, #tpu.memory_space<semaphore_mem>>) src(%dma_wait3A_82 : memref<80x128xf32, #tpu.memory_space<hbm>>) dst(%arg9 : memref<80x128xf32, #tpu.memory_space<vmem>>)
    %dma_wait3A_83 = arith.constant 0 : i32
    %dma_wait3A_84 = arith.constant 0 : i32
    %dma_wait3A_85 = tpu.memref_slice %arg13[%dma_wait3A_83, %dma_wait3A_84] : memref<10240x128xf32, #tpu.memory_space<vmem_shared>> -> memref<80x128xf32, #tpu.memory_space<vmem_shared>>
    %dma_wait3A_86 = arith.constant 0 : i32
    %dma_wait3A_87 = arith.constant 0 : i32
    %dma_wait3A_88 = tpu.memref_slice %arg13[%dma_wait3A_86, %dma_wait3A_87] : memref<10240x128xf32, #tpu.memory_space<vmem_shared>> -> memref<80x128xf32, #tpu.memory_space<vmem_shared>>
    tpu.wait_dma2 semaphore(%arg16 : memref<!tpu.dma_semaphore, #tpu.memory_space<semaphore_mem>>) src(%arg11 : memref<80x128xf32, #tpu.memory_space<vmem>>) dst(%dma_wait3A_88 : memref<80x128xf32, #tpu.memory_space<vmem_shared>>)
    %broadcast_in_dim3A = arith.constant 2 : i32
    %broadcast_in_dim3A_89 = vector.broadcast %broadcast_in_dim3A : i32 to vector<16xi32>
    %parallel_loop3A = arith.constant 0 : i32
    %parallel_loop3A_90 = arith.constant 80 : i32
    %parallel_loop3A_91 = arith.constant 1 : i32
    scf.for %parallel_loop3A_112 = %parallel_loop3A to %parallel_loop3A_90 step %parallel_loop3A_91  : i32 {
      %parallel_loop3A_113 = vector.broadcast %parallel_loop3A_112 : i32 to vector<16xi32>
      %parallel_loop3A_114 = tpu.vector_load_idx %arg5[%broadcast_in_dim3A_89, %parallel_loop3A_113] : memref<3x80xi32, #tpu.memory_space<vmem>>[vector<16xi32>, vector<16xi32>], vector<16xi32>,
      %parallel_loop3A_115 = vector.bitcast %parallel_loop3A_114 : vector<16xi32> to vector<16xf32>
      %parallel_loop3A_116 = arith.index_cast %parallel_loop3A_112 : i32 to index
      %parallel_loop3A_117 = arith.constant 0 : index
      %parallel_loop3A_118 = tpu.vector_load %arg9[%parallel_loop3A_116, %parallel_loop3A_117] {strides = array<i32>} : memref<80x128xf32, #tpu.memory_space<vmem>>, vector<16xf32>,
      %parallel_loop3A_119 = arith.mulf %parallel_loop3A_118, %parallel_loop3A_115 : vector<16xf32>
      %parallel_loop3A_120 = arith.index_cast %parallel_loop3A_112 : i32 to index
      %parallel_loop3A_121 = arith.constant 0 : index
      %parallel_loop3A_122 = tpu.vector_load %arg11[%parallel_loop3A_120, %parallel_loop3A_121] {strides = array<i32>} : memref<80x128xf32, #tpu.memory_space<vmem>>, vector<16xf32>,
      tpu.vector_store %arg11[%parallel_loop3A_120, %parallel_loop3A_121], %parallel_loop3A_119 {strides = array<i32>} : memref<80x128xf32, #tpu.memory_space<vmem>>, vector<16xf32>,
      %parallel_loop3A_123 = arith.index_cast %parallel_loop3A_112 : i32 to index
      %parallel_loop3A_124 = arith.constant 16 : index
      %parallel_loop3A_125 = tpu.vector_load %arg9[%parallel_loop3A_123, %parallel_loop3A_124] {strides = array<i32>} : memref<80x128xf32, #tpu.memory_space<vmem>>, vector<16xf32>,
      %parallel_loop3A_126 = arith.mulf %parallel_loop3A_125, %parallel_loop3A_115 : vector<16xf32>
      %parallel_loop3A_127 = arith.index_cast %parallel_loop3A_112 : i32 to index
      %parallel_loop3A_128 = arith.constant 16 : index
      %parallel_loop3A_129 = tpu.vector_load %arg11[%parallel_loop3A_127, %parallel_loop3A_128] {strides = array<i32>} : memref<80x128xf32, #tpu.memory_space<vmem>>, vector<16xf32>,
      tpu.vector_store %arg11[%parallel_loop3A_127, %parallel_loop3A_128], %parallel_loop3A_126 {strides = array<i32>} : memref<80x128xf32, #tpu.memory_space<vmem>>, vector<16xf32>,
      %parallel_loop3A_130 = arith.index_cast %parallel_loop3A_112 : i32 to index
      %parallel_loop3A_131 = arith.constant 32 : index
      %parallel_loop3A_132 = tpu.vector_load %arg9[%parallel_loop3A_130, %parallel_loop3A_131] {strides = array<i32>} : memref<80x128xf32, #tpu.memory_space<vmem>>, vector<16xf32>,
      %parallel_loop3A_133 = arith.mulf %parallel_loop3A_132, %parallel_loop3A_115 : vector<16xf32>
      %parallel_loop3A_134 = arith.index_cast %parallel_loop3A_112 : i32 to index
      %parallel_loop3A_135 = arith.constant 32 : index
      %parallel_loop3A_136 = tpu.vector_load %arg11[%parallel_loop3A_134, %parallel_loop3A_135] {strides = array<i32>} : memref<80x128xf32, #tpu.memory_space<vmem>>, vector<16xf32>,
      tpu.vector_store %arg11[%parallel_loop3A_134, %parallel_loop3A_135], %parallel_loop3A_133 {strides = array<i32>} : memref<80x128xf32, #tpu.memory_space<vmem>>, vector<16xf32>,
      %parallel_loop3A_137 = arith.index_cast %parallel_loop3A_112 : i32 to index
      %parallel_loop3A_138 = arith.constant 48 : index
      %parallel_loop3A_139 = tpu.vector_load %arg9[%parallel_loop3A_137, %parallel_loop3A_138] {strides = array<i32>} : memref<80x128xf32, #tpu.memory_space<vmem>>, vector<16xf32>,
      %parallel_loop3A_140 = arith.mulf %parallel_loop3A_139, %parallel_loop3A_115 : vector<16xf32>
      %parallel_loop3A_141 = arith.index_cast %parallel_loop3A_112 : i32 to index
      %parallel_loop3A_142 = arith.constant 48 : index
      %parallel_loop3A_143 = tpu.vector_load %arg11[%parallel_loop3A_141, %parallel_loop3A_142] {strides = array<i32>} : memref<80x128xf32, #tpu.memory_space<vmem>>, vector<16xf32>,
      tpu.vector_store %arg11[%parallel_loop3A_141, %parallel_loop3A_142], %parallel_loop3A_140 {strides = array<i32>} : memref<80x128xf32, #tpu.memory_space<vmem>>, vector<16xf32>,
      %parallel_loop3A_144 = arith.index_cast %parallel_loop3A_112 : i32 to index
      %parallel_loop3A_145 = arith.constant 64 : index
      %parallel_loop3A_146 = tpu.vector_load %arg9[%parallel_loop3A_144, %parallel_loop3A_145] {strides = array<i32>} : memref<80x128xf32, #tpu.memory_space<vmem>>, vector<16xf32>,
      %parallel_loop3A_147 = arith.mulf %parallel_loop3A_146, %parallel_loop3A_115 : vector<16xf32>
      %parallel_loop3A_148 = arith.index_cast %parallel_loop3A_112 : i32 to index
      %parallel_loop3A_149 = arith.constant 64 : index
      %parallel_loop3A_150 = tpu.vector_load %arg11[%parallel_loop3A_148, %parallel_loop3A_149] {strides = array<i32>} : memref<80x128xf32, #tpu.memory_space<vmem>>, vector<16xf32>,
      tpu.vector_store %arg11[%parallel_loop3A_148, %parallel_loop3A_149], %parallel_loop3A_147 {strides = array<i32>} : memref<80x128xf32, #tpu.memory_space<vmem>>, vector<16xf32>,
      %parallel_loop3A_151 = arith.index_cast %parallel_loop3A_112 : i32 to index
      %parallel_loop3A_152 = arith.constant 80 : index
      %parallel_loop3A_153 = tpu.vector_load %arg9[%parallel_loop3A_151, %parallel_loop3A_152] {strides = array<i32>} : memref<80x128xf32, #tpu.memory_space<vmem>>, vector<16xf32>,
      %parallel_loop3A_154 = arith.mulf %parallel_loop3A_153, %parallel_loop3A_115 : vector<16xf32>
      %parallel_loop3A_155 = arith.index_cast %parallel_loop3A_112 : i32 to index
      %parallel_loop3A_156 = arith.constant 80 : index
      %parallel_loop3A_157 = tpu.vector_load %arg11[%parallel_loop3A_155, %parallel_loop3A_156] {strides = array<i32>} : memref<80x128xf32, #tpu.memory_space<vmem>>, vector<16xf32>,
      tpu.vector_store %arg11[%parallel_loop3A_155, %parallel_loop3A_156], %parallel_loop3A_154 {strides = array<i32>} : memref<80x128xf32, #tpu.memory_space<vmem>>, vector<16xf32>,
      %parallel_loop3A_158 = arith.index_cast %parallel_loop3A_112 : i32 to index
      %parallel_loop3A_159 = arith.constant 96 : index
      %parallel_loop3A_160 = tpu.vector_load %arg9[%parallel_loop3A_158, %parallel_loop3A_159] {strides = array<i32>} : memref<80x128xf32, #tpu.memory_space<vmem>>, vector<16xf32>,
      %parallel_loop3A_161 = arith.mulf %parallel_loop3A_160, %parallel_loop3A_115 : vector<16xf32>
      %parallel_loop3A_162 = arith.index_cast %parallel_loop3A_112 : i32 to index
      %parallel_loop3A_163 = arith.constant 96 : index
      %parallel_loop3A_164 = tpu.vector_load %arg11[%parallel_loop3A_162, %parallel_loop3A_163] {strides = array<i32>} : memref<80x128xf32, #tpu.memory_space<vmem>>, vector<16xf32>,
      tpu.vector_store %arg11[%parallel_loop3A_162, %parallel_loop3A_163], %parallel_loop3A_161 {strides = array<i32>} : memref<80x128xf32, #tpu.memory_space<vmem>>, vector<16xf32>,
      %parallel_loop3A_165 = arith.index_cast %parallel_loop3A_112 : i32 to index
      %parallel_loop3A_166 = arith.constant 112 : index
      %parallel_loop3A_167 = tpu.vector_load %arg9[%parallel_loop3A_165, %parallel_loop3A_166] {strides = array<i32>} : memref<80x128xf32, #tpu.memory_space<vmem>>, vector<16xf32>,
      %parallel_loop3A_168 = arith.mulf %parallel_loop3A_167, %parallel_loop3A_115 : vector<16xf32>
      %parallel_loop3A_169 = arith.index_cast %parallel_loop3A_112 : i32 to index
      %parallel_loop3A_170 = arith.constant 112 : index
      %parallel_loop3A_171 = tpu.vector_load %arg11[%parallel_loop3A_169, %parallel_loop3A_170] {strides = array<i32>} : memref<80x128xf32, #tpu.memory_space<vmem>>, vector<16xf32>,
      tpu.vector_store %arg11[%parallel_loop3A_169, %parallel_loop3A_170], %parallel_loop3A_168 {strides = array<i32>} : memref<80x128xf32, #tpu.memory_space<vmem>>, vector<16xf32>,
    } {sc.loop_unroll_factor = 16 : i64, sc.parallel_access}
    %dma_start3A_92 = arith.constant 1 : i32
    %dma_start3A_93 = arith.constant 0 : i32
    %dma_start3A_94 = tpu.memref_slice %arg5[%dma_start3A_92, %dma_start3A_93] : memref<3x80xi32, #tpu.memory_space<vmem>> -> memref<1x80xi32, #tpu.memory_space<vmem>>
    %dma_start3A_95 = tpu.memref_squeeze %dma_start3A_94 : memref<1x80xi32, #tpu.memory_space<vmem>> -> memref<80xi32, #tpu.memory_space<vmem>>
    %dma_start3A_96 = arith.constant 0 : i32
    %dma_start3A_97 = arith.constant 0 : i32
    %dma_start3A_98 = tpu.memref_slice %arg13[%dma_start3A_96, %dma_start3A_97] : memref<10240x128xf32, #tpu.memory_space<vmem_shared>> -> memref<10240x128xf32, #tpu.memory_space<vmem_shared>>
    tpu.enqueue_indirect_dma source(%arg11 : memref<80x128xf32, #tpu.memory_space<vmem>>) target(%dma_start3A_98 : memref<10240x128xf32, #tpu.memory_space<vmem_shared>>) offsets(%dma_start3A_95 : memref<80xi32, #tpu.memory_space<vmem>>) semaphore(%arg16 : memref<!tpu.dma_semaphore, #tpu.memory_space<semaphore_mem>>) {add = true}
    %dma_wait3A_99 = arith.constant 0 : i32
    %dma_wait3A_100 = arith.constant 0 : i32
    %dma_wait3A_101 = tpu.memref_slice %arg13[%dma_wait3A_99, %dma_wait3A_100] : memref<10240x128xf32, #tpu.memory_space<vmem_shared>> -> memref<80x128xf32, #tpu.memory_space<vmem_shared>>
    %dma_wait3A_102 = arith.constant 0 : i32
    %dma_wait3A_103 = arith.constant 0 : i32
    %dma_wait3A_104 = tpu.memref_slice %arg13[%dma_wait3A_102, %dma_wait3A_103] : memref<10240x128xf32, #tpu.memory_space<vmem_shared>> -> memref<80x128xf32, #tpu.memory_space<vmem_shared>>
    tpu.wait_dma2 semaphore(%arg16 : memref<!tpu.dma_semaphore, #tpu.memory_space<semaphore_mem>>) src(%arg11 : memref<80x128xf32, #tpu.memory_space<vmem>>) dst(%dma_wait3A_104 : memref<80x128xf32, #tpu.memory_space<vmem_shared>>)
    %dma_wait3A_105 = arith.constant 0 : i32
    %dma_wait3A_106 = arith.constant 0 : i32
    %dma_wait3A_107 = tpu.memref_slice %arg13[%dma_wait3A_105, %dma_wait3A_106] : memref<10240x128xf32, #tpu.memory_space<vmem_shared>> -> memref<80x128xf32, #tpu.memory_space<vmem_shared>>
    %dma_wait3A_108 = arith.constant 0 : i32
    %dma_wait3A_109 = arith.constant 0 : i32
    %dma_wait3A_110 = tpu.memref_slice %arg13[%dma_wait3A_108, %dma_wait3A_109] : memref<10240x128xf32, #tpu.memory_space<vmem_shared>> -> memref<80x128xf32, #tpu.memory_space<vmem_shared>>
    tpu.wait_dma2 semaphore(%arg17 : memref<!tpu.dma_semaphore, #tpu.memory_space<semaphore_mem>>) src(%arg12 : memref<80x128xf32, #tpu.memory_space<vmem>>) dst(%dma_wait3A_110 : memref<80x128xf32, #tpu.memory_space<vmem_shared>>)
    %barrier3A_111 = arith.constant 0 : index
    tpu.barrier barrier_id(%barrier3A_111)
    "tpu.region"() ({
      %run_scoped3A = tpu.sem_alloc : memref<!tpu.dma_semaphore, #tpu.memory_space<semaphore_mem>>
      %dma_start3A_112 = arith.constant 0 : i32
      %dma_start3A_113 = tpu.memref_slice %arg4[%arg0, %mul3A_8, %dma_start3A_112] : memref<2x10240x128xf32, #tpu.memory_space<hbm>> -> memref<1x640x128xf32, #tpu.memory_space<hbm>>
      %dma_start3A_114 = tpu.memref_squeeze %dma_start3A_113 : memref<1x640x128xf32, #tpu.memory_space<hbm>> -> memref<640x128xf32, #tpu.memory_space<hbm>>
      %dma_start3A_115 = arith.constant 0 : i32
      %dma_start3A_116 = tpu.memref_slice %arg13[%mul3A_8, %dma_start3A_115] : memref<10240x128xf32, #tpu.memory_space<vmem_shared>> -> memref<640x128xf32, #tpu.memory_space<vmem_shared>>
      tpu.enqueue_dma source(%dma_start3A_116 : memref<640x128xf32, #tpu.memory_space<vmem_shared>>) target(%dma_start3A_114 : memref<640x128xf32, #tpu.memory_space<hbm>>) target_semaphore(%run_scoped3A : memref<!tpu.dma_semaphore, #tpu.memory_space<semaphore_mem>>)
      %dma_wait3A_117 = arith.constant 0 : i32
      %dma_wait3A_118 = tpu.memref_slice %arg4[%arg0, %mul3A_8, %dma_wait3A_117] : memref<2x10240x128xf32, #tpu.memory_space<hbm>> -> memref<1x640x128xf32, #tpu.memory_space<hbm>>
      %dma_wait3A_119 = tpu.memref_squeeze %dma_wait3A_118 : memref<1x640x128xf32, #tpu.memory_space<hbm>> -> memref<640x128xf32, #tpu.memory_space<hbm>>
      %dma_wait3A_120 = arith.constant 0 : i32
      %dma_wait3A_121 = tpu.memref_slice %arg13[%mul3A_8, %dma_wait3A_120] : memref<10240x128xf32, #tpu.memory_space<vmem_shared>> -> memref<640x128xf32, #tpu.memory_space<vmem_shared>>
      tpu.wait_dma2 semaphore(%run_scoped3A : memref<!tpu.dma_semaphore, #tpu.memory_space<semaphore_mem>>) src(%dma_wait3A_121 : memref<640x128xf32, #tpu.memory_space<vmem_shared>>) dst(%dma_wait3A_119 : memref<640x128xf32, #tpu.memory_space<hbm>>)
      tpu.yield
    }) : () -> ()
    return
  }
}

#map = affine_map<(d0, d1) -> (0, 0)>
#map1 = affine_map<(d0, d1) -> (0, 0, 0)>
module attributes {stable_mosaic.version = 14 : i64} {
  func.func @_agg_kernel(%arg0: i32, %arg1: i32, %arg2: memref<10000x128xf32, #tpu.memory_space<hbm>>, %arg3: memref<4000x3x80xi32, #tpu.memory_space<hbm>>, %arg4: memref<2x10240x128xf32, #tpu.memory_space<hbm>>, %arg5: memref<3x80xi32, #tpu.memory_space<vmem>>, %arg6: memref<3x80xi32, #tpu.memory_space<vmem>>, %arg7: memref<3x80xi32, #tpu.memory_space<vmem>>, %arg8: memref<3x80xi32, #tpu.memory_space<vmem>>, %arg9: memref<80x128xf32, #tpu.memory_space<vmem>>, %arg10: memref<80x128xf32, #tpu.memory_space<vmem>>, %arg11: memref<80x128xf32, #tpu.memory_space<vmem>>, %arg12: memref<80x128xf32, #tpu.memory_space<vmem>>, %arg13: memref<10240x128xf32, #tpu.memory_space<vmem_shared>>, %arg14: memref<!tpu.dma_semaphore, #tpu.memory_space<semaphore_mem>>, %arg15: memref<!tpu.dma_semaphore, #tpu.memory_space<semaphore_mem>>, %arg16: memref<!tpu.dma_semaphore, #tpu.memory_space<semaphore_mem>>, %arg17: memref<!tpu.dma_semaphore, #tpu.memory_space<semaphore_mem>>, %arg18: memref<!tpu.dma_semaphore, #tpu.memory_space<semaphore_mem>>) attributes {dimension_semantics = [#tpu.dimension_semantics<core_parallel>, #tpu.dimension_semantics<subcore_parallel>], iteration_bounds = array<i64: 2, 16>, scalar_prefetch = 0 : i64, scratch_operands = 14 : i64, tpu.core_type = #tpu.core_type<sc_vector_subcore>, window_params = [{transform_indices = #map}, {transform_indices = #map1}, {transform_indices = #map1}]} {
    %mul3A = arith.constant 16 : i32
    %mul3A_0 = arith.muli %arg0, %mul3A : i32
    %add3A = arith.addi %mul3A_0, %arg1 : i32
    %scan3A = arith.constant 0 : i32
    %scan3A_1 = arith.constant 0 : i32
    %scan3A_2 = arith.constant 640 : i32
    %scan3A_3 = arith.addi %scan3A_1, %scan3A_2 : i32
    %scan3A_4 = arith.constant 1 : i32
    %scan3A_5 = scf.for %scan3A_112 = %scan3A_1 to %scan3A_3 step %scan3A_4 iter_args(%scan3A_113 = %scan3A) -> (i32)  : i32 {
      %jit3A = arith.constant 8 : i32
      %div3A = arith.divsi %scan3A_112, %jit3A : i32
      %sign3A = arith.constant 0 : i32
      %sign3A_114 = arith.cmpi sgt, %scan3A_112, %sign3A : i32
      %sign3A_115 = arith.extui %sign3A_114 : i1 to i32
      %sign3A_116 = arith.constant 0 : i32
      %sign3A_117 = arith.cmpi slt, %scan3A_112, %sign3A_116 : i32
      %sign3A_118 = arith.extui %sign3A_117 : i1 to i32
      %sign3A_119 = arith.subi %sign3A_115, %sign3A_118 : i32
      %sign3A_120 = arith.constant 0 : i32
      %sign3A_121 = arith.cmpi sgt, %jit3A, %sign3A_120 : i32
      %sign3A_122 = arith.extui %sign3A_121 : i1 to i32
      %sign3A_123 = arith.constant 0 : i32
      %sign3A_124 = arith.cmpi slt, %jit3A, %sign3A_123 : i32
      %sign3A_125 = arith.extui %sign3A_124 : i1 to i32
      %sign3A_126 = arith.subi %sign3A_122, %sign3A_125 : i32
      %ne3A = arith.cmpi ne, %sign3A_119, %sign3A_126 : i32
      %rem3A = arith.remsi %scan3A_112, %jit3A : i32
      %ne3A_127 = arith.constant 0 : i32
      %ne3A_128 = arith.cmpi ne, %rem3A, %ne3A_127 : i32
      %and3A = arith.andi %ne3A, %ne3A_128 : i1
      %sub3A = arith.constant 1 : i32
      %sub3A_129 = arith.subi %div3A, %sub3A : i32
      %select_n3A = arith.select %and3A, %sub3A_129, %div3A : i32
      %jit3A_130 = arith.constant 8 : i32
      %eq3A = arith.constant 0 : i32
      %eq3A_131 = arith.cmpi eq, %jit3A_130, %eq3A : i32
      %jit3A_132 = arith.constant 1 : i32
      %select_n3A_133 = arith.select %eq3A_131, %jit3A_132, %jit3A_130 : i32
      %rem3A_134 = arith.remsi %scan3A_112, %select_n3A_133 : i32
      %ne3A_135 = arith.constant 0 : i32
      %ne3A_136 = arith.cmpi ne, %rem3A_134, %ne3A_135 : i32
      %lt3A = arith.constant 0 : i32
      %lt3A_137 = arith.cmpi slt, %rem3A_134, %lt3A : i32
      %lt3A_138 = arith.constant 0 : i32
      %lt3A_139 = arith.cmpi slt, %select_n3A_133, %lt3A_138 : i32
      %ne3A_140 = arith.xori %lt3A_137, %lt3A_139 : i1
      %and3A_141 = arith.andi %ne3A_140, %ne3A_136 : i1
      %add3A_142 = arith.addi %rem3A_134, %select_n3A_133 : i32
      %select_n3A_143 = arith.select %and3A_141, %add3A_142, %rem3A_134 : i32
      %broadcast_in_dim3A_144 = arith.constant 0.000000e+00 : f32
      %broadcast_in_dim3A_145 = vector.broadcast %broadcast_in_dim3A_144 : f32 to vector<16xf32>
      %mul3A_146 = arith.constant 16 : i32
      %mul3A_147 = arith.muli %select_n3A_143, %mul3A_146 : i32
      %swap3A = arith.index_cast %select_n3A : i32 to index
      %swap3A_148 = arith.index_cast %mul3A_147 : i32 to index
      %swap3A_149 = tpu.vector_load %arg11[%swap3A, %swap3A_148] {strides = array<i32>} : memref<80x128xf32, #tpu.memory_space<vmem>>, vector<16xf32>,
      tpu.vector_store %arg11[%swap3A, %swap3A_148], %broadcast_in_dim3A_145 {strides = array<i32>} : memref<80x128xf32, #tpu.memory_space<vmem>>, vector<16xf32>,
      %scan3A_150 = arith.constant 0 : i32
      scf.yield %scan3A_150 : i32
    }
    %scan3A_6 = arith.constant 640 : i32
    %mul3A_7 = arith.constant 640 : i32
    %mul3A_8 = arith.muli %arg1, %mul3A_7 : i32
    %scan3A_9 = arith.constant 0 : i32
    %scan3A_10 = arith.constant 0 : i32
    %scan3A_11 = arith.constant 8 : i32
    %scan3A_12 = arith.addi %scan3A_10, %scan3A_11 : i32
    %scan3A_13 = arith.constant 1 : i32
    %scan3A_14 = scf.for %scan3A_112 = %scan3A_10 to %scan3A_12 step %scan3A_13 iter_args(%scan3A_113 = %scan3A_9) -> (i32)  : i32 {
      %mul3A_114 = arith.constant 80 : i32
      %mul3A_115 = arith.muli %scan3A_112, %mul3A_114 : i32
      %add3A_116 = arith.addi %mul3A_8, %mul3A_115 : i32
      "tpu.region"() ({
        %run_scoped3A = tpu.sem_alloc : memref<!tpu.dma_semaphore, #tpu.memory_space<semaphore_mem>>
        %dma_start3A_118 = arith.constant 0 : i32
        %dma_start3A_119 = tpu.memref_slice %arg13[%add3A_116, %dma_start3A_118] : memref<10240x128xf32, #tpu.memory_space<vmem_shared>> -> memref<80x128xf32, #tpu.memory_space<vmem_shared>>
        %dma_start3A_120 = arith.constant 0 : i32
        %dma_start3A_121 = tpu.memref_slice %arg13[%add3A_116, %dma_start3A_120] : memref<10240x128xf32, #tpu.memory_space<vmem_shared>> -> memref<80x128xf32, #tpu.memory_space<vmem_shared>>
        tpu.enqueue_dma source(%arg11 : memref<80x128xf32, #tpu.memory_space<vmem>>) target(%dma_start3A_121 : memref<80x128xf32, #tpu.memory_space<vmem_shared>>) target_semaphore(%run_scoped3A : memref<!tpu.dma_semaphore, #tpu.memory_space<semaphore_mem>>)
        %dma_wait3A_122 = arith.constant 0 : i32
        %dma_wait3A_123 = tpu.memref_slice %arg13[%add3A_116, %dma_wait3A_122] : memref<10240x128xf32, #tpu.memory_space<vmem_shared>> -> memref<80x128xf32, #tpu.memory_space<vmem_shared>>
        %dma_wait3A_124 = arith.constant 0 : i32
        %dma_wait3A_125 = tpu.memref_slice %arg13[%add3A_116, %dma_wait3A_124] : memref<10240x128xf32, #tpu.memory_space<vmem_shared>> -> memref<80x128xf32, #tpu.memory_space<vmem_shared>>
        tpu.wait_dma2 semaphore(%run_scoped3A : memref<!tpu.dma_semaphore, #tpu.memory_space<semaphore_mem>>) src(%arg11 : memref<80x128xf32, #tpu.memory_space<vmem>>) dst(%dma_wait3A_125 : memref<80x128xf32, #tpu.memory_space<vmem_shared>>)
        tpu.yield
      }) : () -> ()
      %scan3A_117 = arith.constant 0 : i32
      scf.yield %scan3A_117 : i32
    }
    %scan3A_15 = arith.constant 8 : i32
    %barrier3A = arith.constant 0 : index
    tpu.barrier barrier_id(%barrier3A)
    %mul3A_16 = arith.constant 125 : i32
    %mul3A_17 = arith.muli %add3A, %mul3A_16 : i32
    %add3A_18 = arith.constant 0 : i32
    %add3A_19 = arith.addi %mul3A_17, %add3A_18 : i32
    %dma_start3A = arith.constant 0 : i32
    %dma_start3A_20 = arith.constant 0 : i32
    %dma_start3A_21 = tpu.memref_slice %arg3[%add3A_19, %dma_start3A, %dma_start3A_20] : memref<4000x3x80xi32, #tpu.memory_space<hbm>> -> memref<1x3x80xi32, #tpu.memory_space<hbm>>
    %dma_start3A_22 = tpu.memref_squeeze %dma_start3A_21 : memref<1x3x80xi32, #tpu.memory_space<hbm>> -> memref<3x80xi32, #tpu.memory_space<hbm>>
    %dma_start3A_23 = arith.constant 0 : i32
    %dma_start3A_24 = arith.constant 0 : i32
    %dma_start3A_25 = tpu.memref_slice %arg3[%add3A_19, %dma_start3A_23, %dma_start3A_24] : memref<4000x3x80xi32, #tpu.memory_space<hbm>> -> memref<1x3x80xi32, #tpu.memory_space<hbm>>
    %dma_start3A_26 = tpu.memref_squeeze %dma_start3A_25 : memref<1x3x80xi32, #tpu.memory_space<hbm>> -> memref<3x80xi32, #tpu.memory_space<hbm>>
    tpu.enqueue_dma source(%dma_start3A_26 : memref<3x80xi32, #tpu.memory_space<hbm>>) target(%arg5 : memref<3x80xi32, #tpu.memory_space<vmem>>) target_semaphore(%arg18 : memref<!tpu.dma_semaphore, #tpu.memory_space<semaphore_mem>>)
    %mul3A_27 = arith.constant 125 : i32
    %mul3A_28 = arith.muli %add3A, %mul3A_27 : i32
    %add3A_29 = arith.constant 1 : i32
    %add3A_30 = arith.addi %mul3A_28, %add3A_29 : i32
    %dma_start3A_31 = arith.constant 0 : i32
    %dma_start3A_32 = arith.constant 0 : i32
    %dma_start3A_33 = tpu.memref_slice %arg3[%add3A_30, %dma_start3A_31, %dma_start3A_32] : memref<4000x3x80xi32, #tpu.memory_space<hbm>> -> memref<1x3x80xi32, #tpu.memory_space<hbm>>
    %dma_start3A_34 = tpu.memref_squeeze %dma_start3A_33 : memref<1x3x80xi32, #tpu.memory_space<hbm>> -> memref<3x80xi32, #tpu.memory_space<hbm>>
    %dma_start3A_35 = arith.constant 0 : i32
    %dma_start3A_36 = arith.constant 0 : i32
    %dma_start3A_37 = tpu.memref_slice %arg3[%add3A_30, %dma_start3A_35, %dma_start3A_36] : memref<4000x3x80xi32, #tpu.memory_space<hbm>> -> memref<1x3x80xi32, #tpu.memory_space<hbm>>
    %dma_start3A_38 = tpu.memref_squeeze %dma_start3A_37 : memref<1x3x80xi32, #tpu.memory_space<hbm>> -> memref<3x80xi32, #tpu.memory_space<hbm>>
    tpu.enqueue_dma source(%dma_start3A_38 : memref<3x80xi32, #tpu.memory_space<hbm>>) target(%arg6 : memref<3x80xi32, #tpu.memory_space<vmem>>) target_semaphore(%arg18 : memref<!tpu.dma_semaphore, #tpu.memory_space<semaphore_mem>>)
    %dma_wait3A = arith.constant 0 : i32
    %dma_wait3A_39 = arith.constant 0 : i32
    %dma_wait3A_40 = arith.constant 0 : i32
    %dma_wait3A_41 = tpu.memref_slice %arg3[%dma_wait3A, %dma_wait3A_39, %dma_wait3A_40] : memref<4000x3x80xi32, #tpu.memory_space<hbm>> -> memref<1x3x80xi32, #tpu.memory_space<hbm>>
    %dma_wait3A_42 = tpu.memref_squeeze %dma_wait3A_41 : memref<1x3x80xi32, #tpu.memory_space<hbm>> -> memref<3x80xi32, #tpu.memory_space<hbm>>
    %dma_wait3A_43 = arith.constant 0 : i32
    %dma_wait3A_44 = arith.constant 0 : i32
    %dma_wait3A_45 = tpu.memref_slice %arg3[%dma_wait3A, %dma_wait3A_43, %dma_wait3A_44] : memref<4000x3x80xi32, #tpu.memory_space<hbm>> -> memref<1x3x80xi32, #tpu.memory_space<hbm>>
    %dma_wait3A_46 = tpu.memref_squeeze %dma_wait3A_45 : memref<1x3x80xi32, #tpu.memory_space<hbm>> -> memref<3x80xi32, #tpu.memory_space<hbm>>
    tpu.wait_dma2 semaphore(%arg18 : memref<!tpu.dma_semaphore, #tpu.memory_space<semaphore_mem>>) src(%dma_wait3A_46 : memref<3x80xi32, #tpu.memory_space<hbm>>) dst(%arg5 : memref<3x80xi32, #tpu.memory_space<vmem>>)
    %dma_start3A_47 = arith.constant 0 : i32
    %dma_start3A_48 = arith.constant 0 : i32
    %dma_start3A_49 = tpu.memref_slice %arg5[%dma_start3A_47, %dma_start3A_48] : memref<3x80xi32, #tpu.memory_space<vmem>> -> memref<1x80xi32, #tpu.memory_space<vmem>>
    %dma_start3A_50 = tpu.memref_squeeze %dma_start3A_49 : memref<1x80xi32, #tpu.memory_space<vmem>> -> memref<80xi32, #tpu.memory_space<vmem>>
    %dma_start3A_51 = arith.constant 0 : i32
    %dma_start3A_52 = arith.constant 0 : i32
    %dma_start3A_53 = tpu.memref_slice %arg2[%dma_start3A_51, %dma_start3A_52] : memref<10000x128xf32, #tpu.memory_space<hbm>> -> memref<10000x128xf32, #tpu.memory_space<hbm>>
    tpu.enqueue_indirect_dma source(%dma_start3A_53 : memref<10000x128xf32, #tpu.memory_space<hbm>>) target(%arg9 : memref<80x128xf32, #tpu.memory_space<vmem>>) offsets(%dma_start3A_50 : memref<80xi32, #tpu.memory_space<vmem>>) semaphore(%arg14 : memref<!tpu.dma_semaphore, #tpu.memory_space<semaphore_mem>>)
    %dma_wait3A_54 = arith.constant 0 : i32
    %dma_wait3A_55 = arith.constant 0 : i32
    %dma_wait3A_56 = arith.constant 0 : i32
    %dma_wait3A_57 = tpu.memref_slice %arg3[%dma_wait3A_54, %dma_wait3A_55, %dma_wait3A_56] : memref<4000x3x80xi32, #tpu.memory_space<hbm>> -> memref<1x3x80xi32, #tpu.memory_space<hbm>>
    %dma_wait3A_58 = tpu.memref_squeeze %dma_wait3A_57 : memref<1x3x80xi32, #tpu.memory_space<hbm>> -> memref<3x80xi32, #tpu.memory_space<hbm>>
    %dma_wait3A_59 = arith.constant 0 : i32
    %dma_wait3A_60 = arith.constant 0 : i32
    %dma_wait3A_61 = tpu.memref_slice %arg3[%dma_wait3A_54, %dma_wait3A_59, %dma_wait3A_60] : memref<4000x3x80xi32, #tpu.memory_space<hbm>> -> memref<1x3x80xi32, #tpu.memory_space<hbm>>
    %dma_wait3A_62 = tpu.memref_squeeze %dma_wait3A_61 : memref<1x3x80xi32, #tpu.memory_space<hbm>> -> memref<3x80xi32, #tpu.memory_space<hbm>>
    tpu.wait_dma2 semaphore(%arg18 : memref<!tpu.dma_semaphore, #tpu.memory_space<semaphore_mem>>) src(%dma_wait3A_62 : memref<3x80xi32, #tpu.memory_space<hbm>>) dst(%arg6 : memref<3x80xi32, #tpu.memory_space<vmem>>)
    %dma_start3A_63 = arith.constant 0 : i32
    %dma_start3A_64 = arith.constant 0 : i32
    %dma_start3A_65 = tpu.memref_slice %arg6[%dma_start3A_63, %dma_start3A_64] : memref<3x80xi32, #tpu.memory_space<vmem>> -> memref<1x80xi32, #tpu.memory_space<vmem>>
    %dma_start3A_66 = tpu.memref_squeeze %dma_start3A_65 : memref<1x80xi32, #tpu.memory_space<vmem>> -> memref<80xi32, #tpu.memory_space<vmem>>
    %dma_start3A_67 = arith.constant 0 : i32
    %dma_start3A_68 = arith.constant 0 : i32
    %dma_start3A_69 = tpu.memref_slice %arg2[%dma_start3A_67, %dma_start3A_68] : memref<10000x128xf32, #tpu.memory_space<hbm>> -> memref<10000x128xf32, #tpu.memory_space<hbm>>
    tpu.enqueue_indirect_dma source(%dma_start3A_69 : memref<10000x128xf32, #tpu.memory_space<hbm>>) target(%arg10 : memref<80x128xf32, #tpu.memory_space<vmem>>) offsets(%dma_start3A_66 : memref<80xi32, #tpu.memory_space<vmem>>) semaphore(%arg15 : memref<!tpu.dma_semaphore, #tpu.memory_space<semaphore_mem>>)
    %scan3A_70 = arith.constant 0 : i32
    %scan3A_71 = arith.constant 0 : i32
    %scan3A_72 = arith.constant 31 : i32
    %scan3A_73 = arith.addi %scan3A_71, %scan3A_72 : i32
    %scan3A_74 = arith.constant 1 : i32
    %scan3A_75 = scf.for %scan3A_112 = %scan3A_71 to %scan3A_73 step %scan3A_74 iter_args(%scan3A_113 = %scan3A_70) -> (i32)  : i32 {
      %mul3A_114 = arith.constant 4 : i32
      %mul3A_115 = arith.muli %mul3A_114, %scan3A_112 : i32
      %dma_wait3A_116 = arith.constant 0 : i32
      %dma_wait3A_117 = arith.constant 0 : i32
      %dma_wait3A_118 = tpu.memref_slice %arg2[%dma_wait3A_116, %dma_wait3A_117] : memref<10000x128xf32, #tpu.memory_space<hbm>> -> memref<80x128xf32, #tpu.memory_space<hbm>>
      %dma_wait3A_119 = arith.constant 0 : i32
      %dma_wait3A_120 = arith.constant 0 : i32
      %dma_wait3A_121 = tpu.memref_slice %arg2[%dma_wait3A_119, %dma_wait3A_120] : memref<10000x128xf32, #tpu.memory_space<hbm>> -> memref<80x128xf32, #tpu.memory_space<hbm>>
      tpu.wait_dma2 semaphore(%arg14 : memref<!tpu.dma_semaphore, #tpu.memory_space<semaphore_mem>>) src(%dma_wait3A_121 : memref<80x128xf32, #tpu.memory_space<hbm>>) dst(%arg9 : memref<80x128xf32, #tpu.memory_space<vmem>>)
      %ge3A = arith.constant 2 : i32
      %ge3A_122 = arith.cmpi sge, %mul3A_115, %ge3A : i32
      %convert_element_type3A = arith.extui %ge3A_122 : i1 to i32
      %cond3A = arith.constant 0 : i32
      %cond3A_123 = arith.cmpi ne, %convert_element_type3A, %cond3A : i32
      scf.if %cond3A_123 {
        %dma_wait3A_267 = arith.constant 0 : i32
        %dma_wait3A_268 = arith.constant 0 : i32
        %dma_wait3A_269 = tpu.memref_slice %arg13[%dma_wait3A_267, %dma_wait3A_268] : memref<10240x128xf32, #tpu.memory_space<vmem_shared>> -> memref<80x128xf32, #tpu.memory_space<vmem_shared>>
        %dma_wait3A_270 = arith.constant 0 : i32
        %dma_wait3A_271 = arith.constant 0 : i32
        %dma_wait3A_272 = tpu.memref_slice %arg13[%dma_wait3A_270, %dma_wait3A_271] : memref<10240x128xf32, #tpu.memory_space<vmem_shared>> -> memref<80x128xf32, #tpu.memory_space<vmem_shared>>
        tpu.wait_dma2 semaphore(%arg16 : memref<!tpu.dma_semaphore, #tpu.memory_space<semaphore_mem>>) src(%arg11 : memref<80x128xf32, #tpu.memory_space<vmem>>) dst(%dma_wait3A_272 : memref<80x128xf32, #tpu.memory_space<vmem_shared>>)
      } else {
      }
      %add3A_124 = arith.constant 2 : i32
      %add3A_125 = arith.addi %mul3A_115, %add3A_124 : i32
      %lt3A = arith.constant 125 : i32
      %lt3A_126 = arith.cmpi slt, %add3A_125, %lt3A : i32
      %convert_element_type3A_127 = arith.extui %lt3A_126 : i1 to i32
      %cond3A_128 = arith.constant 0 : i32
      %cond3A_129 = arith.cmpi ne, %convert_element_type3A_127, %cond3A_128 : i32
      scf.if %cond3A_129 {
        %add3A_267 = arith.constant 2 : i32
        %add3A_268 = arith.addi %mul3A_115, %add3A_267 : i32
        %mul3A_269 = arith.constant 125 : i32
        %mul3A_270 = arith.muli %add3A, %mul3A_269 : i32
        %add3A_271 = arith.addi %mul3A_270, %add3A_268 : i32
        %dma_start3A_272 = arith.constant 0 : i32
        %dma_start3A_273 = arith.constant 0 : i32
        %dma_start3A_274 = tpu.memref_slice %arg3[%add3A_271, %dma_start3A_272, %dma_start3A_273] : memref<4000x3x80xi32, #tpu.memory_space<hbm>> -> memref<1x3x80xi32, #tpu.memory_space<hbm>>
        %dma_start3A_275 = tpu.memref_squeeze %dma_start3A_274 : memref<1x3x80xi32, #tpu.memory_space<hbm>> -> memref<3x80xi32, #tpu.memory_space<hbm>>
        %dma_start3A_276 = arith.constant 0 : i32
        %dma_start3A_277 = arith.constant 0 : i32
        %dma_start3A_278 = tpu.memref_slice %arg3[%add3A_271, %dma_start3A_276, %dma_start3A_277] : memref<4000x3x80xi32, #tpu.memory_space<hbm>> -> memref<1x3x80xi32, #tpu.memory_space<hbm>>
        %dma_start3A_279 = tpu.memref_squeeze %dma_start3A_278 : memref<1x3x80xi32, #tpu.memory_space<hbm>> -> memref<3x80xi32, #tpu.memory_space<hbm>>
        tpu.enqueue_dma source(%dma_start3A_279 : memref<3x80xi32, #tpu.memory_space<hbm>>) target(%arg7 : memref<3x80xi32, #tpu.memory_space<vmem>>) target_semaphore(%arg18 : memref<!tpu.dma_semaphore, #tpu.memory_space<semaphore_mem>>)
      } else {
      }
      %broadcast_in_dim3A_130 = arith.constant 2 : i32
      %broadcast_in_dim3A_131 = vector.broadcast %broadcast_in_dim3A_130 : i32 to vector<16xi32>
      %parallel_loop3A_132 = arith.constant 0 : i32
      %parallel_loop3A_133 = arith.constant 80 : i32
      %parallel_loop3A_134 = arith.constant 1 : i32
      scf.for %parallel_loop3A_267 = %parallel_loop3A_132 to %parallel_loop3A_133 step %parallel_loop3A_134  : i32 {
        %parallel_loop3A_268 = vector.broadcast %parallel_loop3A_267 : i32 to vector<16xi32>
        %parallel_loop3A_269 = tpu.vector_load_idx %arg5[%broadcast_in_dim3A_131, %parallel_loop3A_268] : memref<3x80xi32, #tpu.memory_space<vmem>>[vector<16xi32>, vector<16xi32>], vector<16xi32>,
        %parallel_loop3A_270 = vector.bitcast %parallel_loop3A_269 : vector<16xi32> to vector<16xf32>
        %parallel_loop3A_271 = arith.index_cast %parallel_loop3A_267 : i32 to index
        %parallel_loop3A_272 = arith.constant 0 : index
        %parallel_loop3A_273 = tpu.vector_load %arg9[%parallel_loop3A_271, %parallel_loop3A_272] {strides = array<i32>} : memref<80x128xf32, #tpu.memory_space<vmem>>, vector<16xf32>,
        %parallel_loop3A_274 = arith.mulf %parallel_loop3A_273, %parallel_loop3A_270 : vector<16xf32>
        %parallel_loop3A_275 = arith.index_cast %parallel_loop3A_267 : i32 to index
        %parallel_loop3A_276 = arith.constant 0 : index
        %parallel_loop3A_277 = tpu.vector_load %arg11[%parallel_loop3A_275, %parallel_loop3A_276] {strides = array<i32>} : memref<80x128xf32, #tpu.memory_space<vmem>>, vector<16xf32>,
        tpu.vector_store %arg11[%parallel_loop3A_275, %parallel_loop3A_276], %parallel_loop3A_274 {strides = array<i32>} : memref<80x128xf32, #tpu.memory_space<vmem>>, vector<16xf32>,
        %parallel_loop3A_278 = arith.index_cast %parallel_loop3A_267 : i32 to index
        %parallel_loop3A_279 = arith.constant 16 : index
        %parallel_loop3A_280 = tpu.vector_load %arg9[%parallel_loop3A_278, %parallel_loop3A_279] {strides = array<i32>} : memref<80x128xf32, #tpu.memory_space<vmem>>, vector<16xf32>,
        %parallel_loop3A_281 = arith.mulf %parallel_loop3A_280, %parallel_loop3A_270 : vector<16xf32>
        %parallel_loop3A_282 = arith.index_cast %parallel_loop3A_267 : i32 to index
        %parallel_loop3A_283 = arith.constant 16 : index
        %parallel_loop3A_284 = tpu.vector_load %arg11[%parallel_loop3A_282, %parallel_loop3A_283] {strides = array<i32>} : memref<80x128xf32, #tpu.memory_space<vmem>>, vector<16xf32>,
        tpu.vector_store %arg11[%parallel_loop3A_282, %parallel_loop3A_283], %parallel_loop3A_281 {strides = array<i32>} : memref<80x128xf32, #tpu.memory_space<vmem>>, vector<16xf32>,
        %parallel_loop3A_285 = arith.index_cast %parallel_loop3A_267 : i32 to index
        %parallel_loop3A_286 = arith.constant 32 : index
        %parallel_loop3A_287 = tpu.vector_load %arg9[%parallel_loop3A_285, %parallel_loop3A_286] {strides = array<i32>} : memref<80x128xf32, #tpu.memory_space<vmem>>, vector<16xf32>,
        %parallel_loop3A_288 = arith.mulf %parallel_loop3A_287, %parallel_loop3A_270 : vector<16xf32>
        %parallel_loop3A_289 = arith.index_cast %parallel_loop3A_267 : i32 to index
        %parallel_loop3A_290 = arith.constant 32 : index
        %parallel_loop3A_291 = tpu.vector_load %arg11[%parallel_loop3A_289, %parallel_loop3A_290] {strides = array<i32>} : memref<80x128xf32, #tpu.memory_space<vmem>>, vector<16xf32>,
        tpu.vector_store %arg11[%parallel_loop3A_289, %parallel_loop3A_290], %parallel_loop3A_288 {strides = array<i32>} : memref<80x128xf32, #tpu.memory_space<vmem>>, vector<16xf32>,
        %parallel_loop3A_292 = arith.index_cast %parallel_loop3A_267 : i32 to index
        %parallel_loop3A_293 = arith.constant 48 : index
        %parallel_loop3A_294 = tpu.vector_load %arg9[%parallel_loop3A_292, %parallel_loop3A_293] {strides = array<i32>} : memref<80x128xf32, #tpu.memory_space<vmem>>, vector<16xf32>,
        %parallel_loop3A_295 = arith.mulf %parallel_loop3A_294, %parallel_loop3A_270 : vector<16xf32>
        %parallel_loop3A_296 = arith.index_cast %parallel_loop3A_267 : i32 to index
        %parallel_loop3A_297 = arith.constant 48 : index
        %parallel_loop3A_298 = tpu.vector_load %arg11[%parallel_loop3A_296, %parallel_loop3A_297] {strides = array<i32>} : memref<80x128xf32, #tpu.memory_space<vmem>>, vector<16xf32>,
        tpu.vector_store %arg11[%parallel_loop3A_296, %parallel_loop3A_297], %parallel_loop3A_295 {strides = array<i32>} : memref<80x128xf32, #tpu.memory_space<vmem>>, vector<16xf32>,
        %parallel_loop3A_299 = arith.index_cast %parallel_loop3A_267 : i32 to index
        %parallel_loop3A_300 = arith.constant 64 : index
        %parallel_loop3A_301 = tpu.vector_load %arg9[%parallel_loop3A_299, %parallel_loop3A_300] {strides = array<i32>} : memref<80x128xf32, #tpu.memory_space<vmem>>, vector<16xf32>,
        %parallel_loop3A_302 = arith.mulf %parallel_loop3A_301, %parallel_loop3A_270 : vector<16xf32>
        %parallel_loop3A_303 = arith.index_cast %parallel_loop3A_267 : i32 to index
        %parallel_loop3A_304 = arith.constant 64 : index
        %parallel_loop3A_305 = tpu.vector_load %arg11[%parallel_loop3A_303, %parallel_loop3A_304] {strides = array<i32>} : memref<80x128xf32, #tpu.memory_space<vmem>>, vector<16xf32>,
        tpu.vector_store %arg11[%parallel_loop3A_303, %parallel_loop3A_304], %parallel_loop3A_302 {strides = array<i32>} : memref<80x128xf32, #tpu.memory_space<vmem>>, vector<16xf32>,
        %parallel_loop3A_306 = arith.index_cast %parallel_loop3A_267 : i32 to index
        %parallel_loop3A_307 = arith.constant 80 : index
        %parallel_loop3A_308 = tpu.vector_load %arg9[%parallel_loop3A_306, %parallel_loop3A_307] {strides = array<i32>} : memref<80x128xf32, #tpu.memory_space<vmem>>, vector<16xf32>,
        %parallel_loop3A_309 = arith.mulf %parallel_loop3A_308, %parallel_loop3A_270 : vector<16xf32>
        %parallel_loop3A_310 = arith.index_cast %parallel_loop3A_267 : i32 to index
        %parallel_loop3A_311 = arith.constant 80 : index
        %parallel_loop3A_312 = tpu.vector_load %arg11[%parallel_loop3A_310, %parallel_loop3A_311] {strides = array<i32>} : memref<80x128xf32, #tpu.memory_space<vmem>>, vector<16xf32>,
        tpu.vector_store %arg11[%parallel_loop3A_310, %parallel_loop3A_311], %parallel_loop3A_309 {strides = array<i32>} : memref<80x128xf32, #tpu.memory_space<vmem>>, vector<16xf32>,
        %parallel_loop3A_313 = arith.index_cast %parallel_loop3A_267 : i32 to index
        %parallel_loop3A_314 = arith.constant 96 : index
        %parallel_loop3A_315 = tpu.vector_load %arg9[%parallel_loop3A_313, %parallel_loop3A_314] {strides = array<i32>} : memref<80x128xf32, #tpu.memory_space<vmem>>, vector<16xf32>,
        %parallel_loop3A_316 = arith.mulf %parallel_loop3A_315, %parallel_loop3A_270 : vector<16xf32>
        %parallel_loop3A_317 = arith.index_cast %parallel_loop3A_267 : i32 to index
        %parallel_loop3A_318 = arith.constant 96 : index
        %parallel_loop3A_319 = tpu.vector_load %arg11[%parallel_loop3A_317, %parallel_loop3A_318] {strides = array<i32>} : memref<80x128xf32, #tpu.memory_space<vmem>>, vector<16xf32>,
        tpu.vector_store %arg11[%parallel_loop3A_317, %parallel_loop3A_318], %parallel_loop3A_316 {strides = array<i32>} : memref<80x128xf32, #tpu.memory_space<vmem>>, vector<16xf32>,
        %parallel_loop3A_320 = arith.index_cast %parallel_loop3A_267 : i32 to index
        %parallel_loop3A_321 = arith.constant 112 : index
        %parallel_loop3A_322 = tpu.vector_load %arg9[%parallel_loop3A_320, %parallel_loop3A_321] {strides = array<i32>} : memref<80x128xf32, #tpu.memory_space<vmem>>, vector<16xf32>,
        %parallel_loop3A_323 = arith.mulf %parallel_loop3A_322, %parallel_loop3A_270 : vector<16xf32>
        %parallel_loop3A_324 = arith.index_cast %parallel_loop3A_267 : i32 to index
        %parallel_loop3A_325 = arith.constant 112 : index
        %parallel_loop3A_326 = tpu.vector_load %arg11[%parallel_loop3A_324, %parallel_loop3A_325] {strides = array<i32>} : memref<80x128xf32, #tpu.memory_space<vmem>>, vector<16xf32>,
        tpu.vector_store %arg11[%parallel_loop3A_324, %parallel_loop3A_325], %parallel_loop3A_323 {strides = array<i32>} : memref<80x128xf32, #tpu.memory_space<vmem>>, vector<16xf32>,
      } {sc.loop_unroll_factor = 16 : i64, sc.parallel_access}
      %add3A_135 = arith.constant 2 : i32
      %add3A_136 = arith.addi %mul3A_115, %add3A_135 : i32
      %lt3A_137 = arith.constant 125 : i32
      %lt3A_138 = arith.cmpi slt, %add3A_136, %lt3A_137 : i32
      %convert_element_type3A_139 = arith.extui %lt3A_138 : i1 to i32
      %cond3A_140 = arith.constant 0 : i32
      %cond3A_141 = arith.cmpi ne, %convert_element_type3A_139, %cond3A_140 : i32
      scf.if %cond3A_141 {
        %dma_wait3A_267 = arith.constant 0 : i32
        %dma_wait3A_268 = arith.constant 0 : i32
        %dma_wait3A_269 = arith.constant 0 : i32
        %dma_wait3A_270 = tpu.memref_slice %arg3[%dma_wait3A_267, %dma_wait3A_268, %dma_wait3A_269] : memref<4000x3x80xi32, #tpu.memory_space<hbm>> -> memref<1x3x80xi32, #tpu.memory_space<hbm>>
        %dma_wait3A_271 = tpu.memref_squeeze %dma_wait3A_270 : memref<1x3x80xi32, #tpu.memory_space<hbm>> -> memref<3x80xi32, #tpu.memory_space<hbm>>
        %dma_wait3A_272 = arith.constant 0 : i32
        %dma_wait3A_273 = arith.constant 0 : i32
        %dma_wait3A_274 = tpu.memref_slice %arg3[%dma_wait3A_267, %dma_wait3A_272, %dma_wait3A_273] : memref<4000x3x80xi32, #tpu.memory_space<hbm>> -> memref<1x3x80xi32, #tpu.memory_space<hbm>>
        %dma_wait3A_275 = tpu.memref_squeeze %dma_wait3A_274 : memref<1x3x80xi32, #tpu.memory_space<hbm>> -> memref<3x80xi32, #tpu.memory_space<hbm>>
        tpu.wait_dma2 semaphore(%arg18 : memref<!tpu.dma_semaphore, #tpu.memory_space<semaphore_mem>>) src(%dma_wait3A_275 : memref<3x80xi32, #tpu.memory_space<hbm>>) dst(%arg7 : memref<3x80xi32, #tpu.memory_space<vmem>>)
        %dma_start3A_276 = arith.constant 0 : i32
        %dma_start3A_277 = arith.constant 0 : i32
        %dma_start3A_278 = tpu.memref_slice %arg7[%dma_start3A_276, %dma_start3A_277] : memref<3x80xi32, #tpu.memory_space<vmem>> -> memref<1x80xi32, #tpu.memory_space<vmem>>
        %dma_start3A_279 = tpu.memref_squeeze %dma_start3A_278 : memref<1x80xi32, #tpu.memory_space<vmem>> -> memref<80xi32, #tpu.memory_space<vmem>>
        %dma_start3A_280 = arith.constant 0 : i32
        %dma_start3A_281 = arith.constant 0 : i32
        %dma_start3A_282 = tpu.memref_slice %arg2[%dma_start3A_280, %dma_start3A_281] : memref<10000x128xf32, #tpu.memory_space<hbm>> -> memref<10000x128xf32, #tpu.memory_space<hbm>>
        tpu.enqueue_indirect_dma source(%dma_start3A_282 : memref<10000x128xf32, #tpu.memory_space<hbm>>) target(%arg9 : memref<80x128xf32, #tpu.memory_space<vmem>>) offsets(%dma_start3A_279 : memref<80xi32, #tpu.memory_space<vmem>>) semaphore(%arg14 : memref<!tpu.dma_semaphore, #tpu.memory_space<semaphore_mem>>)
      } else {
      }
      %dma_start3A_142 = arith.constant 1 : i32
      %dma_start3A_143 = arith.constant 0 : i32
      %dma_start3A_144 = tpu.memref_slice %arg5[%dma_start3A_142, %dma_start3A_143] : memref<3x80xi32, #tpu.memory_space<vmem>> -> memref<1x80xi32, #tpu.memory_space<vmem>>
      %dma_start3A_145 = tpu.memref_squeeze %dma_start3A_144 : memref<1x80xi32, #tpu.memory_space<vmem>> -> memref<80xi32, #tpu.memory_space<vmem>>
      %dma_start3A_146 = arith.constant 0 : i32
      %dma_start3A_147 = arith.constant 0 : i32
      %dma_start3A_148 = tpu.memref_slice %arg13[%dma_start3A_146, %dma_start3A_147] : memref<10240x128xf32, #tpu.memory_space<vmem_shared>> -> memref<10240x128xf32, #tpu.memory_space<vmem_shared>>
      tpu.enqueue_indirect_dma source(%arg11 : memref<80x128xf32, #tpu.memory_space<vmem>>) target(%dma_start3A_148 : memref<10240x128xf32, #tpu.memory_space<vmem_shared>>) offsets(%dma_start3A_145 : memref<80xi32, #tpu.memory_space<vmem>>) semaphore(%arg16 : memref<!tpu.dma_semaphore, #tpu.memory_space<semaphore_mem>>) {add = true}
      %add3A_149 = arith.constant 1 : i32
      %add3A_150 = arith.addi %mul3A_115, %add3A_149 : i32
      %dma_wait3A_151 = arith.constant 0 : i32
      %dma_wait3A_152 = arith.constant 0 : i32
      %dma_wait3A_153 = tpu.memref_slice %arg2[%dma_wait3A_151, %dma_wait3A_152] : memref<10000x128xf32, #tpu.memory_space<hbm>> -> memref<80x128xf32, #tpu.memory_space<hbm>>
      %dma_wait3A_154 = arith.constant 0 : i32
      %dma_wait3A_155 = arith.constant 0 : i32
      %dma_wait3A_156 = tpu.memref_slice %arg2[%dma_wait3A_154, %dma_wait3A_155] : memref<10000x128xf32, #tpu.memory_space<hbm>> -> memref<80x128xf32, #tpu.memory_space<hbm>>
      tpu.wait_dma2 semaphore(%arg15 : memref<!tpu.dma_semaphore, #tpu.memory_space<semaphore_mem>>) src(%dma_wait3A_156 : memref<80x128xf32, #tpu.memory_space<hbm>>) dst(%arg10 : memref<80x128xf32, #tpu.memory_space<vmem>>)
      %ge3A_157 = arith.constant 2 : i32
      %ge3A_158 = arith.cmpi sge, %add3A_150, %ge3A_157 : i32
      %convert_element_type3A_159 = arith.extui %ge3A_158 : i1 to i32
      %cond3A_160 = arith.constant 0 : i32
      %cond3A_161 = arith.cmpi ne, %convert_element_type3A_159, %cond3A_160 : i32
      scf.if %cond3A_161 {
        %dma_wait3A_267 = arith.constant 0 : i32
        %dma_wait3A_268 = arith.constant 0 : i32
        %dma_wait3A_269 = tpu.memref_slice %arg13[%dma_wait3A_267, %dma_wait3A_268] : memref<10240x128xf32, #tpu.memory_space<vmem_shared>> -> memref<80x128xf32, #tpu.memory_space<vmem_shared>>
        %dma_wait3A_270 = arith.constant 0 : i32
        %dma_wait3A_271 = arith.constant 0 : i32
        %dma_wait3A_272 = tpu.memref_slice %arg13[%dma_wait3A_270, %dma_wait3A_271] : memref<10240x128xf32, #tpu.memory_space<vmem_shared>> -> memref<80x128xf32, #tpu.memory_space<vmem_shared>>
        tpu.wait_dma2 semaphore(%arg17 : memref<!tpu.dma_semaphore, #tpu.memory_space<semaphore_mem>>) src(%arg12 : memref<80x128xf32, #tpu.memory_space<vmem>>) dst(%dma_wait3A_272 : memref<80x128xf32, #tpu.memory_space<vmem_shared>>)
      } else {
      }
      %add3A_162 = arith.constant 2 : i32
      %add3A_163 = arith.addi %add3A_150, %add3A_162 : i32
      %lt3A_164 = arith.constant 125 : i32
      %lt3A_165 = arith.cmpi slt, %add3A_163, %lt3A_164 : i32
      %convert_element_type3A_166 = arith.extui %lt3A_165 : i1 to i32
      %cond3A_167 = arith.constant 0 : i32
      %cond3A_168 = arith.cmpi ne, %convert_element_type3A_166, %cond3A_167 : i32
      scf.if %cond3A_168 {
        %add3A_267 = arith.constant 2 : i32
        %add3A_268 = arith.addi %add3A_150, %add3A_267 : i32
        %mul3A_269 = arith.constant 125 : i32
        %mul3A_270 = arith.muli %add3A, %mul3A_269 : i32
        %add3A_271 = arith.addi %mul3A_270, %add3A_268 : i32
        %dma_start3A_272 = arith.constant 0 : i32
        %dma_start3A_273 = arith.constant 0 : i32
        %dma_start3A_274 = tpu.memref_slice %arg3[%add3A_271, %dma_start3A_272, %dma_start3A_273] : memref<4000x3x80xi32, #tpu.memory_space<hbm>> -> memref<1x3x80xi32, #tpu.memory_space<hbm>>
        %dma_start3A_275 = tpu.memref_squeeze %dma_start3A_274 : memref<1x3x80xi32, #tpu.memory_space<hbm>> -> memref<3x80xi32, #tpu.memory_space<hbm>>
        %dma_start3A_276 = arith.constant 0 : i32
        %dma_start3A_277 = arith.constant 0 : i32
        %dma_start3A_278 = tpu.memref_slice %arg3[%add3A_271, %dma_start3A_276, %dma_start3A_277] : memref<4000x3x80xi32, #tpu.memory_space<hbm>> -> memref<1x3x80xi32, #tpu.memory_space<hbm>>
        %dma_start3A_279 = tpu.memref_squeeze %dma_start3A_278 : memref<1x3x80xi32, #tpu.memory_space<hbm>> -> memref<3x80xi32, #tpu.memory_space<hbm>>
        tpu.enqueue_dma source(%dma_start3A_279 : memref<3x80xi32, #tpu.memory_space<hbm>>) target(%arg8 : memref<3x80xi32, #tpu.memory_space<vmem>>) target_semaphore(%arg18 : memref<!tpu.dma_semaphore, #tpu.memory_space<semaphore_mem>>)
      } else {
      }
      %broadcast_in_dim3A_169 = arith.constant 2 : i32
      %broadcast_in_dim3A_170 = vector.broadcast %broadcast_in_dim3A_169 : i32 to vector<16xi32>
      %parallel_loop3A_171 = arith.constant 0 : i32
      %parallel_loop3A_172 = arith.constant 80 : i32
      %parallel_loop3A_173 = arith.constant 1 : i32
      scf.for %parallel_loop3A_267 = %parallel_loop3A_171 to %parallel_loop3A_172 step %parallel_loop3A_173  : i32 {
        %parallel_loop3A_268 = vector.broadcast %parallel_loop3A_267 : i32 to vector<16xi32>
        %parallel_loop3A_269 = tpu.vector_load_idx %arg6[%broadcast_in_dim3A_170, %parallel_loop3A_268] : memref<3x80xi32, #tpu.memory_space<vmem>>[vector<16xi32>, vector<16xi32>], vector<16xi32>,
        %parallel_loop3A_270 = vector.bitcast %parallel_loop3A_269 : vector<16xi32> to vector<16xf32>
        %parallel_loop3A_271 = arith.index_cast %parallel_loop3A_267 : i32 to index
        %parallel_loop3A_272 = arith.constant 0 : index
        %parallel_loop3A_273 = tpu.vector_load %arg10[%parallel_loop3A_271, %parallel_loop3A_272] {strides = array<i32>} : memref<80x128xf32, #tpu.memory_space<vmem>>, vector<16xf32>,
        %parallel_loop3A_274 = arith.mulf %parallel_loop3A_273, %parallel_loop3A_270 : vector<16xf32>
        %parallel_loop3A_275 = arith.index_cast %parallel_loop3A_267 : i32 to index
        %parallel_loop3A_276 = arith.constant 0 : index
        %parallel_loop3A_277 = tpu.vector_load %arg12[%parallel_loop3A_275, %parallel_loop3A_276] {strides = array<i32>} : memref<80x128xf32, #tpu.memory_space<vmem>>, vector<16xf32>,
        tpu.vector_store %arg12[%parallel_loop3A_275, %parallel_loop3A_276], %parallel_loop3A_274 {strides = array<i32>} : memref<80x128xf32, #tpu.memory_space<vmem>>, vector<16xf32>,
        %parallel_loop3A_278 = arith.index_cast %parallel_loop3A_267 : i32 to index
        %parallel_loop3A_279 = arith.constant 16 : index
        %parallel_loop3A_280 = tpu.vector_load %arg10[%parallel_loop3A_278, %parallel_loop3A_279] {strides = array<i32>} : memref<80x128xf32, #tpu.memory_space<vmem>>, vector<16xf32>,
        %parallel_loop3A_281 = arith.mulf %parallel_loop3A_280, %parallel_loop3A_270 : vector<16xf32>
        %parallel_loop3A_282 = arith.index_cast %parallel_loop3A_267 : i32 to index
        %parallel_loop3A_283 = arith.constant 16 : index
        %parallel_loop3A_284 = tpu.vector_load %arg12[%parallel_loop3A_282, %parallel_loop3A_283] {strides = array<i32>} : memref<80x128xf32, #tpu.memory_space<vmem>>, vector<16xf32>,
        tpu.vector_store %arg12[%parallel_loop3A_282, %parallel_loop3A_283], %parallel_loop3A_281 {strides = array<i32>} : memref<80x128xf32, #tpu.memory_space<vmem>>, vector<16xf32>,
        %parallel_loop3A_285 = arith.index_cast %parallel_loop3A_267 : i32 to index
        %parallel_loop3A_286 = arith.constant 32 : index
        %parallel_loop3A_287 = tpu.vector_load %arg10[%parallel_loop3A_285, %parallel_loop3A_286] {strides = array<i32>} : memref<80x128xf32, #tpu.memory_space<vmem>>, vector<16xf32>,
        %parallel_loop3A_288 = arith.mulf %parallel_loop3A_287, %parallel_loop3A_270 : vector<16xf32>
        %parallel_loop3A_289 = arith.index_cast %parallel_loop3A_267 : i32 to index
        %parallel_loop3A_290 = arith.constant 32 : index
        %parallel_loop3A_291 = tpu.vector_load %arg12[%parallel_loop3A_289, %parallel_loop3A_290] {strides = array<i32>} : memref<80x128xf32, #tpu.memory_space<vmem>>, vector<16xf32>,
        tpu.vector_store %arg12[%parallel_loop3A_289, %parallel_loop3A_290], %parallel_loop3A_288 {strides = array<i32>} : memref<80x128xf32, #tpu.memory_space<vmem>>, vector<16xf32>,
        %parallel_loop3A_292 = arith.index_cast %parallel_loop3A_267 : i32 to index
        %parallel_loop3A_293 = arith.constant 48 : index
        %parallel_loop3A_294 = tpu.vector_load %arg10[%parallel_loop3A_292, %parallel_loop3A_293] {strides = array<i32>} : memref<80x128xf32, #tpu.memory_space<vmem>>, vector<16xf32>,
        %parallel_loop3A_295 = arith.mulf %parallel_loop3A_294, %parallel_loop3A_270 : vector<16xf32>
        %parallel_loop3A_296 = arith.index_cast %parallel_loop3A_267 : i32 to index
        %parallel_loop3A_297 = arith.constant 48 : index
        %parallel_loop3A_298 = tpu.vector_load %arg12[%parallel_loop3A_296, %parallel_loop3A_297] {strides = array<i32>} : memref<80x128xf32, #tpu.memory_space<vmem>>, vector<16xf32>,
        tpu.vector_store %arg12[%parallel_loop3A_296, %parallel_loop3A_297], %parallel_loop3A_295 {strides = array<i32>} : memref<80x128xf32, #tpu.memory_space<vmem>>, vector<16xf32>,
        %parallel_loop3A_299 = arith.index_cast %parallel_loop3A_267 : i32 to index
        %parallel_loop3A_300 = arith.constant 64 : index
        %parallel_loop3A_301 = tpu.vector_load %arg10[%parallel_loop3A_299, %parallel_loop3A_300] {strides = array<i32>} : memref<80x128xf32, #tpu.memory_space<vmem>>, vector<16xf32>,
        %parallel_loop3A_302 = arith.mulf %parallel_loop3A_301, %parallel_loop3A_270 : vector<16xf32>
        %parallel_loop3A_303 = arith.index_cast %parallel_loop3A_267 : i32 to index
        %parallel_loop3A_304 = arith.constant 64 : index
        %parallel_loop3A_305 = tpu.vector_load %arg12[%parallel_loop3A_303, %parallel_loop3A_304] {strides = array<i32>} : memref<80x128xf32, #tpu.memory_space<vmem>>, vector<16xf32>,
        tpu.vector_store %arg12[%parallel_loop3A_303, %parallel_loop3A_304], %parallel_loop3A_302 {strides = array<i32>} : memref<80x128xf32, #tpu.memory_space<vmem>>, vector<16xf32>,
        %parallel_loop3A_306 = arith.index_cast %parallel_loop3A_267 : i32 to index
        %parallel_loop3A_307 = arith.constant 80 : index
        %parallel_loop3A_308 = tpu.vector_load %arg10[%parallel_loop3A_306, %parallel_loop3A_307] {strides = array<i32>} : memref<80x128xf32, #tpu.memory_space<vmem>>, vector<16xf32>,
        %parallel_loop3A_309 = arith.mulf %parallel_loop3A_308, %parallel_loop3A_270 : vector<16xf32>
        %parallel_loop3A_310 = arith.index_cast %parallel_loop3A_267 : i32 to index
        %parallel_loop3A_311 = arith.constant 80 : index
        %parallel_loop3A_312 = tpu.vector_load %arg12[%parallel_loop3A_310, %parallel_loop3A_311] {strides = array<i32>} : memref<80x128xf32, #tpu.memory_space<vmem>>, vector<16xf32>,
        tpu.vector_store %arg12[%parallel_loop3A_310, %parallel_loop3A_311], %parallel_loop3A_309 {strides = array<i32>} : memref<80x128xf32, #tpu.memory_space<vmem>>, vector<16xf32>,
        %parallel_loop3A_313 = arith.index_cast %parallel_loop3A_267 : i32 to index
        %parallel_loop3A_314 = arith.constant 96 : index
        %parallel_loop3A_315 = tpu.vector_load %arg10[%parallel_loop3A_313, %parallel_loop3A_314] {strides = array<i32>} : memref<80x128xf32, #tpu.memory_space<vmem>>, vector<16xf32>,
        %parallel_loop3A_316 = arith.mulf %parallel_loop3A_315, %parallel_loop3A_270 : vector<16xf32>
        %parallel_loop3A_317 = arith.index_cast %parallel_loop3A_267 : i32 to index
        %parallel_loop3A_318 = arith.constant 96 : index
        %parallel_loop3A_319 = tpu.vector_load %arg12[%parallel_loop3A_317, %parallel_loop3A_318] {strides = array<i32>} : memref<80x128xf32, #tpu.memory_space<vmem>>, vector<16xf32>,
        tpu.vector_store %arg12[%parallel_loop3A_317, %parallel_loop3A_318], %parallel_loop3A_316 {strides = array<i32>} : memref<80x128xf32, #tpu.memory_space<vmem>>, vector<16xf32>,
        %parallel_loop3A_320 = arith.index_cast %parallel_loop3A_267 : i32 to index
        %parallel_loop3A_321 = arith.constant 112 : index
        %parallel_loop3A_322 = tpu.vector_load %arg10[%parallel_loop3A_320, %parallel_loop3A_321] {strides = array<i32>} : memref<80x128xf32, #tpu.memory_space<vmem>>, vector<16xf32>,
        %parallel_loop3A_323 = arith.mulf %parallel_loop3A_322, %parallel_loop3A_270 : vector<16xf32>
        %parallel_loop3A_324 = arith.index_cast %parallel_loop3A_267 : i32 to index
        %parallel_loop3A_325 = arith.constant 112 : index
        %parallel_loop3A_326 = tpu.vector_load %arg12[%parallel_loop3A_324, %parallel_loop3A_325] {strides = array<i32>} : memref<80x128xf32, #tpu.memory_space<vmem>>, vector<16xf32>,
        tpu.vector_store %arg12[%parallel_loop3A_324, %parallel_loop3A_325], %parallel_loop3A_323 {strides = array<i32>} : memref<80x128xf32, #tpu.memory_space<vmem>>, vector<16xf32>,
      } {sc.loop_unroll_factor = 16 : i64, sc.parallel_access}
      %add3A_174 = arith.constant 2 : i32
      %add3A_175 = arith.addi %add3A_150, %add3A_174 : i32
      %lt3A_176 = arith.constant 125 : i32
      %lt3A_177 = arith.cmpi slt, %add3A_175, %lt3A_176 : i32
      %convert_element_type3A_178 = arith.extui %lt3A_177 : i1 to i32
      %cond3A_179 = arith.constant 0 : i32
      %cond3A_180 = arith.cmpi ne, %convert_element_type3A_178, %cond3A_179 : i32
      scf.if %cond3A_180 {
        %dma_wait3A_267 = arith.constant 0 : i32
        %dma_wait3A_268 = arith.constant 0 : i32
        %dma_wait3A_269 = arith.constant 0 : i32
        %dma_wait3A_270 = tpu.memref_slice %arg3[%dma_wait3A_267, %dma_wait3A_268, %dma_wait3A_269] : memref<4000x3x80xi32, #tpu.memory_space<hbm>> -> memref<1x3x80xi32, #tpu.memory_space<hbm>>
        %dma_wait3A_271 = tpu.memref_squeeze %dma_wait3A_270 : memref<1x3x80xi32, #tpu.memory_space<hbm>> -> memref<3x80xi32, #tpu.memory_space<hbm>>
        %dma_wait3A_272 = arith.constant 0 : i32
        %dma_wait3A_273 = arith.constant 0 : i32
        %dma_wait3A_274 = tpu.memref_slice %arg3[%dma_wait3A_267, %dma_wait3A_272, %dma_wait3A_273] : memref<4000x3x80xi32, #tpu.memory_space<hbm>> -> memref<1x3x80xi32, #tpu.memory_space<hbm>>
        %dma_wait3A_275 = tpu.memref_squeeze %dma_wait3A_274 : memref<1x3x80xi32, #tpu.memory_space<hbm>> -> memref<3x80xi32, #tpu.memory_space<hbm>>
        tpu.wait_dma2 semaphore(%arg18 : memref<!tpu.dma_semaphore, #tpu.memory_space<semaphore_mem>>) src(%dma_wait3A_275 : memref<3x80xi32, #tpu.memory_space<hbm>>) dst(%arg8 : memref<3x80xi32, #tpu.memory_space<vmem>>)
        %dma_start3A_276 = arith.constant 0 : i32
        %dma_start3A_277 = arith.constant 0 : i32
        %dma_start3A_278 = tpu.memref_slice %arg8[%dma_start3A_276, %dma_start3A_277] : memref<3x80xi32, #tpu.memory_space<vmem>> -> memref<1x80xi32, #tpu.memory_space<vmem>>
        %dma_start3A_279 = tpu.memref_squeeze %dma_start3A_278 : memref<1x80xi32, #tpu.memory_space<vmem>> -> memref<80xi32, #tpu.memory_space<vmem>>
        %dma_start3A_280 = arith.constant 0 : i32
        %dma_start3A_281 = arith.constant 0 : i32
        %dma_start3A_282 = tpu.memref_slice %arg2[%dma_start3A_280, %dma_start3A_281] : memref<10000x128xf32, #tpu.memory_space<hbm>> -> memref<10000x128xf32, #tpu.memory_space<hbm>>
        tpu.enqueue_indirect_dma source(%dma_start3A_282 : memref<10000x128xf32, #tpu.memory_space<hbm>>) target(%arg10 : memref<80x128xf32, #tpu.memory_space<vmem>>) offsets(%dma_start3A_279 : memref<80xi32, #tpu.memory_space<vmem>>) semaphore(%arg15 : memref<!tpu.dma_semaphore, #tpu.memory_space<semaphore_mem>>)
      } else {
      }
      %dma_start3A_181 = arith.constant 1 : i32
      %dma_start3A_182 = arith.constant 0 : i32
      %dma_start3A_183 = tpu.memref_slice %arg6[%dma_start3A_181, %dma_start3A_182] : memref<3x80xi32, #tpu.memory_space<vmem>> -> memref<1x80xi32, #tpu.memory_space<vmem>>
      %dma_start3A_184 = tpu.memref_squeeze %dma_start3A_183 : memref<1x80xi32, #tpu.memory_space<vmem>> -> memref<80xi32, #tpu.memory_space<vmem>>
      %dma_start3A_185 = arith.constant 0 : i32
      %dma_start3A_186 = arith.constant 0 : i32
      %dma_start3A_187 = tpu.memref_slice %arg13[%dma_start3A_185, %dma_start3A_186] : memref<10240x128xf32, #tpu.memory_space<vmem_shared>> -> memref<10240x128xf32, #tpu.memory_space<vmem_shared>>
      tpu.enqueue_indirect_dma source(%arg12 : memref<80x128xf32, #tpu.memory_space<vmem>>) target(%dma_start3A_187 : memref<10240x128xf32, #tpu.memory_space<vmem_shared>>) offsets(%dma_start3A_184 : memref<80xi32, #tpu.memory_space<vmem>>) semaphore(%arg17 : memref<!tpu.dma_semaphore, #tpu.memory_space<semaphore_mem>>) {add = true}
      %add3A_188 = arith.constant 2 : i32
      %add3A_189 = arith.addi %mul3A_115, %add3A_188 : i32
      %dma_wait3A_190 = arith.constant 0 : i32
      %dma_wait3A_191 = arith.constant 0 : i32
      %dma_wait3A_192 = tpu.memref_slice %arg2[%dma_wait3A_190, %dma_wait3A_191] : memref<10000x128xf32, #tpu.memory_space<hbm>> -> memref<80x128xf32, #tpu.memory_space<hbm>>
      %dma_wait3A_193 = arith.constant 0 : i32
      %dma_wait3A_194 = arith.constant 0 : i32
      %dma_wait3A_195 = tpu.memref_slice %arg2[%dma_wait3A_193, %dma_wait3A_194] : memref<10000x128xf32, #tpu.memory_space<hbm>> -> memref<80x128xf32, #tpu.memory_space<hbm>>
      tpu.wait_dma2 semaphore(%arg14 : memref<!tpu.dma_semaphore, #tpu.memory_space<semaphore_mem>>) src(%dma_wait3A_195 : memref<80x128xf32, #tpu.memory_space<hbm>>) dst(%arg9 : memref<80x128xf32, #tpu.memory_space<vmem>>)
      %ge3A_196 = arith.constant 2 : i32
      %ge3A_197 = arith.cmpi sge, %add3A_189, %ge3A_196 : i32
      %convert_element_type3A_198 = arith.extui %ge3A_197 : i1 to i32
      %cond3A_199 = arith.constant 0 : i32
      %cond3A_200 = arith.cmpi ne, %convert_element_type3A_198, %cond3A_199 : i32
      scf.if %cond3A_200 {
        %dma_wait3A_267 = arith.constant 0 : i32
        %dma_wait3A_268 = arith.constant 0 : i32
        %dma_wait3A_269 = tpu.memref_slice %arg13[%dma_wait3A_267, %dma_wait3A_268] : memref<10240x128xf32, #tpu.memory_space<vmem_shared>> -> memref<80x128xf32, #tpu.memory_space<vmem_shared>>
        %dma_wait3A_270 = arith.constant 0 : i32
        %dma_wait3A_271 = arith.constant 0 : i32
        %dma_wait3A_272 = tpu.memref_slice %arg13[%dma_wait3A_270, %dma_wait3A_271] : memref<10240x128xf32, #tpu.memory_space<vmem_shared>> -> memref<80x128xf32, #tpu.memory_space<vmem_shared>>
        tpu.wait_dma2 semaphore(%arg16 : memref<!tpu.dma_semaphore, #tpu.memory_space<semaphore_mem>>) src(%arg11 : memref<80x128xf32, #tpu.memory_space<vmem>>) dst(%dma_wait3A_272 : memref<80x128xf32, #tpu.memory_space<vmem_shared>>)
      } else {
      }
      %add3A_201 = arith.constant 2 : i32
      %add3A_202 = arith.addi %add3A_189, %add3A_201 : i32
      %lt3A_203 = arith.constant 125 : i32
      %lt3A_204 = arith.cmpi slt, %add3A_202, %lt3A_203 : i32
      %convert_element_type3A_205 = arith.extui %lt3A_204 : i1 to i32
      %cond3A_206 = arith.constant 0 : i32
      %cond3A_207 = arith.cmpi ne, %convert_element_type3A_205, %cond3A_206 : i32
      scf.if %cond3A_207 {
        %add3A_267 = arith.constant 2 : i32
        %add3A_268 = arith.addi %add3A_189, %add3A_267 : i32
        %mul3A_269 = arith.constant 125 : i32
        %mul3A_270 = arith.muli %add3A, %mul3A_269 : i32
        %add3A_271 = arith.addi %mul3A_270, %add3A_268 : i32
        %dma_start3A_272 = arith.constant 0 : i32
        %dma_start3A_273 = arith.constant 0 : i32
        %dma_start3A_274 = tpu.memref_slice %arg3[%add3A_271, %dma_start3A_272, %dma_start3A_273] : memref<4000x3x80xi32, #tpu.memory_space<hbm>> -> memref<1x3x80xi32, #tpu.memory_space<hbm>>
        %dma_start3A_275 = tpu.memref_squeeze %dma_start3A_274 : memref<1x3x80xi32, #tpu.memory_space<hbm>> -> memref<3x80xi32, #tpu.memory_space<hbm>>
        %dma_start3A_276 = arith.constant 0 : i32
        %dma_start3A_277 = arith.constant 0 : i32
        %dma_start3A_278 = tpu.memref_slice %arg3[%add3A_271, %dma_start3A_276, %dma_start3A_277] : memref<4000x3x80xi32, #tpu.memory_space<hbm>> -> memref<1x3x80xi32, #tpu.memory_space<hbm>>
        %dma_start3A_279 = tpu.memref_squeeze %dma_start3A_278 : memref<1x3x80xi32, #tpu.memory_space<hbm>> -> memref<3x80xi32, #tpu.memory_space<hbm>>
        tpu.enqueue_dma source(%dma_start3A_279 : memref<3x80xi32, #tpu.memory_space<hbm>>) target(%arg5 : memref<3x80xi32, #tpu.memory_space<vmem>>) target_semaphore(%arg18 : memref<!tpu.dma_semaphore, #tpu.memory_space<semaphore_mem>>)
      } else {
      }
      %broadcast_in_dim3A_208 = arith.constant 2 : i32
      %broadcast_in_dim3A_209 = vector.broadcast %broadcast_in_dim3A_208 : i32 to vector<16xi32>
      %parallel_loop3A_210 = arith.constant 0 : i32
      %parallel_loop3A_211 = arith.constant 80 : i32
      %parallel_loop3A_212 = arith.constant 1 : i32
      scf.for %parallel_loop3A_267 = %parallel_loop3A_210 to %parallel_loop3A_211 step %parallel_loop3A_212  : i32 {
        %parallel_loop3A_268 = vector.broadcast %parallel_loop3A_267 : i32 to vector<16xi32>
        %parallel_loop3A_269 = tpu.vector_load_idx %arg7[%broadcast_in_dim3A_209, %parallel_loop3A_268] : memref<3x80xi32, #tpu.memory_space<vmem>>[vector<16xi32>, vector<16xi32>], vector<16xi32>,
        %parallel_loop3A_270 = vector.bitcast %parallel_loop3A_269 : vector<16xi32> to vector<16xf32>
        %parallel_loop3A_271 = arith.index_cast %parallel_loop3A_267 : i32 to index
        %parallel_loop3A_272 = arith.constant 0 : index
        %parallel_loop3A_273 = tpu.vector_load %arg9[%parallel_loop3A_271, %parallel_loop3A_272] {strides = array<i32>} : memref<80x128xf32, #tpu.memory_space<vmem>>, vector<16xf32>,
        %parallel_loop3A_274 = arith.mulf %parallel_loop3A_273, %parallel_loop3A_270 : vector<16xf32>
        %parallel_loop3A_275 = arith.index_cast %parallel_loop3A_267 : i32 to index
        %parallel_loop3A_276 = arith.constant 0 : index
        %parallel_loop3A_277 = tpu.vector_load %arg11[%parallel_loop3A_275, %parallel_loop3A_276] {strides = array<i32>} : memref<80x128xf32, #tpu.memory_space<vmem>>, vector<16xf32>,
        tpu.vector_store %arg11[%parallel_loop3A_275, %parallel_loop3A_276], %parallel_loop3A_274 {strides = array<i32>} : memref<80x128xf32, #tpu.memory_space<vmem>>, vector<16xf32>,
        %parallel_loop3A_278 = arith.index_cast %parallel_loop3A_267 : i32 to index
        %parallel_loop3A_279 = arith.constant 16 : index
        %parallel_loop3A_280 = tpu.vector_load %arg9[%parallel_loop3A_278, %parallel_loop3A_279] {strides = array<i32>} : memref<80x128xf32, #tpu.memory_space<vmem>>, vector<16xf32>,
        %parallel_loop3A_281 = arith.mulf %parallel_loop3A_280, %parallel_loop3A_270 : vector<16xf32>
        %parallel_loop3A_282 = arith.index_cast %parallel_loop3A_267 : i32 to index
        %parallel_loop3A_283 = arith.constant 16 : index
        %parallel_loop3A_284 = tpu.vector_load %arg11[%parallel_loop3A_282, %parallel_loop3A_283] {strides = array<i32>} : memref<80x128xf32, #tpu.memory_space<vmem>>, vector<16xf32>,
        tpu.vector_store %arg11[%parallel_loop3A_282, %parallel_loop3A_283], %parallel_loop3A_281 {strides = array<i32>} : memref<80x128xf32, #tpu.memory_space<vmem>>, vector<16xf32>,
        %parallel_loop3A_285 = arith.index_cast %parallel_loop3A_267 : i32 to index
        %parallel_loop3A_286 = arith.constant 32 : index
        %parallel_loop3A_287 = tpu.vector_load %arg9[%parallel_loop3A_285, %parallel_loop3A_286] {strides = array<i32>} : memref<80x128xf32, #tpu.memory_space<vmem>>, vector<16xf32>,
        %parallel_loop3A_288 = arith.mulf %parallel_loop3A_287, %parallel_loop3A_270 : vector<16xf32>
        %parallel_loop3A_289 = arith.index_cast %parallel_loop3A_267 : i32 to index
        %parallel_loop3A_290 = arith.constant 32 : index
        %parallel_loop3A_291 = tpu.vector_load %arg11[%parallel_loop3A_289, %parallel_loop3A_290] {strides = array<i32>} : memref<80x128xf32, #tpu.memory_space<vmem>>, vector<16xf32>,
        tpu.vector_store %arg11[%parallel_loop3A_289, %parallel_loop3A_290], %parallel_loop3A_288 {strides = array<i32>} : memref<80x128xf32, #tpu.memory_space<vmem>>, vector<16xf32>,
        %parallel_loop3A_292 = arith.index_cast %parallel_loop3A_267 : i32 to index
        %parallel_loop3A_293 = arith.constant 48 : index
        %parallel_loop3A_294 = tpu.vector_load %arg9[%parallel_loop3A_292, %parallel_loop3A_293] {strides = array<i32>} : memref<80x128xf32, #tpu.memory_space<vmem>>, vector<16xf32>,
        %parallel_loop3A_295 = arith.mulf %parallel_loop3A_294, %parallel_loop3A_270 : vector<16xf32>
        %parallel_loop3A_296 = arith.index_cast %parallel_loop3A_267 : i32 to index
        %parallel_loop3A_297 = arith.constant 48 : index
        %parallel_loop3A_298 = tpu.vector_load %arg11[%parallel_loop3A_296, %parallel_loop3A_297] {strides = array<i32>} : memref<80x128xf32, #tpu.memory_space<vmem>>, vector<16xf32>,
        tpu.vector_store %arg11[%parallel_loop3A_296, %parallel_loop3A_297], %parallel_loop3A_295 {strides = array<i32>} : memref<80x128xf32, #tpu.memory_space<vmem>>, vector<16xf32>,
        %parallel_loop3A_299 = arith.index_cast %parallel_loop3A_267 : i32 to index
        %parallel_loop3A_300 = arith.constant 64 : index
        %parallel_loop3A_301 = tpu.vector_load %arg9[%parallel_loop3A_299, %parallel_loop3A_300] {strides = array<i32>} : memref<80x128xf32, #tpu.memory_space<vmem>>, vector<16xf32>,
        %parallel_loop3A_302 = arith.mulf %parallel_loop3A_301, %parallel_loop3A_270 : vector<16xf32>
        %parallel_loop3A_303 = arith.index_cast %parallel_loop3A_267 : i32 to index
        %parallel_loop3A_304 = arith.constant 64 : index
        %parallel_loop3A_305 = tpu.vector_load %arg11[%parallel_loop3A_303, %parallel_loop3A_304] {strides = array<i32>} : memref<80x128xf32, #tpu.memory_space<vmem>>, vector<16xf32>,
        tpu.vector_store %arg11[%parallel_loop3A_303, %parallel_loop3A_304], %parallel_loop3A_302 {strides = array<i32>} : memref<80x128xf32, #tpu.memory_space<vmem>>, vector<16xf32>,
        %parallel_loop3A_306 = arith.index_cast %parallel_loop3A_267 : i32 to index
        %parallel_loop3A_307 = arith.constant 80 : index
        %parallel_loop3A_308 = tpu.vector_load %arg9[%parallel_loop3A_306, %parallel_loop3A_307] {strides = array<i32>} : memref<80x128xf32, #tpu.memory_space<vmem>>, vector<16xf32>,
        %parallel_loop3A_309 = arith.mulf %parallel_loop3A_308, %parallel_loop3A_270 : vector<16xf32>
        %parallel_loop3A_310 = arith.index_cast %parallel_loop3A_267 : i32 to index
        %parallel_loop3A_311 = arith.constant 80 : index
        %parallel_loop3A_312 = tpu.vector_load %arg11[%parallel_loop3A_310, %parallel_loop3A_311] {strides = array<i32>} : memref<80x128xf32, #tpu.memory_space<vmem>>, vector<16xf32>,
        tpu.vector_store %arg11[%parallel_loop3A_310, %parallel_loop3A_311], %parallel_loop3A_309 {strides = array<i32>} : memref<80x128xf32, #tpu.memory_space<vmem>>, vector<16xf32>,
        %parallel_loop3A_313 = arith.index_cast %parallel_loop3A_267 : i32 to index
        %parallel_loop3A_314 = arith.constant 96 : index
        %parallel_loop3A_315 = tpu.vector_load %arg9[%parallel_loop3A_313, %parallel_loop3A_314] {strides = array<i32>} : memref<80x128xf32, #tpu.memory_space<vmem>>, vector<16xf32>,
        %parallel_loop3A_316 = arith.mulf %parallel_loop3A_315, %parallel_loop3A_270 : vector<16xf32>
        %parallel_loop3A_317 = arith.index_cast %parallel_loop3A_267 : i32 to index
        %parallel_loop3A_318 = arith.constant 96 : index
        %parallel_loop3A_319 = tpu.vector_load %arg11[%parallel_loop3A_317, %parallel_loop3A_318] {strides = array<i32>} : memref<80x128xf32, #tpu.memory_space<vmem>>, vector<16xf32>,
        tpu.vector_store %arg11[%parallel_loop3A_317, %parallel_loop3A_318], %parallel_loop3A_316 {strides = array<i32>} : memref<80x128xf32, #tpu.memory_space<vmem>>, vector<16xf32>,
        %parallel_loop3A_320 = arith.index_cast %parallel_loop3A_267 : i32 to index
        %parallel_loop3A_321 = arith.constant 112 : index
        %parallel_loop3A_322 = tpu.vector_load %arg9[%parallel_loop3A_320, %parallel_loop3A_321] {strides = array<i32>} : memref<80x128xf32, #tpu.memory_space<vmem>>, vector<16xf32>,
        %parallel_loop3A_323 = arith.mulf %parallel_loop3A_322, %parallel_loop3A_270 : vector<16xf32>
        %parallel_loop3A_324 = arith.index_cast %parallel_loop3A_267 : i32 to index
        %parallel_loop3A_325 = arith.constant 112 : index
        %parallel_loop3A_326 = tpu.vector_load %arg11[%parallel_loop3A_324, %parallel_loop3A_325] {strides = array<i32>} : memref<80x128xf32, #tpu.memory_space<vmem>>, vector<16xf32>,
        tpu.vector_store %arg11[%parallel_loop3A_324, %parallel_loop3A_325], %parallel_loop3A_323 {strides = array<i32>} : memref<80x128xf32, #tpu.memory_space<vmem>>, vector<16xf32>,
      } {sc.loop_unroll_factor = 16 : i64, sc.parallel_access}
      %add3A_213 = arith.constant 2 : i32
      %add3A_214 = arith.addi %add3A_189, %add3A_213 : i32
      %lt3A_215 = arith.constant 125 : i32
      %lt3A_216 = arith.cmpi slt, %add3A_214, %lt3A_215 : i32
      %convert_element_type3A_217 = arith.extui %lt3A_216 : i1 to i32
      %cond3A_218 = arith.constant 0 : i32
      %cond3A_219 = arith.cmpi ne, %convert_element_type3A_217, %cond3A_218 : i32
      scf.if %cond3A_219 {
        %dma_wait3A_267 = arith.constant 0 : i32
        %dma_wait3A_268 = arith.constant 0 : i32
        %dma_wait3A_269 = arith.constant 0 : i32
        %dma_wait3A_270 = tpu.memref_slice %arg3[%dma_wait3A_267, %dma_wait3A_268, %dma_wait3A_269] : memref<4000x3x80xi32, #tpu.memory_space<hbm>> -> memref<1x3x80xi32, #tpu.memory_space<hbm>>
        %dma_wait3A_271 = tpu.memref_squeeze %dma_wait3A_270 : memref<1x3x80xi32, #tpu.memory_space<hbm>> -> memref<3x80xi32, #tpu.memory_space<hbm>>
        %dma_wait3A_272 = arith.constant 0 : i32
        %dma_wait3A_273 = arith.constant 0 : i32
        %dma_wait3A_274 = tpu.memref_slice %arg3[%dma_wait3A_267, %dma_wait3A_272, %dma_wait3A_273] : memref<4000x3x80xi32, #tpu.memory_space<hbm>> -> memref<1x3x80xi32, #tpu.memory_space<hbm>>
        %dma_wait3A_275 = tpu.memref_squeeze %dma_wait3A_274 : memref<1x3x80xi32, #tpu.memory_space<hbm>> -> memref<3x80xi32, #tpu.memory_space<hbm>>
        tpu.wait_dma2 semaphore(%arg18 : memref<!tpu.dma_semaphore, #tpu.memory_space<semaphore_mem>>) src(%dma_wait3A_275 : memref<3x80xi32, #tpu.memory_space<hbm>>) dst(%arg5 : memref<3x80xi32, #tpu.memory_space<vmem>>)
        %dma_start3A_276 = arith.constant 0 : i32
        %dma_start3A_277 = arith.constant 0 : i32
        %dma_start3A_278 = tpu.memref_slice %arg5[%dma_start3A_276, %dma_start3A_277] : memref<3x80xi32, #tpu.memory_space<vmem>> -> memref<1x80xi32, #tpu.memory_space<vmem>>
        %dma_start3A_279 = tpu.memref_squeeze %dma_start3A_278 : memref<1x80xi32, #tpu.memory_space<vmem>> -> memref<80xi32, #tpu.memory_space<vmem>>
        %dma_start3A_280 = arith.constant 0 : i32
        %dma_start3A_281 = arith.constant 0 : i32
        %dma_start3A_282 = tpu.memref_slice %arg2[%dma_start3A_280, %dma_start3A_281] : memref<10000x128xf32, #tpu.memory_space<hbm>> -> memref<10000x128xf32, #tpu.memory_space<hbm>>
        tpu.enqueue_indirect_dma source(%dma_start3A_282 : memref<10000x128xf32, #tpu.memory_space<hbm>>) target(%arg9 : memref<80x128xf32, #tpu.memory_space<vmem>>) offsets(%dma_start3A_279 : memref<80xi32, #tpu.memory_space<vmem>>) semaphore(%arg14 : memref<!tpu.dma_semaphore, #tpu.memory_space<semaphore_mem>>)
      } else {
      }
      %dma_start3A_220 = arith.constant 1 : i32
      %dma_start3A_221 = arith.constant 0 : i32
      %dma_start3A_222 = tpu.memref_slice %arg7[%dma_start3A_220, %dma_start3A_221] : memref<3x80xi32, #tpu.memory_space<vmem>> -> memref<1x80xi32, #tpu.memory_space<vmem>>
      %dma_start3A_223 = tpu.memref_squeeze %dma_start3A_222 : memref<1x80xi32, #tpu.memory_space<vmem>> -> memref<80xi32, #tpu.memory_space<vmem>>
      %dma_start3A_224 = arith.constant 0 : i32
      %dma_start3A_225 = arith.constant 0 : i32
      %dma_start3A_226 = tpu.memref_slice %arg13[%dma_start3A_224, %dma_start3A_225] : memref<10240x128xf32, #tpu.memory_space<vmem_shared>> -> memref<10240x128xf32, #tpu.memory_space<vmem_shared>>
      tpu.enqueue_indirect_dma source(%arg11 : memref<80x128xf32, #tpu.memory_space<vmem>>) target(%dma_start3A_226 : memref<10240x128xf32, #tpu.memory_space<vmem_shared>>) offsets(%dma_start3A_223 : memref<80xi32, #tpu.memory_space<vmem>>) semaphore(%arg16 : memref<!tpu.dma_semaphore, #tpu.memory_space<semaphore_mem>>) {add = true}
      %add3A_227 = arith.constant 3 : i32
      %add3A_228 = arith.addi %mul3A_115, %add3A_227 : i32
      %dma_wait3A_229 = arith.constant 0 : i32
      %dma_wait3A_230 = arith.constant 0 : i32
      %dma_wait3A_231 = tpu.memref_slice %arg2[%dma_wait3A_229, %dma_wait3A_230] : memref<10000x128xf32, #tpu.memory_space<hbm>> -> memref<80x128xf32, #tpu.memory_space<hbm>>
      %dma_wait3A_232 = arith.constant 0 : i32
      %dma_wait3A_233 = arith.constant 0 : i32
      %dma_wait3A_234 = tpu.memref_slice %arg2[%dma_wait3A_232, %dma_wait3A_233] : memref<10000x128xf32, #tpu.memory_space<hbm>> -> memref<80x128xf32, #tpu.memory_space<hbm>>
      tpu.wait_dma2 semaphore(%arg15 : memref<!tpu.dma_semaphore, #tpu.memory_space<semaphore_mem>>) src(%dma_wait3A_234 : memref<80x128xf32, #tpu.memory_space<hbm>>) dst(%arg10 : memref<80x128xf32, #tpu.memory_space<vmem>>)
      %ge3A_235 = arith.constant 2 : i32
      %ge3A_236 = arith.cmpi sge, %add3A_228, %ge3A_235 : i32
      %convert_element_type3A_237 = arith.extui %ge3A_236 : i1 to i32
      %cond3A_238 = arith.constant 0 : i32
      %cond3A_239 = arith.cmpi ne, %convert_element_type3A_237, %cond3A_238 : i32
      scf.if %cond3A_239 {
        %dma_wait3A_267 = arith.constant 0 : i32
        %dma_wait3A_268 = arith.constant 0 : i32
        %dma_wait3A_269 = tpu.memref_slice %arg13[%dma_wait3A_267, %dma_wait3A_268] : memref<10240x128xf32, #tpu.memory_space<vmem_shared>> -> memref<80x128xf32, #tpu.memory_space<vmem_shared>>
        %dma_wait3A_270 = arith.constant 0 : i32
        %dma_wait3A_271 = arith.constant 0 : i32
        %dma_wait3A_272 = tpu.memref_slice %arg13[%dma_wait3A_270, %dma_wait3A_271] : memref<10240x128xf32, #tpu.memory_space<vmem_shared>> -> memref<80x128xf32, #tpu.memory_space<vmem_shared>>
        tpu.wait_dma2 semaphore(%arg17 : memref<!tpu.dma_semaphore, #tpu.memory_space<semaphore_mem>>) src(%arg12 : memref<80x128xf32, #tpu.memory_space<vmem>>) dst(%dma_wait3A_272 : memref<80x128xf32, #tpu.memory_space<vmem_shared>>)
      } else {
      }
      %add3A_240 = arith.constant 2 : i32
      %add3A_241 = arith.addi %add3A_228, %add3A_240 : i32
      %lt3A_242 = arith.constant 125 : i32
      %lt3A_243 = arith.cmpi slt, %add3A_241, %lt3A_242 : i32
      %convert_element_type3A_244 = arith.extui %lt3A_243 : i1 to i32
      %cond3A_245 = arith.constant 0 : i32
      %cond3A_246 = arith.cmpi ne, %convert_element_type3A_244, %cond3A_245 : i32
      scf.if %cond3A_246 {
        %add3A_267 = arith.constant 2 : i32
        %add3A_268 = arith.addi %add3A_228, %add3A_267 : i32
        %mul3A_269 = arith.constant 125 : i32
        %mul3A_270 = arith.muli %add3A, %mul3A_269 : i32
        %add3A_271 = arith.addi %mul3A_270, %add3A_268 : i32
        %dma_start3A_272 = arith.constant 0 : i32
        %dma_start3A_273 = arith.constant 0 : i32
        %dma_start3A_274 = tpu.memref_slice %arg3[%add3A_271, %dma_start3A_272, %dma_start3A_273] : memref<4000x3x80xi32, #tpu.memory_space<hbm>> -> memref<1x3x80xi32, #tpu.memory_space<hbm>>
        %dma_start3A_275 = tpu.memref_squeeze %dma_start3A_274 : memref<1x3x80xi32, #tpu.memory_space<hbm>> -> memref<3x80xi32, #tpu.memory_space<hbm>>
        %dma_start3A_276 = arith.constant 0 : i32
        %dma_start3A_277 = arith.constant 0 : i32
        %dma_start3A_278 = tpu.memref_slice %arg3[%add3A_271, %dma_start3A_276, %dma_start3A_277] : memref<4000x3x80xi32, #tpu.memory_space<hbm>> -> memref<1x3x80xi32, #tpu.memory_space<hbm>>
        %dma_start3A_279 = tpu.memref_squeeze %dma_start3A_278 : memref<1x3x80xi32, #tpu.memory_space<hbm>> -> memref<3x80xi32, #tpu.memory_space<hbm>>
        tpu.enqueue_dma source(%dma_start3A_279 : memref<3x80xi32, #tpu.memory_space<hbm>>) target(%arg6 : memref<3x80xi32, #tpu.memory_space<vmem>>) target_semaphore(%arg18 : memref<!tpu.dma_semaphore, #tpu.memory_space<semaphore_mem>>)
      } else {
      }
      %broadcast_in_dim3A_247 = arith.constant 2 : i32
      %broadcast_in_dim3A_248 = vector.broadcast %broadcast_in_dim3A_247 : i32 to vector<16xi32>
      %parallel_loop3A_249 = arith.constant 0 : i32
      %parallel_loop3A_250 = arith.constant 80 : i32
      %parallel_loop3A_251 = arith.constant 1 : i32
      scf.for %parallel_loop3A_267 = %parallel_loop3A_249 to %parallel_loop3A_250 step %parallel_loop3A_251  : i32 {
        %parallel_loop3A_268 = vector.broadcast %parallel_loop3A_267 : i32 to vector<16xi32>
        %parallel_loop3A_269 = tpu.vector_load_idx %arg8[%broadcast_in_dim3A_248, %parallel_loop3A_268] : memref<3x80xi32, #tpu.memory_space<vmem>>[vector<16xi32>, vector<16xi32>], vector<16xi32>,
        %parallel_loop3A_270 = vector.bitcast %parallel_loop3A_269 : vector<16xi32> to vector<16xf32>
        %parallel_loop3A_271 = arith.index_cast %parallel_loop3A_267 : i32 to index
        %parallel_loop3A_272 = arith.constant 0 : index
        %parallel_loop3A_273 = tpu.vector_load %arg10[%parallel_loop3A_271, %parallel_loop3A_272] {strides = array<i32>} : memref<80x128xf32, #tpu.memory_space<vmem>>, vector<16xf32>,
        %parallel_loop3A_274 = arith.mulf %parallel_loop3A_273, %parallel_loop3A_270 : vector<16xf32>
        %parallel_loop3A_275 = arith.index_cast %parallel_loop3A_267 : i32 to index
        %parallel_loop3A_276 = arith.constant 0 : index
        %parallel_loop3A_277 = tpu.vector_load %arg12[%parallel_loop3A_275, %parallel_loop3A_276] {strides = array<i32>} : memref<80x128xf32, #tpu.memory_space<vmem>>, vector<16xf32>,
        tpu.vector_store %arg12[%parallel_loop3A_275, %parallel_loop3A_276], %parallel_loop3A_274 {strides = array<i32>} : memref<80x128xf32, #tpu.memory_space<vmem>>, vector<16xf32>,
        %parallel_loop3A_278 = arith.index_cast %parallel_loop3A_267 : i32 to index
        %parallel_loop3A_279 = arith.constant 16 : index
        %parallel_loop3A_280 = tpu.vector_load %arg10[%parallel_loop3A_278, %parallel_loop3A_279] {strides = array<i32>} : memref<80x128xf32, #tpu.memory_space<vmem>>, vector<16xf32>,
        %parallel_loop3A_281 = arith.mulf %parallel_loop3A_280, %parallel_loop3A_270 : vector<16xf32>
        %parallel_loop3A_282 = arith.index_cast %parallel_loop3A_267 : i32 to index
        %parallel_loop3A_283 = arith.constant 16 : index
        %parallel_loop3A_284 = tpu.vector_load %arg12[%parallel_loop3A_282, %parallel_loop3A_283] {strides = array<i32>} : memref<80x128xf32, #tpu.memory_space<vmem>>, vector<16xf32>,
        tpu.vector_store %arg12[%parallel_loop3A_282, %parallel_loop3A_283], %parallel_loop3A_281 {strides = array<i32>} : memref<80x128xf32, #tpu.memory_space<vmem>>, vector<16xf32>,
        %parallel_loop3A_285 = arith.index_cast %parallel_loop3A_267 : i32 to index
        %parallel_loop3A_286 = arith.constant 32 : index
        %parallel_loop3A_287 = tpu.vector_load %arg10[%parallel_loop3A_285, %parallel_loop3A_286] {strides = array<i32>} : memref<80x128xf32, #tpu.memory_space<vmem>>, vector<16xf32>,
        %parallel_loop3A_288 = arith.mulf %parallel_loop3A_287, %parallel_loop3A_270 : vector<16xf32>
        %parallel_loop3A_289 = arith.index_cast %parallel_loop3A_267 : i32 to index
        %parallel_loop3A_290 = arith.constant 32 : index
        %parallel_loop3A_291 = tpu.vector_load %arg12[%parallel_loop3A_289, %parallel_loop3A_290] {strides = array<i32>} : memref<80x128xf32, #tpu.memory_space<vmem>>, vector<16xf32>,
        tpu.vector_store %arg12[%parallel_loop3A_289, %parallel_loop3A_290], %parallel_loop3A_288 {strides = array<i32>} : memref<80x128xf32, #tpu.memory_space<vmem>>, vector<16xf32>,
        %parallel_loop3A_292 = arith.index_cast %parallel_loop3A_267 : i32 to index
        %parallel_loop3A_293 = arith.constant 48 : index
        %parallel_loop3A_294 = tpu.vector_load %arg10[%parallel_loop3A_292, %parallel_loop3A_293] {strides = array<i32>} : memref<80x128xf32, #tpu.memory_space<vmem>>, vector<16xf32>,
        %parallel_loop3A_295 = arith.mulf %parallel_loop3A_294, %parallel_loop3A_270 : vector<16xf32>
        %parallel_loop3A_296 = arith.index_cast %parallel_loop3A_267 : i32 to index
        %parallel_loop3A_297 = arith.constant 48 : index
        %parallel_loop3A_298 = tpu.vector_load %arg12[%parallel_loop3A_296, %parallel_loop3A_297] {strides = array<i32>} : memref<80x128xf32, #tpu.memory_space<vmem>>, vector<16xf32>,
        tpu.vector_store %arg12[%parallel_loop3A_296, %parallel_loop3A_297], %parallel_loop3A_295 {strides = array<i32>} : memref<80x128xf32, #tpu.memory_space<vmem>>, vector<16xf32>,
        %parallel_loop3A_299 = arith.index_cast %parallel_loop3A_267 : i32 to index
        %parallel_loop3A_300 = arith.constant 64 : index
        %parallel_loop3A_301 = tpu.vector_load %arg10[%parallel_loop3A_299, %parallel_loop3A_300] {strides = array<i32>} : memref<80x128xf32, #tpu.memory_space<vmem>>, vector<16xf32>,
        %parallel_loop3A_302 = arith.mulf %parallel_loop3A_301, %parallel_loop3A_270 : vector<16xf32>
        %parallel_loop3A_303 = arith.index_cast %parallel_loop3A_267 : i32 to index
        %parallel_loop3A_304 = arith.constant 64 : index
        %parallel_loop3A_305 = tpu.vector_load %arg12[%parallel_loop3A_303, %parallel_loop3A_304] {strides = array<i32>} : memref<80x128xf32, #tpu.memory_space<vmem>>, vector<16xf32>,
        tpu.vector_store %arg12[%parallel_loop3A_303, %parallel_loop3A_304], %parallel_loop3A_302 {strides = array<i32>} : memref<80x128xf32, #tpu.memory_space<vmem>>, vector<16xf32>,
        %parallel_loop3A_306 = arith.index_cast %parallel_loop3A_267 : i32 to index
        %parallel_loop3A_307 = arith.constant 80 : index
        %parallel_loop3A_308 = tpu.vector_load %arg10[%parallel_loop3A_306, %parallel_loop3A_307] {strides = array<i32>} : memref<80x128xf32, #tpu.memory_space<vmem>>, vector<16xf32>,
        %parallel_loop3A_309 = arith.mulf %parallel_loop3A_308, %parallel_loop3A_270 : vector<16xf32>
        %parallel_loop3A_310 = arith.index_cast %parallel_loop3A_267 : i32 to index
        %parallel_loop3A_311 = arith.constant 80 : index
        %parallel_loop3A_312 = tpu.vector_load %arg12[%parallel_loop3A_310, %parallel_loop3A_311] {strides = array<i32>} : memref<80x128xf32, #tpu.memory_space<vmem>>, vector<16xf32>,
        tpu.vector_store %arg12[%parallel_loop3A_310, %parallel_loop3A_311], %parallel_loop3A_309 {strides = array<i32>} : memref<80x128xf32, #tpu.memory_space<vmem>>, vector<16xf32>,
        %parallel_loop3A_313 = arith.index_cast %parallel_loop3A_267 : i32 to index
        %parallel_loop3A_314 = arith.constant 96 : index
        %parallel_loop3A_315 = tpu.vector_load %arg10[%parallel_loop3A_313, %parallel_loop3A_314] {strides = array<i32>} : memref<80x128xf32, #tpu.memory_space<vmem>>, vector<16xf32>,
        %parallel_loop3A_316 = arith.mulf %parallel_loop3A_315, %parallel_loop3A_270 : vector<16xf32>
        %parallel_loop3A_317 = arith.index_cast %parallel_loop3A_267 : i32 to index
        %parallel_loop3A_318 = arith.constant 96 : index
        %parallel_loop3A_319 = tpu.vector_load %arg12[%parallel_loop3A_317, %parallel_loop3A_318] {strides = array<i32>} : memref<80x128xf32, #tpu.memory_space<vmem>>, vector<16xf32>,
        tpu.vector_store %arg12[%parallel_loop3A_317, %parallel_loop3A_318], %parallel_loop3A_316 {strides = array<i32>} : memref<80x128xf32, #tpu.memory_space<vmem>>, vector<16xf32>,
        %parallel_loop3A_320 = arith.index_cast %parallel_loop3A_267 : i32 to index
        %parallel_loop3A_321 = arith.constant 112 : index
        %parallel_loop3A_322 = tpu.vector_load %arg10[%parallel_loop3A_320, %parallel_loop3A_321] {strides = array<i32>} : memref<80x128xf32, #tpu.memory_space<vmem>>, vector<16xf32>,
        %parallel_loop3A_323 = arith.mulf %parallel_loop3A_322, %parallel_loop3A_270 : vector<16xf32>
        %parallel_loop3A_324 = arith.index_cast %parallel_loop3A_267 : i32 to index
        %parallel_loop3A_325 = arith.constant 112 : index
        %parallel_loop3A_326 = tpu.vector_load %arg12[%parallel_loop3A_324, %parallel_loop3A_325] {strides = array<i32>} : memref<80x128xf32, #tpu.memory_space<vmem>>, vector<16xf32>,
        tpu.vector_store %arg12[%parallel_loop3A_324, %parallel_loop3A_325], %parallel_loop3A_323 {strides = array<i32>} : memref<80x128xf32, #tpu.memory_space<vmem>>, vector<16xf32>,
      } {sc.loop_unroll_factor = 16 : i64, sc.parallel_access}
      %add3A_252 = arith.constant 2 : i32
      %add3A_253 = arith.addi %add3A_228, %add3A_252 : i32
      %lt3A_254 = arith.constant 125 : i32
      %lt3A_255 = arith.cmpi slt, %add3A_253, %lt3A_254 : i32
      %convert_element_type3A_256 = arith.extui %lt3A_255 : i1 to i32
      %cond3A_257 = arith.constant 0 : i32
      %cond3A_258 = arith.cmpi ne, %convert_element_type3A_256, %cond3A_257 : i32
      scf.if %cond3A_258 {
        %dma_wait3A_267 = arith.constant 0 : i32
        %dma_wait3A_268 = arith.constant 0 : i32
        %dma_wait3A_269 = arith.constant 0 : i32
        %dma_wait3A_270 = tpu.memref_slice %arg3[%dma_wait3A_267, %dma_wait3A_268, %dma_wait3A_269] : memref<4000x3x80xi32, #tpu.memory_space<hbm>> -> memref<1x3x80xi32, #tpu.memory_space<hbm>>
        %dma_wait3A_271 = tpu.memref_squeeze %dma_wait3A_270 : memref<1x3x80xi32, #tpu.memory_space<hbm>> -> memref<3x80xi32, #tpu.memory_space<hbm>>
        %dma_wait3A_272 = arith.constant 0 : i32
        %dma_wait3A_273 = arith.constant 0 : i32
        %dma_wait3A_274 = tpu.memref_slice %arg3[%dma_wait3A_267, %dma_wait3A_272, %dma_wait3A_273] : memref<4000x3x80xi32, #tpu.memory_space<hbm>> -> memref<1x3x80xi32, #tpu.memory_space<hbm>>
        %dma_wait3A_275 = tpu.memref_squeeze %dma_wait3A_274 : memref<1x3x80xi32, #tpu.memory_space<hbm>> -> memref<3x80xi32, #tpu.memory_space<hbm>>
        tpu.wait_dma2 semaphore(%arg18 : memref<!tpu.dma_semaphore, #tpu.memory_space<semaphore_mem>>) src(%dma_wait3A_275 : memref<3x80xi32, #tpu.memory_space<hbm>>) dst(%arg6 : memref<3x80xi32, #tpu.memory_space<vmem>>)
        %dma_start3A_276 = arith.constant 0 : i32
        %dma_start3A_277 = arith.constant 0 : i32
        %dma_start3A_278 = tpu.memref_slice %arg6[%dma_start3A_276, %dma_start3A_277] : memref<3x80xi32, #tpu.memory_space<vmem>> -> memref<1x80xi32, #tpu.memory_space<vmem>>
        %dma_start3A_279 = tpu.memref_squeeze %dma_start3A_278 : memref<1x80xi32, #tpu.memory_space<vmem>> -> memref<80xi32, #tpu.memory_space<vmem>>
        %dma_start3A_280 = arith.constant 0 : i32
        %dma_start3A_281 = arith.constant 0 : i32
        %dma_start3A_282 = tpu.memref_slice %arg2[%dma_start3A_280, %dma_start3A_281] : memref<10000x128xf32, #tpu.memory_space<hbm>> -> memref<10000x128xf32, #tpu.memory_space<hbm>>
        tpu.enqueue_indirect_dma source(%dma_start3A_282 : memref<10000x128xf32, #tpu.memory_space<hbm>>) target(%arg10 : memref<80x128xf32, #tpu.memory_space<vmem>>) offsets(%dma_start3A_279 : memref<80xi32, #tpu.memory_space<vmem>>) semaphore(%arg15 : memref<!tpu.dma_semaphore, #tpu.memory_space<semaphore_mem>>)
      } else {
      }
      %dma_start3A_259 = arith.constant 1 : i32
      %dma_start3A_260 = arith.constant 0 : i32
      %dma_start3A_261 = tpu.memref_slice %arg8[%dma_start3A_259, %dma_start3A_260] : memref<3x80xi32, #tpu.memory_space<vmem>> -> memref<1x80xi32, #tpu.memory_space<vmem>>
      %dma_start3A_262 = tpu.memref_squeeze %dma_start3A_261 : memref<1x80xi32, #tpu.memory_space<vmem>> -> memref<80xi32, #tpu.memory_space<vmem>>
      %dma_start3A_263 = arith.constant 0 : i32
      %dma_start3A_264 = arith.constant 0 : i32
      %dma_start3A_265 = tpu.memref_slice %arg13[%dma_start3A_263, %dma_start3A_264] : memref<10240x128xf32, #tpu.memory_space<vmem_shared>> -> memref<10240x128xf32, #tpu.memory_space<vmem_shared>>
      tpu.enqueue_indirect_dma source(%arg12 : memref<80x128xf32, #tpu.memory_space<vmem>>) target(%dma_start3A_265 : memref<10240x128xf32, #tpu.memory_space<vmem_shared>>) offsets(%dma_start3A_262 : memref<80xi32, #tpu.memory_space<vmem>>) semaphore(%arg17 : memref<!tpu.dma_semaphore, #tpu.memory_space<semaphore_mem>>) {add = true}
      %scan3A_266 = arith.constant 0 : i32
      scf.yield %scan3A_266 : i32
    }
    %scan3A_76 = arith.constant 31 : i32
    %dma_wait3A_77 = arith.constant 0 : i32
    %dma_wait3A_78 = arith.constant 0 : i32
    %dma_wait3A_79 = tpu.memref_slice %arg2[%dma_wait3A_77, %dma_wait3A_78] : memref<10000x128xf32, #tpu.memory_space<hbm>> -> memref<80x128xf32, #tpu.memory_space<hbm>>
    %dma_wait3A_80 = arith.constant 0 : i32
    %dma_wait3A_81 = arith.constant 0 : i32
    %dma_wait3A_82 = tpu.memref_slice %arg2[%dma_wait3A_80, %dma_wait3A_81] : memref<10000x128xf32, #tpu.memory_space<hbm>> -> memref<80x128xf32, #tpu.memory_space<hbm>>
    tpu.wait_dma2 semaphore(%arg14 : memref<!tpu.dma_semaphore, #tpu.memory_space<semaphore_mem>>) src(%dma_wait3A_82 : memref<80x128xf32, #tpu.memory_space<hbm>>) dst(%arg9 : memref<80x128xf32, #tpu.memory_space<vmem>>)
    %dma_wait3A_83 = arith.constant 0 : i32
    %dma_wait3A_84 = arith.constant 0 : i32
    %dma_wait3A_85 = tpu.memref_slice %arg13[%dma_wait3A_83, %dma_wait3A_84] : memref<10240x128xf32, #tpu.memory_space<vmem_shared>> -> memref<80x128xf32, #tpu.memory_space<vmem_shared>>
    %dma_wait3A_86 = arith.constant 0 : i32
    %dma_wait3A_87 = arith.constant 0 : i32
    %dma_wait3A_88 = tpu.memref_slice %arg13[%dma_wait3A_86, %dma_wait3A_87] : memref<10240x128xf32, #tpu.memory_space<vmem_shared>> -> memref<80x128xf32, #tpu.memory_space<vmem_shared>>
    tpu.wait_dma2 semaphore(%arg16 : memref<!tpu.dma_semaphore, #tpu.memory_space<semaphore_mem>>) src(%arg11 : memref<80x128xf32, #tpu.memory_space<vmem>>) dst(%dma_wait3A_88 : memref<80x128xf32, #tpu.memory_space<vmem_shared>>)
    %broadcast_in_dim3A = arith.constant 2 : i32
    %broadcast_in_dim3A_89 = vector.broadcast %broadcast_in_dim3A : i32 to vector<16xi32>
    %parallel_loop3A = arith.constant 0 : i32
    %parallel_loop3A_90 = arith.constant 80 : i32
    %parallel_loop3A_91 = arith.constant 1 : i32
    scf.for %parallel_loop3A_112 = %parallel_loop3A to %parallel_loop3A_90 step %parallel_loop3A_91  : i32 {
      %parallel_loop3A_113 = vector.broadcast %parallel_loop3A_112 : i32 to vector<16xi32>
      %parallel_loop3A_114 = tpu.vector_load_idx %arg5[%broadcast_in_dim3A_89, %parallel_loop3A_113] : memref<3x80xi32, #tpu.memory_space<vmem>>[vector<16xi32>, vector<16xi32>], vector<16xi32>,
      %parallel_loop3A_115 = vector.bitcast %parallel_loop3A_114 : vector<16xi32> to vector<16xf32>
      %parallel_loop3A_116 = arith.index_cast %parallel_loop3A_112 : i32 to index
      %parallel_loop3A_117 = arith.constant 0 : index
      %parallel_loop3A_118 = tpu.vector_load %arg9[%parallel_loop3A_116, %parallel_loop3A_117] {strides = array<i32>} : memref<80x128xf32, #tpu.memory_space<vmem>>, vector<16xf32>,
      %parallel_loop3A_119 = arith.mulf %parallel_loop3A_118, %parallel_loop3A_115 : vector<16xf32>
      %parallel_loop3A_120 = arith.index_cast %parallel_loop3A_112 : i32 to index
      %parallel_loop3A_121 = arith.constant 0 : index
      %parallel_loop3A_122 = tpu.vector_load %arg11[%parallel_loop3A_120, %parallel_loop3A_121] {strides = array<i32>} : memref<80x128xf32, #tpu.memory_space<vmem>>, vector<16xf32>,
      tpu.vector_store %arg11[%parallel_loop3A_120, %parallel_loop3A_121], %parallel_loop3A_119 {strides = array<i32>} : memref<80x128xf32, #tpu.memory_space<vmem>>, vector<16xf32>,
      %parallel_loop3A_123 = arith.index_cast %parallel_loop3A_112 : i32 to index
      %parallel_loop3A_124 = arith.constant 16 : index
      %parallel_loop3A_125 = tpu.vector_load %arg9[%parallel_loop3A_123, %parallel_loop3A_124] {strides = array<i32>} : memref<80x128xf32, #tpu.memory_space<vmem>>, vector<16xf32>,
      %parallel_loop3A_126 = arith.mulf %parallel_loop3A_125, %parallel_loop3A_115 : vector<16xf32>
      %parallel_loop3A_127 = arith.index_cast %parallel_loop3A_112 : i32 to index
      %parallel_loop3A_128 = arith.constant 16 : index
      %parallel_loop3A_129 = tpu.vector_load %arg11[%parallel_loop3A_127, %parallel_loop3A_128] {strides = array<i32>} : memref<80x128xf32, #tpu.memory_space<vmem>>, vector<16xf32>,
      tpu.vector_store %arg11[%parallel_loop3A_127, %parallel_loop3A_128], %parallel_loop3A_126 {strides = array<i32>} : memref<80x128xf32, #tpu.memory_space<vmem>>, vector<16xf32>,
      %parallel_loop3A_130 = arith.index_cast %parallel_loop3A_112 : i32 to index
      %parallel_loop3A_131 = arith.constant 32 : index
      %parallel_loop3A_132 = tpu.vector_load %arg9[%parallel_loop3A_130, %parallel_loop3A_131] {strides = array<i32>} : memref<80x128xf32, #tpu.memory_space<vmem>>, vector<16xf32>,
      %parallel_loop3A_133 = arith.mulf %parallel_loop3A_132, %parallel_loop3A_115 : vector<16xf32>
      %parallel_loop3A_134 = arith.index_cast %parallel_loop3A_112 : i32 to index
      %parallel_loop3A_135 = arith.constant 32 : index
      %parallel_loop3A_136 = tpu.vector_load %arg11[%parallel_loop3A_134, %parallel_loop3A_135] {strides = array<i32>} : memref<80x128xf32, #tpu.memory_space<vmem>>, vector<16xf32>,
      tpu.vector_store %arg11[%parallel_loop3A_134, %parallel_loop3A_135], %parallel_loop3A_133 {strides = array<i32>} : memref<80x128xf32, #tpu.memory_space<vmem>>, vector<16xf32>,
      %parallel_loop3A_137 = arith.index_cast %parallel_loop3A_112 : i32 to index
      %parallel_loop3A_138 = arith.constant 48 : index
      %parallel_loop3A_139 = tpu.vector_load %arg9[%parallel_loop3A_137, %parallel_loop3A_138] {strides = array<i32>} : memref<80x128xf32, #tpu.memory_space<vmem>>, vector<16xf32>,
      %parallel_loop3A_140 = arith.mulf %parallel_loop3A_139, %parallel_loop3A_115 : vector<16xf32>
      %parallel_loop3A_141 = arith.index_cast %parallel_loop3A_112 : i32 to index
      %parallel_loop3A_142 = arith.constant 48 : index
      %parallel_loop3A_143 = tpu.vector_load %arg11[%parallel_loop3A_141, %parallel_loop3A_142] {strides = array<i32>} : memref<80x128xf32, #tpu.memory_space<vmem>>, vector<16xf32>,
      tpu.vector_store %arg11[%parallel_loop3A_141, %parallel_loop3A_142], %parallel_loop3A_140 {strides = array<i32>} : memref<80x128xf32, #tpu.memory_space<vmem>>, vector<16xf32>,
      %parallel_loop3A_144 = arith.index_cast %parallel_loop3A_112 : i32 to index
      %parallel_loop3A_145 = arith.constant 64 : index
      %parallel_loop3A_146 = tpu.vector_load %arg9[%parallel_loop3A_144, %parallel_loop3A_145] {strides = array<i32>} : memref<80x128xf32, #tpu.memory_space<vmem>>, vector<16xf32>,
      %parallel_loop3A_147 = arith.mulf %parallel_loop3A_146, %parallel_loop3A_115 : vector<16xf32>
      %parallel_loop3A_148 = arith.index_cast %parallel_loop3A_112 : i32 to index
      %parallel_loop3A_149 = arith.constant 64 : index
      %parallel_loop3A_150 = tpu.vector_load %arg11[%parallel_loop3A_148, %parallel_loop3A_149] {strides = array<i32>} : memref<80x128xf32, #tpu.memory_space<vmem>>, vector<16xf32>,
      tpu.vector_store %arg11[%parallel_loop3A_148, %parallel_loop3A_149], %parallel_loop3A_147 {strides = array<i32>} : memref<80x128xf32, #tpu.memory_space<vmem>>, vector<16xf32>,
      %parallel_loop3A_151 = arith.index_cast %parallel_loop3A_112 : i32 to index
      %parallel_loop3A_152 = arith.constant 80 : index
      %parallel_loop3A_153 = tpu.vector_load %arg9[%parallel_loop3A_151, %parallel_loop3A_152] {strides = array<i32>} : memref<80x128xf32, #tpu.memory_space<vmem>>, vector<16xf32>,
      %parallel_loop3A_154 = arith.mulf %parallel_loop3A_153, %parallel_loop3A_115 : vector<16xf32>
      %parallel_loop3A_155 = arith.index_cast %parallel_loop3A_112 : i32 to index
      %parallel_loop3A_156 = arith.constant 80 : index
      %parallel_loop3A_157 = tpu.vector_load %arg11[%parallel_loop3A_155, %parallel_loop3A_156] {strides = array<i32>} : memref<80x128xf32, #tpu.memory_space<vmem>>, vector<16xf32>,
      tpu.vector_store %arg11[%parallel_loop3A_155, %parallel_loop3A_156], %parallel_loop3A_154 {strides = array<i32>} : memref<80x128xf32, #tpu.memory_space<vmem>>, vector<16xf32>,
      %parallel_loop3A_158 = arith.index_cast %parallel_loop3A_112 : i32 to index
      %parallel_loop3A_159 = arith.constant 96 : index
      %parallel_loop3A_160 = tpu.vector_load %arg9[%parallel_loop3A_158, %parallel_loop3A_159] {strides = array<i32>} : memref<80x128xf32, #tpu.memory_space<vmem>>, vector<16xf32>,
      %parallel_loop3A_161 = arith.mulf %parallel_loop3A_160, %parallel_loop3A_115 : vector<16xf32>
      %parallel_loop3A_162 = arith.index_cast %parallel_loop3A_112 : i32 to index
      %parallel_loop3A_163 = arith.constant 96 : index
      %parallel_loop3A_164 = tpu.vector_load %arg11[%parallel_loop3A_162, %parallel_loop3A_163] {strides = array<i32>} : memref<80x128xf32, #tpu.memory_space<vmem>>, vector<16xf32>,
      tpu.vector_store %arg11[%parallel_loop3A_162, %parallel_loop3A_163], %parallel_loop3A_161 {strides = array<i32>} : memref<80x128xf32, #tpu.memory_space<vmem>>, vector<16xf32>,
      %parallel_loop3A_165 = arith.index_cast %parallel_loop3A_112 : i32 to index
      %parallel_loop3A_166 = arith.constant 112 : index
      %parallel_loop3A_167 = tpu.vector_load %arg9[%parallel_loop3A_165, %parallel_loop3A_166] {strides = array<i32>} : memref<80x128xf32, #tpu.memory_space<vmem>>, vector<16xf32>,
      %parallel_loop3A_168 = arith.mulf %parallel_loop3A_167, %parallel_loop3A_115 : vector<16xf32>
      %parallel_loop3A_169 = arith.index_cast %parallel_loop3A_112 : i32 to index
      %parallel_loop3A_170 = arith.constant 112 : index
      %parallel_loop3A_171 = tpu.vector_load %arg11[%parallel_loop3A_169, %parallel_loop3A_170] {strides = array<i32>} : memref<80x128xf32, #tpu.memory_space<vmem>>, vector<16xf32>,
      tpu.vector_store %arg11[%parallel_loop3A_169, %parallel_loop3A_170], %parallel_loop3A_168 {strides = array<i32>} : memref<80x128xf32, #tpu.memory_space<vmem>>, vector<16xf32>,
    } {sc.loop_unroll_factor = 16 : i64, sc.parallel_access}
    %dma_start3A_92 = arith.constant 1 : i32
    %dma_start3A_93 = arith.constant 0 : i32
    %dma_start3A_94 = tpu.memref_slice %arg5[%dma_start3A_92, %dma_start3A_93] : memref<3x80xi32, #tpu.memory_space<vmem>> -> memref<1x80xi32, #tpu.memory_space<vmem>>
    %dma_start3A_95 = tpu.memref_squeeze %dma_start3A_94 : memref<1x80xi32, #tpu.memory_space<vmem>> -> memref<80xi32, #tpu.memory_space<vmem>>
    %dma_start3A_96 = arith.constant 0 : i32
    %dma_start3A_97 = arith.constant 0 : i32
    %dma_start3A_98 = tpu.memref_slice %arg13[%dma_start3A_96, %dma_start3A_97] : memref<10240x128xf32, #tpu.memory_space<vmem_shared>> -> memref<10240x128xf32, #tpu.memory_space<vmem_shared>>
    tpu.enqueue_indirect_dma source(%arg11 : memref<80x128xf32, #tpu.memory_space<vmem>>) target(%dma_start3A_98 : memref<10240x128xf32, #tpu.memory_space<vmem_shared>>) offsets(%dma_start3A_95 : memref<80xi32, #tpu.memory_space<vmem>>) semaphore(%arg16 : memref<!tpu.dma_semaphore, #tpu.memory_space<semaphore_mem>>) {add = true}
    %dma_wait3A_99 = arith.constant 0 : i32
    %dma_wait3A_100 = arith.constant 0 : i32
    %dma_wait3A_101 = tpu.memref_slice %arg13[%dma_wait3A_99, %dma_wait3A_100] : memref<10240x128xf32, #tpu.memory_space<vmem_shared>> -> memref<80x128xf32, #tpu.memory_space<vmem_shared>>
    %dma_wait3A_102 = arith.constant 0 : i32
    %dma_wait3A_103 = arith.constant 0 : i32
    %dma_wait3A_104 = tpu.memref_slice %arg13[%dma_wait3A_102, %dma_wait3A_103] : memref<10240x128xf32, #tpu.memory_space<vmem_shared>> -> memref<80x128xf32, #tpu.memory_space<vmem_shared>>
    tpu.wait_dma2 semaphore(%arg16 : memref<!tpu.dma_semaphore, #tpu.memory_space<semaphore_mem>>) src(%arg11 : memref<80x128xf32, #tpu.memory_space<vmem>>) dst(%dma_wait3A_104 : memref<80x128xf32, #tpu.memory_space<vmem_shared>>)
    %dma_wait3A_105 = arith.constant 0 : i32
    %dma_wait3A_106 = arith.constant 0 : i32
    %dma_wait3A_107 = tpu.memref_slice %arg13[%dma_wait3A_105, %dma_wait3A_106] : memref<10240x128xf32, #tpu.memory_space<vmem_shared>> -> memref<80x128xf32, #tpu.memory_space<vmem_shared>>
    %dma_wait3A_108 = arith.constant 0 : i32
    %dma_wait3A_109 = arith.constant 0 : i32
    %dma_wait3A_110 = tpu.memref_slice %arg13[%dma_wait3A_108, %dma_wait3A_109] : memref<10240x128xf32, #tpu.memory_space<vmem_shared>> -> memref<80x128xf32, #tpu.memory_space<vmem_shared>>
    tpu.wait_dma2 semaphore(%arg17 : memref<!tpu.dma_semaphore, #tpu.memory_space<semaphore_mem>>) src(%arg12 : memref<80x128xf32, #tpu.memory_space<vmem>>) dst(%dma_wait3A_110 : memref<80x128xf32, #tpu.memory_space<vmem_shared>>)
    %barrier3A_111 = arith.constant 0 : index
    tpu.barrier barrier_id(%barrier3A_111)
    "tpu.region"() ({
      %run_scoped3A = tpu.sem_alloc : memref<!tpu.dma_semaphore, #tpu.memory_space<semaphore_mem>>
      %dma_start3A_112 = arith.constant 0 : i32
      %dma_start3A_113 = tpu.memref_slice %arg4[%arg0, %mul3A_8, %dma_start3A_112] : memref<2x10240x128xf32, #tpu.memory_space<hbm>> -> memref<1x640x128xf32, #tpu.memory_space<hbm>>
      %dma_start3A_114 = tpu.memref_squeeze %dma_start3A_113 : memref<1x640x128xf32, #tpu.memory_space<hbm>> -> memref<640x128xf32, #tpu.memory_space<hbm>>
      %dma_start3A_115 = arith.constant 0 : i32
      %dma_start3A_116 = tpu.memref_slice %arg13[%mul3A_8, %dma_start3A_115] : memref<10240x128xf32, #tpu.memory_space<vmem_shared>> -> memref<640x128xf32, #tpu.memory_space<vmem_shared>>
      tpu.enqueue_dma source(%dma_start3A_116 : memref<640x128xf32, #tpu.memory_space<vmem_shared>>) target(%dma_start3A_114 : memref<640x128xf32, #tpu.memory_space<hbm>>) target_semaphore(%run_scoped3A : memref<!tpu.dma_semaphore, #tpu.memory_space<semaphore_mem>>)
      %dma_wait3A_117 = arith.constant 0 : i32
      %dma_wait3A_118 = tpu.memref_slice %arg4[%arg0, %mul3A_8, %dma_wait3A_117] : memref<2x10240x128xf32, #tpu.memory_space<hbm>> -> memref<1x640x128xf32, #tpu.memory_space<hbm>>
      %dma_wait3A_119 = tpu.memref_squeeze %dma_wait3A_118 : memref<1x640x128xf32, #tpu.memory_space<hbm>> -> memref<640x128xf32, #tpu.memory_space<hbm>>
      %dma_wait3A_120 = arith.constant 0 : i32
      %dma_wait3A_121 = tpu.memref_slice %arg13[%mul3A_8, %dma_wait3A_120] : memref<10240x128xf32, #tpu.memory_space<vmem_shared>> -> memref<640x128xf32, #tpu.memory_space<vmem_shared>>
      tpu.wait_dma2 semaphore(%run_scoped3A : memref<!tpu.dma_semaphore, #tpu.memory_space<semaphore_mem>>) src(%dma_wait3A_121 : memref<640x128xf32, #tpu.memory_space<vmem_shared>>) dst(%dma_wait3A_119 : memref<640x128xf32, #tpu.memory_space<hbm>>)
      tpu.yield
    }) : () -> ()
    return
  }
}

module attributes {stable_mosaic.version = 14 : i64} {
  func.func @_tc1_body(%arg0: i32, %arg1: memref<400x128xf32, #tpu.memory_space<vmem>>, %arg2: memref<128x128xf32, #tpu.memory_space<vmem>>, %arg3: memref<400x1xf32, #tpu.memory_space<vmem>>, %arg4: memref<400x1xf32, #tpu.memory_space<vmem>>, %arg5: memref<400x128xf32, #tpu.memory_space<vmem>>) attributes {dimension_semantics = [#tpu.dimension_semantics<arbitrary>], iteration_bounds = array<i64: 25>, scalar_prefetch = 0 : i64, scratch_operands = 0 : i64, tpu.core_type = #tpu.core_type<tc>, window_params = [{transform_indices = @transform_0, window_bounds = array<i64: 400, 128>}, {pipeline_mode = #tpu.pipeline_mode<synchronous>, transform_indices = @transform_1, window_bounds = array<i64: 128, 128>}, {transform_indices = @transform_2, window_bounds = array<i64: 400, 1>}, {transform_indices = @transform_3, window_bounds = array<i64: 400, 1>}, {transform_indices = @transform_4, window_bounds = array<i64: 400, 128>}]} {
    %get3A = arith.constant 0 : index
    %get3A_0 = arith.constant 0 : index
    %get3A_1 = vector.load %arg3[%get3A, %get3A_0] : memref<400x1xf32, #tpu.memory_space<vmem>>, vector<400x1xf32>
    %get3A_2 = arith.constant 0 : index
    %get3A_3 = arith.constant 0 : index
    %get3A_4 = vector.load %arg4[%get3A_2, %get3A_3] : memref<400x1xf32, #tpu.memory_space<vmem>>, vector<400x1xf32>
    %add3A = arith.addf %get3A_1, %get3A_4 : vector<400x1xf32>
    %add3A_5 = arith.constant 1.000000e+00 : f32
    %add3A_6 = vector.broadcast %add3A_5 : f32 to vector<400x1xf32>
    %add3A_7 = arith.addf %add3A, %add3A_6 : vector<400x1xf32>
    %rsqrt3A = math.rsqrt %add3A_7 : vector<400x1xf32>
    %get3A_8 = arith.constant 0 : index
    %get3A_9 = arith.constant 0 : index
    %get3A_10 = vector.load %arg1[%get3A_8, %get3A_9] : memref<400x128xf32, #tpu.memory_space<vmem>>, vector<400x128xf32>
    %get3A_11 = arith.constant 0 : index
    %get3A_12 = arith.constant 0 : index
    %get3A_13 = vector.load %arg2[%get3A_11, %get3A_12] : memref<128x128xf32, #tpu.memory_space<vmem>>, vector<128x128xf32>
    %dot_general3A = arith.constant dense<0.000000e+00> : vector<400x128xf32>
    %dot_general3A_14 = tpu.matmul %get3A_10, %get3A_13, %dot_general3A {dimension_numbers = #tpu.dot_dimension_numbers<[1], [0], [0], [1], [0, 0, 1, 1], [], []>, transpose_lhs_hint = false} : vector<400x128xf32>, vector<128x128xf32>, vector<400x128xf32> -> vector<400x128xf32>
    %mul3A = vector.broadcast %rsqrt3A : vector<400x1xf32> to vector<400x128xf32>
    %mul3A_15 = arith.mulf %dot_general3A_14, %mul3A : vector<400x128xf32>
    %swap3A = arith.constant 0 : index
    %swap3A_16 = arith.constant 0 : index
    %swap3A_17 = vector.load %arg5[%swap3A, %swap3A_16] : memref<400x128xf32, #tpu.memory_space<vmem>>, vector<400x128xf32>
    tpu.vector_store %arg5[%swap3A, %swap3A_16], %mul3A_15 {strides = array<i32>} : memref<400x128xf32, #tpu.memory_space<vmem>>, vector<400x128xf32>,
    return
  }
  func.func @transform_0(%arg0: i32) -> (i32, i32) {
    %c0_i32 = arith.constant 0 : i32
    %c0_i32_0 = arith.constant 0 : i32
    return %arg0, %c0_i32 : i32, i32
  }
  func.func @transform_1(%arg0: i32) -> (i32, i32) {
    %c0_i32 = arith.constant 0 : i32
    %c0_i32_0 = arith.constant 0 : i32
    %c0_i32_1 = arith.constant 0 : i32
    return %c0_i32, %c0_i32_0 : i32, i32
  }
  func.func @transform_2(%arg0: i32) -> (i32, i32) {
    %c0_i32 = arith.constant 0 : i32
    %c0_i32_0 = arith.constant 0 : i32
    return %arg0, %c0_i32 : i32, i32
  }
  func.func @transform_3(%arg0: i32) -> (i32, i32) {
    %c0_i32 = arith.constant 0 : i32
    %c0_i32_0 = arith.constant 0 : i32
    return %arg0, %c0_i32 : i32, i32
  }
  func.func @transform_4(%arg0: i32) -> (i32, i32) {
    %c0_i32 = arith.constant 0 : i32
    %c0_i32_0 = arith.constant 0 : i32
    return %arg0, %c0_i32 : i32, i32
  }
}

module attributes {stable_mosaic.version = 14 : i64} {
  func.func @_tc2_body(%arg0: i32, %arg1: memref<1x400x128xf32, #tpu.memory_space<vmem>>, %arg2: memref<1x400x128xf32, #tpu.memory_space<vmem>>, %arg3: memref<400x128xf32, #tpu.memory_space<vmem>>, %arg4: memref<400x1xf32, #tpu.memory_space<vmem>>, %arg5: memref<400x1xf32, #tpu.memory_space<vmem>>, %arg6: memref<128x128xf32, #tpu.memory_space<vmem>>, %arg7: memref<1x128xf32, #tpu.memory_space<vmem>>, %arg8: memref<1x128xf32, #tpu.memory_space<vmem>>, %arg9: memref<400x128xf32, #tpu.memory_space<vmem>>) attributes {dimension_semantics = [#tpu.dimension_semantics<arbitrary>], iteration_bounds = array<i64: 25>, scalar_prefetch = 0 : i64, scratch_operands = 0 : i64, tpu.core_type = #tpu.core_type<tc>, window_params = [{transform_indices = @transform_0, window_bounds = array<i64: 1, 400, 128>}, {transform_indices = @transform_1, window_bounds = array<i64: 1, 400, 128>}, {transform_indices = @transform_2, window_bounds = array<i64: 400, 128>}, {transform_indices = @transform_3, window_bounds = array<i64: 400, 1>}, {transform_indices = @transform_4, window_bounds = array<i64: 400, 1>}, {pipeline_mode = #tpu.pipeline_mode<synchronous>, transform_indices = @transform_5, window_bounds = array<i64: 128, 128>}, {pipeline_mode = #tpu.pipeline_mode<synchronous>, transform_indices = @transform_6, window_bounds = array<i64: 1, 128>}, {pipeline_mode = #tpu.pipeline_mode<synchronous>, transform_indices = @transform_7, window_bounds = array<i64: 1, 128>}, {transform_indices = @transform_8, window_bounds = array<i64: 400, 128>}]} {
    %get3A = arith.constant 0 : index
    %get3A_0 = arith.constant 0 : index
    %get3A_1 = vector.load %arg4[%get3A, %get3A_0] : memref<400x1xf32, #tpu.memory_space<vmem>>, vector<400x1xf32>
    %get3A_2 = arith.constant 0 : index
    %get3A_3 = arith.constant 0 : index
    %get3A_4 = vector.load %arg5[%get3A_2, %get3A_3] : memref<400x1xf32, #tpu.memory_space<vmem>>, vector<400x1xf32>
    %add3A = arith.addf %get3A_1, %get3A_4 : vector<400x1xf32>
    %add3A_5 = arith.constant 1.000000e+00 : f32
    %add3A_6 = vector.broadcast %add3A_5 : f32 to vector<400x1xf32>
    %add3A_7 = arith.addf %add3A, %add3A_6 : vector<400x1xf32>
    %rsqrt3A = math.rsqrt %add3A_7 : vector<400x1xf32>
    %get3A_8 = arith.constant 0 : index
    %get3A_9 = arith.constant 0 : index
    %get3A_10 = arith.constant 0 : index
    %get3A_11 = vector.load %arg1[%get3A_8, %get3A_9, %get3A_10] : memref<1x400x128xf32, #tpu.memory_space<vmem>>, vector<1x400x128xf32>
    %get3A_12 = vector.shape_cast %get3A_11 : vector<1x400x128xf32> to vector<400x128xf32>
    %get3A_13 = arith.constant 0 : index
    %get3A_14 = arith.constant 0 : index
    %get3A_15 = arith.constant 0 : index
    %get3A_16 = vector.load %arg2[%get3A_13, %get3A_14, %get3A_15] : memref<1x400x128xf32, #tpu.memory_space<vmem>>, vector<1x400x128xf32>
    %get3A_17 = vector.shape_cast %get3A_16 : vector<1x400x128xf32> to vector<400x128xf32>
    %add3A_18 = arith.addf %get3A_12, %get3A_17 : vector<400x128xf32>
    %get3A_19 = arith.constant 0 : index
    %get3A_20 = arith.constant 0 : index
    %get3A_21 = vector.load %arg3[%get3A_19, %get3A_20] : memref<400x128xf32, #tpu.memory_space<vmem>>, vector<400x128xf32>
    %add3A_22 = arith.addf %add3A_18, %get3A_21 : vector<400x128xf32>
    %mul3A = vector.broadcast %rsqrt3A : vector<400x1xf32> to vector<400x128xf32>
    %mul3A_23 = arith.mulf %mul3A, %add3A_22 : vector<400x128xf32>
    %get3A_24 = arith.constant 0 : index
    %get3A_25 = arith.constant 0 : index
    %get3A_26 = vector.load %arg7[%get3A_24, %get3A_25] : memref<1x128xf32, #tpu.memory_space<vmem>>, vector<1x128xf32>
    %add3A_27 = vector.broadcast %get3A_26 : vector<1x128xf32> to vector<400x128xf32>
    %add3A_28 = arith.addf %mul3A_23, %add3A_27 : vector<400x128xf32>
    %gt3A = arith.constant 0.000000e+00 : f32
    %gt3A_29 = vector.broadcast %gt3A : f32 to vector<400x128xf32>
    %gt3A_30 = arith.cmpf ogt, %add3A_28, %gt3A_29 : vector<400x128xf32>
    %get3A_31 = arith.constant 0 : index
    %get3A_32 = arith.constant 0 : index
    %get3A_33 = vector.load %arg8[%get3A_31, %get3A_32] : memref<1x128xf32, #tpu.memory_space<vmem>>, vector<1x128xf32>
    %mul3A_34 = vector.broadcast %get3A_33 : vector<1x128xf32> to vector<400x128xf32>
    %mul3A_35 = arith.mulf %mul3A_34, %add3A_28 : vector<400x128xf32>
    %select_n3A = arith.select %gt3A_30, %add3A_28, %mul3A_35 : vector<400x128xi1>, vector<400x128xf32>
    %get3A_36 = arith.constant 0 : index
    %get3A_37 = arith.constant 0 : index
    %get3A_38 = vector.load %arg6[%get3A_36, %get3A_37] : memref<128x128xf32, #tpu.memory_space<vmem>>, vector<128x128xf32>
    %dot_general3A = arith.constant dense<0.000000e+00> : vector<400x128xf32>
    %dot_general3A_39 = tpu.matmul %select_n3A, %get3A_38, %dot_general3A {dimension_numbers = #tpu.dot_dimension_numbers<[1], [0], [0], [1], [0, 0, 1, 1], [], []>, transpose_lhs_hint = false} : vector<400x128xf32>, vector<128x128xf32>, vector<400x128xf32> -> vector<400x128xf32>
    %mul3A_40 = vector.broadcast %rsqrt3A : vector<400x1xf32> to vector<400x128xf32>
    %mul3A_41 = arith.mulf %dot_general3A_39, %mul3A_40 : vector<400x128xf32>
    %swap3A = arith.constant 0 : index
    %swap3A_42 = arith.constant 0 : index
    %swap3A_43 = vector.load %arg9[%swap3A, %swap3A_42] : memref<400x128xf32, #tpu.memory_space<vmem>>, vector<400x128xf32>
    tpu.vector_store %arg9[%swap3A, %swap3A_42], %mul3A_41 {strides = array<i32>} : memref<400x128xf32, #tpu.memory_space<vmem>>, vector<400x128xf32>,
    return
  }
  func.func @transform_0(%arg0: i32) -> (i32, i32, i32) {
    %c0_i32 = arith.constant 0 : i32
    %c0_i32_0 = arith.constant 0 : i32
    %c0_i32_1 = arith.constant 0 : i32
    return %c0_i32, %arg0, %c0_i32_0 : i32, i32, i32
  }
  func.func @transform_1(%arg0: i32) -> (i32, i32, i32) {
    %c1_i32 = arith.constant 1 : i32
    %c0_i32 = arith.constant 0 : i32
    %c0_i32_0 = arith.constant 0 : i32
    return %c1_i32, %arg0, %c0_i32 : i32, i32, i32
  }
  func.func @transform_2(%arg0: i32) -> (i32, i32) {
    %c0_i32 = arith.constant 0 : i32
    %c0_i32_0 = arith.constant 0 : i32
    return %arg0, %c0_i32 : i32, i32
  }
  func.func @transform_3(%arg0: i32) -> (i32, i32) {
    %c0_i32 = arith.constant 0 : i32
    %c0_i32_0 = arith.constant 0 : i32
    return %arg0, %c0_i32 : i32, i32
  }
  func.func @transform_4(%arg0: i32) -> (i32, i32) {
    %c0_i32 = arith.constant 0 : i32
    %c0_i32_0 = arith.constant 0 : i32
    return %arg0, %c0_i32 : i32, i32
  }
  func.func @transform_5(%arg0: i32) -> (i32, i32) {
    %c0_i32 = arith.constant 0 : i32
    %c0_i32_0 = arith.constant 0 : i32
    %c0_i32_1 = arith.constant 0 : i32
    return %c0_i32, %c0_i32_0 : i32, i32
  }
  func.func @transform_6(%arg0: i32) -> (i32, i32) {
    %c0_i32 = arith.constant 0 : i32
    %c0_i32_0 = arith.constant 0 : i32
    %c0_i32_1 = arith.constant 0 : i32
    return %c0_i32, %c0_i32_0 : i32, i32
  }
  func.func @transform_7(%arg0: i32) -> (i32, i32) {
    %c0_i32 = arith.constant 0 : i32
    %c0_i32_0 = arith.constant 0 : i32
    %c0_i32_1 = arith.constant 0 : i32
    return %c0_i32, %c0_i32_0 : i32, i32
  }
  func.func @transform_8(%arg0: i32) -> (i32, i32) {
    %c0_i32 = arith.constant 0 : i32
    %c0_i32_0 = arith.constant 0 : i32
    return %arg0, %c0_i32 : i32, i32
  }
}

module attributes {stable_mosaic.version = 14 : i64} {
  func.func @_tc3_body(%arg0: i32, %arg1: memref<1x400x128xf32, #tpu.memory_space<vmem>>, %arg2: memref<1x400x128xf32, #tpu.memory_space<vmem>>, %arg3: memref<400x128xf32, #tpu.memory_space<vmem>>, %arg4: memref<400x1xf32, #tpu.memory_space<vmem>>, %arg5: memref<400x1xf32, #tpu.memory_space<vmem>>, %arg6: memref<1x128xf32, #tpu.memory_space<vmem>>, %arg7: memref<1x128xf32, #tpu.memory_space<vmem>>, %arg8: memref<400x128xf32, #tpu.memory_space<vmem>>) attributes {dimension_semantics = [#tpu.dimension_semantics<arbitrary>], iteration_bounds = array<i64: 25>, scalar_prefetch = 0 : i64, scratch_operands = 0 : i64, tpu.core_type = #tpu.core_type<tc>, window_params = [{transform_indices = @transform_0, window_bounds = array<i64: 1, 400, 128>}, {transform_indices = @transform_1, window_bounds = array<i64: 1, 400, 128>}, {transform_indices = @transform_2, window_bounds = array<i64: 400, 128>}, {transform_indices = @transform_3, window_bounds = array<i64: 400, 1>}, {transform_indices = @transform_4, window_bounds = array<i64: 400, 1>}, {pipeline_mode = #tpu.pipeline_mode<synchronous>, transform_indices = @transform_5, window_bounds = array<i64: 1, 128>}, {pipeline_mode = #tpu.pipeline_mode<synchronous>, transform_indices = @transform_6, window_bounds = array<i64: 1, 128>}, {transform_indices = @transform_7, window_bounds = array<i64: 400, 128>}]} {
    %get3A = arith.constant 0 : index
    %get3A_0 = arith.constant 0 : index
    %get3A_1 = vector.load %arg4[%get3A, %get3A_0] : memref<400x1xf32, #tpu.memory_space<vmem>>, vector<400x1xf32>
    %get3A_2 = arith.constant 0 : index
    %get3A_3 = arith.constant 0 : index
    %get3A_4 = vector.load %arg5[%get3A_2, %get3A_3] : memref<400x1xf32, #tpu.memory_space<vmem>>, vector<400x1xf32>
    %add3A = arith.addf %get3A_1, %get3A_4 : vector<400x1xf32>
    %add3A_5 = arith.constant 1.000000e+00 : f32
    %add3A_6 = vector.broadcast %add3A_5 : f32 to vector<400x1xf32>
    %add3A_7 = arith.addf %add3A, %add3A_6 : vector<400x1xf32>
    %rsqrt3A = math.rsqrt %add3A_7 : vector<400x1xf32>
    %get3A_8 = arith.constant 0 : index
    %get3A_9 = arith.constant 0 : index
    %get3A_10 = arith.constant 0 : index
    %get3A_11 = vector.load %arg1[%get3A_8, %get3A_9, %get3A_10] : memref<1x400x128xf32, #tpu.memory_space<vmem>>, vector<1x400x128xf32>
    %get3A_12 = vector.shape_cast %get3A_11 : vector<1x400x128xf32> to vector<400x128xf32>
    %get3A_13 = arith.constant 0 : index
    %get3A_14 = arith.constant 0 : index
    %get3A_15 = arith.constant 0 : index
    %get3A_16 = vector.load %arg2[%get3A_13, %get3A_14, %get3A_15] : memref<1x400x128xf32, #tpu.memory_space<vmem>>, vector<1x400x128xf32>
    %get3A_17 = vector.shape_cast %get3A_16 : vector<1x400x128xf32> to vector<400x128xf32>
    %add3A_18 = arith.addf %get3A_12, %get3A_17 : vector<400x128xf32>
    %get3A_19 = arith.constant 0 : index
    %get3A_20 = arith.constant 0 : index
    %get3A_21 = vector.load %arg3[%get3A_19, %get3A_20] : memref<400x128xf32, #tpu.memory_space<vmem>>, vector<400x128xf32>
    %add3A_22 = arith.addf %add3A_18, %get3A_21 : vector<400x128xf32>
    %mul3A = vector.broadcast %rsqrt3A : vector<400x1xf32> to vector<400x128xf32>
    %mul3A_23 = arith.mulf %mul3A, %add3A_22 : vector<400x128xf32>
    %get3A_24 = arith.constant 0 : index
    %get3A_25 = arith.constant 0 : index
    %get3A_26 = vector.load %arg6[%get3A_24, %get3A_25] : memref<1x128xf32, #tpu.memory_space<vmem>>, vector<1x128xf32>
    %add3A_27 = vector.broadcast %get3A_26 : vector<1x128xf32> to vector<400x128xf32>
    %add3A_28 = arith.addf %mul3A_23, %add3A_27 : vector<400x128xf32>
    %gt3A = arith.constant 0.000000e+00 : f32
    %gt3A_29 = vector.broadcast %gt3A : f32 to vector<400x128xf32>
    %gt3A_30 = arith.cmpf ogt, %add3A_28, %gt3A_29 : vector<400x128xf32>
    %get3A_31 = arith.constant 0 : index
    %get3A_32 = arith.constant 0 : index
    %get3A_33 = vector.load %arg7[%get3A_31, %get3A_32] : memref<1x128xf32, #tpu.memory_space<vmem>>, vector<1x128xf32>
    %mul3A_34 = vector.broadcast %get3A_33 : vector<1x128xf32> to vector<400x128xf32>
    %mul3A_35 = arith.mulf %mul3A_34, %add3A_28 : vector<400x128xf32>
    %select_n3A = arith.select %gt3A_30, %add3A_28, %mul3A_35 : vector<400x128xi1>, vector<400x128xf32>
    %swap3A = arith.constant 0 : index
    %swap3A_36 = arith.constant 0 : index
    %swap3A_37 = vector.load %arg8[%swap3A, %swap3A_36] : memref<400x128xf32, #tpu.memory_space<vmem>>, vector<400x128xf32>
    tpu.vector_store %arg8[%swap3A, %swap3A_36], %select_n3A {strides = array<i32>} : memref<400x128xf32, #tpu.memory_space<vmem>>, vector<400x128xf32>,
    return
  }
  func.func @transform_0(%arg0: i32) -> (i32, i32, i32) {
    %c0_i32 = arith.constant 0 : i32
    %c0_i32_0 = arith.constant 0 : i32
    %c0_i32_1 = arith.constant 0 : i32
    return %c0_i32, %arg0, %c0_i32_0 : i32, i32, i32
  }
  func.func @transform_1(%arg0: i32) -> (i32, i32, i32) {
    %c1_i32 = arith.constant 1 : i32
    %c0_i32 = arith.constant 0 : i32
    %c0_i32_0 = arith.constant 0 : i32
    return %c1_i32, %arg0, %c0_i32 : i32, i32, i32
  }
  func.func @transform_2(%arg0: i32) -> (i32, i32) {
    %c0_i32 = arith.constant 0 : i32
    %c0_i32_0 = arith.constant 0 : i32
    return %arg0, %c0_i32 : i32, i32
  }
  func.func @transform_3(%arg0: i32) -> (i32, i32) {
    %c0_i32 = arith.constant 0 : i32
    %c0_i32_0 = arith.constant 0 : i32
    return %arg0, %c0_i32 : i32, i32
  }
  func.func @transform_4(%arg0: i32) -> (i32, i32) {
    %c0_i32 = arith.constant 0 : i32
    %c0_i32_0 = arith.constant 0 : i32
    return %arg0, %c0_i32 : i32, i32
  }
  func.func @transform_5(%arg0: i32) -> (i32, i32) {
    %c0_i32 = arith.constant 0 : i32
    %c0_i32_0 = arith.constant 0 : i32
    %c0_i32_1 = arith.constant 0 : i32
    return %c0_i32, %c0_i32_0 : i32, i32
  }
  func.func @transform_6(%arg0: i32) -> (i32, i32) {
    %c0_i32 = arith.constant 0 : i32
    %c0_i32_0 = arith.constant 0 : i32
    %c0_i32_1 = arith.constant 0 : i32
    return %c0_i32, %c0_i32_0 : i32, i32
  }
  func.func @transform_7(%arg0: i32) -> (i32, i32) {
    %c0_i32 = arith.constant 0 : i32
    %c0_i32_0 = arith.constant 0 : i32
    return %arg0, %c0_i32 : i32, i32
  }
}

</mosaic_0001>

<sc_bundles>
// kernel: kernel.11.cloned.1.call-start
scs
__scs_entry_jumppad:
0x0: {  	(pc) =	sbr.rel $0x88, $3  }
0x1: {  	(tag) =	ssettag $0x0;
	lr =	simm.s32 $0x1  }
0x2: {  	[smem:$0x3F99] =	sst lr;
	_ =	strace $0xD0000000  }
0x3: {  	_ = 	snop  }
0x4: {  	_ = 	snop  }
0x5: {  	_ = 	snop  }
0x6: {  	_ = 	snop  }
0x7: {  	_ = 	snop  }
__scs_overlays_trampoline_lowered:
0x8: {  	[smem:$0x3FA8] =	sst s0  }
0x9: {  	[smem:$0x3FA9] =	sst s1  }
0xa: {  	[smem:$0x3FAA] =	sst s2  }
0xb: {  	[smem:$0x3FAB] =	sst s3  }
0xc: {  	[smem:$0x3FAC] =	sst s4  }
0xd: {  	[smem:$0x3FAD] =	sst s5  }
0xe: {  	[smem:$0x3FAE] =	sst s6  }
0xf: {  	[smem:$0x3FAF] =	sst s7  }
0x10: {  	[smem:$0x3FB0] =	sst s8  }
0x11: {  	[smem:$0x3FB1] =	sst s9;
	s0 =	simm.s32 @!p0 $0x0  }
0x12: {  	s1 =	sld [smem:$0x3F97];
	s0 =	simm.s32 @p0 $0x1  }
0x13: {  	[smem:$0x3FB2] =	sst s0;
	s0 =	simm.s32 @!p1 $0x0  }
0x14: {  	s2 =	sld [smem:$0x3F96];
	s0 =	simm.s32 @p1 $0x1  }
0x15: {  	[smem:$0x3FB3] =	sst s0;
	s0 =	simm.s32 @!p2 $0x0  }
0x16: {  	s3 =	sld [smem:$0x3FDB];
	s0 =	simm.s32 @p2 $0x1  }
0x17: {  	s4 =	simm.s32 $0x1BF5;
	[smem:$0x3FB5] =	sst s0  }
0x18: {  	s0 =	sld [smem:$0x3F98];
	_ =	swait.ge [sflag:s4], $0x0  }
0x19: {  	s7 =	sld [smem:$0x3F99]  }
0x1a: {  	s8 =	sadd.s32 $0xFFFFE003, lr  }
0x1b: {  	s9 =	sadd.s32 $0xFFFFFEF7, lr;
	s5 =	simm.s32 $0xFFFFFFFF;
	p2 =	slt.u32 s8, $0xFFFFF086  }
0x1c: {  	p1 =	slt.u32 s9, $0xF7A;
	s5 =	simm.s32 @!p2 $0x0  }
0x1d: {  	s5 =	simm.s32 @p1 $0x1;
	p0 =	seq.s32 s7, s2  }
0x1e: {  	s7 =	smul.u32 @!p0 $0xF7A, s2;
	p2 =	seq.s32 @!p0 s5, $0x0  }
0x1f: {  	s9 =	smul.u32 $0xF7A, s1;
	s8 =	simm.s32 @!p0 $0x1BF5;
	p2 =	por !p2, p0  }
0x20: {  	[sflag:s8] =	ssyncset.s32 @!p0 $0xFFFFF086;
	s6 =	sadd.s32 @!p0 s3, s7;
	s7 =	simm.s32 @!p0 $0x108  }
0x21: {  	s3 =	sadd.s32 s3, s9;
	s6 =	sadd.s32 @!p0 $0x88, s6;
	s7 =	simm.s32 @p2 $0x1082  }
0x22: {  	[simem:s7], [sflag:s8] =	dma.local @!p0 [hbm:s6], $0xF7A  }
0x23: {  	s9 =	sor.u32 $0xD0000000, s2;
	s6 =	simm.s32 $0x108;
	_ =	swait.ge @!p0 [sflag:s8], $0x0  }
0x24: {  	s3 =	sadd.s32 $0x88, s3;
	s6 =	simm.s32 @!p1 $0x1082;
	[sflag:s4] =	ssyncset.s32 $0xFFFFF086  }
0x25: {  	[simem:s6], [sflag:s4] =	dma.local [hbm:s3], $0xF7A  }
0x26: {  	[smem:$0x3F99] =	sst s1;
	(tag) =	ssettag s2;
	_ =	strace s9  }
0x27: {  	s1 =	sld [smem:$0x3FA9]  }
0x28: {  	s2 =	sld [smem:$0x3FAA]  }
0x29: {  	s4 =	sld [smem:$0x3FAC]  }
0x2a: {  	p0 =	seq.s32 s5, $0x0;
	s5 =	sld [smem:$0x3FAD]  }
0x2b: {  	s6 =	sld [smem:$0x3FAE]  }
0x2c: {  	s7 =	sld [smem:$0x3FAF]  }
0x2d: {  	s3 =	simm.s32 $0x108;
	s8 =	sld [smem:$0x3FB0]  }
0x2e: {  	s3 =	simm.s32 @!p0 $0x1082;
	s9 =	sld [smem:$0x3FB1]  }
0x2f: {  	lr =	sadd.s32 s0, s3;
	s0 =	sld [smem:$0x3FA8]  }
0x30: {  	s3 =	sld [smem:$0x3FAB]  }
0x31: {  	[smem:$0x3FB4] =	sst s10  }
0x32: {  	s10 =	sld [smem:$0x3FB2];
	_ =	sdelay $0x3  }
0x33: {  	p0 =	seq.s32 s10, $0x1;
	s10 =	sld [smem:$0x3FB4];
	_ =	sdelay $0x3  }
0x34: {  	[smem:$0x3FB4] =	sst s10  }
0x35: {  	s10 =	sld [smem:$0x3FB3];
	_ =	sdelay $0x3  }
0x36: {  	p1 =	seq.s32 s10, $0x1;
	s10 =	sld [smem:$0x3FB4];
	_ =	sdelay $0x3  }
0x37: {  	[smem:$0x3FB4] =	sst s10  }
0x38: {  	s10 =	sld [smem:$0x3FB5]  }
0x39: {  	_ = 	snop;
	(pc) =	sbr.ind lr, $3  }
0x3a: {  	_ = 	snop  }
0x3b: {  	_ = 	snop  }
0x3c: {  	p2 =	seq.s32 s10, $0x1;
	s10 =	sld [smem:$0x3FB4]  }
0x3d: {  	_ =	shalt  }
0x3e: {  	_ =	shalt  }
0x3f: {  	_ =	shalt  }
0x40: {  	_ =	shalt  }
0x41: {  	_ =	shalt  }
0x42: {  	_ =	shalt  }
0x43: {  	_ =	shalt  }
0x44: {  	_ =	shalt  }
0x45: {  	_ =	shalt  }
0x46: {  	_ =	shalt  }
0x47: {  	_ =	shalt  }
0x48: {  	_ =	shalt  }
0x49: {  	_ =	shalt  }
0x4a: {  	_ =	shalt  }
0x4b: {  	_ =	shalt  }
0x4c: {  	_ =	shalt  }
0x4d: {  	_ =	shalt  }
0x4e: {  	_ =	shalt  }
0x4f: {  	_ =	shalt  }
0x50: {  	_ =	shalt  }
0x51: {  	_ =	shalt  }
0x52: {  	_ =	shalt  }
0x53: {  	_ =	shalt  }
0x54: {  	_ =	shalt  }
0x55: {  	_ =	shalt  }
0x56: {  	_ =	shalt  }
0x57: {  	_ =	shalt  }
0x58: {  	_ =	shalt  }
0x59: {  	_ =	shalt  }
0x5a: {  	_ =	shalt  }
0x5b: {  	_ =	shalt  }
0x5c: {  	_ =	shalt  }
0x5d: {  	_ =	shalt  }
0x5e: {  	_ =	shalt  }
0x5f: {  	_ =	shalt  }
0x60: {  	_ =	shalt  }
0x61: {  	_ =	shalt  }
0x62: {  	_ =	shalt  }
0x63: {  	_ =	shalt  }
0x64: {  	_ =	shalt  }
0x65: {  	_ =	shalt  }
0x66: {  	_ =	shalt  }
0x67: {  	_ =	shalt  }
0x68: {  	_ =	shalt  }
0x69: {  	_ =	shalt  }
0x6a: {  	_ =	shalt  }
0x6b: {  	_ =	shalt  }
0x6c: {  	_ =	shalt  }
0x6d: {  	_ =	shalt  }
0x6e: {  	_ =	shalt  }
0x6f: {  	_ =	shalt  }
0x70: {  	_ =	shalt  }
0x71: {  	_ =	shalt  }
0x72: {  	_ =	shalt  }
0x73: {  	_ =	shalt  }
0x74: {  	_ =	shalt  }
0x75: {  	_ =	shalt  }
0x76: {  	_ =	shalt  }
0x77: {  	_ =	shalt  }
0x78: {  	_ =	shalt  }
0x79: {  	_ =	shalt  }
0x7a: {  	_ =	shalt  }
0x7b: {  	_ =	shalt  }
0x7c: {  	_ =	shalt  }
0x7d: {  	_ =	shalt  }
0x7e: {  	_ =	shalt  }
0x7f: {  	_ =	shalt  }
0x80: {  	_ =	shalt  }
0x81: {  	_ =	shalt  }
0x82: {  	_ =	shalt  }
0x83: {  	_ =	shalt  }
0x84: {  	_ =	shalt  }
0x85: {  	_ =	shalt  }
0x86: {  	_ =	shalt  }
0x87: {  	_ =	shalt  }
.Lfunc_end0:
.L_simem_size_0:
called_computation.1_lowered:
.L_overlay_start_0:
0x88: {  	s2 =	sld [smem:$0x3FD9]  }
0x89: {  	s3 =	sld [smem:$0x3FFE];
	_ =	sdelay $0x1  }
0x8a: {  	s1 =	srdreg.scid  }
0x8b: {  	s0 =	sand.u32 $0x1, s1  }
0x8c: {  	s17 =	sshll.u32 s0, $0xA;
	s2 =	sadd.s32 s3, s2  }
0x8d: {  	s2 =	sadd.s32 s2, s17  }
0x8e: {  	[smem:$0x3FC0] =	sst s2  }
0x8f: {  	_ = 	snop  }
0x90: {  	s2 =	sld [smem:$0x3FD0];
	(tm) =	ssettm $0x1  }
0x91: {  	s18 =	sld [smem:$0x3FFB];
	_ =	sdelay $0x3  }
0x92: {  	_ =	strace s18  }
0x93: {  	s3 =	sld [smem:$0x3FFC];
	_ =	sdelay $0x3  }
0x94: {  	_ =	strace s3  }
0x95: {  	s3 =	sld [smem:$0x3FFD];
	_ =	sdelay $0x3  }
0x96: {  	_ =	strace s3  }
0x97: {  	_ =	strace $0x8FFFFFFF  }
0x98: {  	s19 =	sld [smem:$0x3FDB];
	_ =	sdelay $0x1  }
0x99: {  	s4 =	simm.s32 $_scs_section_size  }
0x9a: {  	s5 =	simm.s32 $_size__tile_overlayer_lowered;
	s6 =	simm.s32 $_tile_overlayer_lowered  }
0x9b: {  	s22 =	simm.s32 $0x1BFF;
	s21 =	sshll.u32 s6, $0x1;
	s3 =	sadd.s32 s4, s19  }
0x9c: {  	s7 =	simm.s32 $0x0;
	s20 =	sshll.u32 s5, $0x1;
	s5 =	sadd.s32 s21, s3  }
0x9d: {  	[timem:s7], [sflag:s22] =	dma.local [hbm:s5], s20  }
0x9e: {  	_ =	swait.ge [sflag:s22], s20  }
0x9f: {  	s4 =	ssub.s32 $0x0, s20;
	[sflag:s22] =	ssyncset.done $0x0  }
0xa0: {  	[sflag:s22] =	ssyncadd.s32 s4;
	_ =	sdelay $0x1  }
0xa1: {  	s23 =	simm.s32 $0x1B8B  }
0xa2: {  	_ =	swait.ge [sflag:s23], $0x1  }
0xa3: {  	[sflag:s23] =	ssyncset.done $0x0  }
0xa4: {  	s25 =	simm.s32 $0x1B8E;
	s24 =	sld [smem:$0x3FFE];
	[sflag:s23] =	ssyncadd.s32 $0xFFFFFFFF  }
0xa5: {  	s26 =	simm.s32 $execute0_lowered;
	[smem:$0x3FD2] =	sst s25  }
0xa6: {  	s5 =	sshll.u32 s26, $0x1;
	_ =	strace $0x80000049;
	[dreg:$0x1] =	wrdreg $0xFFFFFFFF  }
0xa7: {  	s28 =	simm.s32 $_size_execute0_lowered;
	s3 =	sadd.s32 s3, s5;
	[dreg:$0x0] =	wrdreg $0x0  }
0xa8: {  	s5 =	sshll.u32 s28, $0x1;
	[dreg:$0x2] =	wrdreg s3  }
0xa9: {  	[dreg:$0x3] =	wrdreg s5  }
0xaa: {  	[dreg:$0x4] =	wrdreg $0xC0  }
0xab: {  	_ =	task [dreg:s7], $0x5FFFF  }
0xac: {  	[dreg:$0x1] =	wrdreg $0xFFFFFFFF  }
0xad: {  	[dreg:$0x0] =	wrdreg $0x60  }
0xae: {  	[dreg:$0x2] =	wrdreg s2  }
0xaf: {  	[dreg:$0x3] =	wrdreg s24  }
0xb0: {  	[dreg:$0x4] =	wrdreg $0xA8000  }
0xb1: {  	[dreg:$0x5] =	wrdreg $0x9  }
0xb2: {  	_ =	task.clear_ibuf [dreg:s7], $0x6FFFF;
	_ =	strace $0x90000049  }
0xb3: {  	s29 =	simm.s32 $0x9;
	_ =	strace $0x8000004B  }
0xb4: {  	_ =	swait.ge [sflag:s29], $0x1  }
0xb5: {  	[sflag:s29] =	ssyncadd.s32 $0xFFFFFFFF  }
0xb6: {  	_ =	strace $0x9000004B  }
0xb7: {  	_ =	sfence  }
0xb8: {  	s30 =	sld [smem:$0x0];
	_ =	sdelay $0x2  }
0xb9: {  	s31 =	sshll.u32 s1, $0xD;
	s1 =	sshrl.u32 s1, $0x2  }
0xba: {  	s3 =	sand.u32 $0x4000, s31;
	s1 =	sadd.s32 s1, s30  }
0xbb: {  	s0 =	sor.u32 s3, s0;
	s1 =	sshll.u32 s1, $0x11  }
0xbc: {  	s0 =	sor.u32 s1, s0  }
0xbd: {  	s0 =	sadd.s32 $0x8F2B, s0  }
0xbe: {  	[sflag:s0] =	ssyncadd.remote.s32 $0x1  }
0xbf: {  	_ =	sfence.sel $0xFFFF  }
0xc0: {  	[dreg:$0x0] =	wrdreg $0xFFFFFFFF;
	(pc) =	sbr.abs _section_cstart, $3  }
0xc1: {  	[dreg:$0x1] =	wrdreg $0xFFFFFFFF  }
0xc2: {  	_ =	task.clear_ibuf [dreg:s7], $0x2FFFF;
	_ =	strace $0x9FFFFFFF  }
0xc3: {  	(tm) =	ssettm $0x7FFFFFFF  }
tec
execute0_lowered:
.L_overlay_start_1:
0x0: {  	(tag) =	ssettag $0x1  }
0x1: {  	s1 =	rddreg [dreg:$0x0]  }
0x2: {  	s0 =	rddreg [dreg:$0x1]  }
0x3: {  	s3 =	rddreg [dreg:$0x2]  }
0x4: {  	s2 =	srdreg.scid;
	s10 =	stileid.u32;
	s4 =	simm.s32 $0x0  }
0x5: {  	s13 =	simm.s32 $0x6;
	s28 =	simm.s32 $0x3000;
	s29 =	simm.s32 $0x1  }
0x6: {  	s30 =	simm.s32 $0x2;
	s2 =	sand.u32 $0x1, s2;
	s6 =	smul.u32 $0x14000, s10  }
0x7: {  	s31 =	simm.s32 $0x400;
	s5 =	smul.u32 $0x140000, s2;
	s7 =	sshll.u32 s2, $0x4  }
0x8: {  	s11 =	simm.s32 $0x8000;
	s7 =	sor.u32 s10, s7;
	s10 =	smul.u32 $0x50000, s10  }
0x9: {  	s2 =	ssub.s32 $0x2, s2;
	s8 =	sadd.s32 s6, s5;
	s5 =	smul.u32 $0x7D, s7  }
0xa: {  	[smem:$0x7FF] =	sst s4;
	s16 =	sshrl.u32 s2, $0x1;
	s9 =	smul.u32 $0xFA00, s7  }
0xb: {  	_ =	strace $0x8000004A;
	s7 =	smul.u32 $0x1F40, s7;
	s2 =	ssub.s32 s2, s16  }
0xc: {  	s6 =	sadd.s32 $0x2E00, s0;
	s8 =	sshrl.u32 s8, $0x3;
	s19 =	smax.u32 s2, $0x1  }
0xd: {  	s18 =	sshrl.u32 s10, $0x2;
	s7 =	sadd.s32 s6, s7;
	[dreg:$0x8] =	wrdreg s19  }
0xe: {  	s0 =	sadd.s32 s8, s0;
	s15 =	sadd.s32 s18, s3;
	[dreg:$0x4] =	wrdreg s7  }
0xf: {  	s14 =	simm.s32 $0x4;
	s0 =	sadd.s32 $0x41600, s0;
	[dreg:$0x7] =	wrdreg s15  }
0x10: {  	s12 =	simm.s32 $0x0;
	s20 =	sadd.s32 $0x2800, s15;
	[dreg:$0x6] =	wrdreg s0  }
0x11: {  	s2 =	simm.s32 $0x3;
	s21 =	sadd.s32 $0x5000, s15;
	[dreg:$0x9] =	wrdreg s20  }
0x12: {  	s9 =	sshrl.u32 s9, $0x3;
	s22 =	sadd.s32 $0x7800, s15;
	[dreg:$0xa] =	wrdreg s21  }
0x13: {  	s10 =	sadd.s32 $0x5, s5;
	s23 =	sadd.s32 $0xA000, s15;
	[dreg:$0xb] =	wrdreg s22  }
0x14: {  	s17 =	sadd.s32 s6, s9;
	s24 =	sadd.s32 $0xC800, s15;
	[dreg:$0xc] =	wrdreg s23  }
0x15: {  	s9 =	sadd.s32 $0x4, s5;
	s25 =	sadd.s32 $0xF000, s15;
	[dreg:$0xd] =	wrdreg s24  }
0x16: {  	s26 =	sadd.s32 $0x11800, s15;
	s7 =	sadd.s32 $0x40, s17;
	[dreg:$0xe] =	wrdreg s25  }
0x17: {  	[dreg:$0xf] =	wrdreg s26;
	s21 =	simm.s32 $0x5800;
	s23 =	simm.s32 $0x200  }
0x18: {  	s24 =	simm.s32 $0x5;
	s25 =	simm.s32 $0x50;
	s26 =	simm.s32 $0x800  }
0x19: {  	v0 =	vimm.f32 $0.0e+00;
	s0 =	simm.s32 $0x80;
	[dreg:$0x5] =	wrdreg s7;
	s7 =	simm.s32 $0x600  }
.LBB2_1:
0x1a: {  	s8 =	sand.u32 $0xFE00, s4  }
0x1b: {  	[dreg:$0x10] =	wrdreg s12;
	s22 =	sand.u32 $0x70, s4;
	s16 =	sshrl.u32 s8, $0x2  }
0x1c: {  	s12 =	simm.s32 $0x0;
	s8 =	simm.s32 $0x40;
	s16 =	sor.u32 s22, s16  }
.LBB2_2:
0x1d: {  	p0 =	sne.s32 s8, $0x9FC0  }
0x1e: {  	[tilespmem:s16+$0x5800] =	vst v0;
	s12 =	sadd.s32 $0x10, s12;
	s16 =	smov.u32 s8;
	s8 =	sadd.s32 $0x40, s8  }
.Ltmp0:
0x1f: {  	(pc) =	sbr.rel @p0 .LBB2_2-.Ltmp0, $4  }
0x20: {  	_ = 	snop  }
0x21: {  	s16 =	sand.u32 $0xFE00, s16  }
0x22: {  	s17 =	sand.u32 $0x70, s12;
	s16 =	sshrl.u32 s16, $0x2  }
0x23: {  	s16 =	sor.u32 s17, s16  }
0x24: {  	[tilespmem:s16+$0x5800] =	vst v0  }
0x25: {  	[spmem:s15] =	stream.linear.scatter [tilespmem:s21], [sflag:$0x6], $0x2800, $0x38;
	[tilespmem:$0x1E800] =	vst v63  }
0x26: {  	_ =	swait.ge [sflag:s13], $0x2800  }
0x27: {  	[sflag:s13] =	ssyncset.done $0x0  }
0x28: {  	s8 =	rddreg [dreg:$0x9];
	[sflag:s13] =	ssyncadd.s32 $0xFFFFD800  }
0x29: {  	[spmem:s8] =	stream.linear.scatter [tilespmem:s21], [sflag:$0x6], $0x2800, $0x38;
	[tilespmem:$0x1E800] =	vst v63  }
0x2a: {  	_ =	swait.ge [sflag:s13], $0x2800  }
0x2b: {  	[sflag:s13] =	ssyncset.done $0x0  }
0x2c: {  	s12 =	rddreg [dreg:$0xa];
	[sflag:s13] =	ssyncadd.s32 $0xFFFFD800  }
0x2d: {  	[spmem:s12] =	stream.linear.scatter [tilespmem:s21], [sflag:$0x6], $0x2800, $0x38;
	[tilespmem:$0x1E800] =	vst v63  }
0x2e: {  	_ =	swait.ge [sflag:s13], $0x2800  }
0x2f: {  	[sflag:s13] =	ssyncset.done $0x0  }
0x30: {  	s15 =	rddreg [dreg:$0xb];
	[sflag:s13] =	ssyncadd.s32 $0xFFFFD800  }
0x31: {  	[spmem:s15] =	stream.linear.scatter [tilespmem:s21], [sflag:$0x6], $0x2800, $0x38;
	[tilespmem:$0x1E800] =	vst v63  }
0x32: {  	_ =	swait.ge [sflag:s13], $0x2800  }
0x33: {  	[sflag:s13] =	ssyncset.done $0x0  }
0x34: {  	s16 =	rddreg [dreg:$0xc];
	[sflag:s13] =	ssyncadd.s32 $0xFFFFD800  }
0x35: {  	[spmem:s16] =	stream.linear.scatter [tilespmem:s21], [sflag:$0x6], $0x2800, $0x38;
	[tilespmem:$0x1E800] =	vst v63  }
0x36: {  	_ =	swait.ge [sflag:s13], $0x2800  }
0x37: {  	[sflag:s13] =	ssyncset.done $0x0  }
0x38: {  	s17 =	rddreg [dreg:$0xd];
	[sflag:s13] =	ssyncadd.s32 $0xFFFFD800  }
0x39: {  	[spmem:s17] =	stream.linear.scatter [tilespmem:s21], [sflag:$0x6], $0x2800, $0x38;
	[tilespmem:$0x1E800] =	vst v63  }
0x3a: {  	_ =	swait.ge [sflag:s13], $0x2800  }
0x3b: {  	[sflag:s13] =	ssyncset.done $0x0  }
0x3c: {  	s18 =	rddreg [dreg:$0xe];
	[sflag:s13] =	ssyncadd.s32 $0xFFFFD800  }
0x3d: {  	[spmem:s18] =	stream.linear.scatter [tilespmem:s21], [sflag:$0x6], $0x2800, $0x38;
	[tilespmem:$0x1E800] =	vst v63  }
0x3e: {  	_ =	swait.ge [sflag:s13], $0x2800  }
0x3f: {  	[sflag:s13] =	ssyncset.done $0x0  }
0x40: {  	s19 =	rddreg [dreg:$0xf];
	[sflag:s13] =	ssyncadd.s32 $0xFFFFD800  }
0x41: {  	[spmem:s19] =	stream.linear.scatter [tilespmem:s21], [sflag:$0x6], $0x2800, $0x38;
	[tilespmem:$0x1E800] =	vst v63  }
0x42: {  	_ =	swait.ge [sflag:s13], $0x2800  }
0x43: {  	[sflag:s13] =	ssyncset.done $0x0  }
0x44: {  	[sflag:s13] =	ssyncadd.s32 $0xFFFFD800  }
0x45: {  	[bflag:$0x0] =	sbarrier.arrive $0xFFFF  }
0x46: {  	s17 =	simm.s32 $0x0;
	s20 =	rddreg [dreg:$0x4]  }
0x47: {  	[tilespmem:s17], [sflag:$0x5] =	stream.linear.gather [hbm4b:s20+s17], $0x180, $0x38;
	[tilespmem:$0x1E800] =	vst v63  }
0x48: {  	s22 =	rddreg [dreg:$0x5]  }
0x49: {  	[tilespmem:s23], [sflag:$0x5] =	stream.linear.gather [hbm4b:s22+s17], $0x180, $0x38;
	[tilespmem:$0x1E800] =	vst v63  }
0x4a: {  	_ =	swait.ge [sflag:s24], $0x180  }
0x4b: {  	[sflag:s24] =	ssyncset.done $0x0  }
0x4c: {  	[sflag:s24] =	ssyncadd.s32 $0xFFFFFE80  }
0x4d: {  	[tilespmem:s26], [sflag:$0x1] =	stream.indirect.gather [hbm4b:s1+s25], $0x80, s17, s25, $0xb8;
	[tilespmem:$0x1E800] =	vst v63  }
0x4e: {  	_ =	swait.ge [sflag:s24], $0x180  }
0x4f: {  	[sflag:s24] =	ssyncset.done $0x0  }
0x50: {  	s18 =	simm.s32 $0x0;
	[sflag:s24] =	ssyncadd.s32 $0xFFFFFE80  }
0x51: {  	[tilespmem:s28], [sflag:$0x2] =	stream.indirect.gather [hbm4b:s1+s25], $0x80, s23, s25, $0xb8;
	[tilespmem:$0x1E800] =	vst v63  }
.LBB2_4:
0x52: {  	s19 =	sshll.u32 s18, $0x2;
	p0 =	seq.s32 s18, $0x0  }
0x53: {  	_ =	swait.ge [sflag:s29], $0x2800;
	s8 =	sor.u32 @!p0 $0x2, s19  }
0x54: {  	[sflag:s29] =	ssyncset.done $0x0;
	s8 =	simm.s32 @p0 $0x2  }
0x55: {  	s12 =	simm.s32 @!p0 $0x3;
	[sflag:s29] =	ssyncadd.s32 $0xFFFFD800;
	s8 =	sadd.s32 s5, s8  }
0x56: {  	_ =	swait.ge @!p0 [sflag:s12], $0x2800;
	s8 =	sshll.u32 s8, $0x6  }
0x57: {  	[sflag:s12] =	ssyncset.done @!p0 $0x0;
	s8 =	sand.u32 $0x1FFFFFC0, s8  }
0x58: {  	s20 =	simm.s32 $0x0;
	[sflag:s12] =	ssyncadd.s32 @!p0 $0xFFFFD800;
	s8 =	sadd.s32 s6, s8  }
0x59: {  	[tilespmem:s31], [sflag:$0x5] =	stream.linear.gather [hbm4b:s8+s17], $0x180, $0x38;
	[tilespmem:$0x1E800] =	vst v63  }
.LBB2_5:
0x5a: {  	s22 =	sshll.u32 s20, $0x7  }
0x5b: {  	v3 =	vld [tilespmem:s22+$0x800]  }
0x5c: {  	v4 =	vld [tilespmem:s22+$0x810]  }
0x5d: {  	v5 =	vld [tilespmem:s22+$0x820]  }
0x5e: {  	v6 =	vld [tilespmem:s22+$0x830]  }
0x5f: {  	v7 =	vld [tilespmem:s22+$0x840]  }
0x60: {  	v8 =	vld [tilespmem:s22+$0x850]  }
0x61: {  	s8 =	sor.u32 $0x1, s20;
	v9 =	vld [tilespmem:s22+$0x860]  }
0x62: {  	v1 =	vmov s20;
	v2 =	vmov s8;
	v10 =	vld [tilespmem:s22+$0x870];
	s8 =	sshll.u32 s8, $0x7  }
0x63: {  	v1 =	vand.u32 $0x70, v1;
	v12 =	vld [tilespmem:s8+$0x800]  }
0x64: {  	v1 =	vor.u32 $0x100, v1;
	v13 =	vld [tilespmem:s8+$0x810]  }
0x65: {  	v14 =	vld [tilespmem:s8+$0x820];
	v1 =	vbroadcast v1, $0x0  }
0x66: {  	v15 =	vld [tilespmem:s8+$0x830]  }
0x67: {  	v16 =	vld [tilespmem:s8+$0x840]  }
0x68: {  	v17 =	vld [tilespmem:s8+$0x850]  }
0x69: {  	v18 =	vld [tilespmem:s8+$0x860]  }
0x6a: {  	s12 =	sor.u32 $0x2, s20;
	v19 =	vld [tilespmem:s8+$0x870]  }
0x6b: {  	s16 =	sshll.u32 s12, $0x7;
	v2 =	vand.u32 $0x71, v2;
	v1 =	vld.idx.msk [tilespmem:v1+s4+$0x0], $0xffff  }
0x6c: {  	v21 =	vld [tilespmem:s16+$0x800];
	v2 =	vor.u32 $0x100, v2  }
0x6d: {  	v22 =	vld [tilespmem:s16+$0x810];
	v2 =	vbroadcast v2, $0x0  }
0x6e: {  	v23 =	vld [tilespmem:s16+$0x820]  }
0x6f: {  	v24 =	vld [tilespmem:s16+$0x830]  }
0x70: {  	v26 =	vld [tilespmem:s16+$0x840];
	v3 =	vmul.f32 v1, v3  }
0x71: {  	v28 =	vld [tilespmem:s16+$0x850];
	v4 =	vmul.f32 v1, v4  }
0x72: {  	v11 =	vmov s12;
	v29 =	vld [tilespmem:s16+$0x860];
	[tilespmem:s22+$0x5800] =	vst v3;
	v3 =	vmul.f32 v1, v5  }
0x73: {  	s13 =	sor.u32 $0x3, s20;
	v11 =	vand.u32 $0x72, v11;
	v2 =	vld.idx.msk [tilespmem:v2+s4+$0x0], $0xffff;
	v27 =	vmul.f32 v1, v6;
	[tilespmem:s22+$0x5810] =	vst v4  }
0x74: {  	s12 =	sshll.u32 s13, $0x7;
	v31 =	vld [tilespmem:s16+$0x870];
	v11 =	vor.u32 $0x100, v11;
	[tilespmem:s22+$0x5820] =	vst v3;
	v3 =	vmul.f32 v1, v7  }
0x75: {  	v20 =	vmov s13;
	v34 =	vld [tilespmem:s12+$0x800];
	v11 =	vbroadcast v11, $0x0;
	v30 =	vmul.f32 v1, v8;
	[tilespmem:s22+$0x5830] =	vst v27  }
0x76: {  	v20 =	vand.u32 $0x73, v20;
	v36 =	vld [tilespmem:s12+$0x810];
	[tilespmem:s22+$0x5840] =	vst v3;
	v3 =	vmul.f32 v1, v9  }
0x77: {  	v37 =	vld [tilespmem:s12+$0x820];
	v20 =	vor.u32 $0x100, v20;
	[tilespmem:s22+$0x5850] =	vst v30;
	v1 =	vmul.f32 v1, v10  }
0x78: {  	v38 =	vld [tilespmem:s12+$0x830];
	v20 =	vbroadcast v20, $0x0;
	[tilespmem:s22+$0x5860] =	vst v3;
	v3 =	vmul.f32 v2, v12  }
0x79: {  	v39 =	vld [tilespmem:s12+$0x840];
	[tilespmem:s22+$0x5870] =	vst v1;
	v1 =	vmul.f32 v2, v13  }
0x7a: {  	v40 =	vld [tilespmem:s12+$0x850];
	[tilespmem:s8+$0x5800] =	vst v3;
	v3 =	vmul.f32 v2, v14  }
0x7b: {  	v11 =	vld.idx.msk [tilespmem:v11+s4+$0x0], $0xffff;
	[tilespmem:s8+$0x5810] =	vst v1;
	v1 =	vmul.f32 v2, v15  }
0x7c: {  	v41 =	vld [tilespmem:s12+$0x860];
	[tilespmem:s8+$0x5820] =	vst v3;
	v3 =	vmul.f32 v2, v16  }
0x7d: {  	s15 =	sor.u32 $0x4, s20;
	v42 =	vld [tilespmem:s12+$0x870];
	[tilespmem:s8+$0x5830] =	vst v1;
	v1 =	vmul.f32 v2, v17  }
0x7e: {  	v33 =	vmov s15;
	v32 =	vld.idx.msk [tilespmem:v20+s4+$0x0], $0xffff;
	s22 =	sshll.u32 s15, $0x7;
	[tilespmem:s8+$0x5840] =	vst v3;
	v3 =	vmul.f32 v2, v18  }
0x7f: {  	v35 =	vand.u32 $0x74, v33;
	v44 =	vld [tilespmem:s22+$0x800];
	[tilespmem:s8+$0x5850] =	vst v1;
	v1 =	vmul.f32 v2, v19  }
0x80: {  	v10 =	vor.u32 $0x100, v35;
	v45 =	vld [tilespmem:s22+$0x810];
	[tilespmem:s8+$0x5860] =	vst v3;
	v3 =	vmul.f32 v11, v21  }
0x81: {  	v10 =	vbroadcast v10, $0x0;
	v46 =	vld [tilespmem:s22+$0x820];
	[tilespmem:s8+$0x5870] =	vst v1;
	v1 =	vmul.f32 v11, v22  }
0x82: {  	v47 =	vld [tilespmem:s22+$0x830];
	[tilespmem:s16+$0x5800] =	vst v3;
	v3 =	vmul.f32 v11, v23  }
0x83: {  	v48 =	vld [tilespmem:s22+$0x840];
	[tilespmem:s16+$0x5810] =	vst v1;
	v1 =	vmul.f32 v11, v24  }
0x84: {  	v49 =	vld [tilespmem:s22+$0x850];
	[tilespmem:s16+$0x5820] =	vst v3;
	v3 =	vmul.f32 v11, v26  }
0x85: {  	v50 =	vld [tilespmem:s22+$0x860];
	[tilespmem:s16+$0x5830] =	vst v1;
	v1 =	vmul.f32 v11, v28  }
0x86: {  	s13 =	sor.u32 $0x5, s20;
	v51 =	vld [tilespmem:s22+$0x870];
	[tilespmem:s16+$0x5840] =	vst v3;
	v3 =	vmul.f32 v11, v29  }
0x87: {  	v43 =	vmov s13;
	v2 =	vld.idx.msk [tilespmem:v10+s4+$0x0], $0xffff;
	s8 =	sshll.u32 s13, $0x7;
	[tilespmem:s16+$0x5850] =	vst v1;
	v1 =	vmul.f32 v11, v31  }
0x88: {  	v10 =	vand.u32 $0x75, v43;
	v54 =	vld [tilespmem:s8+$0x800];
	[tilespmem:s16+$0x5860] =	vst v3;
	v3 =	vmul.f32 v32, v34  }
0x89: {  	v10 =	vor.u32 $0x100, v10;
	v55 =	vld [tilespmem:s8+$0x810];
	[tilespmem:s16+$0x5870] =	vst v1;
	v1 =	vmul.f32 v32, v36  }
0x8a: {  	v10 =	vbroadcast v10, $0x0;
	v56 =	vld [tilespmem:s8+$0x820];
	[tilespmem:s12+$0x5800] =	vst v3;
	v3 =	vmul.f32 v32, v37  }
0x8b: {  	v57 =	vld [tilespmem:s8+$0x830];
	[tilespmem:s12+$0x5810] =	vst v1;
	v1 =	vmul.f32 v32, v38  }
0x8c: {  	v58 =	vld [tilespmem:s8+$0x840];
	[tilespmem:s12+$0x5820] =	vst v3;
	v3 =	vmul.f32 v32, v39  }
0x8d: {  	v59 =	vld [tilespmem:s8+$0x850];
	[tilespmem:s12+$0x5830] =	vst v1;
	v1 =	vmul.f32 v32, v40  }
0x8e: {  	s15 =	sor.u32 $0x6, s20;
	v60 =	vld [tilespmem:s8+$0x860];
	[tilespmem:s12+$0x5840] =	vst v3;
	v3 =	vmul.f32 v32, v41  }
0x8f: {  	v53 =	vmov s15;
	v61 =	vld [tilespmem:s8+$0x870];
	s16 =	sor.u32 $0x7, s20;
	[tilespmem:s12+$0x5850] =	vst v1;
	v1 =	vmul.f32 v32, v42  }
0x90: {  	v52 =	vld.idx.msk [tilespmem:v10+s4+$0x0], $0xffff;
	v10 =	vand.u32 $0x76, v53;
	v62 =	vmov s16;
	s16 =	sshll.u32 s16, $0x7;
	[tilespmem:s12+$0x5860] =	vst v3;
	v3 =	vmul.f32 v2, v44  }
0x91: {  	v10 =	vor.u32 $0x100, v10;
	v33 =	vld [tilespmem:s16+$0x810];
	[tilespmem:s12+$0x5870] =	vst v1;
	v1 =	vmul.f32 v2, v45  }
0x92: {  	v10 =	vbroadcast v10, $0x0;
	v34 =	vld [tilespmem:s16+$0x820];
	[tilespmem:s22+$0x5800] =	vst v3;
	v3 =	vmul.f32 v2, v46  }
0x93: {  	v35 =	vld [tilespmem:s16+$0x830];
	[tilespmem:s22+$0x5810] =	vst v1;
	v1 =	vmul.f32 v2, v47  }
0x94: {  	v36 =	vld [tilespmem:s16+$0x840];
	[tilespmem:s22+$0x5820] =	vst v3;
	v3 =	vmul.f32 v2, v48  }
0x95: {  	v37 =	vld [tilespmem:s16+$0x850];
	[tilespmem:s22+$0x5830] =	vst v1;
	v1 =	vmul.f32 v2, v49  }
0x96: {  	v38 =	vld [tilespmem:s16+$0x860];
	[tilespmem:s22+$0x5840] =	vst v3;
	v3 =	vmul.f32 v2, v50  }
0x97: {  	v39 =	vld [tilespmem:s16+$0x870];
	[tilespmem:s22+$0x5850] =	vst v1;
	v1 =	vmul.f32 v2, v51  }
0x98: {  	v10 =	vld.idx.msk [tilespmem:v10+s4+$0x0], $0xffff;
	[tilespmem:s22+$0x5860] =	vst v3;
	v3 =	vmul.f32 v52, v54  }
0x99: {  	v32 =	vld [tilespmem:s16+$0x800];
	s12 =	sshll.u32 s15, $0x7;
	[tilespmem:s22+$0x5870] =	vst v1;
	v1 =	vmul.f32 v52, v55  }
0x9a: {  	v18 =	vand.u32 $0x77, v62;
	v63 =	vld [tilespmem:s12+$0x800];
	[tilespmem:s8+$0x5800] =	vst v3;
	v3 =	vmul.f32 v52, v56  }
0x9b: {  	v18 =	vor.u32 $0x100, v18;
	v24 =	vld [tilespmem:s12+$0x810];
	[tilespmem:s8+$0x5810] =	vst v1;
	v1 =	vmul.f32 v52, v57  }
0x9c: {  	v18 =	vbroadcast v18, $0x0;
	v25 =	vld [tilespmem:s12+$0x820];
	[tilespmem:s8+$0x5820] =	vst v3;
	v3 =	vmul.f32 v52, v58  }
0x9d: {  	v26 =	vld [tilespmem:s12+$0x830];
	[tilespmem:s8+$0x5830] =	vst v1;
	v1 =	vmul.f32 v52, v59  }
0x9e: {  	v27 =	vld [tilespmem:s12+$0x840];
	s22 =	sor.u32 $0x8, s20;
	[tilespmem:s8+$0x5840] =	vst v3;
	v3 =	vmul.f32 v52, v60  }
0x9f: {  	v28 =	vld [tilespmem:s12+$0x860];
	v31 =	vmov s22;
	[tilespmem:s8+$0x5850] =	vst v1;
	v1 =	vmul.f32 v52, v61  }
0xa0: {  	v2 =	vld [tilespmem:s12+$0x850];
	v13 =	vand.u32 $0x78, v31;
	[tilespmem:s8+$0x5860] =	vst v3;
	v3 =	vmul.f32 v10, v63  }
0xa1: {  	v29 =	vld [tilespmem:s12+$0x870];
	v13 =	vor.u32 $0x100, v13;
	[tilespmem:s8+$0x5870] =	vst v1;
	v1 =	vmul.f32 v10, v24  }
0xa2: {  	v30 =	vld.idx.msk [tilespmem:v18+s4+$0x0], $0xffff;
	v13 =	vbroadcast v13, $0x0;
	s8 =	sshll.u32 s22, $0x7;
	[tilespmem:s12+$0x5800] =	vst v3;
	v3 =	vmul.f32 v10, v25  }
0xa3: {  	v42 =	vld [tilespmem:s8+$0x800];
	[tilespmem:s12+$0x5810] =	vst v1;
	v1 =	vmul.f32 v10, v26  }
0xa4: {  	v43 =	vld [tilespmem:s8+$0x820];
	[tilespmem:s12+$0x5820] =	vst v3;
	v3 =	vmul.f32 v10, v27  }
0xa5: {  	v44 =	vld [tilespmem:s8+$0x830];
	[tilespmem:s12+$0x5830] =	vst v1;
	v1 =	vmul.f32 v10, v2  }
0xa6: {  	s13 =	sor.u32 $0x9, s20;
	v45 =	vld [tilespmem:s8+$0x840];
	[tilespmem:s12+$0x5840] =	vst v3;
	v3 =	vmul.f32 v10, v28  }
0xa7: {  	v41 =	vmov s13;
	v46 =	vld [tilespmem:s8+$0x850];
	[tilespmem:s12+$0x5850] =	vst v1;
	v1 =	vmul.f32 v10, v29  }
0xa8: {  	v40 =	vld.idx.msk [tilespmem:v13+s4+$0x0], $0xffff;
	v13 =	vand.u32 $0x79, v41;
	[tilespmem:s12+$0x5860] =	vst v3;
	v3 =	vmul.f32 v30, v32  }
0xa9: {  	v47 =	vld [tilespmem:s8+$0x860];
	v13 =	vor.u32 $0x100, v13;
	[tilespmem:s12+$0x5870] =	vst v1;
	v1 =	vmul.f32 v30, v33  }
0xaa: {  	v48 =	vld [tilespmem:s8+$0x870];
	v13 =	vbroadcast v13, $0x0;
	[tilespmem:s16+$0x5800] =	vst v3;
	v3 =	vmul.f32 v30, v34  }
0xab: {  	v2 =	vld [tilespmem:s8+$0x810];
	s12 =	sshll.u32 s13, $0x7;
	[tilespmem:s16+$0x5810] =	vst v1;
	v1 =	vmul.f32 v30, v35  }
0xac: {  	v51 =	vld [tilespmem:s12+$0x800];
	[tilespmem:s16+$0x5820] =	vst v3;
	v3 =	vmul.f32 v30, v36  }
0xad: {  	v52 =	vld [tilespmem:s12+$0x810];
	[tilespmem:s16+$0x5830] =	vst v1;
	v1 =	vmul.f32 v30, v37  }
0xae: {  	v53 =	vld [tilespmem:s12+$0x820];
	[tilespmem:s16+$0x5840] =	vst v3;
	v3 =	vmul.f32 v30, v38  }
0xaf: {  	v55 =	vld [tilespmem:s12+$0x830];
	[tilespmem:s16+$0x5850] =	vst v1;
	v1 =	vmul.f32 v30, v39  }
0xb0: {  	v49 =	vld.idx.msk [tilespmem:v13+s4+$0x0], $0xffff;
	[tilespmem:s16+$0x5860] =	vst v3;
	v3 =	vmul.f32 v40, v42  }
0xb1: {  	s22 =	sor.u32 $0xA, s20;
	[tilespmem:s16+$0x5870] =	vst v1;
	v1 =	vmul.f32 v40, v2;
	v2 =	vld [tilespmem:s12+$0x840]  }
0xb2: {  	v50 =	vmov s22;
	v56 =	vld [tilespmem:s12+$0x850];
	[tilespmem:s8+$0x5800] =	vst v3;
	v3 =	vmul.f32 v40, v43  }
0xb3: {  	v57 =	vld [tilespmem:s12+$0x860];
	v13 =	vand.u32 $0x7A, v50;
	[tilespmem:s8+$0x5810] =	vst v1;
	v1 =	vmul.f32 v40, v44  }
0xb4: {  	v58 =	vld [tilespmem:s12+$0x870];
	v13 =	vor.u32 $0x100, v13;
	s16 =	sshll.u32 s22, $0x7;
	[tilespmem:s8+$0x5820] =	vst v3;
	v3 =	vmul.f32 v40, v45  }
0xb5: {  	v54 =	vbroadcast v13, $0x0;
	v60 =	vld [tilespmem:s16+$0x800];
	[tilespmem:s8+$0x5830] =	vst v1;
	v1 =	vmul.f32 v40, v46  }
0xb6: {  	v61 =	vld [tilespmem:s16+$0x810];
	v2 =	vmul.f32 v49, v2;
	[tilespmem:s8+$0x5840] =	vst v3  }
0xb7: {  	v63 =	vld [tilespmem:s16+$0x820];
	[tilespmem:s8+$0x5850] =	vst v1;
	v1 =	vmul.f32 v40, v48  }
0xb8: {  	s13 =	sor.u32 $0xB, s20;
	v18 =	vld [tilespmem:s16+$0x830];
	v3 =	vmul.f32 v40, v47;
	[tilespmem:s12+$0x5840] =	vst v2  }
0xb9: {  	v59 =	vmov s13;
	v19 =	vld [tilespmem:s16+$0x840];
	[tilespmem:s8+$0x5870] =	vst v1;
	v1 =	vmul.f32 v49, v52  }
0xba: {  	v13 =	vand.u32 $0x7B, v59;
	v20 =	vld [tilespmem:s16+$0x850];
	v2 =	vmul.f32 v49, v57;
	[tilespmem:s8+$0x5860] =	vst v3  }
0xbb: {  	v62 =	vor.u32 $0x100, v13;
	s22 =	sor.u32 $0xC, s20;
	v12 =	vld.idx.msk [tilespmem:v54+s4+$0x0], $0xffff;
	[tilespmem:s12+$0x5810] =	vst v1;
	v1 =	vmul.f32 v49, v55  }
0xbc: {  	v9 =	vbroadcast v62, $0x0;
	v21 =	vld [tilespmem:s16+$0x870];
	s15 =	sshll.u32 s22, $0x7;
	v3 =	vmul.f32 v49, v51;
	[tilespmem:s12+$0x5860] =	vst v2  }
0xbd: {  	v32 =	vld [tilespmem:s15+$0x800];
	[tilespmem:s12+$0x5830] =	vst v1;
	v1 =	vmul.f32 v49, v56  }
0xbe: {  	v33 =	vld [tilespmem:s15+$0x810];
	[tilespmem:s12+$0x5800] =	vst v3;
	v3 =	vmul.f32 v49, v53  }
0xbf: {  	v34 =	vld [tilespmem:s15+$0x820];
	[tilespmem:s12+$0x5850] =	vst v1;
	v1 =	vmul.f32 v49, v58  }
0xc0: {  	v35 =	vld [tilespmem:s15+$0x830];
	v2 =	vmul.f32 v12, v60;
	[tilespmem:s12+$0x5820] =	vst v3  }
0xc1: {  	v3 =	vld [tilespmem:s16+$0x860];
	[tilespmem:s12+$0x5870] =	vst v1;
	v1 =	vmul.f32 v12, v61  }
0xc2: {  	v22 =	vmov s22;
	v9 =	vld.idx.msk [tilespmem:v9+s4+$0x0], $0xffff;
	s8 =	sshll.u32 s13, $0x7;
	[tilespmem:s16+$0x5800] =	vst v2;
	v2 =	vmul.f32 v12, v63  }
0xc3: {  	v10 =	vand.u32 $0x7C, v22;
	v23 =	vld [tilespmem:s8+$0x800];
	[tilespmem:s16+$0x5810] =	vst v1;
	v1 =	vmul.f32 v12, v18  }
0xc4: {  	v10 =	vor.u32 $0x100, v10;
	v24 =	vld [tilespmem:s8+$0x810];
	[tilespmem:s16+$0x5820] =	vst v2;
	v2 =	vmul.f32 v12, v19  }
0xc5: {  	v10 =	vbroadcast v10, $0x0;
	v25 =	vld [tilespmem:s8+$0x820];
	[tilespmem:s16+$0x5830] =	vst v1;
	v1 =	vmul.f32 v12, v20  }
0xc6: {  	v26 =	vld [tilespmem:s8+$0x830];
	[tilespmem:s16+$0x5840] =	vst v2;
	v2 =	vmul.f32 v12, v3  }
0xc7: {  	v27 =	vld [tilespmem:s8+$0x840];
	[tilespmem:s16+$0x5850] =	vst v1;
	v1 =	vmul.f32 v12, v21  }
0xc8: {  	v28 =	vld [tilespmem:s8+$0x850];
	[tilespmem:s16+$0x5860] =	vst v2;
	v2 =	vmul.f32 v9, v23  }
0xc9: {  	v29 =	vld [tilespmem:s8+$0x860];
	s12 =	sor.u32 $0xD, s20;
	[tilespmem:s16+$0x5870] =	vst v1;
	v1 =	vmul.f32 v9, v24  }
0xca: {  	v3 =	vld [tilespmem:s8+$0x870];
	v31 =	vmov s12;
	[tilespmem:s8+$0x5800] =	vst v2;
	v2 =	vmul.f32 v9, v25  }
0xcb: {  	v30 =	vld.idx.msk [tilespmem:v10+s4+$0x0], $0xffff;
	v10 =	vand.u32 $0x7D, v31;
	[tilespmem:s8+$0x5810] =	vst v1;
	v1 =	vmul.f32 v9, v26  }
0xcc: {  	v36 =	vld [tilespmem:s15+$0x840];
	v10 =	vor.u32 $0x100, v10;
	[tilespmem:s8+$0x5820] =	vst v2;
	v2 =	vmul.f32 v9, v27  }
0xcd: {  	s22 =	sor.u32 $0xE, s20;
	v37 =	vld [tilespmem:s15+$0x850];
	v10 =	vbroadcast v10, $0x0;
	[tilespmem:s8+$0x5830] =	vst v1;
	v1 =	vmul.f32 v9, v28  }
0xce: {  	v38 =	vld [tilespmem:s15+$0x860];
	v40 =	vmov s22;
	s22 =	sshll.u32 s22, $0x7;
	[tilespmem:s8+$0x5840] =	vst v2;
	v2 =	vmul.f32 v9, v29  }
0xcf: {  	v50 =	vld [tilespmem:s22+$0x800];
	[tilespmem:s8+$0x5850] =	vst v1;
	v1 =	vmul.f32 v9, v3  }
0xd0: {  	v54 =	vld [tilespmem:s22+$0x850];
	s13 =	sshll.u32 s12, $0x7;
	[tilespmem:s8+$0x5860] =	vst v2;
	v2 =	vmul.f32 v30, v32  }
0xd1: {  	v41 =	vld [tilespmem:s13+$0x800];
	[tilespmem:s8+$0x5870] =	vst v1;
	v1 =	vmul.f32 v30, v33  }
0xd2: {  	[tilespmem:s15+$0x5800] =	vst v2;
	v2 =	vmul.f32 v30, v34;
	v3 =	vld [tilespmem:s15+$0x870]  }
0xd3: {  	v39 =	vld.idx.msk [tilespmem:v10+s4+$0x0], $0xffff;
	v9 =	vand.u32 $0x7E, v40;
	[tilespmem:s15+$0x5810] =	vst v1;
	v1 =	vmul.f32 v30, v35  }
0xd4: {  	v42 =	vld [tilespmem:s13+$0x810];
	v9 =	vor.u32 $0x100, v9;
	[tilespmem:s15+$0x5820] =	vst v2;
	v2 =	vmul.f32 v30, v36  }
0xd5: {  	v43 =	vld [tilespmem:s13+$0x820];
	v9 =	vbroadcast v9, $0x0;
	[tilespmem:s15+$0x5830] =	vst v1;
	v1 =	vmul.f32 v30, v37  }
0xd6: {  	v44 =	vld [tilespmem:s13+$0x830];
	[tilespmem:s15+$0x5840] =	vst v2;
	v2 =	vmul.f32 v30, v38  }
0xd7: {  	v45 =	vld [tilespmem:s13+$0x840];
	[tilespmem:s15+$0x5850] =	vst v1;
	v1 =	vmul.f32 v30, v3  }
0xd8: {  	v46 =	vld [tilespmem:s13+$0x850];
	[tilespmem:s15+$0x5860] =	vst v2;
	v2 =	vmul.f32 v39, v41  }
0xd9: {  	s16 =	sor.u32 $0xF, s20;
	v3 =	vld [tilespmem:s13+$0x860];
	[tilespmem:s15+$0x5870] =	vst v1;
	v1 =	vmul.f32 v39, v42  }
0xda: {  	v47 =	vld [tilespmem:s13+$0x870];
	v49 =	vmov s16;
	[tilespmem:s13+$0x5800] =	vst v2;
	v2 =	vmul.f32 v39, v43  }
0xdb: {  	v48 =	vld.idx.msk [tilespmem:v9+s4+$0x0], $0xffff;
	v9 =	vand.u32 $0x7F, v49;
	[tilespmem:s13+$0x5810] =	vst v1;
	v1 =	vmul.f32 v39, v44  }
0xdc: {  	v51 =	vld [tilespmem:s22+$0x810];
	v9 =	vor.u32 $0x100, v9;
	[tilespmem:s13+$0x5820] =	vst v2;
	v2 =	vmul.f32 v39, v45  }
0xdd: {  	v52 =	vld [tilespmem:s22+$0x820];
	v9 =	vbroadcast v9, $0x0;
	[tilespmem:s13+$0x5830] =	vst v1;
	v1 =	vmul.f32 v39, v46  }
0xde: {  	v53 =	vld [tilespmem:s22+$0x830];
	[tilespmem:s13+$0x5840] =	vst v2;
	v2 =	vmul.f32 v39, v3  }
0xdf: {  	v3 =	vld [tilespmem:s22+$0x840];
	[tilespmem:s13+$0x5850] =	vst v1;
	v1 =	vmul.f32 v39, v47  }
0xe0: {  	v55 =	vld [tilespmem:s22+$0x860];
	[tilespmem:s13+$0x5860] =	vst v2;
	v2 =	vmul.f32 v48, v50  }
0xe1: {  	v56 =	vld [tilespmem:s22+$0x870];
	s8 =	sshll.u32 s16, $0x7;
	[tilespmem:s13+$0x5870] =	vst v1;
	v1 =	vmul.f32 v48, v51  }
0xe2: {  	v58 =	vld [tilespmem:s8+$0x800];
	[tilespmem:s22+$0x5800] =	vst v2;
	v2 =	vmul.f32 v48, v52  }
0xe3: {  	v57 =	vld.idx.msk [tilespmem:v9+s4+$0x0], $0xffff;
	[tilespmem:s22+$0x5810] =	vst v1;
	v1 =	vmul.f32 v48, v53  }
0xe4: {  	[tilespmem:s22+$0x5820] =	vst v2;
	v2 =	vmul.f32 v48, v3;
	v3 =	vld [tilespmem:s8+$0x810]  }
0xe5: {  	v59 =	vld [tilespmem:s8+$0x820];
	[tilespmem:s22+$0x5830] =	vst v1;
	v1 =	vmul.f32 v48, v54  }
0xe6: {  	v60 =	vld [tilespmem:s8+$0x830];
	[tilespmem:s22+$0x5840] =	vst v2;
	v2 =	vmul.f32 v48, v55  }
0xe7: {  	v61 =	vld [tilespmem:s8+$0x840];
	[tilespmem:s22+$0x5850] =	vst v1;
	v1 =	vmul.f32 v48, v56  }
0xe8: {  	v62 =	vld [tilespmem:s8+$0x850];
	[tilespmem:s22+$0x5860] =	vst v2;
	v2 =	vmul.f32 v57, v58  }
0xe9: {  	[tilespmem:s22+$0x5870] =	vst v1;
	v1 =	vmul.f32 v57, v3;
	v3 =	vld [tilespmem:s8+$0x860]  }
0xea: {  	v63 =	vld [tilespmem:s8+$0x870];
	[tilespmem:s8+$0x5800] =	vst v2;
	v2 =	vmul.f32 v57, v59  }
0xeb: {  	[tilespmem:s8+$0x5810] =	vst v1;
	v1 =	vmul.f32 v57, v60  }
0xec: {  	p1 =	slt.u32 s20, $0x40;
	[tilespmem:s8+$0x5820] =	vst v2;
	v2 =	vmul.f32 v57, v61  }
.Ltmp1:
0xed: {  	[tilespmem:s8+$0x5830] =	vst v1;
	v1 =	vmul.f32 v57, v62;
	(pc) =	sbr.rel @p1 .LBB2_5-.Ltmp1, $4  }
0xee: {  	[tilespmem:s8+$0x5840] =	vst v2;
	v2 =	vmul.f32 v57, v3  }
0xef: {  	[tilespmem:s8+$0x5850] =	vst v1;
	v1 =	vmul.f32 v57, v63  }
0xf0: {  	[tilespmem:s8+$0x5860] =	vst v2  }
0xf1: {  	s20 =	sadd.s32 $0x10, s20;
	[tilespmem:s8+$0x5870] =	vst v1  }
0xf2: {  	_ =	swait.ge [sflag:s24], $0x180  }
0xf3: {  	[sflag:s24] =	ssyncset.done $0x0  }
0xf4: {  	[sflag:s24] =	ssyncadd.s32 $0xFFFFFE80  }
0xf5: {  	[tilespmem:s26], [sflag:$0x1] =	stream.indirect.gather [hbm4b:s1+s25], $0x80, s31, s25, $0xb8;
	[tilespmem:$0x1E800] =	vst v63  }
0xf6: {  	_ = 	snop  }
0xf7: {  	[spmem:s3] =	stream.indirect.scatter.add.f32 [tilespmem:s21], [sflag:$0x3], $0x80, s0, s25, $0xb8;
	[tilespmem:$0x1E800] =	vst v63  }
0xf8: {  	s8 =	sor.u32 @!p0 $0x3, s19;
	_ =	swait.ge [sflag:s30], $0x2800  }
0xf9: {  	s8 =	simm.s32 @p0 $0x3;
	[sflag:s30] =	ssyncset.done $0x0  }
0xfa: {  	s12 =	simm.s32 @!p0 $0x4;
	s8 =	sadd.s32 s5, s8;
	[sflag:s30] =	ssyncadd.s32 $0xFFFFD800  }
0xfb: {  	s8 =	sshll.u32 s8, $0x6;
	_ =	swait.ge @!p0 [sflag:s12], $0x2800  }
0xfc: {  	s8 =	sand.u32 $0x1FFFFFC0, s8;
	[sflag:s12] =	ssyncset.done @!p0 $0x0  }
0xfd: {  	s20 =	simm.s32 $0x0;
	s8 =	sadd.s32 s6, s8;
	[sflag:s12] =	ssyncadd.s32 @!p0 $0xFFFFD800  }
0xfe: {  	[tilespmem:s7], [sflag:$0x5] =	stream.linear.gather [hbm4b:s8+s20], $0x180, $0x38;
	[tilespmem:$0x1E800] =	vst v63  }
.LBB2_7:
0xff: {  	s22 =	sshll.u32 s20, $0x7  }
0x100: {  	v3 =	vld [tilespmem:s22+$0x3000]  }
0x101: {  	v4 =	vld [tilespmem:s22+$0x3010]  }
0x102: {  	v5 =	vld [tilespmem:s22+$0x3020]  }
0x103: {  	v6 =	vld [tilespmem:s22+$0x3030]  }
0x104: {  	v7 =	vld [tilespmem:s22+$0x3040]  }
0x105: {  	v8 =	vld [tilespmem:s22+$0x3050]  }
0x106: {  	s8 =	sor.u32 $0x1, s20;
	v9 =	vld [tilespmem:s22+$0x3060]  }
0x107: {  	v1 =	vmov s20;
	v2 =	vmov s8;
	v10 =	vld [tilespmem:s22+$0x3070];
	s8 =	sshll.u32 s8, $0x7  }
0x108: {  	v1 =	vand.u32 $0x70, v1;
	v12 =	vld [tilespmem:s8+$0x3000]  }
0x109: {  	v1 =	vor.u32 $0x100, v1;
	v13 =	vld [tilespmem:s8+$0x3010]  }
0x10a: {  	v14 =	vld [tilespmem:s8+$0x3020];
	v1 =	vbroadcast v1, $0x0  }
0x10b: {  	v15 =	vld [tilespmem:s8+$0x3030]  }
0x10c: {  	v16 =	vld [tilespmem:s8+$0x3040]  }
0x10d: {  	v17 =	vld [tilespmem:s8+$0x3050]  }
0x10e: {  	v18 =	vld [tilespmem:s8+$0x3060]  }
0x10f: {  	s12 =	sor.u32 $0x2, s20;
	v19 =	vld [tilespmem:s8+$0x3070]  }
0x110: {  	s16 =	sshll.u32 s12, $0x7;
	v2 =	vand.u32 $0x71, v2;
	v1 =	vld.idx.msk [tilespmem:v1+s23+$0x0], $0xffff  }
0x111: {  	v21 =	vld [tilespmem:s16+$0x3000];
	v2 =	vor.u32 $0x100, v2  }
0x112: {  	v22 =	vld [tilespmem:s16+$0x3010];
	v2 =	vbroadcast v2, $0x0  }
0x113: {  	v23 =	vld [tilespmem:s16+$0x3020]  }
0x114: {  	v24 =	vld [tilespmem:s16+$0x3030]  }
0x115: {  	v26 =	vld [tilespmem:s16+$0x3040];
	v3 =	vmul.f32 v1, v3  }
0x116: {  	v28 =	vld [tilespmem:s16+$0x3050];
	v4 =	vmul.f32 v1, v4  }
0x117: {  	v11 =	vmov s12;
	v29 =	vld [tilespmem:s16+$0x3060];
	[tilespmem:s22+$0x8000] =	vst v3;
	v3 =	vmul.f32 v1, v5  }
0x118: {  	s13 =	sor.u32 $0x3, s20;
	v11 =	vand.u32 $0x72, v11;
	v2 =	vld.idx.msk [tilespmem:v2+s23+$0x0], $0xffff;
	v27 =	vmul.f32 v1, v6;
	[tilespmem:s22+$0x8010] =	vst v4  }
0x119: {  	s12 =	sshll.u32 s13, $0x7;
	v31 =	vld [tilespmem:s16+$0x3070];
	v11 =	vor.u32 $0x100, v11;
	[tilespmem:s22+$0x8020] =	vst v3;
	v3 =	vmul.f32 v1, v7  }
0x11a: {  	v20 =	vmov s13;
	v34 =	vld [tilespmem:s12+$0x3000];
	v11 =	vbroadcast v11, $0x0;
	v30 =	vmul.f32 v1, v8;
	[tilespmem:s22+$0x8030] =	vst v27  }
0x11b: {  	v20 =	vand.u32 $0x73, v20;
	v36 =	vld [tilespmem:s12+$0x3010];
	[tilespmem:s22+$0x8040] =	vst v3;
	v3 =	vmul.f32 v1, v9  }
0x11c: {  	v37 =	vld [tilespmem:s12+$0x3020];
	v20 =	vor.u32 $0x100, v20;
	[tilespmem:s22+$0x8050] =	vst v30;
	v1 =	vmul.f32 v1, v10  }
0x11d: {  	v38 =	vld [tilespmem:s12+$0x3030];
	v20 =	vbroadcast v20, $0x0;
	[tilespmem:s22+$0x8060] =	vst v3;
	v3 =	vmul.f32 v2, v12  }
0x11e: {  	v39 =	vld [tilespmem:s12+$0x3040];
	[tilespmem:s22+$0x8070] =	vst v1;
	v1 =	vmul.f32 v2, v13  }
0x11f: {  	v40 =	vld [tilespmem:s12+$0x3050];
	[tilespmem:s8+$0x8000] =	vst v3;
	v3 =	vmul.f32 v2, v14  }
0x120: {  	v11 =	vld.idx.msk [tilespmem:v11+s23+$0x0], $0xffff;
	[tilespmem:s8+$0x8010] =	vst v1;
	v1 =	vmul.f32 v2, v15  }
0x121: {  	v41 =	vld [tilespmem:s12+$0x3060];
	[tilespmem:s8+$0x8020] =	vst v3;
	v3 =	vmul.f32 v2, v16  }
0x122: {  	s15 =	sor.u32 $0x4, s20;
	v42 =	vld [tilespmem:s12+$0x3070];
	[tilespmem:s8+$0x8030] =	vst v1;
	v1 =	vmul.f32 v2, v17  }
0x123: {  	v33 =	vmov s15;
	v32 =	vld.idx.msk [tilespmem:v20+s23+$0x0], $0xffff;
	s22 =	sshll.u32 s15, $0x7;
	[tilespmem:s8+$0x8040] =	vst v3;
	v3 =	vmul.f32 v2, v18  }
0x124: {  	v35 =	vand.u32 $0x74, v33;
	v44 =	vld [tilespmem:s22+$0x3000];
	[tilespmem:s8+$0x8050] =	vst v1;
	v1 =	vmul.f32 v2, v19  }
0x125: {  	v10 =	vor.u32 $0x100, v35;
	v45 =	vld [tilespmem:s22+$0x3010];
	[tilespmem:s8+$0x8060] =	vst v3;
	v3 =	vmul.f32 v11, v21  }
0x126: {  	v10 =	vbroadcast v10, $0x0;
	v46 =	vld [tilespmem:s22+$0x3020];
	[tilespmem:s8+$0x8070] =	vst v1;
	v1 =	vmul.f32 v11, v22  }
0x127: {  	v47 =	vld [tilespmem:s22+$0x3030];
	[tilespmem:s16+$0x8000] =	vst v3;
	v3 =	vmul.f32 v11, v23  }
0x128: {  	v48 =	vld [tilespmem:s22+$0x3040];
	[tilespmem:s16+$0x8010] =	vst v1;
	v1 =	vmul.f32 v11, v24  }
0x129: {  	v49 =	vld [tilespmem:s22+$0x3050];
	[tilespmem:s16+$0x8020] =	vst v3;
	v3 =	vmul.f32 v11, v26  }
0x12a: {  	v50 =	vld [tilespmem:s22+$0x3060];
	[tilespmem:s16+$0x8030] =	vst v1;
	v1 =	vmul.f32 v11, v28  }
0x12b: {  	s13 =	sor.u32 $0x5, s20;
	v51 =	vld [tilespmem:s22+$0x3070];
	[tilespmem:s16+$0x8040] =	vst v3;
	v3 =	vmul.f32 v11, v29  }
0x12c: {  	v43 =	vmov s13;
	v2 =	vld.idx.msk [tilespmem:v10+s23+$0x0], $0xffff;
	s8 =	sshll.u32 s13, $0x7;
	[tilespmem:s16+$0x8050] =	vst v1;
	v1 =	vmul.f32 v11, v31  }
0x12d: {  	v10 =	vand.u32 $0x75, v43;
	v54 =	vld [tilespmem:s8+$0x3000];
	[tilespmem:s16+$0x8060] =	vst v3;
	v3 =	vmul.f32 v32, v34  }
0x12e: {  	v10 =	vor.u32 $0x100, v10;
	v55 =	vld [tilespmem:s8+$0x3010];
	[tilespmem:s16+$0x8070] =	vst v1;
	v1 =	vmul.f32 v32, v36  }
0x12f: {  	v10 =	vbroadcast v10, $0x0;
	v56 =	vld [tilespmem:s8+$0x3020];
	[tilespmem:s12+$0x8000] =	vst v3;
	v3 =	vmul.f32 v32, v37  }
0x130: {  	v57 =	vld [tilespmem:s8+$0x3030];
	[tilespmem:s12+$0x8010] =	vst v1;
	v1 =	vmul.f32 v32, v38  }
0x131: {  	v58 =	vld [tilespmem:s8+$0x3040];
	[tilespmem:s12+$0x8020] =	vst v3;
	v3 =	vmul.f32 v32, v39  }
0x132: {  	v59 =	vld [tilespmem:s8+$0x3050];
	[tilespmem:s12+$0x8030] =	vst v1;
	v1 =	vmul.f32 v32, v40  }
0x133: {  	s15 =	sor.u32 $0x6, s20;
	v60 =	vld [tilespmem:s8+$0x3060];
	[tilespmem:s12+$0x8040] =	vst v3;
	v3 =	vmul.f32 v32, v41  }
0x134: {  	v53 =	vmov s15;
	v61 =	vld [tilespmem:s8+$0x3070];
	s16 =	sor.u32 $0x7, s20;
	[tilespmem:s12+$0x8050] =	vst v1;
	v1 =	vmul.f32 v32, v42  }
0x135: {  	v52 =	vld.idx.msk [tilespmem:v10+s23+$0x0], $0xffff;
	v10 =	vand.u32 $0x76, v53;
	v62 =	vmov s16;
	s16 =	sshll.u32 s16, $0x7;
	[tilespmem:s12+$0x8060] =	vst v3;
	v3 =	vmul.f32 v2, v44  }
0x136: {  	v10 =	vor.u32 $0x100, v10;
	v33 =	vld [tilespmem:s16+$0x3010];
	[tilespmem:s12+$0x8070] =	vst v1;
	v1 =	vmul.f32 v2, v45  }
0x137: {  	v10 =	vbroadcast v10, $0x0;
	v34 =	vld [tilespmem:s16+$0x3020];
	[tilespmem:s22+$0x8000] =	vst v3;
	v3 =	vmul.f32 v2, v46  }
0x138: {  	v35 =	vld [tilespmem:s16+$0x3030];
	[tilespmem:s22+$0x8010] =	vst v1;
	v1 =	vmul.f32 v2, v47  }
0x139: {  	v36 =	vld [tilespmem:s16+$0x3040];
	[tilespmem:s22+$0x8020] =	vst v3;
	v3 =	vmul.f32 v2, v48  }
0x13a: {  	v37 =	vld [tilespmem:s16+$0x3050];
	[tilespmem:s22+$0x8030] =	vst v1;
	v1 =	vmul.f32 v2, v49  }
0x13b: {  	v38 =	vld [tilespmem:s16+$0x3060];
	[tilespmem:s22+$0x8040] =	vst v3;
	v3 =	vmul.f32 v2, v50  }
0x13c: {  	v39 =	vld [tilespmem:s16+$0x3070];
	[tilespmem:s22+$0x8050] =	vst v1;
	v1 =	vmul.f32 v2, v51  }
0x13d: {  	v10 =	vld.idx.msk [tilespmem:v10+s23+$0x0], $0xffff;
	[tilespmem:s22+$0x8060] =	vst v3;
	v3 =	vmul.f32 v52, v54  }
0x13e: {  	v32 =	vld [tilespmem:s16+$0x3000];
	s12 =	sshll.u32 s15, $0x7;
	[tilespmem:s22+$0x8070] =	vst v1;
	v1 =	vmul.f32 v52, v55  }
0x13f: {  	v18 =	vand.u32 $0x77, v62;
	v63 =	vld [tilespmem:s12+$0x3000];
	[tilespmem:s8+$0x8000] =	vst v3;
	v3 =	vmul.f32 v52, v56  }
0x140: {  	v18 =	vor.u32 $0x100, v18;
	v24 =	vld [tilespmem:s12+$0x3010];
	[tilespmem:s8+$0x8010] =	vst v1;
	v1 =	vmul.f32 v52, v57  }
0x141: {  	v18 =	vbroadcast v18, $0x0;
	v25 =	vld [tilespmem:s12+$0x3020];
	[tilespmem:s8+$0x8020] =	vst v3;
	v3 =	vmul.f32 v52, v58  }
0x142: {  	v26 =	vld [tilespmem:s12+$0x3030];
	[tilespmem:s8+$0x8030] =	vst v1;
	v1 =	vmul.f32 v52, v59  }
0x143: {  	v27 =	vld [tilespmem:s12+$0x3040];
	s22 =	sor.u32 $0x8, s20;
	[tilespmem:s8+$0x8040] =	vst v3;
	v3 =	vmul.f32 v52, v60  }
0x144: {  	v28 =	vld [tilespmem:s12+$0x3060];
	v31 =	vmov s22;
	[tilespmem:s8+$0x8050] =	vst v1;
	v1 =	vmul.f32 v52, v61  }
0x145: {  	v2 =	vld [tilespmem:s12+$0x3050];
	v13 =	vand.u32 $0x78, v31;
	[tilespmem:s8+$0x8060] =	vst v3;
	v3 =	vmul.f32 v10, v63  }
0x146: {  	v29 =	vld [tilespmem:s12+$0x3070];
	v13 =	vor.u32 $0x100, v13;
	[tilespmem:s8+$0x8070] =	vst v1;
	v1 =	vmul.f32 v10, v24  }
0x147: {  	v30 =	vld.idx.msk [tilespmem:v18+s23+$0x0], $0xffff;
	v13 =	vbroadcast v13, $0x0;
	s8 =	sshll.u32 s22, $0x7;
	[tilespmem:s12+$0x8000] =	vst v3;
	v3 =	vmul.f32 v10, v25  }
0x148: {  	v42 =	vld [tilespmem:s8+$0x3000];
	[tilespmem:s12+$0x8010] =	vst v1;
	v1 =	vmul.f32 v10, v26  }
0x149: {  	v43 =	vld [tilespmem:s8+$0x3020];
	[tilespmem:s12+$0x8020] =	vst v3;
	v3 =	vmul.f32 v10, v27  }
0x14a: {  	v44 =	vld [tilespmem:s8+$0x3030];
	[tilespmem:s12+$0x8030] =	vst v1;
	v1 =	vmul.f32 v10, v2  }
0x14b: {  	s13 =	sor.u32 $0x9, s20;
	v45 =	vld [tilespmem:s8+$0x3040];
	[tilespmem:s12+$0x8040] =	vst v3;
	v3 =	vmul.f32 v10, v28  }
0x14c: {  	v41 =	vmov s13;
	v46 =	vld [tilespmem:s8+$0x3050];
	[tilespmem:s12+$0x8050] =	vst v1;
	v1 =	vmul.f32 v10, v29  }
0x14d: {  	v40 =	vld.idx.msk [tilespmem:v13+s23+$0x0], $0xffff;
	v13 =	vand.u32 $0x79, v41;
	[tilespmem:s12+$0x8060] =	vst v3;
	v3 =	vmul.f32 v30, v32  }
0x14e: {  	v47 =	vld [tilespmem:s8+$0x3060];
	v13 =	vor.u32 $0x100, v13;
	[tilespmem:s12+$0x8070] =	vst v1;
	v1 =	vmul.f32 v30, v33  }
0x14f: {  	v48 =	vld [tilespmem:s8+$0x3070];
	v13 =	vbroadcast v13, $0x0;
	[tilespmem:s16+$0x8000] =	vst v3;
	v3 =	vmul.f32 v30, v34  }
0x150: {  	v2 =	vld [tilespmem:s8+$0x3010];
	s12 =	sshll.u32 s13, $0x7;
	[tilespmem:s16+$0x8010] =	vst v1;
	v1 =	vmul.f32 v30, v35  }
0x151: {  	v51 =	vld [tilespmem:s12+$0x3000];
	[tilespmem:s16+$0x8020] =	vst v3;
	v3 =	vmul.f32 v30, v36  }
0x152: {  	v52 =	vld [tilespmem:s12+$0x3010];
	[tilespmem:s16+$0x8030] =	vst v1;
	v1 =	vmul.f32 v30, v37  }
0x153: {  	v53 =	vld [tilespmem:s12+$0x3020];
	[tilespmem:s16+$0x8040] =	vst v3;
	v3 =	vmul.f32 v30, v38  }
0x154: {  	v55 =	vld [tilespmem:s12+$0x3030];
	[tilespmem:s16+$0x8050] =	vst v1;
	v1 =	vmul.f32 v30, v39  }
0x155: {  	v49 =	vld.idx.msk [tilespmem:v13+s23+$0x0], $0xffff;
	[tilespmem:s16+$0x8060] =	vst v3;
	v3 =	vmul.f32 v40, v42  }
0x156: {  	s22 =	sor.u32 $0xA, s20;
	[tilespmem:s16+$0x8070] =	vst v1;
	v1 =	vmul.f32 v40, v2;
	v2 =	vld [tilespmem:s12+$0x3040]  }
0x157: {  	v50 =	vmov s22;
	v56 =	vld [tilespmem:s12+$0x3050];
	[tilespmem:s8+$0x8000] =	vst v3;
	v3 =	vmul.f32 v40, v43  }
0x158: {  	v57 =	vld [tilespmem:s12+$0x3060];
	v13 =	vand.u32 $0x7A, v50;
	[tilespmem:s8+$0x8010] =	vst v1;
	v1 =	vmul.f32 v40, v44  }
0x159: {  	v58 =	vld [tilespmem:s12+$0x3070];
	v13 =	vor.u32 $0x100, v13;
	s16 =	sshll.u32 s22, $0x7;
	[tilespmem:s8+$0x8020] =	vst v3;
	v3 =	vmul.f32 v40, v45  }
0x15a: {  	v54 =	vbroadcast v13, $0x0;
	v60 =	vld [tilespmem:s16+$0x3000];
	[tilespmem:s8+$0x8030] =	vst v1;
	v1 =	vmul.f32 v40, v46  }
0x15b: {  	v61 =	vld [tilespmem:s16+$0x3010];
	v2 =	vmul.f32 v49, v2;
	[tilespmem:s8+$0x8040] =	vst v3  }
0x15c: {  	v63 =	vld [tilespmem:s16+$0x3020];
	[tilespmem:s8+$0x8050] =	vst v1;
	v1 =	vmul.f32 v40, v48  }
0x15d: {  	s13 =	sor.u32 $0xB, s20;
	v18 =	vld [tilespmem:s16+$0x3030];
	v3 =	vmul.f32 v40, v47;
	[tilespmem:s12+$0x8040] =	vst v2  }
0x15e: {  	v59 =	vmov s13;
	v19 =	vld [tilespmem:s16+$0x3040];
	[tilespmem:s8+$0x8070] =	vst v1;
	v1 =	vmul.f32 v49, v52  }
0x15f: {  	v13 =	vand.u32 $0x7B, v59;
	v20 =	vld [tilespmem:s16+$0x3050];
	v2 =	vmul.f32 v49, v57;
	[tilespmem:s8+$0x8060] =	vst v3  }
0x160: {  	v62 =	vor.u32 $0x100, v13;
	s22 =	sor.u32 $0xC, s20;
	v12 =	vld.idx.msk [tilespmem:v54+s23+$0x0], $0xffff;
	[tilespmem:s12+$0x8010] =	vst v1;
	v1 =	vmul.f32 v49, v55  }
0x161: {  	v9 =	vbroadcast v62, $0x0;
	v21 =	vld [tilespmem:s16+$0x3070];
	s15 =	sshll.u32 s22, $0x7;
	v3 =	vmul.f32 v49, v51;
	[tilespmem:s12+$0x8060] =	vst v2  }
0x162: {  	v32 =	vld [tilespmem:s15+$0x3000];
	[tilespmem:s12+$0x8030] =	vst v1;
	v1 =	vmul.f32 v49, v56  }
0x163: {  	v33 =	vld [tilespmem:s15+$0x3010];
	[tilespmem:s12+$0x8000] =	vst v3;
	v3 =	vmul.f32 v49, v53  }
0x164: {  	v34 =	vld [tilespmem:s15+$0x3020];
	[tilespmem:s12+$0x8050] =	vst v1;
	v1 =	vmul.f32 v49, v58  }
0x165: {  	v35 =	vld [tilespmem:s15+$0x3030];
	v2 =	vmul.f32 v12, v60;
	[tilespmem:s12+$0x8020] =	vst v3  }
0x166: {  	v3 =	vld [tilespmem:s16+$0x3060];
	[tilespmem:s12+$0x8070] =	vst v1;
	v1 =	vmul.f32 v12, v61  }
0x167: {  	v22 =	vmov s22;
	v9 =	vld.idx.msk [tilespmem:v9+s23+$0x0], $0xffff;
	s8 =	sshll.u32 s13, $0x7;
	[tilespmem:s16+$0x8000] =	vst v2;
	v2 =	vmul.f32 v12, v63  }
0x168: {  	v10 =	vand.u32 $0x7C, v22;
	v23 =	vld [tilespmem:s8+$0x3000];
	[tilespmem:s16+$0x8010] =	vst v1;
	v1 =	vmul.f32 v12, v18  }
0x169: {  	v10 =	vor.u32 $0x100, v10;
	v24 =	vld [tilespmem:s8+$0x3010];
	[tilespmem:s16+$0x8020] =	vst v2;
	v2 =	vmul.f32 v12, v19  }
0x16a: {  	v10 =	vbroadcast v10, $0x0;
	v25 =	vld [tilespmem:s8+$0x3020];
	[tilespmem:s16+$0x8030] =	vst v1;
	v1 =	vmul.f32 v12, v20  }
0x16b: {  	v26 =	vld [tilespmem:s8+$0x3030];
	[tilespmem:s16+$0x8040] =	vst v2;
	v2 =	vmul.f32 v12, v3  }
0x16c: {  	v27 =	vld [tilespmem:s8+$0x3040];
	[tilespmem:s16+$0x8050] =	vst v1;
	v1 =	vmul.f32 v12, v21  }
0x16d: {  	v28 =	vld [tilespmem:s8+$0x3050];
	[tilespmem:s16+$0x8060] =	vst v2;
	v2 =	vmul.f32 v9, v23  }
0x16e: {  	v29 =	vld [tilespmem:s8+$0x3060];
	s12 =	sor.u32 $0xD, s20;
	[tilespmem:s16+$0x8070] =	vst v1;
	v1 =	vmul.f32 v9, v24  }
0x16f: {  	v3 =	vld [tilespmem:s8+$0x3070];
	v31 =	vmov s12;
	[tilespmem:s8+$0x8000] =	vst v2;
	v2 =	vmul.f32 v9, v25  }
0x170: {  	v30 =	vld.idx.msk [tilespmem:v10+s23+$0x0], $0xffff;
	v10 =	vand.u32 $0x7D, v31;
	[tilespmem:s8+$0x8010] =	vst v1;
	v1 =	vmul.f32 v9, v26  }
0x171: {  	v36 =	vld [tilespmem:s15+$0x3040];
	v10 =	vor.u32 $0x100, v10;
	[tilespmem:s8+$0x8020] =	vst v2;
	v2 =	vmul.f32 v9, v27  }
0x172: {  	s22 =	sor.u32 $0xE, s20;
	v37 =	vld [tilespmem:s15+$0x3050];
	v10 =	vbroadcast v10, $0x0;
	[tilespmem:s8+$0x8030] =	vst v1;
	v1 =	vmul.f32 v9, v28  }
0x173: {  	v38 =	vld [tilespmem:s15+$0x3060];
	v40 =	vmov s22;
	s22 =	sshll.u32 s22, $0x7;
	[tilespmem:s8+$0x8040] =	vst v2;
	v2 =	vmul.f32 v9, v29  }
0x174: {  	v50 =	vld [tilespmem:s22+$0x3000];
	[tilespmem:s8+$0x8050] =	vst v1;
	v1 =	vmul.f32 v9, v3  }
0x175: {  	v54 =	vld [tilespmem:s22+$0x3050];
	s13 =	sshll.u32 s12, $0x7;
	[tilespmem:s8+$0x8060] =	vst v2;
	v2 =	vmul.f32 v30, v32  }
0x176: {  	v41 =	vld [tilespmem:s13+$0x3000];
	[tilespmem:s8+$0x8070] =	vst v1;
	v1 =	vmul.f32 v30, v33  }
0x177: {  	[tilespmem:s15+$0x8000] =	vst v2;
	v2 =	vmul.f32 v30, v34;
	v3 =	vld [tilespmem:s15+$0x3070]  }
0x178: {  	v39 =	vld.idx.msk [tilespmem:v10+s23+$0x0], $0xffff;
	v9 =	vand.u32 $0x7E, v40;
	[tilespmem:s15+$0x8010] =	vst v1;
	v1 =	vmul.f32 v30, v35  }
0x179: {  	v42 =	vld [tilespmem:s13+$0x3010];
	v9 =	vor.u32 $0x100, v9;
	[tilespmem:s15+$0x8020] =	vst v2;
	v2 =	vmul.f32 v30, v36  }
0x17a: {  	v43 =	vld [tilespmem:s13+$0x3020];
	v9 =	vbroadcast v9, $0x0;
	[tilespmem:s15+$0x8030] =	vst v1;
	v1 =	vmul.f32 v30, v37  }
0x17b: {  	v44 =	vld [tilespmem:s13+$0x3030];
	[tilespmem:s15+$0x8040] =	vst v2;
	v2 =	vmul.f32 v30, v38  }
0x17c: {  	v45 =	vld [tilespmem:s13+$0x3040];
	[tilespmem:s15+$0x8050] =	vst v1;
	v1 =	vmul.f32 v30, v3  }
0x17d: {  	v46 =	vld [tilespmem:s13+$0x3050];
	[tilespmem:s15+$0x8060] =	vst v2;
	v2 =	vmul.f32 v39, v41  }
0x17e: {  	s16 =	sor.u32 $0xF, s20;
	v3 =	vld [tilespmem:s13+$0x3060];
	[tilespmem:s15+$0x8070] =	vst v1;
	v1 =	vmul.f32 v39, v42  }
0x17f: {  	v47 =	vld [tilespmem:s13+$0x3070];
	v49 =	vmov s16;
	[tilespmem:s13+$0x8000] =	vst v2;
	v2 =	vmul.f32 v39, v43  }
0x180: {  	v48 =	vld.idx.msk [tilespmem:v9+s23+$0x0], $0xffff;
	v9 =	vand.u32 $0x7F, v49;
	[tilespmem:s13+$0x8010] =	vst v1;
	v1 =	vmul.f32 v39, v44  }
0x181: {  	v51 =	vld [tilespmem:s22+$0x3010];
	v9 =	vor.u32 $0x100, v9;
	[tilespmem:s13+$0x8020] =	vst v2;
	v2 =	vmul.f32 v39, v45  }
0x182: {  	v52 =	vld [tilespmem:s22+$0x3020];
	v9 =	vbroadcast v9, $0x0;
	[tilespmem:s13+$0x8030] =	vst v1;
	v1 =	vmul.f32 v39, v46  }
0x183: {  	v53 =	vld [tilespmem:s22+$0x3030];
	[tilespmem:s13+$0x8040] =	vst v2;
	v2 =	vmul.f32 v39, v3  }
0x184: {  	v3 =	vld [tilespmem:s22+$0x3040];
	[tilespmem:s13+$0x8050] =	vst v1;
	v1 =	vmul.f32 v39, v47  }
0x185: {  	v55 =	vld [tilespmem:s22+$0x3060];
	[tilespmem:s13+$0x8060] =	vst v2;
	v2 =	vmul.f32 v48, v50  }
0x186: {  	v56 =	vld [tilespmem:s22+$0x3070];
	s8 =	sshll.u32 s16, $0x7;
	[tilespmem:s13+$0x8070] =	vst v1;
	v1 =	vmul.f32 v48, v51  }
0x187: {  	v58 =	vld [tilespmem:s8+$0x3000];
	[tilespmem:s22+$0x8000] =	vst v2;
	v2 =	vmul.f32 v48, v52  }
0x188: {  	v57 =	vld.idx.msk [tilespmem:v9+s23+$0x0], $0xffff;
	[tilespmem:s22+$0x8010] =	vst v1;
	v1 =	vmul.f32 v48, v53  }
0x189: {  	[tilespmem:s22+$0x8020] =	vst v2;
	v2 =	vmul.f32 v48, v3;
	v3 =	vld [tilespmem:s8+$0x3010]  }
0x18a: {  	v59 =	vld [tilespmem:s8+$0x3020];
	[tilespmem:s22+$0x8030] =	vst v1;
	v1 =	vmul.f32 v48, v54  }
0x18b: {  	v60 =	vld [tilespmem:s8+$0x3030];
	[tilespmem:s22+$0x8040] =	vst v2;
	v2 =	vmul.f32 v48, v55  }
0x18c: {  	v61 =	vld [tilespmem:s8+$0x3040];
	[tilespmem:s22+$0x8050] =	vst v1;
	v1 =	vmul.f32 v48, v56  }
0x18d: {  	v62 =	vld [tilespmem:s8+$0x3050];
	[tilespmem:s22+$0x8060] =	vst v2;
	v2 =	vmul.f32 v57, v58  }
0x18e: {  	[tilespmem:s22+$0x8070] =	vst v1;
	v1 =	vmul.f32 v57, v3;
	v3 =	vld [tilespmem:s8+$0x3060]  }
0x18f: {  	v63 =	vld [tilespmem:s8+$0x3070];
	[tilespmem:s8+$0x8000] =	vst v2;
	v2 =	vmul.f32 v57, v59  }
0x190: {  	[tilespmem:s8+$0x8010] =	vst v1;
	v1 =	vmul.f32 v57, v60  }
0x191: {  	p0 =	slt.u32 s20, $0x40;
	[tilespmem:s8+$0x8020] =	vst v2;
	v2 =	vmul.f32 v57, v61  }
.Ltmp2:
0x192: {  	[tilespmem:s8+$0x8030] =	vst v1;
	v1 =	vmul.f32 v57, v62;
	(pc) =	sbr.rel @p0 .LBB2_7-.Ltmp2, $4  }
0x193: {  	[tilespmem:s8+$0x8040] =	vst v2;
	v2 =	vmul.f32 v57, v3  }
0x194: {  	[tilespmem:s8+$0x8050] =	vst v1;
	v1 =	vmul.f32 v57, v63  }
0x195: {  	[tilespmem:s8+$0x8060] =	vst v2  }
0x196: {  	s20 =	sadd.s32 $0x10, s20;
	[tilespmem:s8+$0x8070] =	vst v1  }
0x197: {  	_ =	swait.ge [sflag:s24], $0x180  }
0x198: {  	[sflag:s24] =	ssyncset.done $0x0  }
0x199: {  	[sflag:s24] =	ssyncadd.s32 $0xFFFFFE80  }
0x19a: {  	[tilespmem:s28], [sflag:$0x2] =	stream.indirect.gather [hbm4b:s1+s25], $0x80, s7, s25, $0xb8;
	[tilespmem:$0x1E800] =	vst v63  }
0x19b: {  	s8 =	simm.s32 $0x280  }
0x19c: {  	[spmem:s3] =	stream.indirect.scatter.add.f32 [tilespmem:s11], [sflag:$0x4], $0x80, s8, s25, $0xb8;
	[tilespmem:$0x1E800] =	vst v63  }
0x19d: {  	_ =	swait.ge [sflag:s29], $0x2800  }
0x19e: {  	[sflag:s29] =	ssyncset.done $0x0  }
0x19f: {  	s22 =	sadd.s32 s19, s9;
	[sflag:s29] =	ssyncadd.s32 $0xFFFFD800  }
0x1a0: {  	s8 =	sshll.u32 s22, $0x6;
	_ =	swait.ge [sflag:s2], $0x2800  }
0x1a1: {  	s8 =	sand.u32 $0x1FFFFFC0, s8;
	[sflag:s2] =	ssyncset.done $0x0  }
0x1a2: {  	s20 =	simm.s32 $0x0;
	s8 =	sadd.s32 s6, s8;
	[sflag:s2] =	ssyncadd.s32 $0xFFFFD800  }
0x1a3: {  	[tilespmem:s20], [sflag:$0x5] =	stream.linear.gather [hbm4b:s8+s20], $0x180, $0x38;
	[tilespmem:$0x1E800] =	vst v63  }
.LBB2_9:
0x1a4: {  	s22 =	sshll.u32 s20, $0x7  }
0x1a5: {  	v3 =	vld [tilespmem:s22+$0x800]  }
0x1a6: {  	v4 =	vld [tilespmem:s22+$0x810]  }
0x1a7: {  	v5 =	vld [tilespmem:s22+$0x820]  }
0x1a8: {  	v6 =	vld [tilespmem:s22+$0x830]  }
0x1a9: {  	v7 =	vld [tilespmem:s22+$0x840]  }
0x1aa: {  	v8 =	vld [tilespmem:s22+$0x850]  }
0x1ab: {  	s8 =	sor.u32 $0x1, s20;
	v9 =	vld [tilespmem:s22+$0x860]  }
0x1ac: {  	v1 =	vmov s20;
	v2 =	vmov s8;
	v10 =	vld [tilespmem:s22+$0x870];
	s8 =	sshll.u32 s8, $0x7  }
0x1ad: {  	v1 =	vand.u32 $0x70, v1;
	v12 =	vld [tilespmem:s8+$0x800]  }
0x1ae: {  	v1 =	vor.u32 $0x100, v1;
	v13 =	vld [tilespmem:s8+$0x810]  }
0x1af: {  	v14 =	vld [tilespmem:s8+$0x820];
	v1 =	vbroadcast v1, $0x0  }
0x1b0: {  	v15 =	vld [tilespmem:s8+$0x830]  }
0x1b1: {  	v16 =	vld [tilespmem:s8+$0x840]  }
0x1b2: {  	v17 =	vld [tilespmem:s8+$0x850]  }
0x1b3: {  	v18 =	vld [tilespmem:s8+$0x860]  }
0x1b4: {  	s12 =	sor.u32 $0x2, s20;
	v19 =	vld [tilespmem:s8+$0x870]  }
0x1b5: {  	s16 =	sshll.u32 s12, $0x7;
	v2 =	vand.u32 $0x71, v2;
	v1 =	vld.idx.msk [tilespmem:v1+s31+$0x0], $0xffff  }
0x1b6: {  	v21 =	vld [tilespmem:s16+$0x800];
	v2 =	vor.u32 $0x100, v2  }
0x1b7: {  	v22 =	vld [tilespmem:s16+$0x810];
	v2 =	vbroadcast v2, $0x0  }
0x1b8: {  	v23 =	vld [tilespmem:s16+$0x820]  }
0x1b9: {  	v24 =	vld [tilespmem:s16+$0x830]  }
0x1ba: {  	v26 =	vld [tilespmem:s16+$0x840];
	v3 =	vmul.f32 v1, v3  }
0x1bb: {  	v28 =	vld [tilespmem:s16+$0x850];
	v4 =	vmul.f32 v1, v4  }
0x1bc: {  	v11 =	vmov s12;
	v29 =	vld [tilespmem:s16+$0x860];
	[tilespmem:s22+$0x5800] =	vst v3;
	v3 =	vmul.f32 v1, v5  }
0x1bd: {  	s13 =	sor.u32 $0x3, s20;
	v11 =	vand.u32 $0x72, v11;
	v2 =	vld.idx.msk [tilespmem:v2+s31+$0x0], $0xffff;
	v27 =	vmul.f32 v1, v6;
	[tilespmem:s22+$0x5810] =	vst v4  }
0x1be: {  	s12 =	sshll.u32 s13, $0x7;
	v31 =	vld [tilespmem:s16+$0x870];
	v11 =	vor.u32 $0x100, v11;
	[tilespmem:s22+$0x5820] =	vst v3;
	v3 =	vmul.f32 v1, v7  }
0x1bf: {  	v20 =	vmov s13;
	v34 =	vld [tilespmem:s12+$0x800];
	v11 =	vbroadcast v11, $0x0;
	v30 =	vmul.f32 v1, v8;
	[tilespmem:s22+$0x5830] =	vst v27  }
0x1c0: {  	v20 =	vand.u32 $0x73, v20;
	v36 =	vld [tilespmem:s12+$0x810];
	[tilespmem:s22+$0x5840] =	vst v3;
	v3 =	vmul.f32 v1, v9  }
0x1c1: {  	v37 =	vld [tilespmem:s12+$0x820];
	v20 =	vor.u32 $0x100, v20;
	[tilespmem:s22+$0x5850] =	vst v30;
	v1 =	vmul.f32 v1, v10  }
0x1c2: {  	v38 =	vld [tilespmem:s12+$0x830];
	v20 =	vbroadcast v20, $0x0;
	[tilespmem:s22+$0x5860] =	vst v3;
	v3 =	vmul.f32 v2, v12  }
0x1c3: {  	v39 =	vld [tilespmem:s12+$0x840];
	[tilespmem:s22+$0x5870] =	vst v1;
	v1 =	vmul.f32 v2, v13  }
0x1c4: {  	v40 =	vld [tilespmem:s12+$0x850];
	[tilespmem:s8+$0x5800] =	vst v3;
	v3 =	vmul.f32 v2, v14  }
0x1c5: {  	v11 =	vld.idx.msk [tilespmem:v11+s31+$0x0], $0xffff;
	[tilespmem:s8+$0x5810] =	vst v1;
	v1 =	vmul.f32 v2, v15  }
0x1c6: {  	v41 =	vld [tilespmem:s12+$0x860];
	[tilespmem:s8+$0x5820] =	vst v3;
	v3 =	vmul.f32 v2, v16  }
0x1c7: {  	s15 =	sor.u32 $0x4, s20;
	v42 =	vld [tilespmem:s12+$0x870];
	[tilespmem:s8+$0x5830] =	vst v1;
	v1 =	vmul.f32 v2, v17  }
0x1c8: {  	v33 =	vmov s15;
	v32 =	vld.idx.msk [tilespmem:v20+s31+$0x0], $0xffff;
	s22 =	sshll.u32 s15, $0x7;
	[tilespmem:s8+$0x5840] =	vst v3;
	v3 =	vmul.f32 v2, v18  }
0x1c9: {  	v35 =	vand.u32 $0x74, v33;
	v44 =	vld [tilespmem:s22+$0x800];
	[tilespmem:s8+$0x5850] =	vst v1;
	v1 =	vmul.f32 v2, v19  }
0x1ca: {  	v10 =	vor.u32 $0x100, v35;
	v45 =	vld [tilespmem:s22+$0x810];
	[tilespmem:s8+$0x5860] =	vst v3;
	v3 =	vmul.f32 v11, v21  }
0x1cb: {  	v10 =	vbroadcast v10, $0x0;
	v46 =	vld [tilespmem:s22+$0x820];
	[tilespmem:s8+$0x5870] =	vst v1;
	v1 =	vmul.f32 v11, v22  }
0x1cc: {  	v47 =	vld [tilespmem:s22+$0x830];
	[tilespmem:s16+$0x5800] =	vst v3;
	v3 =	vmul.f32 v11, v23  }
0x1cd: {  	v48 =	vld [tilespmem:s22+$0x840];
	[tilespmem:s16+$0x5810] =	vst v1;
	v1 =	vmul.f32 v11, v24  }
0x1ce: {  	v49 =	vld [tilespmem:s22+$0x850];
	[tilespmem:s16+$0x5820] =	vst v3;
	v3 =	vmul.f32 v11, v26  }
0x1cf: {  	v50 =	vld [tilespmem:s22+$0x860];
	[tilespmem:s16+$0x5830] =	vst v1;
	v1 =	vmul.f32 v11, v28  }
0x1d0: {  	s13 =	sor.u32 $0x5, s20;
	v51 =	vld [tilespmem:s22+$0x870];
	[tilespmem:s16+$0x5840] =	vst v3;
	v3 =	vmul.f32 v11, v29  }
0x1d1: {  	v43 =	vmov s13;
	v2 =	vld.idx.msk [tilespmem:v10+s31+$0x0], $0xffff;
	s8 =	sshll.u32 s13, $0x7;
	[tilespmem:s16+$0x5850] =	vst v1;
	v1 =	vmul.f32 v11, v31  }
0x1d2: {  	v10 =	vand.u32 $0x75, v43;
	v54 =	vld [tilespmem:s8+$0x800];
	[tilespmem:s16+$0x5860] =	vst v3;
	v3 =	vmul.f32 v32, v34  }
0x1d3: {  	v10 =	vor.u32 $0x100, v10;
	v55 =	vld [tilespmem:s8+$0x810];
	[tilespmem:s16+$0x5870] =	vst v1;
	v1 =	vmul.f32 v32, v36  }
0x1d4: {  	v10 =	vbroadcast v10, $0x0;
	v56 =	vld [tilespmem:s8+$0x820];
	[tilespmem:s12+$0x5800] =	vst v3;
	v3 =	vmul.f32 v32, v37  }
0x1d5: {  	v57 =	vld [tilespmem:s8+$0x830];
	[tilespmem:s12+$0x5810] =	vst v1;
	v1 =	vmul.f32 v32, v38  }
0x1d6: {  	v58 =	vld [tilespmem:s8+$0x840];
	[tilespmem:s12+$0x5820] =	vst v3;
	v3 =	vmul.f32 v32, v39  }
0x1d7: {  	v59 =	vld [tilespmem:s8+$0x850];
	[tilespmem:s12+$0x5830] =	vst v1;
	v1 =	vmul.f32 v32, v40  }
0x1d8: {  	s15 =	sor.u32 $0x6, s20;
	v60 =	vld [tilespmem:s8+$0x860];
	[tilespmem:s12+$0x5840] =	vst v3;
	v3 =	vmul.f32 v32, v41  }
0x1d9: {  	v53 =	vmov s15;
	v61 =	vld [tilespmem:s8+$0x870];
	s16 =	sor.u32 $0x7, s20;
	[tilespmem:s12+$0x5850] =	vst v1;
	v1 =	vmul.f32 v32, v42  }
0x1da: {  	v52 =	vld.idx.msk [tilespmem:v10+s31+$0x0], $0xffff;
	v10 =	vand.u32 $0x76, v53;
	v62 =	vmov s16;
	s16 =	sshll.u32 s16, $0x7;
	[tilespmem:s12+$0x5860] =	vst v3;
	v3 =	vmul.f32 v2, v44  }
0x1db: {  	v10 =	vor.u32 $0x100, v10;
	v33 =	vld [tilespmem:s16+$0x810];
	[tilespmem:s12+$0x5870] =	vst v1;
	v1 =	vmul.f32 v2, v45  }
0x1dc: {  	v10 =	vbroadcast v10, $0x0;
	v34 =	vld [tilespmem:s16+$0x820];
	[tilespmem:s22+$0x5800] =	vst v3;
	v3 =	vmul.f32 v2, v46  }
0x1dd: {  	v35 =	vld [tilespmem:s16+$0x830];
	[tilespmem:s22+$0x5810] =	vst v1;
	v1 =	vmul.f32 v2, v47  }
0x1de: {  	v36 =	vld [tilespmem:s16+$0x840];
	[tilespmem:s22+$0x5820] =	vst v3;
	v3 =	vmul.f32 v2, v48  }
0x1df: {  	v37 =	vld [tilespmem:s16+$0x850];
	[tilespmem:s22+$0x5830] =	vst v1;
	v1 =	vmul.f32 v2, v49  }
0x1e0: {  	v38 =	vld [tilespmem:s16+$0x860];
	[tilespmem:s22+$0x5840] =	vst v3;
	v3 =	vmul.f32 v2, v50  }
0x1e1: {  	v39 =	vld [tilespmem:s16+$0x870];
	[tilespmem:s22+$0x5850] =	vst v1;
	v1 =	vmul.f32 v2, v51  }
0x1e2: {  	v10 =	vld.idx.msk [tilespmem:v10+s31+$0x0], $0xffff;
	[tilespmem:s22+$0x5860] =	vst v3;
	v3 =	vmul.f32 v52, v54  }
0x1e3: {  	v32 =	vld [tilespmem:s16+$0x800];
	s12 =	sshll.u32 s15, $0x7;
	[tilespmem:s22+$0x5870] =	vst v1;
	v1 =	vmul.f32 v52, v55  }
0x1e4: {  	v18 =	vand.u32 $0x77, v62;
	v63 =	vld [tilespmem:s12+$0x800];
	[tilespmem:s8+$0x5800] =	vst v3;
	v3 =	vmul.f32 v52, v56  }
0x1e5: {  	v18 =	vor.u32 $0x100, v18;
	v24 =	vld [tilespmem:s12+$0x810];
	[tilespmem:s8+$0x5810] =	vst v1;
	v1 =	vmul.f32 v52, v57  }
0x1e6: {  	v18 =	vbroadcast v18, $0x0;
	v25 =	vld [tilespmem:s12+$0x820];
	[tilespmem:s8+$0x5820] =	vst v3;
	v3 =	vmul.f32 v52, v58  }
0x1e7: {  	v26 =	vld [tilespmem:s12+$0x830];
	[tilespmem:s8+$0x5830] =	vst v1;
	v1 =	vmul.f32 v52, v59  }
0x1e8: {  	v27 =	vld [tilespmem:s12+$0x840];
	s22 =	sor.u32 $0x8, s20;
	[tilespmem:s8+$0x5840] =	vst v3;
	v3 =	vmul.f32 v52, v60  }
0x1e9: {  	v28 =	vld [tilespmem:s12+$0x860];
	v31 =	vmov s22;
	[tilespmem:s8+$0x5850] =	vst v1;
	v1 =	vmul.f32 v52, v61  }
0x1ea: {  	v2 =	vld [tilespmem:s12+$0x850];
	v13 =	vand.u32 $0x78, v31;
	[tilespmem:s8+$0x5860] =	vst v3;
	v3 =	vmul.f32 v10, v63  }
0x1eb: {  	v29 =	vld [tilespmem:s12+$0x870];
	v13 =	vor.u32 $0x100, v13;
	[tilespmem:s8+$0x5870] =	vst v1;
	v1 =	vmul.f32 v10, v24  }
0x1ec: {  	v30 =	vld.idx.msk [tilespmem:v18+s31+$0x0], $0xffff;
	v13 =	vbroadcast v13, $0x0;
	s8 =	sshll.u32 s22, $0x7;
	[tilespmem:s12+$0x5800] =	vst v3;
	v3 =	vmul.f32 v10, v25  }
0x1ed: {  	v42 =	vld [tilespmem:s8+$0x800];
	[tilespmem:s12+$0x5810] =	vst v1;
	v1 =	vmul.f32 v10, v26  }
0x1ee: {  	v43 =	vld [tilespmem:s8+$0x820];
	[tilespmem:s12+$0x5820] =	vst v3;
	v3 =	vmul.f32 v10, v27  }
0x1ef: {  	v44 =	vld [tilespmem:s8+$0x830];
	[tilespmem:s12+$0x5830] =	vst v1;
	v1 =	vmul.f32 v10, v2  }
0x1f0: {  	s13 =	sor.u32 $0x9, s20;
	v45 =	vld [tilespmem:s8+$0x840];
	[tilespmem:s12+$0x5840] =	vst v3;
	v3 =	vmul.f32 v10, v28  }
0x1f1: {  	v41 =	vmov s13;
	v46 =	vld [tilespmem:s8+$0x850];
	[tilespmem:s12+$0x5850] =	vst v1;
	v1 =	vmul.f32 v10, v29  }
0x1f2: {  	v40 =	vld.idx.msk [tilespmem:v13+s31+$0x0], $0xffff;
	v13 =	vand.u32 $0x79, v41;
	[tilespmem:s12+$0x5860] =	vst v3;
	v3 =	vmul.f32 v30, v32  }
0x1f3: {  	v47 =	vld [tilespmem:s8+$0x860];
	v13 =	vor.u32 $0x100, v13;
	[tilespmem:s12+$0x5870] =	vst v1;
	v1 =	vmul.f32 v30, v33  }
0x1f4: {  	v48 =	vld [tilespmem:s8+$0x870];
	v13 =	vbroadcast v13, $0x0;
	[tilespmem:s16+$0x5800] =	vst v3;
	v3 =	vmul.f32 v30, v34  }
0x1f5: {  	v2 =	vld [tilespmem:s8+$0x810];
	s12 =	sshll.u32 s13, $0x7;
	[tilespmem:s16+$0x5810] =	vst v1;
	v1 =	vmul.f32 v30, v35  }
0x1f6: {  	v51 =	vld [tilespmem:s12+$0x800];
	[tilespmem:s16+$0x5820] =	vst v3;
	v3 =	vmul.f32 v30, v36  }
0x1f7: {  	v52 =	vld [tilespmem:s12+$0x810];
	[tilespmem:s16+$0x5830] =	vst v1;
	v1 =	vmul.f32 v30, v37  }
0x1f8: {  	v53 =	vld [tilespmem:s12+$0x820];
	[tilespmem:s16+$0x5840] =	vst v3;
	v3 =	vmul.f32 v30, v38  }
0x1f9: {  	v55 =	vld [tilespmem:s12+$0x830];
	[tilespmem:s16+$0x5850] =	vst v1;
	v1 =	vmul.f32 v30, v39  }
0x1fa: {  	v49 =	vld.idx.msk [tilespmem:v13+s31+$0x0], $0xffff;
	[tilespmem:s16+$0x5860] =	vst v3;
	v3 =	vmul.f32 v40, v42  }
0x1fb: {  	s22 =	sor.u32 $0xA, s20;
	[tilespmem:s16+$0x5870] =	vst v1;
	v1 =	vmul.f32 v40, v2;
	v2 =	vld [tilespmem:s12+$0x840]  }
0x1fc: {  	v50 =	vmov s22;
	v56 =	vld [tilespmem:s12+$0x850];
	[tilespmem:s8+$0x5800] =	vst v3;
	v3 =	vmul.f32 v40, v43  }
0x1fd: {  	v57 =	vld [tilespmem:s12+$0x860];
	v13 =	vand.u32 $0x7A, v50;
	[tilespmem:s8+$0x5810] =	vst v1;
	v1 =	vmul.f32 v40, v44  }
0x1fe: {  	v58 =	vld [tilespmem:s12+$0x870];
	v13 =	vor.u32 $0x100, v13;
	s16 =	sshll.u32 s22, $0x7;
	[tilespmem:s8+$0x5820] =	vst v3;
	v3 =	vmul.f32 v40, v45  }
0x1ff: {  	v54 =	vbroadcast v13, $0x0;
	v60 =	vld [tilespmem:s16+$0x800];
	[tilespmem:s8+$0x5830] =	vst v1;
	v1 =	vmul.f32 v40, v46  }
0x200: {  	v61 =	vld [tilespmem:s16+$0x810];
	v2 =	vmul.f32 v49, v2;
	[tilespmem:s8+$0x5840] =	vst v3  }
0x201: {  	v63 =	vld [tilespmem:s16+$0x820];
	[tilespmem:s8+$0x5850] =	vst v1;
	v1 =	vmul.f32 v40, v48  }
0x202: {  	s13 =	sor.u32 $0xB, s20;
	v18 =	vld [tilespmem:s16+$0x830];
	v3 =	vmul.f32 v40, v47;
	[tilespmem:s12+$0x5840] =	vst v2  }
0x203: {  	v59 =	vmov s13;
	v19 =	vld [tilespmem:s16+$0x840];
	[tilespmem:s8+$0x5870] =	vst v1;
	v1 =	vmul.f32 v49, v52  }
0x204: {  	v13 =	vand.u32 $0x7B, v59;
	v20 =	vld [tilespmem:s16+$0x850];
	v2 =	vmul.f32 v49, v57;
	[tilespmem:s8+$0x5860] =	vst v3  }
0x205: {  	v62 =	vor.u32 $0x100, v13;
	s22 =	sor.u32 $0xC, s20;
	v12 =	vld.idx.msk [tilespmem:v54+s31+$0x0], $0xffff;
	[tilespmem:s12+$0x5810] =	vst v1;
	v1 =	vmul.f32 v49, v55  }
0x206: {  	v9 =	vbroadcast v62, $0x0;
	v21 =	vld [tilespmem:s16+$0x870];
	s15 =	sshll.u32 s22, $0x7;
	v3 =	vmul.f32 v49, v51;
	[tilespmem:s12+$0x5860] =	vst v2  }
0x207: {  	v32 =	vld [tilespmem:s15+$0x800];
	[tilespmem:s12+$0x5830] =	vst v1;
	v1 =	vmul.f32 v49, v56  }
0x208: {  	v33 =	vld [tilespmem:s15+$0x810];
	[tilespmem:s12+$0x5800] =	vst v3;
	v3 =	vmul.f32 v49, v53  }
0x209: {  	v34 =	vld [tilespmem:s15+$0x820];
	[tilespmem:s12+$0x5850] =	vst v1;
	v1 =	vmul.f32 v49, v58  }
0x20a: {  	v35 =	vld [tilespmem:s15+$0x830];
	v2 =	vmul.f32 v12, v60;
	[tilespmem:s12+$0x5820] =	vst v3  }
0x20b: {  	v3 =	vld [tilespmem:s16+$0x860];
	[tilespmem:s12+$0x5870] =	vst v1;
	v1 =	vmul.f32 v12, v61  }
0x20c: {  	v22 =	vmov s22;
	v9 =	vld.idx.msk [tilespmem:v9+s31+$0x0], $0xffff;
	s8 =	sshll.u32 s13, $0x7;
	[tilespmem:s16+$0x5800] =	vst v2;
	v2 =	vmul.f32 v12, v63  }
0x20d: {  	v10 =	vand.u32 $0x7C, v22;
	v23 =	vld [tilespmem:s8+$0x800];
	[tilespmem:s16+$0x5810] =	vst v1;
	v1 =	vmul.f32 v12, v18  }
0x20e: {  	v10 =	vor.u32 $0x100, v10;
	v24 =	vld [tilespmem:s8+$0x810];
	[tilespmem:s16+$0x5820] =	vst v2;
	v2 =	vmul.f32 v12, v19  }
0x20f: {  	v10 =	vbroadcast v10, $0x0;
	v25 =	vld [tilespmem:s8+$0x820];
	[tilespmem:s16+$0x5830] =	vst v1;
	v1 =	vmul.f32 v12, v20  }
0x210: {  	v26 =	vld [tilespmem:s8+$0x830];
	[tilespmem:s16+$0x5840] =	vst v2;
	v2 =	vmul.f32 v12, v3  }
0x211: {  	v27 =	vld [tilespmem:s8+$0x840];
	[tilespmem:s16+$0x5850] =	vst v1;
	v1 =	vmul.f32 v12, v21  }
0x212: {  	v28 =	vld [tilespmem:s8+$0x850];
	[tilespmem:s16+$0x5860] =	vst v2;
	v2 =	vmul.f32 v9, v23  }
0x213: {  	v29 =	vld [tilespmem:s8+$0x860];
	s12 =	sor.u32 $0xD, s20;
	[tilespmem:s16+$0x5870] =	vst v1;
	v1 =	vmul.f32 v9, v24  }
0x214: {  	v3 =	vld [tilespmem:s8+$0x870];
	v31 =	vmov s12;
	[tilespmem:s8+$0x5800] =	vst v2;
	v2 =	vmul.f32 v9, v25  }
0x215: {  	v30 =	vld.idx.msk [tilespmem:v10+s31+$0x0], $0xffff;
	v10 =	vand.u32 $0x7D, v31;
	[tilespmem:s8+$0x5810] =	vst v1;
	v1 =	vmul.f32 v9, v26  }
0x216: {  	v36 =	vld [tilespmem:s15+$0x840];
	v10 =	vor.u32 $0x100, v10;
	[tilespmem:s8+$0x5820] =	vst v2;
	v2 =	vmul.f32 v9, v27  }
0x217: {  	s22 =	sor.u32 $0xE, s20;
	v37 =	vld [tilespmem:s15+$0x850];
	v10 =	vbroadcast v10, $0x0;
	[tilespmem:s8+$0x5830] =	vst v1;
	v1 =	vmul.f32 v9, v28  }
0x218: {  	v38 =	vld [tilespmem:s15+$0x860];
	v40 =	vmov s22;
	s22 =	sshll.u32 s22, $0x7;
	[tilespmem:s8+$0x5840] =	vst v2;
	v2 =	vmul.f32 v9, v29  }
0x219: {  	v50 =	vld [tilespmem:s22+$0x800];
	[tilespmem:s8+$0x5850] =	vst v1;
	v1 =	vmul.f32 v9, v3  }
0x21a: {  	v54 =	vld [tilespmem:s22+$0x850];
	s13 =	sshll.u32 s12, $0x7;
	[tilespmem:s8+$0x5860] =	vst v2;
	v2 =	vmul.f32 v30, v32  }
0x21b: {  	v41 =	vld [tilespmem:s13+$0x800];
	[tilespmem:s8+$0x5870] =	vst v1;
	v1 =	vmul.f32 v30, v33  }
0x21c: {  	[tilespmem:s15+$0x5800] =	vst v2;
	v2 =	vmul.f32 v30, v34;
	v3 =	vld [tilespmem:s15+$0x870]  }
0x21d: {  	v39 =	vld.idx.msk [tilespmem:v10+s31+$0x0], $0xffff;
	v9 =	vand.u32 $0x7E, v40;
	[tilespmem:s15+$0x5810] =	vst v1;
	v1 =	vmul.f32 v30, v35  }
0x21e: {  	v42 =	vld [tilespmem:s13+$0x810];
	v9 =	vor.u32 $0x100, v9;
	[tilespmem:s15+$0x5820] =	vst v2;
	v2 =	vmul.f32 v30, v36  }
0x21f: {  	v43 =	vld [tilespmem:s13+$0x820];
	v9 =	vbroadcast v9, $0x0;
	[tilespmem:s15+$0x5830] =	vst v1;
	v1 =	vmul.f32 v30, v37  }
0x220: {  	v44 =	vld [tilespmem:s13+$0x830];
	[tilespmem:s15+$0x5840] =	vst v2;
	v2 =	vmul.f32 v30, v38  }
0x221: {  	v45 =	vld [tilespmem:s13+$0x840];
	[tilespmem:s15+$0x5850] =	vst v1;
	v1 =	vmul.f32 v30, v3  }
0x222: {  	v46 =	vld [tilespmem:s13+$0x850];
	[tilespmem:s15+$0x5860] =	vst v2;
	v2 =	vmul.f32 v39, v41  }
0x223: {  	s16 =	sor.u32 $0xF, s20;
	v3 =	vld [tilespmem:s13+$0x860];
	[tilespmem:s15+$0x5870] =	vst v1;
	v1 =	vmul.f32 v39, v42  }
0x224: {  	v47 =	vld [tilespmem:s13+$0x870];
	v49 =	vmov s16;
	[tilespmem:s13+$0x5800] =	vst v2;
	v2 =	vmul.f32 v39, v43  }
0x225: {  	v48 =	vld.idx.msk [tilespmem:v9+s31+$0x0], $0xffff;
	v9 =	vand.u32 $0x7F, v49;
	[tilespmem:s13+$0x5810] =	vst v1;
	v1 =	vmul.f32 v39, v44  }
0x226: {  	v51 =	vld [tilespmem:s22+$0x810];
	v9 =	vor.u32 $0x100, v9;
	[tilespmem:s13+$0x5820] =	vst v2;
	v2 =	vmul.f32 v39, v45  }
0x227: {  	v52 =	vld [tilespmem:s22+$0x820];
	v9 =	vbroadcast v9, $0x0;
	[tilespmem:s13+$0x5830] =	vst v1;
	v1 =	vmul.f32 v39, v46  }
0x228: {  	v53 =	vld [tilespmem:s22+$0x830];
	[tilespmem:s13+$0x5840] =	vst v2;
	v2 =	vmul.f32 v39, v3  }
0x229: {  	v3 =	vld [tilespmem:s22+$0x840];
	[tilespmem:s13+$0x5850] =	vst v1;
	v1 =	vmul.f32 v39, v47  }
0x22a: {  	v55 =	vld [tilespmem:s22+$0x860];
	[tilespmem:s13+$0x5860] =	vst v2;
	v2 =	vmul.f32 v48, v50  }
0x22b: {  	v56 =	vld [tilespmem:s22+$0x870];
	s8 =	sshll.u32 s16, $0x7;
	[tilespmem:s13+$0x5870] =	vst v1;
	v1 =	vmul.f32 v48, v51  }
0x22c: {  	v58 =	vld [tilespmem:s8+$0x800];
	[tilespmem:s22+$0x5800] =	vst v2;
	v2 =	vmul.f32 v48, v52  }
0x22d: {  	v57 =	vld.idx.msk [tilespmem:v9+s31+$0x0], $0xffff;
	[tilespmem:s22+$0x5810] =	vst v1;
	v1 =	vmul.f32 v48, v53  }
0x22e: {  	[tilespmem:s22+$0x5820] =	vst v2;
	v2 =	vmul.f32 v48, v3;
	v3 =	vld [tilespmem:s8+$0x810]  }
0x22f: {  	v59 =	vld [tilespmem:s8+$0x820];
	[tilespmem:s22+$0x5830] =	vst v1;
	v1 =	vmul.f32 v48, v54  }
0x230: {  	v60 =	vld [tilespmem:s8+$0x830];
	[tilespmem:s22+$0x5840] =	vst v2;
	v2 =	vmul.f32 v48, v55  }
0x231: {  	v61 =	vld [tilespmem:s8+$0x840];
	[tilespmem:s22+$0x5850] =	vst v1;
	v1 =	vmul.f32 v48, v56  }
0x232: {  	v62 =	vld [tilespmem:s8+$0x850];
	[tilespmem:s22+$0x5860] =	vst v2;
	v2 =	vmul.f32 v57, v58  }
0x233: {  	[tilespmem:s22+$0x5870] =	vst v1;
	v1 =	vmul.f32 v57, v3;
	v3 =	vld [tilespmem:s8+$0x860]  }
0x234: {  	v63 =	vld [tilespmem:s8+$0x870];
	[tilespmem:s8+$0x5800] =	vst v2;
	v2 =	vmul.f32 v57, v59  }
0x235: {  	[tilespmem:s8+$0x5810] =	vst v1;
	v1 =	vmul.f32 v57, v60  }
0x236: {  	p0 =	slt.u32 s20, $0x40;
	[tilespmem:s8+$0x5820] =	vst v2;
	v2 =	vmul.f32 v57, v61  }
.Ltmp3:
0x237: {  	[tilespmem:s8+$0x5830] =	vst v1;
	v1 =	vmul.f32 v57, v62;
	(pc) =	sbr.rel @p0 .LBB2_9-.Ltmp3, $4  }
0x238: {  	[tilespmem:s8+$0x5840] =	vst v2;
	v2 =	vmul.f32 v57, v3  }
0x239: {  	[tilespmem:s8+$0x5850] =	vst v1;
	v1 =	vmul.f32 v57, v63  }
0x23a: {  	[tilespmem:s8+$0x5860] =	vst v2  }
0x23b: {  	s20 =	sadd.s32 $0x10, s20;
	[tilespmem:s8+$0x5870] =	vst v1  }
0x23c: {  	_ =	swait.ge [sflag:s24], $0x180  }
0x23d: {  	[sflag:s24] =	ssyncset.done $0x0  }
0x23e: {  	[sflag:s24] =	ssyncadd.s32 $0xFFFFFE80  }
0x23f: {  	[tilespmem:s26], [sflag:$0x1] =	stream.indirect.gather [hbm4b:s1+s25], $0x80, s4, s25, $0xb8;
	[tilespmem:$0x1E800] =	vst v63  }
0x240: {  	s8 =	simm.s32 $0x480  }
0x241: {  	[spmem:s3] =	stream.indirect.scatter.add.f32 [tilespmem:s21], [sflag:$0x3], $0x80, s8, s25, $0xb8;
	[tilespmem:$0x1E800] =	vst v63  }
0x242: {  	_ =	swait.ge [sflag:s30], $0x2800  }
0x243: {  	p0 =	seq.s32 s18, $0x1E;
	[sflag:s30] =	ssyncset.done $0x0  }
0x244: {  	s8 =	sadd.s32 @!p0 s19, s10;
	[sflag:s30] =	ssyncadd.s32 $0xFFFFD800  }
0x245: {  	s12 =	simm.s32 @!p0 $0x0;
	s8 =	sshll.u32 @!p0 s8, $0x6;
	_ =	swait.ge [sflag:s14], $0x2800  }
0x246: {  	s13 =	simm.s32 @!p0 $0x200;
	s8 =	sand.u32 @!p0 $0x1FFFFFC0, s8;
	[sflag:s14] =	ssyncset.done $0x0  }
0x247: {  	s19 =	simm.s32 $0x0;
	s8 =	sadd.s32 @!p0 s6, s8;
	[sflag:s14] =	ssyncadd.s32 $0xFFFFD800  }
0x248: {  	[tilespmem:s13], [sflag:$0x5] =	stream.linear.gather @!p0 [hbm4b:s8+s12], $0x180, $0x38;
	[tilespmem:$0x1E800] =	vst v63  }
.LBB2_11:
0x249: {  	s20 =	sshll.u32 s19, $0x7  }
0x24a: {  	v3 =	vld [tilespmem:s20+$0x3000]  }
0x24b: {  	v4 =	vld [tilespmem:s20+$0x3010]  }
0x24c: {  	v5 =	vld [tilespmem:s20+$0x3020]  }
0x24d: {  	v6 =	vld [tilespmem:s20+$0x3030]  }
0x24e: {  	v7 =	vld [tilespmem:s20+$0x3040]  }
0x24f: {  	v8 =	vld [tilespmem:s20+$0x3050]  }
0x250: {  	s8 =	sor.u32 $0x1, s19;
	v9 =	vld [tilespmem:s20+$0x3060]  }
0x251: {  	v1 =	vmov s19;
	v2 =	vmov s8;
	v10 =	vld [tilespmem:s20+$0x3070];
	s8 =	sshll.u32 s8, $0x7  }
0x252: {  	v1 =	vand.u32 $0x70, v1;
	v12 =	vld [tilespmem:s8+$0x3000]  }
0x253: {  	v1 =	vor.u32 $0x100, v1;
	v13 =	vld [tilespmem:s8+$0x3010]  }
0x254: {  	v14 =	vld [tilespmem:s8+$0x3020];
	v1 =	vbroadcast v1, $0x0  }
0x255: {  	v15 =	vld [tilespmem:s8+$0x3030]  }
0x256: {  	v16 =	vld [tilespmem:s8+$0x3040]  }
0x257: {  	v17 =	vld [tilespmem:s8+$0x3050]  }
0x258: {  	v18 =	vld [tilespmem:s8+$0x3060]  }
0x259: {  	s12 =	sor.u32 $0x2, s19;
	v19 =	vld [tilespmem:s8+$0x3070]  }
0x25a: {  	s16 =	sshll.u32 s12, $0x7;
	v2 =	vand.u32 $0x71, v2;
	v1 =	vld.idx.msk [tilespmem:v1+s7+$0x0], $0xffff  }
0x25b: {  	v21 =	vld [tilespmem:s16+$0x3000];
	v2 =	vor.u32 $0x100, v2  }
0x25c: {  	v22 =	vld [tilespmem:s16+$0x3010];
	v2 =	vbroadcast v2, $0x0  }
0x25d: {  	v23 =	vld [tilespmem:s16+$0x3020]  }
0x25e: {  	v24 =	vld [tilespmem:s16+$0x3030]  }
0x25f: {  	v26 =	vld [tilespmem:s16+$0x3040];
	v3 =	vmul.f32 v1, v3  }
0x260: {  	v28 =	vld [tilespmem:s16+$0x3050];
	v4 =	vmul.f32 v1, v4  }
0x261: {  	v11 =	vmov s12;
	v29 =	vld [tilespmem:s16+$0x3060];
	[tilespmem:s20+$0x8000] =	vst v3;
	v3 =	vmul.f32 v1, v5  }
0x262: {  	s13 =	sor.u32 $0x3, s19;
	v11 =	vand.u32 $0x72, v11;
	v2 =	vld.idx.msk [tilespmem:v2+s7+$0x0], $0xffff;
	v27 =	vmul.f32 v1, v6;
	[tilespmem:s20+$0x8010] =	vst v4  }
0x263: {  	s12 =	sshll.u32 s13, $0x7;
	v31 =	vld [tilespmem:s16+$0x3070];
	v11 =	vor.u32 $0x100, v11;
	[tilespmem:s20+$0x8020] =	vst v3;
	v3 =	vmul.f32 v1, v7  }
0x264: {  	v34 =	vld [tilespmem:s12+$0x3000];
	v11 =	vbroadcast v11, $0x0;
	v30 =	vmul.f32 v1, v8;
	[tilespmem:s20+$0x8030] =	vst v27  }
0x265: {  	v36 =	vld [tilespmem:s12+$0x3010];
	[tilespmem:s20+$0x8040] =	vst v3;
	v3 =	vmul.f32 v1, v9  }
0x266: {  	v37 =	vld [tilespmem:s12+$0x3020];
	[tilespmem:s20+$0x8050] =	vst v30;
	v1 =	vmul.f32 v1, v10  }
0x267: {  	v38 =	vld [tilespmem:s12+$0x3030];
	[tilespmem:s20+$0x8060] =	vst v3;
	v3 =	vmul.f32 v2, v12  }
0x268: {  	v39 =	vld [tilespmem:s12+$0x3040];
	[tilespmem:s20+$0x8070] =	vst v1;
	v1 =	vmul.f32 v2, v13  }
0x269: {  	v20 =	vmov s13;
	v40 =	vld [tilespmem:s12+$0x3050];
	[tilespmem:s8+$0x8000] =	vst v3;
	v3 =	vmul.f32 v2, v14  }
0x26a: {  	v20 =	vand.u32 $0x73, v20;
	v11 =	vld.idx.msk [tilespmem:v11+s7+$0x0], $0xffff;
	[tilespmem:s8+$0x8010] =	vst v1;
	v1 =	vmul.f32 v2, v15  }
0x26b: {  	s22 =	sor.u32 $0x5, s19;
	v41 =	vld [tilespmem:s12+$0x3060];
	v20 =	vor.u32 $0x100, v20;
	[tilespmem:s8+$0x8020] =	vst v3;
	v3 =	vmul.f32 v2, v16  }
0x26c: {  	v43 =	vmov s22;
	s22 =	sshll.u32 s22, $0x7;
	v42 =	vld [tilespmem:s12+$0x3070];
	v20 =	vbroadcast v20, $0x0;
	[tilespmem:s8+$0x8030] =	vst v1;
	v1 =	vmul.f32 v2, v17  }
0x26d: {  	s15 =	sor.u32 $0x4, s19;
	v54 =	vld [tilespmem:s22+$0x3000];
	[tilespmem:s8+$0x8040] =	vst v3;
	v3 =	vmul.f32 v2, v18  }
0x26e: {  	v33 =	vmov s15;
	v55 =	vld [tilespmem:s22+$0x3010];
	[tilespmem:s8+$0x8050] =	vst v1;
	v1 =	vmul.f32 v2, v19  }
0x26f: {  	v35 =	vand.u32 $0x74, v33;
	v56 =	vld [tilespmem:s22+$0x3020];
	[tilespmem:s8+$0x8060] =	vst v3;
	v3 =	vmul.f32 v11, v21  }
0x270: {  	v57 =	vld [tilespmem:s22+$0x3030];
	v10 =	vor.u32 $0x100, v35;
	[tilespmem:s8+$0x8070] =	vst v1;
	v1 =	vmul.f32 v11, v22  }
0x271: {  	v58 =	vld [tilespmem:s22+$0x3040];
	v10 =	vbroadcast v10, $0x0;
	[tilespmem:s16+$0x8000] =	vst v3;
	v3 =	vmul.f32 v11, v23  }
0x272: {  	v32 =	vld.idx.msk [tilespmem:v20+s7+$0x0], $0xffff;
	[tilespmem:s16+$0x8010] =	vst v1;
	v1 =	vmul.f32 v11, v24  }
0x273: {  	v59 =	vld [tilespmem:s22+$0x3050];
	[tilespmem:s16+$0x8020] =	vst v3;
	v3 =	vmul.f32 v11, v26  }
0x274: {  	v60 =	vld [tilespmem:s22+$0x3060];
	[tilespmem:s16+$0x8030] =	vst v1;
	v1 =	vmul.f32 v11, v28  }
0x275: {  	v61 =	vld [tilespmem:s22+$0x3070];
	s20 =	sshll.u32 s15, $0x7;
	[tilespmem:s16+$0x8040] =	vst v3;
	v3 =	vmul.f32 v11, v29  }
0x276: {  	v44 =	vld [tilespmem:s20+$0x3000];
	[tilespmem:s16+$0x8050] =	vst v1;
	v1 =	vmul.f32 v11, v31  }
0x277: {  	v2 =	vld.idx.msk [tilespmem:v10+s7+$0x0], $0xffff;
	v10 =	vand.u32 $0x75, v43;
	[tilespmem:s16+$0x8060] =	vst v3;
	v3 =	vmul.f32 v32, v34  }
0x278: {  	v45 =	vld [tilespmem:s20+$0x3010];
	v10 =	vor.u32 $0x100, v10;
	[tilespmem:s16+$0x8070] =	vst v1;
	v1 =	vmul.f32 v32, v36  }
0x279: {  	v46 =	vld [tilespmem:s20+$0x3020];
	v10 =	vbroadcast v10, $0x0;
	[tilespmem:s12+$0x8000] =	vst v3;
	v3 =	vmul.f32 v32, v37  }
0x27a: {  	v47 =	vld [tilespmem:s20+$0x3030];
	[tilespmem:s12+$0x8010] =	vst v1;
	v1 =	vmul.f32 v32, v38  }
0x27b: {  	v48 =	vld [tilespmem:s20+$0x3040];
	[tilespmem:s12+$0x8020] =	vst v3;
	v3 =	vmul.f32 v32, v39  }
0x27c: {  	v49 =	vld [tilespmem:s20+$0x3050];
	[tilespmem:s12+$0x8030] =	vst v1;
	v1 =	vmul.f32 v32, v40  }
0x27d: {  	v50 =	vld [tilespmem:s20+$0x3060];
	s8 =	sor.u32 $0x6, s19;
	[tilespmem:s12+$0x8040] =	vst v3;
	v3 =	vmul.f32 v32, v41  }
0x27e: {  	v51 =	vld [tilespmem:s20+$0x3070];
	v53 =	vmov s8;
	s16 =	sor.u32 $0x7, s19;
	[tilespmem:s12+$0x8050] =	vst v1;
	v1 =	vmul.f32 v32, v42  }
0x27f: {  	v52 =	vld.idx.msk [tilespmem:v10+s7+$0x0], $0xffff;
	v10 =	vand.u32 $0x76, v53;
	v62 =	vmov s16;
	s16 =	sshll.u32 s16, $0x7;
	[tilespmem:s12+$0x8060] =	vst v3;
	v3 =	vmul.f32 v2, v44  }
0x280: {  	v10 =	vor.u32 $0x100, v10;
	v33 =	vld [tilespmem:s16+$0x3010];
	[tilespmem:s12+$0x8070] =	vst v1;
	v1 =	vmul.f32 v2, v45  }
0x281: {  	v10 =	vbroadcast v10, $0x0;
	v34 =	vld [tilespmem:s16+$0x3020];
	[tilespmem:s20+$0x8000] =	vst v3;
	v3 =	vmul.f32 v2, v46  }
0x282: {  	v35 =	vld [tilespmem:s16+$0x3030];
	[tilespmem:s20+$0x8010] =	vst v1;
	v1 =	vmul.f32 v2, v47  }
0x283: {  	v36 =	vld [tilespmem:s16+$0x3040];
	[tilespmem:s20+$0x8020] =	vst v3;
	v3 =	vmul.f32 v2, v48  }
0x284: {  	v37 =	vld [tilespmem:s16+$0x3050];
	[tilespmem:s20+$0x8030] =	vst v1;
	v1 =	vmul.f32 v2, v49  }
0x285: {  	v38 =	vld [tilespmem:s16+$0x3060];
	[tilespmem:s20+$0x8040] =	vst v3;
	v3 =	vmul.f32 v2, v50  }
0x286: {  	v39 =	vld [tilespmem:s16+$0x3070];
	[tilespmem:s20+$0x8050] =	vst v1;
	v1 =	vmul.f32 v2, v51  }
0x287: {  	v10 =	vld.idx.msk [tilespmem:v10+s7+$0x0], $0xffff;
	[tilespmem:s20+$0x8060] =	vst v3;
	v3 =	vmul.f32 v52, v54  }
0x288: {  	v32 =	vld [tilespmem:s16+$0x3000];
	s12 =	sshll.u32 s8, $0x7;
	[tilespmem:s20+$0x8070] =	vst v1;
	v1 =	vmul.f32 v52, v55  }
0x289: {  	v18 =	vand.u32 $0x77, v62;
	v63 =	vld [tilespmem:s12+$0x3000];
	[tilespmem:s22+$0x8000] =	vst v3;
	v3 =	vmul.f32 v52, v56  }
0x28a: {  	v18 =	vor.u32 $0x100, v18;
	v24 =	vld [tilespmem:s12+$0x3010];
	[tilespmem:s22+$0x8010] =	vst v1;
	v1 =	vmul.f32 v52, v57  }
0x28b: {  	v18 =	vbroadcast v18, $0x0;
	v25 =	vld [tilespmem:s12+$0x3020];
	[tilespmem:s22+$0x8020] =	vst v3;
	v3 =	vmul.f32 v52, v58  }
0x28c: {  	v26 =	vld [tilespmem:s12+$0x3030];
	[tilespmem:s22+$0x8030] =	vst v1;
	v1 =	vmul.f32 v52, v59  }
0x28d: {  	v27 =	vld [tilespmem:s12+$0x3040];
	s20 =	sor.u32 $0x8, s19;
	[tilespmem:s22+$0x8040] =	vst v3;
	v3 =	vmul.f32 v52, v60  }
0x28e: {  	v28 =	vld [tilespmem:s12+$0x3060];
	v31 =	vmov s20;
	[tilespmem:s22+$0x8050] =	vst v1;
	v1 =	vmul.f32 v52, v61  }
0x28f: {  	v2 =	vld [tilespmem:s12+$0x3050];
	v13 =	vand.u32 $0x78, v31;
	[tilespmem:s22+$0x8060] =	vst v3;
	v3 =	vmul.f32 v10, v63  }
0x290: {  	v29 =	vld [tilespmem:s12+$0x3070];
	v13 =	vor.u32 $0x100, v13;
	[tilespmem:s22+$0x8070] =	vst v1;
	v1 =	vmul.f32 v10, v24  }
0x291: {  	v30 =	vld.idx.msk [tilespmem:v18+s7+$0x0], $0xffff;
	s8 =	sshll.u32 s20, $0x7;
	v13 =	vbroadcast v13, $0x0;
	[tilespmem:s12+$0x8000] =	vst v3;
	v3 =	vmul.f32 v10, v25  }
0x292: {  	v42 =	vld [tilespmem:s8+$0x3000];
	[tilespmem:s12+$0x8010] =	vst v1;
	v1 =	vmul.f32 v10, v26  }
0x293: {  	v43 =	vld [tilespmem:s8+$0x3020];
	[tilespmem:s12+$0x8020] =	vst v3;
	v3 =	vmul.f32 v10, v27  }
0x294: {  	v44 =	vld [tilespmem:s8+$0x3030];
	[tilespmem:s12+$0x8030] =	vst v1;
	v1 =	vmul.f32 v10, v2  }
0x295: {  	v45 =	vld [tilespmem:s8+$0x3040];
	s22 =	sor.u32 $0x9, s19;
	[tilespmem:s12+$0x8040] =	vst v3;
	v3 =	vmul.f32 v10, v28  }
0x296: {  	v46 =	vld [tilespmem:s8+$0x3050];
	v41 =	vmov s22;
	[tilespmem:s12+$0x8050] =	vst v1;
	v1 =	vmul.f32 v10, v29  }
0x297: {  	v40 =	vld.idx.msk [tilespmem:v13+s7+$0x0], $0xffff;
	v13 =	vand.u32 $0x79, v41;
	[tilespmem:s12+$0x8060] =	vst v3;
	v3 =	vmul.f32 v30, v32  }
0x298: {  	v47 =	vld [tilespmem:s8+$0x3060];
	v13 =	vor.u32 $0x100, v13;
	[tilespmem:s12+$0x8070] =	vst v1;
	v1 =	vmul.f32 v30, v33  }
0x299: {  	v48 =	vld [tilespmem:s8+$0x3070];
	v13 =	vbroadcast v13, $0x0;
	[tilespmem:s16+$0x8000] =	vst v3;
	v3 =	vmul.f32 v30, v34  }
0x29a: {  	v2 =	vld [tilespmem:s8+$0x3010];
	s12 =	sshll.u32 s22, $0x7;
	[tilespmem:s16+$0x8010] =	vst v1;
	v1 =	vmul.f32 v30, v35  }
0x29b: {  	v51 =	vld [tilespmem:s12+$0x3000];
	[tilespmem:s16+$0x8020] =	vst v3;
	v3 =	vmul.f32 v30, v36  }
0x29c: {  	v52 =	vld [tilespmem:s12+$0x3010];
	[tilespmem:s16+$0x8030] =	vst v1;
	v1 =	vmul.f32 v30, v37  }
0x29d: {  	v53 =	vld [tilespmem:s12+$0x3020];
	[tilespmem:s16+$0x8040] =	vst v3;
	v3 =	vmul.f32 v30, v38  }
0x29e: {  	v55 =	vld [tilespmem:s12+$0x3030];
	[tilespmem:s16+$0x8050] =	vst v1;
	v1 =	vmul.f32 v30, v39  }
0x29f: {  	v49 =	vld.idx.msk [tilespmem:v13+s7+$0x0], $0xffff;
	[tilespmem:s16+$0x8060] =	vst v3;
	v3 =	vmul.f32 v40, v42  }
0x2a0: {  	s20 =	sor.u32 $0xA, s19;
	[tilespmem:s16+$0x8070] =	vst v1;
	v1 =	vmul.f32 v40, v2;
	v2 =	vld [tilespmem:s12+$0x3040]  }
0x2a1: {  	v50 =	vmov s20;
	v56 =	vld [tilespmem:s12+$0x3050];
	[tilespmem:s8+$0x8000] =	vst v3;
	v3 =	vmul.f32 v40, v43  }
0x2a2: {  	s22 =	sor.u32 $0xB, s19;
	v57 =	vld [tilespmem:s12+$0x3060];
	v13 =	vand.u32 $0x7A, v50;
	[tilespmem:s8+$0x8010] =	vst v1;
	v1 =	vmul.f32 v40, v44  }
0x2a3: {  	v58 =	vld [tilespmem:s12+$0x3070];
	v59 =	vmov s22;
	s22 =	sshll.u32 s22, $0x7;
	v13 =	vor.u32 $0x100, v13;
	[tilespmem:s8+$0x8020] =	vst v3;
	v3 =	vmul.f32 v40, v45  }
0x2a4: {  	v23 =	vld [tilespmem:s22+$0x3000];
	v54 =	vbroadcast v13, $0x0;
	[tilespmem:s8+$0x8030] =	vst v1;
	v1 =	vmul.f32 v40, v46  }
0x2a5: {  	v24 =	vld [tilespmem:s22+$0x3010];
	v2 =	vmul.f32 v49, v2;
	[tilespmem:s8+$0x8040] =	vst v3  }
0x2a6: {  	v25 =	vld [tilespmem:s22+$0x3020];
	[tilespmem:s8+$0x8050] =	vst v1;
	v1 =	vmul.f32 v40, v48  }
0x2a7: {  	v26 =	vld [tilespmem:s22+$0x3030];
	v3 =	vmul.f32 v40, v47;
	[tilespmem:s12+$0x8040] =	vst v2  }
0x2a8: {  	v27 =	vld [tilespmem:s22+$0x3040];
	s16 =	sshll.u32 s20, $0x7;
	[tilespmem:s8+$0x8070] =	vst v1;
	v1 =	vmul.f32 v49, v52  }
0x2a9: {  	v60 =	vld [tilespmem:s16+$0x3000];
	v2 =	vmul.f32 v49, v57;
	[tilespmem:s8+$0x8060] =	vst v3  }
0x2aa: {  	v13 =	vand.u32 $0x7B, v59;
	v12 =	vld.idx.msk [tilespmem:v54+s7+$0x0], $0xffff;
	[tilespmem:s12+$0x8010] =	vst v1;
	v1 =	vmul.f32 v49, v55  }
0x2ab: {  	v62 =	vor.u32 $0x100, v13;
	v61 =	vld [tilespmem:s16+$0x3010];
	v3 =	vmul.f32 v49, v51;
	[tilespmem:s12+$0x8060] =	vst v2  }
0x2ac: {  	v9 =	vbroadcast v62, $0x0;
	v63 =	vld [tilespmem:s16+$0x3020];
	[tilespmem:s12+$0x8030] =	vst v1;
	v1 =	vmul.f32 v49, v56  }
0x2ad: {  	v18 =	vld [tilespmem:s16+$0x3030];
	[tilespmem:s12+$0x8000] =	vst v3;
	v3 =	vmul.f32 v49, v53  }
0x2ae: {  	v19 =	vld [tilespmem:s16+$0x3040];
	[tilespmem:s12+$0x8050] =	vst v1;
	v1 =	vmul.f32 v49, v58  }
0x2af: {  	v20 =	vld [tilespmem:s16+$0x3050];
	v2 =	vmul.f32 v12, v60;
	[tilespmem:s12+$0x8020] =	vst v3  }
0x2b0: {  	s20 =	sor.u32 $0xC, s19;
	v3 =	vld [tilespmem:s16+$0x3060];
	[tilespmem:s12+$0x8070] =	vst v1;
	v1 =	vmul.f32 v12, v61  }
0x2b1: {  	v21 =	vld [tilespmem:s16+$0x3070];
	v22 =	vmov s20;
	[tilespmem:s16+$0x8000] =	vst v2;
	v2 =	vmul.f32 v12, v63  }
0x2b2: {  	v10 =	vand.u32 $0x7C, v22;
	v9 =	vld.idx.msk [tilespmem:v9+s7+$0x0], $0xffff;
	[tilespmem:s16+$0x8010] =	vst v1;
	v1 =	vmul.f32 v12, v18  }
0x2b3: {  	v28 =	vld [tilespmem:s22+$0x3050];
	v10 =	vor.u32 $0x100, v10;
	[tilespmem:s16+$0x8020] =	vst v2;
	v2 =	vmul.f32 v12, v19  }
0x2b4: {  	v29 =	vld [tilespmem:s22+$0x3060];
	s15 =	sshll.u32 s20, $0x7;
	v10 =	vbroadcast v10, $0x0;
	[tilespmem:s16+$0x8030] =	vst v1;
	v1 =	vmul.f32 v12, v20  }
0x2b5: {  	v32 =	vld [tilespmem:s15+$0x3000];
	[tilespmem:s16+$0x8040] =	vst v2;
	v2 =	vmul.f32 v12, v3  }
0x2b6: {  	v33 =	vld [tilespmem:s15+$0x3010];
	[tilespmem:s16+$0x8050] =	vst v1;
	v1 =	vmul.f32 v12, v21  }
0x2b7: {  	v34 =	vld [tilespmem:s15+$0x3020];
	[tilespmem:s16+$0x8060] =	vst v2;
	v2 =	vmul.f32 v9, v23  }
0x2b8: {  	v35 =	vld [tilespmem:s15+$0x3030];
	s12 =	sor.u32 $0xD, s19;
	[tilespmem:s16+$0x8070] =	vst v1;
	v1 =	vmul.f32 v9, v24  }
0x2b9: {  	v3 =	vld [tilespmem:s22+$0x3070];
	v31 =	vmov s12;
	[tilespmem:s22+$0x8000] =	vst v2;
	v2 =	vmul.f32 v9, v25  }
0x2ba: {  	v30 =	vld.idx.msk [tilespmem:v10+s7+$0x0], $0xffff;
	v10 =	vand.u32 $0x7D, v31;
	[tilespmem:s22+$0x8010] =	vst v1;
	v1 =	vmul.f32 v9, v26  }
0x2bb: {  	v36 =	vld [tilespmem:s15+$0x3040];
	v10 =	vor.u32 $0x100, v10;
	[tilespmem:s22+$0x8020] =	vst v2;
	v2 =	vmul.f32 v9, v27  }
0x2bc: {  	s20 =	sor.u32 $0xF, s19;
	v37 =	vld [tilespmem:s15+$0x3050];
	v10 =	vbroadcast v10, $0x0;
	[tilespmem:s22+$0x8030] =	vst v1;
	v1 =	vmul.f32 v9, v28  }
0x2bd: {  	v38 =	vld [tilespmem:s15+$0x3060];
	s8 =	sshll.u32 s20, $0x7;
	[tilespmem:s22+$0x8040] =	vst v2;
	v2 =	vmul.f32 v9, v29  }
0x2be: {  	v58 =	vld [tilespmem:s8+$0x3000];
	s13 =	sshll.u32 s12, $0x7;
	[tilespmem:s22+$0x8050] =	vst v1;
	v1 =	vmul.f32 v9, v3  }
0x2bf: {  	v41 =	vld [tilespmem:s13+$0x3000];
	[tilespmem:s22+$0x8060] =	vst v2;
	v2 =	vmul.f32 v30, v32  }
0x2c0: {  	v42 =	vld [tilespmem:s13+$0x3010];
	s16 =	sor.u32 $0xE, s19;
	[tilespmem:s22+$0x8070] =	vst v1;
	v1 =	vmul.f32 v30, v33  }
0x2c1: {  	v40 =	vmov s16;
	[tilespmem:s15+$0x8000] =	vst v2;
	v2 =	vmul.f32 v30, v34;
	v3 =	vld [tilespmem:s15+$0x3070]  }
0x2c2: {  	v39 =	vld.idx.msk [tilespmem:v10+s7+$0x0], $0xffff;
	v9 =	vand.u32 $0x7E, v40;
	[tilespmem:s15+$0x8010] =	vst v1;
	v1 =	vmul.f32 v30, v35  }
0x2c3: {  	v43 =	vld [tilespmem:s13+$0x3020];
	v9 =	vor.u32 $0x100, v9;
	[tilespmem:s15+$0x8020] =	vst v2;
	v2 =	vmul.f32 v30, v36  }
0x2c4: {  	v44 =	vld [tilespmem:s13+$0x3030];
	v9 =	vbroadcast v9, $0x0;
	[tilespmem:s15+$0x8030] =	vst v1;
	v1 =	vmul.f32 v30, v37  }
0x2c5: {  	v45 =	vld [tilespmem:s13+$0x3040];
	[tilespmem:s15+$0x8040] =	vst v2;
	v2 =	vmul.f32 v30, v38  }
0x2c6: {  	v46 =	vld [tilespmem:s13+$0x3050];
	[tilespmem:s15+$0x8050] =	vst v1;
	v1 =	vmul.f32 v30, v3  }
0x2c7: {  	v47 =	vld [tilespmem:s13+$0x3070];
	[tilespmem:s15+$0x8060] =	vst v2;
	v2 =	vmul.f32 v39, v41  }
0x2c8: {  	s22 =	sshll.u32 s16, $0x7;
	v3 =	vld [tilespmem:s13+$0x3060];
	[tilespmem:s15+$0x8070] =	vst v1;
	v1 =	vmul.f32 v39, v42  }
0x2c9: {  	v49 =	vmov s20;
	v50 =	vld [tilespmem:s22+$0x3000];
	[tilespmem:s13+$0x8000] =	vst v2;
	v2 =	vmul.f32 v39, v43  }
0x2ca: {  	v48 =	vld.idx.msk [tilespmem:v9+s7+$0x0], $0xffff;
	v9 =	vand.u32 $0x7F, v49;
	[tilespmem:s13+$0x8010] =	vst v1;
	v1 =	vmul.f32 v39, v44  }
0x2cb: {  	v51 =	vld [tilespmem:s22+$0x3010];
	v9 =	vor.u32 $0x100, v9;
	[tilespmem:s13+$0x8020] =	vst v2;
	v2 =	vmul.f32 v39, v45  }
0x2cc: {  	v52 =	vld [tilespmem:s22+$0x3020];
	v9 =	vbroadcast v9, $0x0;
	[tilespmem:s13+$0x8030] =	vst v1;
	v1 =	vmul.f32 v39, v46  }
0x2cd: {  	v53 =	vld [tilespmem:s22+$0x3030];
	[tilespmem:s13+$0x8040] =	vst v2;
	v2 =	vmul.f32 v39, v3  }
0x2ce: {  	v3 =	vld [tilespmem:s22+$0x3040];
	[tilespmem:s13+$0x8050] =	vst v1;
	v1 =	vmul.f32 v39, v47  }
0x2cf: {  	v54 =	vld [tilespmem:s22+$0x3050];
	[tilespmem:s13+$0x8060] =	vst v2;
	v2 =	vmul.f32 v48, v50  }
0x2d0: {  	v55 =	vld [tilespmem:s22+$0x3060];
	[tilespmem:s13+$0x8070] =	vst v1;
	v1 =	vmul.f32 v48, v51  }
0x2d1: {  	v56 =	vld [tilespmem:s22+$0x3070];
	[tilespmem:s22+$0x8000] =	vst v2;
	v2 =	vmul.f32 v48, v52  }
0x2d2: {  	v57 =	vld.idx.msk [tilespmem:v9+s7+$0x0], $0xffff;
	[tilespmem:s22+$0x8010] =	vst v1;
	v1 =	vmul.f32 v48, v53  }
0x2d3: {  	[tilespmem:s22+$0x8020] =	vst v2;
	v2 =	vmul.f32 v48, v3;
	v3 =	vld [tilespmem:s8+$0x3010]  }
0x2d4: {  	v59 =	vld [tilespmem:s8+$0x3020];
	[tilespmem:s22+$0x8030] =	vst v1;
	v1 =	vmul.f32 v48, v54  }
0x2d5: {  	v60 =	vld [tilespmem:s8+$0x3030];
	[tilespmem:s22+$0x8040] =	vst v2;
	v2 =	vmul.f32 v48, v55  }
0x2d6: {  	v61 =	vld [tilespmem:s8+$0x3040];
	[tilespmem:s22+$0x8050] =	vst v1;
	v1 =	vmul.f32 v48, v56  }
0x2d7: {  	v62 =	vld [tilespmem:s8+$0x3050];
	[tilespmem:s22+$0x8060] =	vst v2;
	v2 =	vmul.f32 v57, v58  }
0x2d8: {  	[tilespmem:s22+$0x8070] =	vst v1;
	v1 =	vmul.f32 v57, v3;
	v3 =	vld [tilespmem:s8+$0x3060]  }
0x2d9: {  	v63 =	vld [tilespmem:s8+$0x3070];
	[tilespmem:s8+$0x8000] =	vst v2;
	v2 =	vmul.f32 v57, v59  }
0x2da: {  	[tilespmem:s8+$0x8010] =	vst v1;
	v1 =	vmul.f32 v57, v60  }
0x2db: {  	p1 =	slt.u32 s19, $0x40;
	[tilespmem:s8+$0x8020] =	vst v2;
	v2 =	vmul.f32 v57, v61  }
.Ltmp4:
0x2dc: {  	[tilespmem:s8+$0x8030] =	vst v1;
	v1 =	vmul.f32 v57, v62;
	(pc) =	sbr.rel @p1 .LBB2_11-.Ltmp4, $4  }
0x2dd: {  	[tilespmem:s8+$0x8040] =	vst v2;
	v2 =	vmul.f32 v57, v3  }
0x2de: {  	[tilespmem:s8+$0x8050] =	vst v1;
	v1 =	vmul.f32 v57, v63  }
0x2df: {  	[tilespmem:s8+$0x8060] =	vst v2  }
0x2e0: {  	s19 =	sadd.s32 $0x10, s19;
	[tilespmem:s8+$0x8070] =	vst v1  }
.Ltmp5:
0x2e1: {  	(pc) =	sbr.rel @p0 .LBB2_14-.Ltmp5, $1  }
0x2e2: {  	_ =	sdelay $0x3  }
0x2e3: {  	_ =	swait.ge [sflag:s24], $0x180  }
.Ltmp6:
0x2e4: {  	[sflag:s24] =	ssyncset.done $0x0;
	(pc) =	sbr.rel .LBB2_4-.Ltmp6, $4  }
0x2e5: {  	[sflag:s24] =	ssyncadd.s32 $0xFFFFFE80  }
0x2e6: {  	[tilespmem:s28], [sflag:$0x2] =	stream.indirect.gather [hbm4b:s1+s25], $0x80, s23, s25, $0xb8;
	[tilespmem:$0x1E800] =	vst v63  }
0x2e7: {  	s8 =	simm.s32 $0x680;
	s18 =	sadd.s32 $0x1, s18  }
0x2e8: {  	[spmem:s3] =	stream.indirect.scatter.add.f32 [tilespmem:s11], [sflag:$0x4], $0x80, s8, s25, $0xb8;
	[tilespmem:$0x1E800] =	vst v63  }
.LBB2_14:
0x2e9: {  	s8 =	simm.s32 $0x680  }
0x2ea: {  	[spmem:s3] =	stream.indirect.scatter.add.f32 [tilespmem:s11], [sflag:$0x4], $0x80, s8, s25, $0xb8;
	[tilespmem:$0x1E800] =	vst v63  }
0x2eb: {  	_ =	swait.ge [sflag:s29], $0x2800  }
0x2ec: {  	[sflag:s29] =	ssyncset.done $0x0  }
0x2ed: {  	[sflag:s29] =	ssyncadd.s32 $0xFFFFD800  }
0x2ee: {  	_ =	swait.ge [sflag:s2], $0x2800  }
0x2ef: {  	[sflag:s2] =	ssyncset.done $0x0  }
0x2f0: {  	s17 =	simm.s32 $0x0;
	[sflag:s2] =	ssyncadd.s32 $0xFFFFD800  }
.LBB2_15:
0x2f1: {  	s18 =	sshll.u32 s17, $0x7  }
0x2f2: {  	v3 =	vld [tilespmem:s18+$0x800]  }
0x2f3: {  	v4 =	vld [tilespmem:s18+$0x810]  }
0x2f4: {  	v5 =	vld [tilespmem:s18+$0x820]  }
0x2f5: {  	v6 =	vld [tilespmem:s18+$0x830]  }
0x2f6: {  	v7 =	vld [tilespmem:s18+$0x840]  }
0x2f7: {  	v8 =	vld [tilespmem:s18+$0x850]  }
0x2f8: {  	s8 =	sor.u32 $0x1, s17;
	v9 =	vld [tilespmem:s18+$0x860]  }
0x2f9: {  	v1 =	vmov s17;
	v2 =	vmov s8;
	v10 =	vld [tilespmem:s18+$0x870];
	s8 =	sshll.u32 s8, $0x7  }
0x2fa: {  	v1 =	vand.u32 $0x70, v1;
	v12 =	vld [tilespmem:s8+$0x800]  }
0x2fb: {  	v1 =	vor.u32 $0x100, v1;
	v13 =	vld [tilespmem:s8+$0x810]  }
0x2fc: {  	v14 =	vld [tilespmem:s8+$0x820];
	v1 =	vbroadcast v1, $0x0  }
0x2fd: {  	v15 =	vld [tilespmem:s8+$0x830]  }
0x2fe: {  	v16 =	vld [tilespmem:s8+$0x840]  }
0x2ff: {  	v17 =	vld [tilespmem:s8+$0x850]  }
0x300: {  	v18 =	vld [tilespmem:s8+$0x860]  }
0x301: {  	s12 =	sor.u32 $0x2, s17;
	v19 =	vld [tilespmem:s8+$0x870]  }
0x302: {  	s16 =	sshll.u32 s12, $0x7;
	v2 =	vand.u32 $0x71, v2;
	v1 =	vld.idx.msk [tilespmem:v1+s4+$0x0], $0xffff  }
0x303: {  	v21 =	vld [tilespmem:s16+$0x800];
	v2 =	vor.u32 $0x100, v2  }
0x304: {  	v22 =	vld [tilespmem:s16+$0x810];
	v2 =	vbroadcast v2, $0x0  }
0x305: {  	v23 =	vld [tilespmem:s16+$0x820]  }
0x306: {  	v24 =	vld [tilespmem:s16+$0x830]  }
0x307: {  	v26 =	vld [tilespmem:s16+$0x840];
	v3 =	vmul.f32 v1, v3  }
0x308: {  	v28 =	vld [tilespmem:s16+$0x850];
	v4 =	vmul.f32 v1, v4  }
0x309: {  	v11 =	vmov s12;
	v29 =	vld [tilespmem:s16+$0x860];
	[tilespmem:s18+$0x5800] =	vst v3;
	v3 =	vmul.f32 v1, v5  }
0x30a: {  	s13 =	sor.u32 $0x3, s17;
	v11 =	vand.u32 $0x72, v11;
	v2 =	vld.idx.msk [tilespmem:v2+s4+$0x0], $0xffff;
	v27 =	vmul.f32 v1, v6;
	[tilespmem:s18+$0x5810] =	vst v4  }
0x30b: {  	s12 =	sshll.u32 s13, $0x7;
	v31 =	vld [tilespmem:s16+$0x870];
	v11 =	vor.u32 $0x100, v11;
	[tilespmem:s18+$0x5820] =	vst v3;
	v3 =	vmul.f32 v1, v7  }
0x30c: {  	v34 =	vld [tilespmem:s12+$0x800];
	v11 =	vbroadcast v11, $0x0;
	v30 =	vmul.f32 v1, v8;
	[tilespmem:s18+$0x5830] =	vst v27  }
0x30d: {  	v36 =	vld [tilespmem:s12+$0x810];
	[tilespmem:s18+$0x5840] =	vst v3;
	v3 =	vmul.f32 v1, v9  }
0x30e: {  	v37 =	vld [tilespmem:s12+$0x820];
	[tilespmem:s18+$0x5850] =	vst v30;
	v1 =	vmul.f32 v1, v10  }
0x30f: {  	v38 =	vld [tilespmem:s12+$0x830];
	[tilespmem:s18+$0x5860] =	vst v3;
	v3 =	vmul.f32 v2, v12  }
0x310: {  	v39 =	vld [tilespmem:s12+$0x840];
	[tilespmem:s18+$0x5870] =	vst v1;
	v1 =	vmul.f32 v2, v13  }
0x311: {  	v20 =	vmov s13;
	v40 =	vld [tilespmem:s12+$0x850];
	[tilespmem:s8+$0x5800] =	vst v3;
	v3 =	vmul.f32 v2, v14  }
0x312: {  	v20 =	vand.u32 $0x73, v20;
	v11 =	vld.idx.msk [tilespmem:v11+s4+$0x0], $0xffff;
	[tilespmem:s8+$0x5810] =	vst v1;
	v1 =	vmul.f32 v2, v15  }
0x313: {  	s22 =	sor.u32 $0x5, s17;
	v41 =	vld [tilespmem:s12+$0x860];
	v20 =	vor.u32 $0x100, v20;
	[tilespmem:s8+$0x5820] =	vst v3;
	v3 =	vmul.f32 v2, v16  }
0x314: {  	s19 =	sshll.u32 s22, $0x7;
	v42 =	vld [tilespmem:s12+$0x870];
	v20 =	vbroadcast v20, $0x0;
	[tilespmem:s8+$0x5830] =	vst v1;
	v1 =	vmul.f32 v2, v17  }
0x315: {  	v54 =	vld [tilespmem:s19+$0x800];
	[tilespmem:s8+$0x5840] =	vst v3;
	v3 =	vmul.f32 v2, v18  }
0x316: {  	s15 =	sor.u32 $0x4, s17;
	v55 =	vld [tilespmem:s19+$0x810];
	[tilespmem:s8+$0x5850] =	vst v1;
	v1 =	vmul.f32 v2, v19  }
0x317: {  	v33 =	vmov s15;
	v56 =	vld [tilespmem:s19+$0x820];
	[tilespmem:s8+$0x5860] =	vst v3;
	v3 =	vmul.f32 v11, v21  }
0x318: {  	v35 =	vand.u32 $0x74, v33;
	v57 =	vld [tilespmem:s19+$0x830];
	[tilespmem:s8+$0x5870] =	vst v1;
	v1 =	vmul.f32 v11, v22  }
0x319: {  	v58 =	vld [tilespmem:s19+$0x840];
	v10 =	vor.u32 $0x100, v35;
	[tilespmem:s16+$0x5800] =	vst v3;
	v3 =	vmul.f32 v11, v23  }
0x31a: {  	v32 =	vld.idx.msk [tilespmem:v20+s4+$0x0], $0xffff;
	v10 =	vbroadcast v10, $0x0;
	[tilespmem:s16+$0x5810] =	vst v1;
	v1 =	vmul.f32 v11, v24  }
0x31b: {  	v59 =	vld [tilespmem:s19+$0x850];
	[tilespmem:s16+$0x5820] =	vst v3;
	v3 =	vmul.f32 v11, v26  }
0x31c: {  	v60 =	vld [tilespmem:s19+$0x860];
	[tilespmem:s16+$0x5830] =	vst v1;
	v1 =	vmul.f32 v11, v28  }
0x31d: {  	v61 =	vld [tilespmem:s19+$0x870];
	s18 =	sshll.u32 s15, $0x7;
	[tilespmem:s16+$0x5840] =	vst v3;
	v3 =	vmul.f32 v11, v29  }
0x31e: {  	v44 =	vld [tilespmem:s18+$0x800];
	[tilespmem:s16+$0x5850] =	vst v1;
	v1 =	vmul.f32 v11, v31  }
0x31f: {  	v43 =	vmov s22;
	v45 =	vld [tilespmem:s18+$0x810];
	[tilespmem:s16+$0x5860] =	vst v3;
	v3 =	vmul.f32 v32, v34  }
0x320: {  	v2 =	vld.idx.msk [tilespmem:v10+s4+$0x0], $0xffff;
	v10 =	vand.u32 $0x75, v43;
	[tilespmem:s16+$0x5870] =	vst v1;
	v1 =	vmul.f32 v32, v36  }
0x321: {  	v46 =	vld [tilespmem:s18+$0x820];
	v10 =	vor.u32 $0x100, v10;
	[tilespmem:s12+$0x5800] =	vst v3;
	v3 =	vmul.f32 v32, v37  }
0x322: {  	v47 =	vld [tilespmem:s18+$0x830];
	v10 =	vbroadcast v10, $0x0;
	[tilespmem:s12+$0x5810] =	vst v1;
	v1 =	vmul.f32 v32, v38  }
0x323: {  	s20 =	sor.u32 $0x7, s17;
	v48 =	vld [tilespmem:s18+$0x840];
	[tilespmem:s12+$0x5820] =	vst v3;
	v3 =	vmul.f32 v32, v39  }
0x324: {  	v62 =	vmov s20;
	v49 =	vld [tilespmem:s18+$0x850];
	[tilespmem:s12+$0x5830] =	vst v1;
	v1 =	vmul.f32 v32, v40  }
0x325: {  	v50 =	vld [tilespmem:s18+$0x860];
	v18 =	vand.u32 $0x77, v62;
	s8 =	sor.u32 $0x6, s17;
	[tilespmem:s12+$0x5840] =	vst v3;
	v3 =	vmul.f32 v32, v41  }
0x326: {  	v51 =	vld [tilespmem:s18+$0x870];
	v18 =	vor.u32 $0x100, v18;
	s22 =	sshll.u32 s8, $0x7;
	[tilespmem:s12+$0x5850] =	vst v1;
	v1 =	vmul.f32 v32, v42  }
0x327: {  	v18 =	vbroadcast v18, $0x0;
	v53 =	vmov s8;
	v63 =	vld [tilespmem:s22+$0x800];
	s16 =	sor.u32 $0x8, s17;
	[tilespmem:s12+$0x5860] =	vst v3;
	v3 =	vmul.f32 v2, v44  }
0x328: {  	v52 =	vld.idx.msk [tilespmem:v10+s4+$0x0], $0xffff;
	v10 =	vand.u32 $0x76, v53;
	v31 =	vmov s16;
	[tilespmem:s12+$0x5870] =	vst v1;
	v1 =	vmul.f32 v2, v45  }
0x329: {  	v24 =	vld [tilespmem:s22+$0x810];
	v10 =	vor.u32 $0x100, v10;
	v13 =	vand.u32 $0x78, v31;
	[tilespmem:s18+$0x5800] =	vst v3;
	v3 =	vmul.f32 v2, v46  }
0x32a: {  	v25 =	vld [tilespmem:s22+$0x820];
	v10 =	vbroadcast v10, $0x0;
	v13 =	vor.u32 $0x100, v13;
	[tilespmem:s18+$0x5810] =	vst v1;
	v1 =	vmul.f32 v2, v47  }
0x32b: {  	v27 =	vld [tilespmem:s22+$0x840];
	v13 =	vbroadcast v13, $0x0;
	[tilespmem:s18+$0x5820] =	vst v3;
	v3 =	vmul.f32 v2, v48  }
0x32c: {  	v26 =	vld [tilespmem:s22+$0x830];
	[tilespmem:s18+$0x5830] =	vst v1;
	v1 =	vmul.f32 v2, v49  }
0x32d: {  	v28 =	vld [tilespmem:s22+$0x860];
	[tilespmem:s18+$0x5840] =	vst v3;
	v3 =	vmul.f32 v2, v50  }
0x32e: {  	v29 =	vld [tilespmem:s22+$0x870];
	[tilespmem:s18+$0x5850] =	vst v1;
	v1 =	vmul.f32 v2, v51  }
0x32f: {  	v30 =	vld.idx.msk [tilespmem:v18+s4+$0x0], $0xffff;
	[tilespmem:s18+$0x5860] =	vst v3;
	v3 =	vmul.f32 v52, v54  }
0x330: {  	v10 =	vld.idx.msk [tilespmem:v10+s4+$0x0], $0xffff;
	[tilespmem:s18+$0x5870] =	vst v1;
	v1 =	vmul.f32 v52, v55  }
0x331: {  	v40 =	vld.idx.msk [tilespmem:v13+s4+$0x0], $0xffff;
	[tilespmem:s19+$0x5800] =	vst v3;
	v3 =	vmul.f32 v52, v56  }
0x332: {  	v2 =	vld [tilespmem:s22+$0x850];
	s18 =	sshll.u32 s20, $0x7;
	[tilespmem:s19+$0x5810] =	vst v1;
	v1 =	vmul.f32 v52, v57  }
0x333: {  	v32 =	vld [tilespmem:s18+$0x800];
	[tilespmem:s19+$0x5820] =	vst v3;
	v3 =	vmul.f32 v52, v58  }
0x334: {  	v33 =	vld [tilespmem:s18+$0x810];
	[tilespmem:s19+$0x5830] =	vst v1;
	v1 =	vmul.f32 v52, v59  }
0x335: {  	v34 =	vld [tilespmem:s18+$0x820];
	[tilespmem:s19+$0x5840] =	vst v3;
	v3 =	vmul.f32 v52, v60  }
0x336: {  	v35 =	vld [tilespmem:s18+$0x830];
	[tilespmem:s19+$0x5850] =	vst v1;
	v1 =	vmul.f32 v52, v61  }
0x337: {  	v36 =	vld [tilespmem:s18+$0x840];
	[tilespmem:s19+$0x5860] =	vst v3;
	v3 =	vmul.f32 v10, v63  }
0x338: {  	v37 =	vld [tilespmem:s18+$0x850];
	[tilespmem:s19+$0x5870] =	vst v1;
	v1 =	vmul.f32 v10, v24  }
0x339: {  	v38 =	vld [tilespmem:s18+$0x860];
	[tilespmem:s22+$0x5800] =	vst v3;
	v3 =	vmul.f32 v10, v25  }
0x33a: {  	s20 =	sshll.u32 s16, $0x7;
	v39 =	vld [tilespmem:s18+$0x870];
	[tilespmem:s22+$0x5810] =	vst v1;
	v1 =	vmul.f32 v10, v26  }
0x33b: {  	v42 =	vld [tilespmem:s20+$0x800];
	[tilespmem:s22+$0x5820] =	vst v3;
	v3 =	vmul.f32 v10, v27  }
0x33c: {  	v43 =	vld [tilespmem:s20+$0x820];
	[tilespmem:s22+$0x5830] =	vst v1;
	v1 =	vmul.f32 v10, v2  }
0x33d: {  	v44 =	vld [tilespmem:s20+$0x830];
	s19 =	sor.u32 $0x9, s17;
	[tilespmem:s22+$0x5840] =	vst v3;
	v3 =	vmul.f32 v10, v28  }
0x33e: {  	v45 =	vld [tilespmem:s20+$0x840];
	v41 =	vmov s19;
	[tilespmem:s22+$0x5850] =	vst v1;
	v1 =	vmul.f32 v10, v29  }
0x33f: {  	v46 =	vld [tilespmem:s20+$0x850];
	v13 =	vand.u32 $0x79, v41;
	[tilespmem:s22+$0x5860] =	vst v3;
	v3 =	vmul.f32 v30, v32  }
0x340: {  	v47 =	vld [tilespmem:s20+$0x860];
	v13 =	vor.u32 $0x100, v13;
	[tilespmem:s22+$0x5870] =	vst v1;
	v1 =	vmul.f32 v30, v33  }
0x341: {  	v48 =	vld [tilespmem:s20+$0x870];
	s12 =	sshll.u32 s19, $0x7;
	v13 =	vbroadcast v13, $0x0;
	[tilespmem:s18+$0x5800] =	vst v3;
	v3 =	vmul.f32 v30, v34  }
0x342: {  	v51 =	vld [tilespmem:s12+$0x800];
	[tilespmem:s18+$0x5810] =	vst v1;
	v1 =	vmul.f32 v30, v35  }
0x343: {  	v2 =	vld [tilespmem:s20+$0x810];
	[tilespmem:s18+$0x5820] =	vst v3;
	v3 =	vmul.f32 v30, v36  }
0x344: {  	v52 =	vld [tilespmem:s12+$0x810];
	[tilespmem:s18+$0x5830] =	vst v1;
	v1 =	vmul.f32 v30, v37  }
0x345: {  	v53 =	vld [tilespmem:s12+$0x820];
	[tilespmem:s18+$0x5840] =	vst v3;
	v3 =	vmul.f32 v30, v38  }
0x346: {  	v55 =	vld [tilespmem:s12+$0x830];
	[tilespmem:s18+$0x5850] =	vst v1;
	v1 =	vmul.f32 v30, v39  }
0x347: {  	v49 =	vld.idx.msk [tilespmem:v13+s4+$0x0], $0xffff;
	[tilespmem:s18+$0x5860] =	vst v3;
	v3 =	vmul.f32 v40, v42  }
0x348: {  	s22 =	sor.u32 $0xA, s17;
	[tilespmem:s18+$0x5870] =	vst v1;
	v1 =	vmul.f32 v40, v2;
	v2 =	vld [tilespmem:s12+$0x840]  }
0x349: {  	v56 =	vld [tilespmem:s12+$0x850];
	v50 =	vmov s22;
	[tilespmem:s20+$0x5800] =	vst v3;
	v3 =	vmul.f32 v40, v43  }
0x34a: {  	v57 =	vld [tilespmem:s12+$0x860];
	v13 =	vand.u32 $0x7A, v50;
	[tilespmem:s20+$0x5810] =	vst v1;
	v1 =	vmul.f32 v40, v44  }
0x34b: {  	v58 =	vld [tilespmem:s12+$0x870];
	s19 =	sshll.u32 s22, $0x7;
	v13 =	vor.u32 $0x100, v13;
	[tilespmem:s20+$0x5820] =	vst v3;
	v3 =	vmul.f32 v40, v45  }
0x34c: {  	v60 =	vld [tilespmem:s19+$0x800];
	v54 =	vbroadcast v13, $0x0;
	[tilespmem:s20+$0x5830] =	vst v1;
	v1 =	vmul.f32 v40, v46  }
0x34d: {  	v61 =	vld [tilespmem:s19+$0x810];
	v2 =	vmul.f32 v49, v2;
	[tilespmem:s20+$0x5840] =	vst v3  }
0x34e: {  	v63 =	vld [tilespmem:s19+$0x820];
	[tilespmem:s20+$0x5850] =	vst v1;
	v1 =	vmul.f32 v40, v48  }
0x34f: {  	v18 =	vld [tilespmem:s19+$0x830];
	v3 =	vmul.f32 v40, v47;
	[tilespmem:s12+$0x5840] =	vst v2  }
0x350: {  	v19 =	vld [tilespmem:s19+$0x840];
	s18 =	sor.u32 $0xB, s17;
	[tilespmem:s20+$0x5870] =	vst v1;
	v1 =	vmul.f32 v49, v52  }
0x351: {  	v20 =	vld [tilespmem:s19+$0x850];
	v59 =	vmov s18;
	v2 =	vmul.f32 v49, v57;
	[tilespmem:s20+$0x5860] =	vst v3  }
0x352: {  	v12 =	vld.idx.msk [tilespmem:v54+s4+$0x0], $0xffff;
	v13 =	vand.u32 $0x7B, v59;
	[tilespmem:s12+$0x5810] =	vst v1;
	v1 =	vmul.f32 v49, v55  }
0x353: {  	v21 =	vld [tilespmem:s19+$0x870];
	s22 =	sshll.u32 s18, $0x7;
	v62 =	vor.u32 $0x100, v13;
	v3 =	vmul.f32 v49, v51;
	[tilespmem:s12+$0x5860] =	vst v2  }
0x354: {  	v23 =	vld [tilespmem:s22+$0x800];
	v9 =	vbroadcast v62, $0x0;
	[tilespmem:s12+$0x5830] =	vst v1;
	v1 =	vmul.f32 v49, v56  }
0x355: {  	v24 =	vld [tilespmem:s22+$0x810];
	[tilespmem:s12+$0x5800] =	vst v3;
	v3 =	vmul.f32 v49, v53  }
0x356: {  	v25 =	vld [tilespmem:s22+$0x820];
	[tilespmem:s12+$0x5850] =	vst v1;
	v1 =	vmul.f32 v49, v58  }
0x357: {  	v26 =	vld [tilespmem:s22+$0x830];
	v2 =	vmul.f32 v12, v60;
	[tilespmem:s12+$0x5820] =	vst v3  }
0x358: {  	s20 =	sor.u32 $0xC, s17;
	v3 =	vld [tilespmem:s19+$0x860];
	[tilespmem:s12+$0x5870] =	vst v1;
	v1 =	vmul.f32 v12, v61  }
0x359: {  	v27 =	vld [tilespmem:s22+$0x840];
	v22 =	vmov s20;
	[tilespmem:s19+$0x5800] =	vst v2;
	v2 =	vmul.f32 v12, v63  }
0x35a: {  	v9 =	vld.idx.msk [tilespmem:v9+s4+$0x0], $0xffff;
	v10 =	vand.u32 $0x7C, v22;
	[tilespmem:s19+$0x5810] =	vst v1;
	v1 =	vmul.f32 v12, v18  }
0x35b: {  	v28 =	vld [tilespmem:s22+$0x850];
	v10 =	vor.u32 $0x100, v10;
	[tilespmem:s19+$0x5820] =	vst v2;
	v2 =	vmul.f32 v12, v19  }
0x35c: {  	v29 =	vld [tilespmem:s22+$0x860];
	s18 =	sshll.u32 s20, $0x7;
	v10 =	vbroadcast v10, $0x0;
	[tilespmem:s19+$0x5830] =	vst v1;
	v1 =	vmul.f32 v12, v20  }
0x35d: {  	v32 =	vld [tilespmem:s18+$0x800];
	[tilespmem:s19+$0x5840] =	vst v2;
	v2 =	vmul.f32 v12, v3  }
0x35e: {  	v33 =	vld [tilespmem:s18+$0x810];
	[tilespmem:s19+$0x5850] =	vst v1;
	v1 =	vmul.f32 v12, v21  }
0x35f: {  	v34 =	vld [tilespmem:s18+$0x820];
	[tilespmem:s19+$0x5860] =	vst v2;
	v2 =	vmul.f32 v9, v23  }
0x360: {  	v35 =	vld [tilespmem:s18+$0x830];
	s12 =	sor.u32 $0xD, s17;
	[tilespmem:s19+$0x5870] =	vst v1;
	v1 =	vmul.f32 v9, v24  }
0x361: {  	v3 =	vld [tilespmem:s22+$0x870];
	v31 =	vmov s12;
	[tilespmem:s22+$0x5800] =	vst v2;
	v2 =	vmul.f32 v9, v25  }
0x362: {  	v30 =	vld.idx.msk [tilespmem:v10+s4+$0x0], $0xffff;
	v10 =	vand.u32 $0x7D, v31;
	[tilespmem:s22+$0x5810] =	vst v1;
	v1 =	vmul.f32 v9, v26  }
0x363: {  	v36 =	vld [tilespmem:s18+$0x840];
	v10 =	vor.u32 $0x100, v10;
	[tilespmem:s22+$0x5820] =	vst v2;
	v2 =	vmul.f32 v9, v27  }
0x364: {  	s20 =	sor.u32 $0xF, s17;
	v37 =	vld [tilespmem:s18+$0x850];
	v10 =	vbroadcast v10, $0x0;
	[tilespmem:s22+$0x5830] =	vst v1;
	v1 =	vmul.f32 v9, v28  }
0x365: {  	v38 =	vld [tilespmem:s18+$0x860];
	s8 =	sshll.u32 s20, $0x7;
	[tilespmem:s22+$0x5840] =	vst v2;
	v2 =	vmul.f32 v9, v29  }
0x366: {  	v58 =	vld [tilespmem:s8+$0x800];
	s13 =	sshll.u32 s12, $0x7;
	[tilespmem:s22+$0x5850] =	vst v1;
	v1 =	vmul.f32 v9, v3  }
0x367: {  	v41 =	vld [tilespmem:s13+$0x800];
	[tilespmem:s22+$0x5860] =	vst v2;
	v2 =	vmul.f32 v30, v32  }
0x368: {  	v42 =	vld [tilespmem:s13+$0x810];
	s19 =	sor.u32 $0xE, s17;
	[tilespmem:s22+$0x5870] =	vst v1;
	v1 =	vmul.f32 v30, v33  }
0x369: {  	v40 =	vmov s19;
	[tilespmem:s18+$0x5800] =	vst v2;
	v2 =	vmul.f32 v30, v34;
	v3 =	vld [tilespmem:s18+$0x870]  }
0x36a: {  	v39 =	vld.idx.msk [tilespmem:v10+s4+$0x0], $0xffff;
	v9 =	vand.u32 $0x7E, v40;
	[tilespmem:s18+$0x5810] =	vst v1;
	v1 =	vmul.f32 v30, v35  }
0x36b: {  	v43 =	vld [tilespmem:s13+$0x820];
	v9 =	vor.u32 $0x100, v9;
	[tilespmem:s18+$0x5820] =	vst v2;
	v2 =	vmul.f32 v30, v36  }
0x36c: {  	v44 =	vld [tilespmem:s13+$0x830];
	v9 =	vbroadcast v9, $0x0;
	[tilespmem:s18+$0x5830] =	vst v1;
	v1 =	vmul.f32 v30, v37  }
0x36d: {  	v45 =	vld [tilespmem:s13+$0x840];
	[tilespmem:s18+$0x5840] =	vst v2;
	v2 =	vmul.f32 v30, v38  }
0x36e: {  	v46 =	vld [tilespmem:s13+$0x850];
	[tilespmem:s18+$0x5850] =	vst v1;
	v1 =	vmul.f32 v30, v3  }
0x36f: {  	v47 =	vld [tilespmem:s13+$0x870];
	[tilespmem:s18+$0x5860] =	vst v2;
	v2 =	vmul.f32 v39, v41  }
0x370: {  	s22 =	sshll.u32 s19, $0x7;
	v3 =	vld [tilespmem:s13+$0x860];
	[tilespmem:s18+$0x5870] =	vst v1;
	v1 =	vmul.f32 v39, v42  }
0x371: {  	v49 =	vmov s20;
	v50 =	vld [tilespmem:s22+$0x800];
	[tilespmem:s13+$0x5800] =	vst v2;
	v2 =	vmul.f32 v39, v43  }
0x372: {  	v48 =	vld.idx.msk [tilespmem:v9+s4+$0x0], $0xffff;
	v9 =	vand.u32 $0x7F, v49;
	[tilespmem:s13+$0x5810] =	vst v1;
	v1 =	vmul.f32 v39, v44  }
0x373: {  	v51 =	vld [tilespmem:s22+$0x810];
	v9 =	vor.u32 $0x100, v9;
	[tilespmem:s13+$0x5820] =	vst v2;
	v2 =	vmul.f32 v39, v45  }
0x374: {  	v52 =	vld [tilespmem:s22+$0x820];
	v9 =	vbroadcast v9, $0x0;
	[tilespmem:s13+$0x5830] =	vst v1;
	v1 =	vmul.f32 v39, v46  }
0x375: {  	v53 =	vld [tilespmem:s22+$0x830];
	[tilespmem:s13+$0x5840] =	vst v2;
	v2 =	vmul.f32 v39, v3  }
0x376: {  	v3 =	vld [tilespmem:s22+$0x840];
	[tilespmem:s13+$0x5850] =	vst v1;
	v1 =	vmul.f32 v39, v47  }
0x377: {  	v54 =	vld [tilespmem:s22+$0x850];
	[tilespmem:s13+$0x5860] =	vst v2;
	v2 =	vmul.f32 v48, v50  }
0x378: {  	v55 =	vld [tilespmem:s22+$0x860];
	[tilespmem:s13+$0x5870] =	vst v1;
	v1 =	vmul.f32 v48, v51  }
0x379: {  	v56 =	vld [tilespmem:s22+$0x870];
	[tilespmem:s22+$0x5800] =	vst v2;
	v2 =	vmul.f32 v48, v52  }
0x37a: {  	v57 =	vld.idx.msk [tilespmem:v9+s4+$0x0], $0xffff;
	[tilespmem:s22+$0x5810] =	vst v1;
	v1 =	vmul.f32 v48, v53  }
0x37b: {  	[tilespmem:s22+$0x5820] =	vst v2;
	v2 =	vmul.f32 v48, v3;
	v3 =	vld [tilespmem:s8+$0x810]  }
0x37c: {  	v59 =	vld [tilespmem:s8+$0x820];
	[tilespmem:s22+$0x5830] =	vst v1;
	v1 =	vmul.f32 v48, v54  }
0x37d: {  	v60 =	vld [tilespmem:s8+$0x830];
	[tilespmem:s22+$0x5840] =	vst v2;
	v2 =	vmul.f32 v48, v55  }
0x37e: {  	v61 =	vld [tilespmem:s8+$0x840];
	[tilespmem:s22+$0x5850] =	vst v1;
	v1 =	vmul.f32 v48, v56  }
0x37f: {  	v62 =	vld [tilespmem:s8+$0x850];
	[tilespmem:s22+$0x5860] =	vst v2;
	v2 =	vmul.f32 v57, v58  }
0x380: {  	[tilespmem:s22+$0x5870] =	vst v1;
	v1 =	vmul.f32 v57, v3;
	v3 =	vld [tilespmem:s8+$0x860]  }
0x381: {  	v63 =	vld [tilespmem:s8+$0x870];
	[tilespmem:s8+$0x5800] =	vst v2;
	v2 =	vmul.f32 v57, v59  }
0x382: {  	[tilespmem:s8+$0x5810] =	vst v1;
	v1 =	vmul.f32 v57, v60  }
0x383: {  	p0 =	slt.u32 s17, $0x40;
	[tilespmem:s8+$0x5820] =	vst v2;
	v2 =	vmul.f32 v57, v61  }
.Ltmp7:
0x384: {  	[tilespmem:s8+$0x5830] =	vst v1;
	v1 =	vmul.f32 v57, v62;
	(pc) =	sbr.rel @p0 .LBB2_15-.Ltmp7, $4  }
0x385: {  	[tilespmem:s8+$0x5840] =	vst v2;
	v2 =	vmul.f32 v57, v3  }
0x386: {  	[tilespmem:s8+$0x5850] =	vst v1;
	v1 =	vmul.f32 v57, v63  }
0x387: {  	[tilespmem:s8+$0x5860] =	vst v2  }
0x388: {  	s17 =	sadd.s32 $0x10, s17;
	[tilespmem:s8+$0x5870] =	vst v1  }
0x389: {  	[spmem:s3] =	stream.indirect.scatter.add.f32 [tilespmem:s21], [sflag:$0x3], $0x80, s0, s25, $0xb8;
	[tilespmem:$0x1E800] =	vst v63  }
0x38a: {  	_ =	swait.ge [sflag:s2], $0x2800  }
0x38b: {  	[sflag:s2] =	ssyncset.done $0x0  }
0x38c: {  	[sflag:s2] =	ssyncadd.s32 $0xFFFFD800  }
0x38d: {  	_ =	swait.ge [sflag:s14], $0x2800  }
0x38e: {  	[sflag:s14] =	ssyncset.done $0x0  }
0x38f: {  	[sflag:s14] =	ssyncadd.s32 $0xFFFFD800  }
0x390: {  	s8 =	stileid.u32;
	[bflag:$0x0] =	sbarrier.arrive $0xFFFF  }
0x391: {  	s8 =	sshll.u32 s8, $0x6;
	s15 =	rddreg [dreg:$0x7]  }
0x392: {  	s8 =	sor.u32 $0x1C06, s8;
	s13 =	rddreg [dreg:$0x6];
	s12 =	sshrl.u32 s15, $0x3  }
0x393: {  	[hbm:s13], [sflag:s8] =	dma.local [spmem:s12], $0x2800  }
0x394: {  	s13 =	simm.s32 $0x6  }
0x395: {  	_ =	swait.ge [sflag:s13], $0x2800  }
0x396: {  	s20 =	rddreg [dreg:$0x10]  }
0x397: {  	s22 =	rddreg [dreg:$0x8];
	s12 =	sadd.s32 $0x1, s20  }
0x398: {  	p0 =	sne.s32 s12, s22  }
.Ltmp8:
0x399: {  	_ = 	snop;
	(pc) =	sbr.rel @p0 .LBB2_1-.Ltmp8, $3  }
0x39a: {  	_ =	sdelay $0x1  }
0x39b: {  	[sflag:s13] =	ssyncset.done $0x0  }
0x39c: {  	[sflag:s13] =	ssyncadd.s32 $0xFFFFD800  }
0x39d: {  	_ =	sfence.sel $0x180000  }
0x39e: {  	[bflag:$0x0] =	sbarrier.arrive $0xFFFF  }
0x39f: {  	_ =	strace $0x9000004A  }
0x3a0: {  	s0 =	stileid.u32;
	[bflag:$0x2] =	sbarrier.arrive $0xFFFF  }
0x3a1: {  	p0 =	sne.s32 s0, $0x0;
	s0 =	rddreg [dreg:$0x3]  }
0x3a2: {  	s0 =	sadd.s32 @!p0 $0x100000, s0  }
0x3a3: {  	[sflag:s0] =	ssyncadd.tile.s32 @!p0 $0x1;
	_ =	shalt  }
.Lfunc_end2:
_tile_overlayer_lowered:
.L_overlay_start_2:
0x3a4: {  	(tag) =	ssettag $0x2  }
0x3a5: {  	s0 =	rddreg [dreg:$0x0];
	s2 =	stileid.u32  }
0x3a6: {  	s1 =	rddreg [dreg:$0x1];
	p0 =	sne.s32 s2, $0x0  }
0x3a7: {  	s3 =	rddreg [dreg:$0x2];
	[bflag:$0x3] =	sbarrier.arrive $0xFFFF;
	s2 =	simm.s32 @!p0 $0x1C06  }
0x3a8: {  	[timem:s3], [sflag:s2] =	dma.local @!p0 [hbm:s0], s1  }
0x3a9: {  	s0 =	simm.s32 @!p0 $0x6  }
0x3aa: {  	_ =	swait.ge @!p0 [sflag:s0], s1  }
0x3ab: {  	s1 =	ssub.s32 @!p0 $0x0, s1;
	[sflag:s0] =	ssyncset.done @!p0 $0x0  }
0x3ac: {  	[sflag:s0] =	ssyncadd.s32 @!p0 s1  }
0x3ad: {  	[bflag:$0x3] =	sbarrier.arrive $0xFFFF  }
0x3ae: {  	_ =	shalt  }

// kernel: kernel.14.cloned.1.call-start
scs
__scs_entry_jumppad:
0x0: {  	(pc) =	sbr.rel $0x88, $3  }
0x1: {  	(tag) =	ssettag $0x0;
	lr =	simm.s32 $0x1  }
0x2: {  	[smem:$0x3F99] =	sst lr;
	_ =	strace $0xD0000000  }
0x3: {  	_ = 	snop  }
0x4: {  	_ = 	snop  }
0x5: {  	_ = 	snop  }
0x6: {  	_ = 	snop  }
0x7: {  	_ = 	snop  }
__scs_overlays_trampoline_lowered:
0x8: {  	[smem:$0x3FA8] =	sst s0  }
0x9: {  	[smem:$0x3FA9] =	sst s1  }
0xa: {  	[smem:$0x3FAA] =	sst s2  }
0xb: {  	[smem:$0x3FAB] =	sst s3  }
0xc: {  	[smem:$0x3FAC] =	sst s4  }
0xd: {  	[smem:$0x3FAD] =	sst s5  }
0xe: {  	[smem:$0x3FAE] =	sst s6  }
0xf: {  	[smem:$0x3FAF] =	sst s7  }
0x10: {  	[smem:$0x3FB0] =	sst s8  }
0x11: {  	[smem:$0x3FB1] =	sst s9;
	s0 =	simm.s32 @!p0 $0x0  }
0x12: {  	s1 =	sld [smem:$0x3F97];
	s0 =	simm.s32 @p0 $0x1  }
0x13: {  	[smem:$0x3FB2] =	sst s0;
	s0 =	simm.s32 @!p1 $0x0  }
0x14: {  	s2 =	sld [smem:$0x3F96];
	s0 =	simm.s32 @p1 $0x1  }
0x15: {  	[smem:$0x3FB3] =	sst s0;
	s0 =	simm.s32 @!p2 $0x0  }
0x16: {  	s3 =	sld [smem:$0x3FDB];
	s0 =	simm.s32 @p2 $0x1  }
0x17: {  	s4 =	simm.s32 $0x1BF5;
	[smem:$0x3FB5] =	sst s0  }
0x18: {  	s0 =	sld [smem:$0x3F98];
	_ =	swait.ge [sflag:s4], $0x0  }
0x19: {  	s7 =	sld [smem:$0x3F99]  }
0x1a: {  	s8 =	sadd.s32 $0xFFFFE003, lr  }
0x1b: {  	s9 =	sadd.s32 $0xFFFFFEF7, lr;
	s5 =	simm.s32 $0xFFFFFFFF;
	p2 =	slt.u32 s8, $0xFFFFF086  }
0x1c: {  	p1 =	slt.u32 s9, $0xF7A;
	s5 =	simm.s32 @!p2 $0x0  }
0x1d: {  	s5 =	simm.s32 @p1 $0x1;
	p0 =	seq.s32 s7, s2  }
0x1e: {  	s7 =	smul.u32 @!p0 $0xF7A, s2;
	p2 =	seq.s32 @!p0 s5, $0x0  }
0x1f: {  	s9 =	smul.u32 $0xF7A, s1;
	s8 =	simm.s32 @!p0 $0x1BF5;
	p2 =	por !p2, p0  }
0x20: {  	[sflag:s8] =	ssyncset.s32 @!p0 $0xFFFFF086;
	s6 =	sadd.s32 @!p0 s3, s7;
	s7 =	simm.s32 @!p0 $0x108  }
0x21: {  	s3 =	sadd.s32 s3, s9;
	s6 =	sadd.s32 @!p0 $0x88, s6;
	s7 =	simm.s32 @p2 $0x1082  }
0x22: {  	[simem:s7], [sflag:s8] =	dma.local @!p0 [hbm:s6], $0xF7A  }
0x23: {  	s9 =	sor.u32 $0xD0000000, s2;
	s6 =	simm.s32 $0x108;
	_ =	swait.ge @!p0 [sflag:s8], $0x0  }
0x24: {  	s3 =	sadd.s32 $0x88, s3;
	s6 =	simm.s32 @!p1 $0x1082;
	[sflag:s4] =	ssyncset.s32 $0xFFFFF086  }
0x25: {  	[simem:s6], [sflag:s4] =	dma.local [hbm:s3], $0xF7A  }
0x26: {  	[smem:$0x3F99] =	sst s1;
	(tag) =	ssettag s2;
	_ =	strace s9  }
0x27: {  	s1 =	sld [smem:$0x3FA9]  }
0x28: {  	s2 =	sld [smem:$0x3FAA]  }
0x29: {  	s4 =	sld [smem:$0x3FAC]  }
0x2a: {  	p0 =	seq.s32 s5, $0x0;
	s5 =	sld [smem:$0x3FAD]  }
0x2b: {  	s6 =	sld [smem:$0x3FAE]  }
0x2c: {  	s7 =	sld [smem:$0x3FAF]  }
0x2d: {  	s3 =	simm.s32 $0x108;
	s8 =	sld [smem:$0x3FB0]  }
0x2e: {  	s3 =	simm.s32 @!p0 $0x1082;
	s9 =	sld [smem:$0x3FB1]  }
0x2f: {  	lr =	sadd.s32 s0, s3;
	s0 =	sld [smem:$0x3FA8]  }
0x30: {  	s3 =	sld [smem:$0x3FAB]  }
0x31: {  	[smem:$0x3FB4] =	sst s10  }
0x32: {  	s10 =	sld [smem:$0x3FB2];
	_ =	sdelay $0x3  }
0x33: {  	p0 =	seq.s32 s10, $0x1;
	s10 =	sld [smem:$0x3FB4];
	_ =	sdelay $0x3  }
0x34: {  	[smem:$0x3FB4] =	sst s10  }
0x35: {  	s10 =	sld [smem:$0x3FB3];
	_ =	sdelay $0x3  }
0x36: {  	p1 =	seq.s32 s10, $0x1;
	s10 =	sld [smem:$0x3FB4];
	_ =	sdelay $0x3  }
0x37: {  	[smem:$0x3FB4] =	sst s10  }
0x38: {  	s10 =	sld [smem:$0x3FB5]  }
0x39: {  	_ = 	snop;
	(pc) =	sbr.ind lr, $3  }
0x3a: {  	_ = 	snop  }
0x3b: {  	_ = 	snop  }
0x3c: {  	p2 =	seq.s32 s10, $0x1;
	s10 =	sld [smem:$0x3FB4]  }
0x3d: {  	_ =	shalt  }
0x3e: {  	_ =	shalt  }
0x3f: {  	_ =	shalt  }
0x40: {  	_ =	shalt  }
0x41: {  	_ =	shalt  }
0x42: {  	_ =	shalt  }
0x43: {  	_ =	shalt  }
0x44: {  	_ =	shalt  }
0x45: {  	_ =	shalt  }
0x46: {  	_ =	shalt  }
0x47: {  	_ =	shalt  }
0x48: {  	_ =	shalt  }
0x49: {  	_ =	shalt  }
0x4a: {  	_ =	shalt  }
0x4b: {  	_ =	shalt  }
0x4c: {  	_ =	shalt  }
0x4d: {  	_ =	shalt  }
0x4e: {  	_ =	shalt  }
0x4f: {  	_ =	shalt  }
0x50: {  	_ =	shalt  }
0x51: {  	_ =	shalt  }
0x52: {  	_ =	shalt  }
0x53: {  	_ =	shalt  }
0x54: {  	_ =	shalt  }
0x55: {  	_ =	shalt  }
0x56: {  	_ =	shalt  }
0x57: {  	_ =	shalt  }
0x58: {  	_ =	shalt  }
0x59: {  	_ =	shalt  }
0x5a: {  	_ =	shalt  }
0x5b: {  	_ =	shalt  }
0x5c: {  	_ =	shalt  }
0x5d: {  	_ =	shalt  }
0x5e: {  	_ =	shalt  }
0x5f: {  	_ =	shalt  }
0x60: {  	_ =	shalt  }
0x61: {  	_ =	shalt  }
0x62: {  	_ =	shalt  }
0x63: {  	_ =	shalt  }
0x64: {  	_ =	shalt  }
0x65: {  	_ =	shalt  }
0x66: {  	_ =	shalt  }
0x67: {  	_ =	shalt  }
0x68: {  	_ =	shalt  }
0x69: {  	_ =	shalt  }
0x6a: {  	_ =	shalt  }
0x6b: {  	_ =	shalt  }
0x6c: {  	_ =	shalt  }
0x6d: {  	_ =	shalt  }
0x6e: {  	_ =	shalt  }
0x6f: {  	_ =	shalt  }
0x70: {  	_ =	shalt  }
0x71: {  	_ =	shalt  }
0x72: {  	_ =	shalt  }
0x73: {  	_ =	shalt  }
0x74: {  	_ =	shalt  }
0x75: {  	_ =	shalt  }
0x76: {  	_ =	shalt  }
0x77: {  	_ =	shalt  }
0x78: {  	_ =	shalt  }
0x79: {  	_ =	shalt  }
0x7a: {  	_ =	shalt  }
0x7b: {  	_ =	shalt  }
0x7c: {  	_ =	shalt  }
0x7d: {  	_ =	shalt  }
0x7e: {  	_ =	shalt  }
0x7f: {  	_ =	shalt  }
0x80: {  	_ =	shalt  }
0x81: {  	_ =	shalt  }
0x82: {  	_ =	shalt  }
0x83: {  	_ =	shalt  }
0x84: {  	_ =	shalt  }
0x85: {  	_ =	shalt  }
0x86: {  	_ =	shalt  }
0x87: {  	_ =	shalt  }
.Lfunc_end0:
.L_simem_size_0:
called_computation.2_lowered:
.L_overlay_start_0:
0x88: {  	s2 =	sld [smem:$0x3FD9]  }
0x89: {  	s3 =	sld [smem:$0x3FFE];
	_ =	sdelay $0x1  }
0x8a: {  	s1 =	srdreg.scid  }
0x8b: {  	s0 =	sand.u32 $0x1, s1  }
0x8c: {  	s17 =	sshll.u32 s0, $0xA;
	s2 =	sadd.s32 s3, s2  }
0x8d: {  	s2 =	sadd.s32 s2, s17  }
0x8e: {  	[smem:$0x3FC0] =	sst s2  }
0x8f: {  	_ = 	snop  }
0x90: {  	s2 =	sld [smem:$0x3FD0];
	(tm) =	ssettm $0x1  }
0x91: {  	s18 =	sld [smem:$0x3FFB];
	_ =	sdelay $0x3  }
0x92: {  	_ =	strace s18  }
0x93: {  	s3 =	sld [smem:$0x3FFC];
	_ =	sdelay $0x3  }
0x94: {  	_ =	strace s3  }
0x95: {  	s3 =	sld [smem:$0x3FFD];
	_ =	sdelay $0x3  }
0x96: {  	_ =	strace s3  }
0x97: {  	_ =	strace $0x8FFFFFFF  }
0x98: {  	s19 =	sld [smem:$0x3FDB];
	_ =	sdelay $0x1  }
0x99: {  	s4 =	simm.s32 $_scs_section_size  }
0x9a: {  	s5 =	simm.s32 $_size__tile_overlayer_lowered;
	s6 =	simm.s32 $_tile_overlayer_lowered  }
0x9b: {  	s22 =	simm.s32 $0x1BFF;
	s21 =	sshll.u32 s6, $0x1;
	s3 =	sadd.s32 s4, s19  }
0x9c: {  	s7 =	simm.s32 $0x0;
	s20 =	sshll.u32 s5, $0x1;
	s5 =	sadd.s32 s21, s3  }
0x9d: {  	[timem:s7], [sflag:s22] =	dma.local [hbm:s5], s20  }
0x9e: {  	_ =	swait.ge [sflag:s22], s20  }
0x9f: {  	s4 =	ssub.s32 $0x0, s20;
	[sflag:s22] =	ssyncset.done $0x0  }
0xa0: {  	[sflag:s22] =	ssyncadd.s32 s4;
	_ =	sdelay $0x1  }
0xa1: {  	s23 =	simm.s32 $0x1B8B  }
0xa2: {  	_ =	swait.ge [sflag:s23], $0x1  }
0xa3: {  	[sflag:s23] =	ssyncset.done $0x0  }
0xa4: {  	s25 =	simm.s32 $0x1B8E;
	s24 =	sld [smem:$0x3FFE];
	[sflag:s23] =	ssyncadd.s32 $0xFFFFFFFF  }
0xa5: {  	s26 =	simm.s32 $execute0_lowered;
	[smem:$0x3FD2] =	sst s25  }
0xa6: {  	s5 =	sshll.u32 s26, $0x1;
	_ =	strace $0x8000004C;
	[dreg:$0x1] =	wrdreg $0xFFFFFFFF  }
0xa7: {  	s28 =	simm.s32 $_size_execute0_lowered;
	s3 =	sadd.s32 s3, s5;
	[dreg:$0x0] =	wrdreg $0x0  }
0xa8: {  	s5 =	sshll.u32 s28, $0x1;
	[dreg:$0x2] =	wrdreg s3  }
0xa9: {  	[dreg:$0x3] =	wrdreg s5  }
0xaa: {  	[dreg:$0x4] =	wrdreg $0xC0  }
0xab: {  	_ =	task [dreg:s7], $0x5FFFF  }
0xac: {  	[dreg:$0x1] =	wrdreg $0xFFFFFFFF  }
0xad: {  	[dreg:$0x0] =	wrdreg $0x60  }
0xae: {  	[dreg:$0x2] =	wrdreg s2  }
0xaf: {  	[dreg:$0x3] =	wrdreg s24  }
0xb0: {  	[dreg:$0x4] =	wrdreg $0xA8000  }
0xb1: {  	[dreg:$0x5] =	wrdreg $0x9  }
0xb2: {  	_ =	task.clear_ibuf [dreg:s7], $0x6FFFF;
	_ =	strace $0x9000004C  }
0xb3: {  	s29 =	simm.s32 $0x9;
	_ =	strace $0x8000004E  }
0xb4: {  	_ =	swait.ge [sflag:s29], $0x1  }
0xb5: {  	[sflag:s29] =	ssyncadd.s32 $0xFFFFFFFF  }
0xb6: {  	_ =	strace $0x9000004E  }
0xb7: {  	_ =	sfence  }
0xb8: {  	s30 =	sld [smem:$0x0];
	_ =	sdelay $0x2  }
0xb9: {  	s31 =	sshll.u32 s1, $0xD;
	s1 =	sshrl.u32 s1, $0x2  }
0xba: {  	s3 =	sand.u32 $0x4000, s31;
	s1 =	sadd.s32 s1, s30  }
0xbb: {  	s0 =	sor.u32 s3, s0;
	s1 =	sshll.u32 s1, $0x11  }
0xbc: {  	s0 =	sor.u32 s1, s0  }
0xbd: {  	s0 =	sadd.s32 $0x8F2B, s0  }
0xbe: {  	[sflag:s0] =	ssyncadd.remote.s32 $0x1  }
0xbf: {  	_ =	sfence.sel $0xFFFF  }
0xc0: {  	[dreg:$0x0] =	wrdreg $0xFFFFFFFF;
	(pc) =	sbr.abs _section_cstart, $3  }
0xc1: {  	[dreg:$0x1] =	wrdreg $0xFFFFFFFF  }
0xc2: {  	_ =	task.clear_ibuf [dreg:s7], $0x2FFFF;
	_ =	strace $0x9FFFFFFF  }
0xc3: {  	(tm) =	ssettm $0x7FFFFFFF  }
tec
execute0_lowered:
.L_overlay_start_1:
0x0: {  	(tag) =	ssettag $0x1  }
0x1: {  	s1 =	rddreg [dreg:$0x0]  }
0x2: {  	s0 =	rddreg [dreg:$0x1]  }
0x3: {  	s3 =	rddreg [dreg:$0x2]  }
0x4: {  	s2 =	srdreg.scid;
	s10 =	stileid.u32;
	s4 =	simm.s32 $0x0  }
0x5: {  	s13 =	simm.s32 $0x6;
	s28 =	simm.s32 $0x3000;
	s29 =	simm.s32 $0x1  }
0x6: {  	s30 =	simm.s32 $0x2;
	s2 =	sand.u32 $0x1, s2;
	s6 =	smul.u32 $0x14000, s10  }
0x7: {  	s31 =	simm.s32 $0x400;
	s5 =	smul.u32 $0x140000, s2;
	s7 =	sshll.u32 s2, $0x4  }
0x8: {  	s11 =	simm.s32 $0x8000;
	s7 =	sor.u32 s10, s7;
	s10 =	smul.u32 $0x50000, s10  }
0x9: {  	s2 =	ssub.s32 $0x2, s2;
	s8 =	sadd.s32 s6, s5;
	s5 =	smul.u32 $0x7D, s7  }
0xa: {  	[smem:$0x7FF] =	sst s4;
	s16 =	sshrl.u32 s2, $0x1;
	s9 =	smul.u32 $0xFA00, s7  }
0xb: {  	_ =	strace $0x8000004D;
	s7 =	smul.u32 $0x1F40, s7;
	s2 =	ssub.s32 s2, s16  }
0xc: {  	s6 =	sadd.s32 $0x2E00, s0;
	s8 =	sshrl.u32 s8, $0x3;
	s19 =	smax.u32 s2, $0x1  }
0xd: {  	s18 =	sshrl.u32 s10, $0x2;
	s7 =	sadd.s32 s6, s7;
	[dreg:$0x8] =	wrdreg s19  }
0xe: {  	s0 =	sadd.s32 s8, s0;
	s15 =	sadd.s32 s18, s3;
	[dreg:$0x4] =	wrdreg s7  }
0xf: {  	s14 =	simm.s32 $0x4;
	s0 =	sadd.s32 $0x41600, s0;
	[dreg:$0x7] =	wrdreg s15  }
0x10: {  	s12 =	simm.s32 $0x0;
	s20 =	sadd.s32 $0x2800, s15;
	[dreg:$0x6] =	wrdreg s0  }
0x11: {  	s2 =	simm.s32 $0x3;
	s21 =	sadd.s32 $0x5000, s15;
	[dreg:$0x9] =	wrdreg s20  }
0x12: {  	s9 =	sshrl.u32 s9, $0x3;
	s22 =	sadd.s32 $0x7800, s15;
	[dreg:$0xa] =	wrdreg s21  }
0x13: {  	s10 =	sadd.s32 $0x5, s5;
	s23 =	sadd.s32 $0xA000, s15;
	[dreg:$0xb] =	wrdreg s22  }
0x14: {  	s17 =	sadd.s32 s6, s9;
	s24 =	sadd.s32 $0xC800, s15;
	[dreg:$0xc] =	wrdreg s23  }
0x15: {  	s9 =	sadd.s32 $0x4, s5;
	s25 =	sadd.s32 $0xF000, s15;
	[dreg:$0xd] =	wrdreg s24  }
0x16: {  	s26 =	sadd.s32 $0x11800, s15;
	s7 =	sadd.s32 $0x40, s17;
	[dreg:$0xe] =	wrdreg s25  }
0x17: {  	[dreg:$0xf] =	wrdreg s26;
	s21 =	simm.s32 $0x5800;
	s23 =	simm.s32 $0x200  }
0x18: {  	s24 =	simm.s32 $0x5;
	s25 =	simm.s32 $0x50;
	s26 =	simm.s32 $0x800  }
0x19: {  	v0 =	vimm.f32 $0.0e+00;
	s0 =	simm.s32 $0x80;
	[dreg:$0x5] =	wrdreg s7;
	s7 =	simm.s32 $0x600  }
.LBB2_1:
0x1a: {  	s8 =	sand.u32 $0xFE00, s4  }
0x1b: {  	[dreg:$0x10] =	wrdreg s12;
	s22 =	sand.u32 $0x70, s4;
	s16 =	sshrl.u32 s8, $0x2  }
0x1c: {  	s12 =	simm.s32 $0x0;
	s8 =	simm.s32 $0x40;
	s16 =	sor.u32 s22, s16  }
.LBB2_2:
0x1d: {  	p0 =	sne.s32 s8, $0x9FC0  }
0x1e: {  	[tilespmem:s16+$0x5800] =	vst v0;
	s12 =	sadd.s32 $0x10, s12;
	s16 =	smov.u32 s8;
	s8 =	sadd.s32 $0x40, s8  }
.Ltmp0:
0x1f: {  	(pc) =	sbr.rel @p0 .LBB2_2-.Ltmp0, $4  }
0x20: {  	_ = 	snop  }
0x21: {  	s16 =	sand.u32 $0xFE00, s16  }
0x22: {  	s17 =	sand.u32 $0x70, s12;
	s16 =	sshrl.u32 s16, $0x2  }
0x23: {  	s16 =	sor.u32 s17, s16  }
0x24: {  	[tilespmem:s16+$0x5800] =	vst v0  }
0x25: {  	[spmem:s15] =	stream.linear.scatter [tilespmem:s21], [sflag:$0x6], $0x2800, $0x38;
	[tilespmem:$0x1E800] =	vst v63  }
0x26: {  	_ =	swait.ge [sflag:s13], $0x2800  }
0x27: {  	[sflag:s13] =	ssyncset.done $0x0  }
0x28: {  	s8 =	rddreg [dreg:$0x9];
	[sflag:s13] =	ssyncadd.s32 $0xFFFFD800  }
0x29: {  	[spmem:s8] =	stream.linear.scatter [tilespmem:s21], [sflag:$0x6], $0x2800, $0x38;
	[tilespmem:$0x1E800] =	vst v63  }
0x2a: {  	_ =	swait.ge [sflag:s13], $0x2800  }
0x2b: {  	[sflag:s13] =	ssyncset.done $0x0  }
0x2c: {  	s12 =	rddreg [dreg:$0xa];
	[sflag:s13] =	ssyncadd.s32 $0xFFFFD800  }
0x2d: {  	[spmem:s12] =	stream.linear.scatter [tilespmem:s21], [sflag:$0x6], $0x2800, $0x38;
	[tilespmem:$0x1E800] =	vst v63  }
0x2e: {  	_ =	swait.ge [sflag:s13], $0x2800  }
0x2f: {  	[sflag:s13] =	ssyncset.done $0x0  }
0x30: {  	s15 =	rddreg [dreg:$0xb];
	[sflag:s13] =	ssyncadd.s32 $0xFFFFD800  }
0x31: {  	[spmem:s15] =	stream.linear.scatter [tilespmem:s21], [sflag:$0x6], $0x2800, $0x38;
	[tilespmem:$0x1E800] =	vst v63  }
0x32: {  	_ =	swait.ge [sflag:s13], $0x2800  }
0x33: {  	[sflag:s13] =	ssyncset.done $0x0  }
0x34: {  	s16 =	rddreg [dreg:$0xc];
	[sflag:s13] =	ssyncadd.s32 $0xFFFFD800  }
0x35: {  	[spmem:s16] =	stream.linear.scatter [tilespmem:s21], [sflag:$0x6], $0x2800, $0x38;
	[tilespmem:$0x1E800] =	vst v63  }
0x36: {  	_ =	swait.ge [sflag:s13], $0x2800  }
0x37: {  	[sflag:s13] =	ssyncset.done $0x0  }
0x38: {  	s17 =	rddreg [dreg:$0xd];
	[sflag:s13] =	ssyncadd.s32 $0xFFFFD800  }
0x39: {  	[spmem:s17] =	stream.linear.scatter [tilespmem:s21], [sflag:$0x6], $0x2800, $0x38;
	[tilespmem:$0x1E800] =	vst v63  }
0x3a: {  	_ =	swait.ge [sflag:s13], $0x2800  }
0x3b: {  	[sflag:s13] =	ssyncset.done $0x0  }
0x3c: {  	s18 =	rddreg [dreg:$0xe];
	[sflag:s13] =	ssyncadd.s32 $0xFFFFD800  }
0x3d: {  	[spmem:s18] =	stream.linear.scatter [tilespmem:s21], [sflag:$0x6], $0x2800, $0x38;
	[tilespmem:$0x1E800] =	vst v63  }
0x3e: {  	_ =	swait.ge [sflag:s13], $0x2800  }
0x3f: {  	[sflag:s13] =	ssyncset.done $0x0  }
0x40: {  	s19 =	rddreg [dreg:$0xf];
	[sflag:s13] =	ssyncadd.s32 $0xFFFFD800  }
0x41: {  	[spmem:s19] =	stream.linear.scatter [tilespmem:s21], [sflag:$0x6], $0x2800, $0x38;
	[tilespmem:$0x1E800] =	vst v63  }
0x42: {  	_ =	swait.ge [sflag:s13], $0x2800  }
0x43: {  	[sflag:s13] =	ssyncset.done $0x0  }
0x44: {  	[sflag:s13] =	ssyncadd.s32 $0xFFFFD800  }
0x45: {  	[bflag:$0x0] =	sbarrier.arrive $0xFFFF  }
0x46: {  	s17 =	simm.s32 $0x0;
	s20 =	rddreg [dreg:$0x4]  }
0x47: {  	[tilespmem:s17], [sflag:$0x5] =	stream.linear.gather [hbm4b:s20+s17], $0x180, $0x38;
	[tilespmem:$0x1E800] =	vst v63  }
0x48: {  	s22 =	rddreg [dreg:$0x5]  }
0x49: {  	[tilespmem:s23], [sflag:$0x5] =	stream.linear.gather [hbm4b:s22+s17], $0x180, $0x38;
	[tilespmem:$0x1E800] =	vst v63  }
0x4a: {  	_ =	swait.ge [sflag:s24], $0x180  }
0x4b: {  	[sflag:s24] =	ssyncset.done $0x0  }
0x4c: {  	[sflag:s24] =	ssyncadd.s32 $0xFFFFFE80  }
0x4d: {  	[tilespmem:s26], [sflag:$0x1] =	stream.indirect.gather [hbm4b:s1+s25], $0x80, s17, s25, $0xb8;
	[tilespmem:$0x1E800] =	vst v63  }
0x4e: {  	_ =	swait.ge [sflag:s24], $0x180  }
0x4f: {  	[sflag:s24] =	ssyncset.done $0x0  }
0x50: {  	s18 =	simm.s32 $0x0;
	[sflag:s24] =	ssyncadd.s32 $0xFFFFFE80  }
0x51: {  	[tilespmem:s28], [sflag:$0x2] =	stream.indirect.gather [hbm4b:s1+s25], $0x80, s23, s25, $0xb8;
	[tilespmem:$0x1E800] =	vst v63  }
.LBB2_4:
0x52: {  	s19 =	sshll.u32 s18, $0x2;
	p0 =	seq.s32 s18, $0x0  }
0x53: {  	_ =	swait.ge [sflag:s29], $0x2800;
	s8 =	sor.u32 @!p0 $0x2, s19  }
0x54: {  	[sflag:s29] =	ssyncset.done $0x0;
	s8 =	simm.s32 @p0 $0x2  }
0x55: {  	s12 =	simm.s32 @!p0 $0x3;
	[sflag:s29] =	ssyncadd.s32 $0xFFFFD800;
	s8 =	sadd.s32 s5, s8  }
0x56: {  	_ =	swait.ge @!p0 [sflag:s12], $0x2800;
	s8 =	sshll.u32 s8, $0x6  }
0x57: {  	[sflag:s12] =	ssyncset.done @!p0 $0x0;
	s8 =	sand.u32 $0x1FFFFFC0, s8  }
0x58: {  	s20 =	simm.s32 $0x0;
	[sflag:s12] =	ssyncadd.s32 @!p0 $0xFFFFD800;
	s8 =	sadd.s32 s6, s8  }
0x59: {  	[tilespmem:s31], [sflag:$0x5] =	stream.linear.gather [hbm4b:s8+s17], $0x180, $0x38;
	[tilespmem:$0x1E800] =	vst v63  }
.LBB2_5:
0x5a: {  	s22 =	sshll.u32 s20, $0x7  }
0x5b: {  	v3 =	vld [tilespmem:s22+$0x800]  }
0x5c: {  	v4 =	vld [tilespmem:s22+$0x810]  }
0x5d: {  	v5 =	vld [tilespmem:s22+$0x820]  }
0x5e: {  	v6 =	vld [tilespmem:s22+$0x830]  }
0x5f: {  	v7 =	vld [tilespmem:s22+$0x840]  }
0x60: {  	v8 =	vld [tilespmem:s22+$0x850]  }
0x61: {  	s8 =	sor.u32 $0x1, s20;
	v9 =	vld [tilespmem:s22+$0x860]  }
0x62: {  	v1 =	vmov s20;
	v2 =	vmov s8;
	v10 =	vld [tilespmem:s22+$0x870];
	s8 =	sshll.u32 s8, $0x7  }
0x63: {  	v1 =	vand.u32 $0x70, v1;
	v12 =	vld [tilespmem:s8+$0x800]  }
0x64: {  	v1 =	vor.u32 $0x100, v1;
	v13 =	vld [tilespmem:s8+$0x810]  }
0x65: {  	v14 =	vld [tilespmem:s8+$0x820];
	v1 =	vbroadcast v1, $0x0  }
0x66: {  	v15 =	vld [tilespmem:s8+$0x830]  }
0x67: {  	v16 =	vld [tilespmem:s8+$0x840]  }
0x68: {  	v17 =	vld [tilespmem:s8+$0x850]  }
0x69: {  	v18 =	vld [tilespmem:s8+$0x860]  }
0x6a: {  	s12 =	sor.u32 $0x2, s20;
	v19 =	vld [tilespmem:s8+$0x870]  }
0x6b: {  	s16 =	sshll.u32 s12, $0x7;
	v2 =	vand.u32 $0x71, v2;
	v1 =	vld.idx.msk [tilespmem:v1+s4+$0x0], $0xffff  }
0x6c: {  	v21 =	vld [tilespmem:s16+$0x800];
	v2 =	vor.u32 $0x100, v2  }
0x6d: {  	v22 =	vld [tilespmem:s16+$0x810];
	v2 =	vbroadcast v2, $0x0  }
0x6e: {  	v23 =	vld [tilespmem:s16+$0x820]  }
0x6f: {  	v24 =	vld [tilespmem:s16+$0x830]  }
0x70: {  	v26 =	vld [tilespmem:s16+$0x840];
	v3 =	vmul.f32 v1, v3  }
0x71: {  	v28 =	vld [tilespmem:s16+$0x850];
	v4 =	vmul.f32 v1, v4  }
0x72: {  	v11 =	vmov s12;
	v29 =	vld [tilespmem:s16+$0x860];
	[tilespmem:s22+$0x5800] =	vst v3;
	v3 =	vmul.f32 v1, v5  }
0x73: {  	s13 =	sor.u32 $0x3, s20;
	v11 =	vand.u32 $0x72, v11;
	v2 =	vld.idx.msk [tilespmem:v2+s4+$0x0], $0xffff;
	v27 =	vmul.f32 v1, v6;
	[tilespmem:s22+$0x5810] =	vst v4  }
0x74: {  	s12 =	sshll.u32 s13, $0x7;
	v31 =	vld [tilespmem:s16+$0x870];
	v11 =	vor.u32 $0x100, v11;
	[tilespmem:s22+$0x5820] =	vst v3;
	v3 =	vmul.f32 v1, v7  }
0x75: {  	v20 =	vmov s13;
	v34 =	vld [tilespmem:s12+$0x800];
	v11 =	vbroadcast v11, $0x0;
	v30 =	vmul.f32 v1, v8;
	[tilespmem:s22+$0x5830] =	vst v27  }
0x76: {  	v20 =	vand.u32 $0x73, v20;
	v36 =	vld [tilespmem:s12+$0x810];
	[tilespmem:s22+$0x5840] =	vst v3;
	v3 =	vmul.f32 v1, v9  }
0x77: {  	v37 =	vld [tilespmem:s12+$0x820];
	v20 =	vor.u32 $0x100, v20;
	[tilespmem:s22+$0x5850] =	vst v30;
	v1 =	vmul.f32 v1, v10  }
0x78: {  	v38 =	vld [tilespmem:s12+$0x830];
	v20 =	vbroadcast v20, $0x0;
	[tilespmem:s22+$0x5860] =	vst v3;
	v3 =	vmul.f32 v2, v12  }
0x79: {  	v39 =	vld [tilespmem:s12+$0x840];
	[tilespmem:s22+$0x5870] =	vst v1;
	v1 =	vmul.f32 v2, v13  }
0x7a: {  	v40 =	vld [tilespmem:s12+$0x850];
	[tilespmem:s8+$0x5800] =	vst v3;
	v3 =	vmul.f32 v2, v14  }
0x7b: {  	v11 =	vld.idx.msk [tilespmem:v11+s4+$0x0], $0xffff;
	[tilespmem:s8+$0x5810] =	vst v1;
	v1 =	vmul.f32 v2, v15  }
0x7c: {  	v41 =	vld [tilespmem:s12+$0x860];
	[tilespmem:s8+$0x5820] =	vst v3;
	v3 =	vmul.f32 v2, v16  }
0x7d: {  	s15 =	sor.u32 $0x4, s20;
	v42 =	vld [tilespmem:s12+$0x870];
	[tilespmem:s8+$0x5830] =	vst v1;
	v1 =	vmul.f32 v2, v17  }
0x7e: {  	v33 =	vmov s15;
	v32 =	vld.idx.msk [tilespmem:v20+s4+$0x0], $0xffff;
	s22 =	sshll.u32 s15, $0x7;
	[tilespmem:s8+$0x5840] =	vst v3;
	v3 =	vmul.f32 v2, v18  }
0x7f: {  	v35 =	vand.u32 $0x74, v33;
	v44 =	vld [tilespmem:s22+$0x800];
	[tilespmem:s8+$0x5850] =	vst v1;
	v1 =	vmul.f32 v2, v19  }
0x80: {  	v10 =	vor.u32 $0x100, v35;
	v45 =	vld [tilespmem:s22+$0x810];
	[tilespmem:s8+$0x5860] =	vst v3;
	v3 =	vmul.f32 v11, v21  }
0x81: {  	v10 =	vbroadcast v10, $0x0;
	v46 =	vld [tilespmem:s22+$0x820];
	[tilespmem:s8+$0x5870] =	vst v1;
	v1 =	vmul.f32 v11, v22  }
0x82: {  	v47 =	vld [tilespmem:s22+$0x830];
	[tilespmem:s16+$0x5800] =	vst v3;
	v3 =	vmul.f32 v11, v23  }
0x83: {  	v48 =	vld [tilespmem:s22+$0x840];
	[tilespmem:s16+$0x5810] =	vst v1;
	v1 =	vmul.f32 v11, v24  }
0x84: {  	v49 =	vld [tilespmem:s22+$0x850];
	[tilespmem:s16+$0x5820] =	vst v3;
	v3 =	vmul.f32 v11, v26  }
0x85: {  	v50 =	vld [tilespmem:s22+$0x860];
	[tilespmem:s16+$0x5830] =	vst v1;
	v1 =	vmul.f32 v11, v28  }
0x86: {  	s13 =	sor.u32 $0x5, s20;
	v51 =	vld [tilespmem:s22+$0x870];
	[tilespmem:s16+$0x5840] =	vst v3;
	v3 =	vmul.f32 v11, v29  }
0x87: {  	v43 =	vmov s13;
	v2 =	vld.idx.msk [tilespmem:v10+s4+$0x0], $0xffff;
	s8 =	sshll.u32 s13, $0x7;
	[tilespmem:s16+$0x5850] =	vst v1;
	v1 =	vmul.f32 v11, v31  }
0x88: {  	v10 =	vand.u32 $0x75, v43;
	v54 =	vld [tilespmem:s8+$0x800];
	[tilespmem:s16+$0x5860] =	vst v3;
	v3 =	vmul.f32 v32, v34  }
0x89: {  	v10 =	vor.u32 $0x100, v10;
	v55 =	vld [tilespmem:s8+$0x810];
	[tilespmem:s16+$0x5870] =	vst v1;
	v1 =	vmul.f32 v32, v36  }
0x8a: {  	v10 =	vbroadcast v10, $0x0;
	v56 =	vld [tilespmem:s8+$0x820];
	[tilespmem:s12+$0x5800] =	vst v3;
	v3 =	vmul.f32 v32, v37  }
0x8b: {  	v57 =	vld [tilespmem:s8+$0x830];
	[tilespmem:s12+$0x5810] =	vst v1;
	v1 =	vmul.f32 v32, v38  }
0x8c: {  	v58 =	vld [tilespmem:s8+$0x840];
	[tilespmem:s12+$0x5820] =	vst v3;
	v3 =	vmul.f32 v32, v39  }
0x8d: {  	v59 =	vld [tilespmem:s8+$0x850];
	[tilespmem:s12+$0x5830] =	vst v1;
	v1 =	vmul.f32 v32, v40  }
0x8e: {  	s15 =	sor.u32 $0x6, s20;
	v60 =	vld [tilespmem:s8+$0x860];
	[tilespmem:s12+$0x5840] =	vst v3;
	v3 =	vmul.f32 v32, v41  }
0x8f: {  	v53 =	vmov s15;
	v61 =	vld [tilespmem:s8+$0x870];
	s16 =	sor.u32 $0x7, s20;
	[tilespmem:s12+$0x5850] =	vst v1;
	v1 =	vmul.f32 v32, v42  }
0x90: {  	v52 =	vld.idx.msk [tilespmem:v10+s4+$0x0], $0xffff;
	v10 =	vand.u32 $0x76, v53;
	v62 =	vmov s16;
	s16 =	sshll.u32 s16, $0x7;
	[tilespmem:s12+$0x5860] =	vst v3;
	v3 =	vmul.f32 v2, v44  }
0x91: {  	v10 =	vor.u32 $0x100, v10;
	v33 =	vld [tilespmem:s16+$0x810];
	[tilespmem:s12+$0x5870] =	vst v1;
	v1 =	vmul.f32 v2, v45  }
0x92: {  	v10 =	vbroadcast v10, $0x0;
	v34 =	vld [tilespmem:s16+$0x820];
	[tilespmem:s22+$0x5800] =	vst v3;
	v3 =	vmul.f32 v2, v46  }
0x93: {  	v35 =	vld [tilespmem:s16+$0x830];
	[tilespmem:s22+$0x5810] =	vst v1;
	v1 =	vmul.f32 v2, v47  }
0x94: {  	v36 =	vld [tilespmem:s16+$0x840];
	[tilespmem:s22+$0x5820] =	vst v3;
	v3 =	vmul.f32 v2, v48  }
0x95: {  	v37 =	vld [tilespmem:s16+$0x850];
	[tilespmem:s22+$0x5830] =	vst v1;
	v1 =	vmul.f32 v2, v49  }
0x96: {  	v38 =	vld [tilespmem:s16+$0x860];
	[tilespmem:s22+$0x5840] =	vst v3;
	v3 =	vmul.f32 v2, v50  }
0x97: {  	v39 =	vld [tilespmem:s16+$0x870];
	[tilespmem:s22+$0x5850] =	vst v1;
	v1 =	vmul.f32 v2, v51  }
0x98: {  	v10 =	vld.idx.msk [tilespmem:v10+s4+$0x0], $0xffff;
	[tilespmem:s22+$0x5860] =	vst v3;
	v3 =	vmul.f32 v52, v54  }
0x99: {  	v32 =	vld [tilespmem:s16+$0x800];
	s12 =	sshll.u32 s15, $0x7;
	[tilespmem:s22+$0x5870] =	vst v1;
	v1 =	vmul.f32 v52, v55  }
0x9a: {  	v18 =	vand.u32 $0x77, v62;
	v63 =	vld [tilespmem:s12+$0x800];
	[tilespmem:s8+$0x5800] =	vst v3;
	v3 =	vmul.f32 v52, v56  }
0x9b: {  	v18 =	vor.u32 $0x100, v18;
	v24 =	vld [tilespmem:s12+$0x810];
	[tilespmem:s8+$0x5810] =	vst v1;
	v1 =	vmul.f32 v52, v57  }
0x9c: {  	v18 =	vbroadcast v18, $0x0;
	v25 =	vld [tilespmem:s12+$0x820];
	[tilespmem:s8+$0x5820] =	vst v3;
	v3 =	vmul.f32 v52, v58  }
0x9d: {  	v26 =	vld [tilespmem:s12+$0x830];
	[tilespmem:s8+$0x5830] =	vst v1;
	v1 =	vmul.f32 v52, v59  }
0x9e: {  	v27 =	vld [tilespmem:s12+$0x840];
	s22 =	sor.u32 $0x8, s20;
	[tilespmem:s8+$0x5840] =	vst v3;
	v3 =	vmul.f32 v52, v60  }
0x9f: {  	v28 =	vld [tilespmem:s12+$0x860];
	v31 =	vmov s22;
	[tilespmem:s8+$0x5850] =	vst v1;
	v1 =	vmul.f32 v52, v61  }
0xa0: {  	v2 =	vld [tilespmem:s12+$0x850];
	v13 =	vand.u32 $0x78, v31;
	[tilespmem:s8+$0x5860] =	vst v3;
	v3 =	vmul.f32 v10, v63  }
0xa1: {  	v29 =	vld [tilespmem:s12+$0x870];
	v13 =	vor.u32 $0x100, v13;
	[tilespmem:s8+$0x5870] =	vst v1;
	v1 =	vmul.f32 v10, v24  }
0xa2: {  	v30 =	vld.idx.msk [tilespmem:v18+s4+$0x0], $0xffff;
	v13 =	vbroadcast v13, $0x0;
	s8 =	sshll.u32 s22, $0x7;
	[tilespmem:s12+$0x5800] =	vst v3;
	v3 =	vmul.f32 v10, v25  }
0xa3: {  	v42 =	vld [tilespmem:s8+$0x800];
	[tilespmem:s12+$0x5810] =	vst v1;
	v1 =	vmul.f32 v10, v26  }
0xa4: {  	v43 =	vld [tilespmem:s8+$0x820];
	[tilespmem:s12+$0x5820] =	vst v3;
	v3 =	vmul.f32 v10, v27  }
0xa5: {  	v44 =	vld [tilespmem:s8+$0x830];
	[tilespmem:s12+$0x5830] =	vst v1;
	v1 =	vmul.f32 v10, v2  }
0xa6: {  	s13 =	sor.u32 $0x9, s20;
	v45 =	vld [tilespmem:s8+$0x840];
	[tilespmem:s12+$0x5840] =	vst v3;
	v3 =	vmul.f32 v10, v28  }
0xa7: {  	v41 =	vmov s13;
	v46 =	vld [tilespmem:s8+$0x850];
	[tilespmem:s12+$0x5850] =	vst v1;
	v1 =	vmul.f32 v10, v29  }
0xa8: {  	v40 =	vld.idx.msk [tilespmem:v13+s4+$0x0], $0xffff;
	v13 =	vand.u32 $0x79, v41;
	[tilespmem:s12+$0x5860] =	vst v3;
	v3 =	vmul.f32 v30, v32  }
0xa9: {  	v47 =	vld [tilespmem:s8+$0x860];
	v13 =	vor.u32 $0x100, v13;
	[tilespmem:s12+$0x5870] =	vst v1;
	v1 =	vmul.f32 v30, v33  }
0xaa: {  	v48 =	vld [tilespmem:s8+$0x870];
	v13 =	vbroadcast v13, $0x0;
	[tilespmem:s16+$0x5800] =	vst v3;
	v3 =	vmul.f32 v30, v34  }
0xab: {  	v2 =	vld [tilespmem:s8+$0x810];
	s12 =	sshll.u32 s13, $0x7;
	[tilespmem:s16+$0x5810] =	vst v1;
	v1 =	vmul.f32 v30, v35  }
0xac: {  	v51 =	vld [tilespmem:s12+$0x800];
	[tilespmem:s16+$0x5820] =	vst v3;
	v3 =	vmul.f32 v30, v36  }
0xad: {  	v52 =	vld [tilespmem:s12+$0x810];
	[tilespmem:s16+$0x5830] =	vst v1;
	v1 =	vmul.f32 v30, v37  }
0xae: {  	v53 =	vld [tilespmem:s12+$0x820];
	[tilespmem:s16+$0x5840] =	vst v3;
	v3 =	vmul.f32 v30, v38  }
0xaf: {  	v55 =	vld [tilespmem:s12+$0x830];
	[tilespmem:s16+$0x5850] =	vst v1;
	v1 =	vmul.f32 v30, v39  }
0xb0: {  	v49 =	vld.idx.msk [tilespmem:v13+s4+$0x0], $0xffff;
	[tilespmem:s16+$0x5860] =	vst v3;
	v3 =	vmul.f32 v40, v42  }
0xb1: {  	s22 =	sor.u32 $0xA, s20;
	[tilespmem:s16+$0x5870] =	vst v1;
	v1 =	vmul.f32 v40, v2;
	v2 =	vld [tilespmem:s12+$0x840]  }
0xb2: {  	v50 =	vmov s22;
	v56 =	vld [tilespmem:s12+$0x850];
	[tilespmem:s8+$0x5800] =	vst v3;
	v3 =	vmul.f32 v40, v43  }
0xb3: {  	v57 =	vld [tilespmem:s12+$0x860];
	v13 =	vand.u32 $0x7A, v50;
	[tilespmem:s8+$0x5810] =	vst v1;
	v1 =	vmul.f32 v40, v44  }
0xb4: {  	v58 =	vld [tilespmem:s12+$0x870];
	v13 =	vor.u32 $0x100, v13;
	s16 =	sshll.u32 s22, $0x7;
	[tilespmem:s8+$0x5820] =	vst v3;
	v3 =	vmul.f32 v40, v45  }
0xb5: {  	v54 =	vbroadcast v13, $0x0;
	v60 =	vld [tilespmem:s16+$0x800];
	[tilespmem:s8+$0x5830] =	vst v1;
	v1 =	vmul.f32 v40, v46  }
0xb6: {  	v61 =	vld [tilespmem:s16+$0x810];
	v2 =	vmul.f32 v49, v2;
	[tilespmem:s8+$0x5840] =	vst v3  }
0xb7: {  	v63 =	vld [tilespmem:s16+$0x820];
	[tilespmem:s8+$0x5850] =	vst v1;
	v1 =	vmul.f32 v40, v48  }
0xb8: {  	s13 =	sor.u32 $0xB, s20;
	v18 =	vld [tilespmem:s16+$0x830];
	v3 =	vmul.f32 v40, v47;
	[tilespmem:s12+$0x5840] =	vst v2  }
0xb9: {  	v59 =	vmov s13;
	v19 =	vld [tilespmem:s16+$0x840];
	[tilespmem:s8+$0x5870] =	vst v1;
	v1 =	vmul.f32 v49, v52  }
0xba: {  	v13 =	vand.u32 $0x7B, v59;
	v20 =	vld [tilespmem:s16+$0x850];
	v2 =	vmul.f32 v49, v57;
	[tilespmem:s8+$0x5860] =	vst v3  }
0xbb: {  	v62 =	vor.u32 $0x100, v13;
	s22 =	sor.u32 $0xC, s20;
	v12 =	vld.idx.msk [tilespmem:v54+s4+$0x0], $0xffff;
	[tilespmem:s12+$0x5810] =	vst v1;
	v1 =	vmul.f32 v49, v55  }
0xbc: {  	v9 =	vbroadcast v62, $0x0;
	v21 =	vld [tilespmem:s16+$0x870];
	s15 =	sshll.u32 s22, $0x7;
	v3 =	vmul.f32 v49, v51;
	[tilespmem:s12+$0x5860] =	vst v2  }
0xbd: {  	v32 =	vld [tilespmem:s15+$0x800];
	[tilespmem:s12+$0x5830] =	vst v1;
	v1 =	vmul.f32 v49, v56  }
0xbe: {  	v33 =	vld [tilespmem:s15+$0x810];
	[tilespmem:s12+$0x5800] =	vst v3;
	v3 =	vmul.f32 v49, v53  }
0xbf: {  	v34 =	vld [tilespmem:s15+$0x820];
	[tilespmem:s12+$0x5850] =	vst v1;
	v1 =	vmul.f32 v49, v58  }
0xc0: {  	v35 =	vld [tilespmem:s15+$0x830];
	v2 =	vmul.f32 v12, v60;
	[tilespmem:s12+$0x5820] =	vst v3  }
0xc1: {  	v3 =	vld [tilespmem:s16+$0x860];
	[tilespmem:s12+$0x5870] =	vst v1;
	v1 =	vmul.f32 v12, v61  }
0xc2: {  	v22 =	vmov s22;
	v9 =	vld.idx.msk [tilespmem:v9+s4+$0x0], $0xffff;
	s8 =	sshll.u32 s13, $0x7;
	[tilespmem:s16+$0x5800] =	vst v2;
	v2 =	vmul.f32 v12, v63  }
0xc3: {  	v10 =	vand.u32 $0x7C, v22;
	v23 =	vld [tilespmem:s8+$0x800];
	[tilespmem:s16+$0x5810] =	vst v1;
	v1 =	vmul.f32 v12, v18  }
0xc4: {  	v10 =	vor.u32 $0x100, v10;
	v24 =	vld [tilespmem:s8+$0x810];
	[tilespmem:s16+$0x5820] =	vst v2;
	v2 =	vmul.f32 v12, v19  }
0xc5: {  	v10 =	vbroadcast v10, $0x0;
	v25 =	vld [tilespmem:s8+$0x820];
	[tilespmem:s16+$0x5830] =	vst v1;
	v1 =	vmul.f32 v12, v20  }
0xc6: {  	v26 =	vld [tilespmem:s8+$0x830];
	[tilespmem:s16+$0x5840] =	vst v2;
	v2 =	vmul.f32 v12, v3  }
0xc7: {  	v27 =	vld [tilespmem:s8+$0x840];
	[tilespmem:s16+$0x5850] =	vst v1;
	v1 =	vmul.f32 v12, v21  }
0xc8: {  	v28 =	vld [tilespmem:s8+$0x850];
	[tilespmem:s16+$0x5860] =	vst v2;
	v2 =	vmul.f32 v9, v23  }
0xc9: {  	v29 =	vld [tilespmem:s8+$0x860];
	s12 =	sor.u32 $0xD, s20;
	[tilespmem:s16+$0x5870] =	vst v1;
	v1 =	vmul.f32 v9, v24  }
0xca: {  	v3 =	vld [tilespmem:s8+$0x870];
	v31 =	vmov s12;
	[tilespmem:s8+$0x5800] =	vst v2;
	v2 =	vmul.f32 v9, v25  }
0xcb: {  	v30 =	vld.idx.msk [tilespmem:v10+s4+$0x0], $0xffff;
	v10 =	vand.u32 $0x7D, v31;
	[tilespmem:s8+$0x5810] =	vst v1;
	v1 =	vmul.f32 v9, v26  }
0xcc: {  	v36 =	vld [tilespmem:s15+$0x840];
	v10 =	vor.u32 $0x100, v10;
	[tilespmem:s8+$0x5820] =	vst v2;
	v2 =	vmul.f32 v9, v27  }
0xcd: {  	s22 =	sor.u32 $0xE, s20;
	v37 =	vld [tilespmem:s15+$0x850];
	v10 =	vbroadcast v10, $0x0;
	[tilespmem:s8+$0x5830] =	vst v1;
	v1 =	vmul.f32 v9, v28  }
0xce: {  	v38 =	vld [tilespmem:s15+$0x860];
	v40 =	vmov s22;
	s22 =	sshll.u32 s22, $0x7;
	[tilespmem:s8+$0x5840] =	vst v2;
	v2 =	vmul.f32 v9, v29  }
0xcf: {  	v50 =	vld [tilespmem:s22+$0x800];
	[tilespmem:s8+$0x5850] =	vst v1;
	v1 =	vmul.f32 v9, v3  }
0xd0: {  	v54 =	vld [tilespmem:s22+$0x850];
	s13 =	sshll.u32 s12, $0x7;
	[tilespmem:s8+$0x5860] =	vst v2;
	v2 =	vmul.f32 v30, v32  }
0xd1: {  	v41 =	vld [tilespmem:s13+$0x800];
	[tilespmem:s8+$0x5870] =	vst v1;
	v1 =	vmul.f32 v30, v33  }
0xd2: {  	[tilespmem:s15+$0x5800] =	vst v2;
	v2 =	vmul.f32 v30, v34;
	v3 =	vld [tilespmem:s15+$0x870]  }
0xd3: {  	v39 =	vld.idx.msk [tilespmem:v10+s4+$0x0], $0xffff;
	v9 =	vand.u32 $0x7E, v40;
	[tilespmem:s15+$0x5810] =	vst v1;
	v1 =	vmul.f32 v30, v35  }
0xd4: {  	v42 =	vld [tilespmem:s13+$0x810];
	v9 =	vor.u32 $0x100, v9;
	[tilespmem:s15+$0x5820] =	vst v2;
	v2 =	vmul.f32 v30, v36  }
0xd5: {  	v43 =	vld [tilespmem:s13+$0x820];
	v9 =	vbroadcast v9, $0x0;
	[tilespmem:s15+$0x5830] =	vst v1;
	v1 =	vmul.f32 v30, v37  }
0xd6: {  	v44 =	vld [tilespmem:s13+$0x830];
	[tilespmem:s15+$0x5840] =	vst v2;
	v2 =	vmul.f32 v30, v38  }
0xd7: {  	v45 =	vld [tilespmem:s13+$0x840];
	[tilespmem:s15+$0x5850] =	vst v1;
	v1 =	vmul.f32 v30, v3  }
0xd8: {  	v46 =	vld [tilespmem:s13+$0x850];
	[tilespmem:s15+$0x5860] =	vst v2;
	v2 =	vmul.f32 v39, v41  }
0xd9: {  	s16 =	sor.u32 $0xF, s20;
	v3 =	vld [tilespmem:s13+$0x860];
	[tilespmem:s15+$0x5870] =	vst v1;
	v1 =	vmul.f32 v39, v42  }
0xda: {  	v47 =	vld [tilespmem:s13+$0x870];
	v49 =	vmov s16;
	[tilespmem:s13+$0x5800] =	vst v2;
	v2 =	vmul.f32 v39, v43  }
0xdb: {  	v48 =	vld.idx.msk [tilespmem:v9+s4+$0x0], $0xffff;
	v9 =	vand.u32 $0x7F, v49;
	[tilespmem:s13+$0x5810] =	vst v1;
	v1 =	vmul.f32 v39, v44  }
0xdc: {  	v51 =	vld [tilespmem:s22+$0x810];
	v9 =	vor.u32 $0x100, v9;
	[tilespmem:s13+$0x5820] =	vst v2;
	v2 =	vmul.f32 v39, v45  }
0xdd: {  	v52 =	vld [tilespmem:s22+$0x820];
	v9 =	vbroadcast v9, $0x0;
	[tilespmem:s13+$0x5830] =	vst v1;
	v1 =	vmul.f32 v39, v46  }
0xde: {  	v53 =	vld [tilespmem:s22+$0x830];
	[tilespmem:s13+$0x5840] =	vst v2;
	v2 =	vmul.f32 v39, v3  }
0xdf: {  	v3 =	vld [tilespmem:s22+$0x840];
	[tilespmem:s13+$0x5850] =	vst v1;
	v1 =	vmul.f32 v39, v47  }
0xe0: {  	v55 =	vld [tilespmem:s22+$0x860];
	[tilespmem:s13+$0x5860] =	vst v2;
	v2 =	vmul.f32 v48, v50  }
0xe1: {  	v56 =	vld [tilespmem:s22+$0x870];
	s8 =	sshll.u32 s16, $0x7;
	[tilespmem:s13+$0x5870] =	vst v1;
	v1 =	vmul.f32 v48, v51  }
0xe2: {  	v58 =	vld [tilespmem:s8+$0x800];
	[tilespmem:s22+$0x5800] =	vst v2;
	v2 =	vmul.f32 v48, v52  }
0xe3: {  	v57 =	vld.idx.msk [tilespmem:v9+s4+$0x0], $0xffff;
	[tilespmem:s22+$0x5810] =	vst v1;
	v1 =	vmul.f32 v48, v53  }
0xe4: {  	[tilespmem:s22+$0x5820] =	vst v2;
	v2 =	vmul.f32 v48, v3;
	v3 =	vld [tilespmem:s8+$0x810]  }
0xe5: {  	v59 =	vld [tilespmem:s8+$0x820];
	[tilespmem:s22+$0x5830] =	vst v1;
	v1 =	vmul.f32 v48, v54  }
0xe6: {  	v60 =	vld [tilespmem:s8+$0x830];
	[tilespmem:s22+$0x5840] =	vst v2;
	v2 =	vmul.f32 v48, v55  }
0xe7: {  	v61 =	vld [tilespmem:s8+$0x840];
	[tilespmem:s22+$0x5850] =	vst v1;
	v1 =	vmul.f32 v48, v56  }
0xe8: {  	v62 =	vld [tilespmem:s8+$0x850];
	[tilespmem:s22+$0x5860] =	vst v2;
	v2 =	vmul.f32 v57, v58  }
0xe9: {  	[tilespmem:s22+$0x5870] =	vst v1;
	v1 =	vmul.f32 v57, v3;
	v3 =	vld [tilespmem:s8+$0x860]  }
0xea: {  	v63 =	vld [tilespmem:s8+$0x870];
	[tilespmem:s8+$0x5800] =	vst v2;
	v2 =	vmul.f32 v57, v59  }
0xeb: {  	[tilespmem:s8+$0x5810] =	vst v1;
	v1 =	vmul.f32 v57, v60  }
0xec: {  	p1 =	slt.u32 s20, $0x40;
	[tilespmem:s8+$0x5820] =	vst v2;
	v2 =	vmul.f32 v57, v61  }
.Ltmp1:
0xed: {  	[tilespmem:s8+$0x5830] =	vst v1;
	v1 =	vmul.f32 v57, v62;
	(pc) =	sbr.rel @p1 .LBB2_5-.Ltmp1, $4  }
0xee: {  	[tilespmem:s8+$0x5840] =	vst v2;
	v2 =	vmul.f32 v57, v3  }
0xef: {  	[tilespmem:s8+$0x5850] =	vst v1;
	v1 =	vmul.f32 v57, v63  }
0xf0: {  	[tilespmem:s8+$0x5860] =	vst v2  }
0xf1: {  	s20 =	sadd.s32 $0x10, s20;
	[tilespmem:s8+$0x5870] =	vst v1  }
0xf2: {  	_ =	swait.ge [sflag:s24], $0x180  }
0xf3: {  	[sflag:s24] =	ssyncset.done $0x0  }
0xf4: {  	[sflag:s24] =	ssyncadd.s32 $0xFFFFFE80  }
0xf5: {  	[tilespmem:s26], [sflag:$0x1] =	stream.indirect.gather [hbm4b:s1+s25], $0x80, s31, s25, $0xb8;
	[tilespmem:$0x1E800] =	vst v63  }
0xf6: {  	_ = 	snop  }
0xf7: {  	[spmem:s3] =	stream.indirect.scatter.add.f32 [tilespmem:s21], [sflag:$0x3], $0x80, s0, s25, $0xb8;
	[tilespmem:$0x1E800] =	vst v63  }
0xf8: {  	s8 =	sor.u32 @!p0 $0x3, s19;
	_ =	swait.ge [sflag:s30], $0x2800  }
0xf9: {  	s8 =	simm.s32 @p0 $0x3;
	[sflag:s30] =	ssyncset.done $0x0  }
0xfa: {  	s12 =	simm.s32 @!p0 $0x4;
	s8 =	sadd.s32 s5, s8;
	[sflag:s30] =	ssyncadd.s32 $0xFFFFD800  }
0xfb: {  	s8 =	sshll.u32 s8, $0x6;
	_ =	swait.ge @!p0 [sflag:s12], $0x2800  }
0xfc: {  	s8 =	sand.u32 $0x1FFFFFC0, s8;
	[sflag:s12] =	ssyncset.done @!p0 $0x0  }
0xfd: {  	s20 =	simm.s32 $0x0;
	s8 =	sadd.s32 s6, s8;
	[sflag:s12] =	ssyncadd.s32 @!p0 $0xFFFFD800  }
0xfe: {  	[tilespmem:s7], [sflag:$0x5] =	stream.linear.gather [hbm4b:s8+s20], $0x180, $0x38;
	[tilespmem:$0x1E800] =	vst v63  }
.LBB2_7:
0xff: {  	s22 =	sshll.u32 s20, $0x7  }
0x100: {  	v3 =	vld [tilespmem:s22+$0x3000]  }
0x101: {  	v4 =	vld [tilespmem:s22+$0x3010]  }
0x102: {  	v5 =	vld [tilespmem:s22+$0x3020]  }
0x103: {  	v6 =	vld [tilespmem:s22+$0x3030]  }
0x104: {  	v7 =	vld [tilespmem:s22+$0x3040]  }
0x105: {  	v8 =	vld [tilespmem:s22+$0x3050]  }
0x106: {  	s8 =	sor.u32 $0x1, s20;
	v9 =	vld [tilespmem:s22+$0x3060]  }
0x107: {  	v1 =	vmov s20;
	v2 =	vmov s8;
	v10 =	vld [tilespmem:s22+$0x3070];
	s8 =	sshll.u32 s8, $0x7  }
0x108: {  	v1 =	vand.u32 $0x70, v1;
	v12 =	vld [tilespmem:s8+$0x3000]  }
0x109: {  	v1 =	vor.u32 $0x100, v1;
	v13 =	vld [tilespmem:s8+$0x3010]  }
0x10a: {  	v14 =	vld [tilespmem:s8+$0x3020];
	v1 =	vbroadcast v1, $0x0  }
0x10b: {  	v15 =	vld [tilespmem:s8+$0x3030]  }
0x10c: {  	v16 =	vld [tilespmem:s8+$0x3040]  }
0x10d: {  	v17 =	vld [tilespmem:s8+$0x3050]  }
0x10e: {  	v18 =	vld [tilespmem:s8+$0x3060]  }
0x10f: {  	s12 =	sor.u32 $0x2, s20;
	v19 =	vld [tilespmem:s8+$0x3070]  }
0x110: {  	s16 =	sshll.u32 s12, $0x7;
	v2 =	vand.u32 $0x71, v2;
	v1 =	vld.idx.msk [tilespmem:v1+s23+$0x0], $0xffff  }
0x111: {  	v21 =	vld [tilespmem:s16+$0x3000];
	v2 =	vor.u32 $0x100, v2  }
0x112: {  	v22 =	vld [tilespmem:s16+$0x3010];
	v2 =	vbroadcast v2, $0x0  }
0x113: {  	v23 =	vld [tilespmem:s16+$0x3020]  }
0x114: {  	v24 =	vld [tilespmem:s16+$0x3030]  }
0x115: {  	v26 =	vld [tilespmem:s16+$0x3040];
	v3 =	vmul.f32 v1, v3  }
0x116: {  	v28 =	vld [tilespmem:s16+$0x3050];
	v4 =	vmul.f32 v1, v4  }
0x117: {  	v11 =	vmov s12;
	v29 =	vld [tilespmem:s16+$0x3060];
	[tilespmem:s22+$0x8000] =	vst v3;
	v3 =	vmul.f32 v1, v5  }
0x118: {  	s13 =	sor.u32 $0x3, s20;
	v11 =	vand.u32 $0x72, v11;
	v2 =	vld.idx.msk [tilespmem:v2+s23+$0x0], $0xffff;
	v27 =	vmul.f32 v1, v6;
	[tilespmem:s22+$0x8010] =	vst v4  }
0x119: {  	s12 =	sshll.u32 s13, $0x7;
	v31 =	vld [tilespmem:s16+$0x3070];
	v11 =	vor.u32 $0x100, v11;
	[tilespmem:s22+$0x8020] =	vst v3;
	v3 =	vmul.f32 v1, v7  }
0x11a: {  	v20 =	vmov s13;
	v34 =	vld [tilespmem:s12+$0x3000];
	v11 =	vbroadcast v11, $0x0;
	v30 =	vmul.f32 v1, v8;
	[tilespmem:s22+$0x8030] =	vst v27  }
0x11b: {  	v20 =	vand.u32 $0x73, v20;
	v36 =	vld [tilespmem:s12+$0x3010];
	[tilespmem:s22+$0x8040] =	vst v3;
	v3 =	vmul.f32 v1, v9  }
0x11c: {  	v37 =	vld [tilespmem:s12+$0x3020];
	v20 =	vor.u32 $0x100, v20;
	[tilespmem:s22+$0x8050] =	vst v30;
	v1 =	vmul.f32 v1, v10  }
0x11d: {  	v38 =	vld [tilespmem:s12+$0x3030];
	v20 =	vbroadcast v20, $0x0;
	[tilespmem:s22+$0x8060] =	vst v3;
	v3 =	vmul.f32 v2, v12  }
0x11e: {  	v39 =	vld [tilespmem:s12+$0x3040];
	[tilespmem:s22+$0x8070] =	vst v1;
	v1 =	vmul.f32 v2, v13  }
0x11f: {  	v40 =	vld [tilespmem:s12+$0x3050];
	[tilespmem:s8+$0x8000] =	vst v3;
	v3 =	vmul.f32 v2, v14  }
0x120: {  	v11 =	vld.idx.msk [tilespmem:v11+s23+$0x0], $0xffff;
	[tilespmem:s8+$0x8010] =	vst v1;
	v1 =	vmul.f32 v2, v15  }
0x121: {  	v41 =	vld [tilespmem:s12+$0x3060];
	[tilespmem:s8+$0x8020] =	vst v3;
	v3 =	vmul.f32 v2, v16  }
0x122: {  	s15 =	sor.u32 $0x4, s20;
	v42 =	vld [tilespmem:s12+$0x3070];
	[tilespmem:s8+$0x8030] =	vst v1;
	v1 =	vmul.f32 v2, v17  }
0x123: {  	v33 =	vmov s15;
	v32 =	vld.idx.msk [tilespmem:v20+s23+$0x0], $0xffff;
	s22 =	sshll.u32 s15, $0x7;
	[tilespmem:s8+$0x8040] =	vst v3;
	v3 =	vmul.f32 v2, v18  }
0x124: {  	v35 =	vand.u32 $0x74, v33;
	v44 =	vld [tilespmem:s22+$0x3000];
	[tilespmem:s8+$0x8050] =	vst v1;
	v1 =	vmul.f32 v2, v19  }
0x125: {  	v10 =	vor.u32 $0x100, v35;
	v45 =	vld [tilespmem:s22+$0x3010];
	[tilespmem:s8+$0x8060] =	vst v3;
	v3 =	vmul.f32 v11, v21  }
0x126: {  	v10 =	vbroadcast v10, $0x0;
	v46 =	vld [tilespmem:s22+$0x3020];
	[tilespmem:s8+$0x8070] =	vst v1;
	v1 =	vmul.f32 v11, v22  }
0x127: {  	v47 =	vld [tilespmem:s22+$0x3030];
	[tilespmem:s16+$0x8000] =	vst v3;
	v3 =	vmul.f32 v11, v23  }
0x128: {  	v48 =	vld [tilespmem:s22+$0x3040];
	[tilespmem:s16+$0x8010] =	vst v1;
	v1 =	vmul.f32 v11, v24  }
0x129: {  	v49 =	vld [tilespmem:s22+$0x3050];
	[tilespmem:s16+$0x8020] =	vst v3;
	v3 =	vmul.f32 v11, v26  }
0x12a: {  	v50 =	vld [tilespmem:s22+$0x3060];
	[tilespmem:s16+$0x8030] =	vst v1;
	v1 =	vmul.f32 v11, v28  }
0x12b: {  	s13 =	sor.u32 $0x5, s20;
	v51 =	vld [tilespmem:s22+$0x3070];
	[tilespmem:s16+$0x8040] =	vst v3;
	v3 =	vmul.f32 v11, v29  }
0x12c: {  	v43 =	vmov s13;
	v2 =	vld.idx.msk [tilespmem:v10+s23+$0x0], $0xffff;
	s8 =	sshll.u32 s13, $0x7;
	[tilespmem:s16+$0x8050] =	vst v1;
	v1 =	vmul.f32 v11, v31  }
0x12d: {  	v10 =	vand.u32 $0x75, v43;
	v54 =	vld [tilespmem:s8+$0x3000];
	[tilespmem:s16+$0x8060] =	vst v3;
	v3 =	vmul.f32 v32, v34  }
0x12e: {  	v10 =	vor.u32 $0x100, v10;
	v55 =	vld [tilespmem:s8+$0x3010];
	[tilespmem:s16+$0x8070] =	vst v1;
	v1 =	vmul.f32 v32, v36  }
0x12f: {  	v10 =	vbroadcast v10, $0x0;
	v56 =	vld [tilespmem:s8+$0x3020];
	[tilespmem:s12+$0x8000] =	vst v3;
	v3 =	vmul.f32 v32, v37  }
0x130: {  	v57 =	vld [tilespmem:s8+$0x3030];
	[tilespmem:s12+$0x8010] =	vst v1;
	v1 =	vmul.f32 v32, v38  }
0x131: {  	v58 =	vld [tilespmem:s8+$0x3040];
	[tilespmem:s12+$0x8020] =	vst v3;
	v3 =	vmul.f32 v32, v39  }
0x132: {  	v59 =	vld [tilespmem:s8+$0x3050];
	[tilespmem:s12+$0x8030] =	vst v1;
	v1 =	vmul.f32 v32, v40  }
0x133: {  	s15 =	sor.u32 $0x6, s20;
	v60 =	vld [tilespmem:s8+$0x3060];
	[tilespmem:s12+$0x8040] =	vst v3;
	v3 =	vmul.f32 v32, v41  }
0x134: {  	v53 =	vmov s15;
	v61 =	vld [tilespmem:s8+$0x3070];
	s16 =	sor.u32 $0x7, s20;
	[tilespmem:s12+$0x8050] =	vst v1;
	v1 =	vmul.f32 v32, v42  }
0x135: {  	v52 =	vld.idx.msk [tilespmem:v10+s23+$0x0], $0xffff;
	v10 =	vand.u32 $0x76, v53;
	v62 =	vmov s16;
	s16 =	sshll.u32 s16, $0x7;
	[tilespmem:s12+$0x8060] =	vst v3;
	v3 =	vmul.f32 v2, v44  }
0x136: {  	v10 =	vor.u32 $0x100, v10;
	v33 =	vld [tilespmem:s16+$0x3010];
	[tilespmem:s12+$0x8070] =	vst v1;
	v1 =	vmul.f32 v2, v45  }
0x137: {  	v10 =	vbroadcast v10, $0x0;
	v34 =	vld [tilespmem:s16+$0x3020];
	[tilespmem:s22+$0x8000] =	vst v3;
	v3 =	vmul.f32 v2, v46  }
0x138: {  	v35 =	vld [tilespmem:s16+$0x3030];
	[tilespmem:s22+$0x8010] =	vst v1;
	v1 =	vmul.f32 v2, v47  }
0x139: {  	v36 =	vld [tilespmem:s16+$0x3040];
	[tilespmem:s22+$0x8020] =	vst v3;
	v3 =	vmul.f32 v2, v48  }
0x13a: {  	v37 =	vld [tilespmem:s16+$0x3050];
	[tilespmem:s22+$0x8030] =	vst v1;
	v1 =	vmul.f32 v2, v49  }
0x13b: {  	v38 =	vld [tilespmem:s16+$0x3060];
	[tilespmem:s22+$0x8040] =	vst v3;
	v3 =	vmul.f32 v2, v50  }
0x13c: {  	v39 =	vld [tilespmem:s16+$0x3070];
	[tilespmem:s22+$0x8050] =	vst v1;
	v1 =	vmul.f32 v2, v51  }
0x13d: {  	v10 =	vld.idx.msk [tilespmem:v10+s23+$0x0], $0xffff;
	[tilespmem:s22+$0x8060] =	vst v3;
	v3 =	vmul.f32 v52, v54  }
0x13e: {  	v32 =	vld [tilespmem:s16+$0x3000];
	s12 =	sshll.u32 s15, $0x7;
	[tilespmem:s22+$0x8070] =	vst v1;
	v1 =	vmul.f32 v52, v55  }
0x13f: {  	v18 =	vand.u32 $0x77, v62;
	v63 =	vld [tilespmem:s12+$0x3000];
	[tilespmem:s8+$0x8000] =	vst v3;
	v3 =	vmul.f32 v52, v56  }
0x140: {  	v18 =	vor.u32 $0x100, v18;
	v24 =	vld [tilespmem:s12+$0x3010];
	[tilespmem:s8+$0x8010] =	vst v1;
	v1 =	vmul.f32 v52, v57  }
0x141: {  	v18 =	vbroadcast v18, $0x0;
	v25 =	vld [tilespmem:s12+$0x3020];
	[tilespmem:s8+$0x8020] =	vst v3;
	v3 =	vmul.f32 v52, v58  }
0x142: {  	v26 =	vld [tilespmem:s12+$0x3030];
	[tilespmem:s8+$0x8030] =	vst v1;
	v1 =	vmul.f32 v52, v59  }
0x143: {  	v27 =	vld [tilespmem:s12+$0x3040];
	s22 =	sor.u32 $0x8, s20;
	[tilespmem:s8+$0x8040] =	vst v3;
	v3 =	vmul.f32 v52, v60  }
0x144: {  	v28 =	vld [tilespmem:s12+$0x3060];
	v31 =	vmov s22;
	[tilespmem:s8+$0x8050] =	vst v1;
	v1 =	vmul.f32 v52, v61  }
0x145: {  	v2 =	vld [tilespmem:s12+$0x3050];
	v13 =	vand.u32 $0x78, v31;
	[tilespmem:s8+$0x8060] =	vst v3;
	v3 =	vmul.f32 v10, v63  }
0x146: {  	v29 =	vld [tilespmem:s12+$0x3070];
	v13 =	vor.u32 $0x100, v13;
	[tilespmem:s8+$0x8070] =	vst v1;
	v1 =	vmul.f32 v10, v24  }
0x147: {  	v30 =	vld.idx.msk [tilespmem:v18+s23+$0x0], $0xffff;
	v13 =	vbroadcast v13, $0x0;
	s8 =	sshll.u32 s22, $0x7;
	[tilespmem:s12+$0x8000] =	vst v3;
	v3 =	vmul.f32 v10, v25  }
0x148: {  	v42 =	vld [tilespmem:s8+$0x3000];
	[tilespmem:s12+$0x8010] =	vst v1;
	v1 =	vmul.f32 v10, v26  }
0x149: {  	v43 =	vld [tilespmem:s8+$0x3020];
	[tilespmem:s12+$0x8020] =	vst v3;
	v3 =	vmul.f32 v10, v27  }
0x14a: {  	v44 =	vld [tilespmem:s8+$0x3030];
	[tilespmem:s12+$0x8030] =	vst v1;
	v1 =	vmul.f32 v10, v2  }
0x14b: {  	s13 =	sor.u32 $0x9, s20;
	v45 =	vld [tilespmem:s8+$0x3040];
	[tilespmem:s12+$0x8040] =	vst v3;
	v3 =	vmul.f32 v10, v28  }
0x14c: {  	v41 =	vmov s13;
	v46 =	vld [tilespmem:s8+$0x3050];
	[tilespmem:s12+$0x8050] =	vst v1;
	v1 =	vmul.f32 v10, v29  }
0x14d: {  	v40 =	vld.idx.msk [tilespmem:v13+s23+$0x0], $0xffff;
	v13 =	vand.u32 $0x79, v41;
	[tilespmem:s12+$0x8060] =	vst v3;
	v3 =	vmul.f32 v30, v32  }
0x14e: {  	v47 =	vld [tilespmem:s8+$0x3060];
	v13 =	vor.u32 $0x100, v13;
	[tilespmem:s12+$0x8070] =	vst v1;
	v1 =	vmul.f32 v30, v33  }
0x14f: {  	v48 =	vld [tilespmem:s8+$0x3070];
	v13 =	vbroadcast v13, $0x0;
	[tilespmem:s16+$0x8000] =	vst v3;
	v3 =	vmul.f32 v30, v34  }
0x150: {  	v2 =	vld [tilespmem:s8+$0x3010];
	s12 =	sshll.u32 s13, $0x7;
	[tilespmem:s16+$0x8010] =	vst v1;
	v1 =	vmul.f32 v30, v35  }
0x151: {  	v51 =	vld [tilespmem:s12+$0x3000];
	[tilespmem:s16+$0x8020] =	vst v3;
	v3 =	vmul.f32 v30, v36  }
0x152: {  	v52 =	vld [tilespmem:s12+$0x3010];
	[tilespmem:s16+$0x8030] =	vst v1;
	v1 =	vmul.f32 v30, v37  }
0x153: {  	v53 =	vld [tilespmem:s12+$0x3020];
	[tilespmem:s16+$0x8040] =	vst v3;
	v3 =	vmul.f32 v30, v38  }
0x154: {  	v55 =	vld [tilespmem:s12+$0x3030];
	[tilespmem:s16+$0x8050] =	vst v1;
	v1 =	vmul.f32 v30, v39  }
0x155: {  	v49 =	vld.idx.msk [tilespmem:v13+s23+$0x0], $0xffff;
	[tilespmem:s16+$0x8060] =	vst v3;
	v3 =	vmul.f32 v40, v42  }
0x156: {  	s22 =	sor.u32 $0xA, s20;
	[tilespmem:s16+$0x8070] =	vst v1;
	v1 =	vmul.f32 v40, v2;
	v2 =	vld [tilespmem:s12+$0x3040]  }
0x157: {  	v50 =	vmov s22;
	v56 =	vld [tilespmem:s12+$0x3050];
	[tilespmem:s8+$0x8000] =	vst v3;
	v3 =	vmul.f32 v40, v43  }
0x158: {  	v57 =	vld [tilespmem:s12+$0x3060];
	v13 =	vand.u32 $0x7A, v50;
	[tilespmem:s8+$0x8010] =	vst v1;
	v1 =	vmul.f32 v40, v44  }
0x159: {  	v58 =	vld [tilespmem:s12+$0x3070];
	v13 =	vor.u32 $0x100, v13;
	s16 =	sshll.u32 s22, $0x7;
	[tilespmem:s8+$0x8020] =	vst v3;
	v3 =	vmul.f32 v40, v45  }
0x15a: {  	v54 =	vbroadcast v13, $0x0;
	v60 =	vld [tilespmem:s16+$0x3000];
	[tilespmem:s8+$0x8030] =	vst v1;
	v1 =	vmul.f32 v40, v46  }
0x15b: {  	v61 =	vld [tilespmem:s16+$0x3010];
	v2 =	vmul.f32 v49, v2;
	[tilespmem:s8+$0x8040] =	vst v3  }
0x15c: {  	v63 =	vld [tilespmem:s16+$0x3020];
	[tilespmem:s8+$0x8050] =	vst v1;
	v1 =	vmul.f32 v40, v48  }
0x15d: {  	s13 =	sor.u32 $0xB, s20;
	v18 =	vld [tilespmem:s16+$0x3030];
	v3 =	vmul.f32 v40, v47;
	[tilespmem:s12+$0x8040] =	vst v2  }
0x15e: {  	v59 =	vmov s13;
	v19 =	vld [tilespmem:s16+$0x3040];
	[tilespmem:s8+$0x8070] =	vst v1;
	v1 =	vmul.f32 v49, v52  }
0x15f: {  	v13 =	vand.u32 $0x7B, v59;
	v20 =	vld [tilespmem:s16+$0x3050];
	v2 =	vmul.f32 v49, v57;
	[tilespmem:s8+$0x8060] =	vst v3  }
0x160: {  	v62 =	vor.u32 $0x100, v13;
	s22 =	sor.u32 $0xC, s20;
	v12 =	vld.idx.msk [tilespmem:v54+s23+$0x0], $0xffff;
	[tilespmem:s12+$0x8010] =	vst v1;
	v1 =	vmul.f32 v49, v55  }
0x161: {  	v9 =	vbroadcast v62, $0x0;
	v21 =	vld [tilespmem:s16+$0x3070];
	s15 =	sshll.u32 s22, $0x7;
	v3 =	vmul.f32 v49, v51;
	[tilespmem:s12+$0x8060] =	vst v2  }
0x162: {  	v32 =	vld [tilespmem:s15+$0x3000];
	[tilespmem:s12+$0x8030] =	vst v1;
	v1 =	vmul.f32 v49, v56  }
0x163: {  	v33 =	vld [tilespmem:s15+$0x3010];
	[tilespmem:s12+$0x8000] =	vst v3;
	v3 =	vmul.f32 v49, v53  }
0x164: {  	v34 =	vld [tilespmem:s15+$0x3020];
	[tilespmem:s12+$0x8050] =	vst v1;
	v1 =	vmul.f32 v49, v58  }
0x165: {  	v35 =	vld [tilespmem:s15+$0x3030];
	v2 =	vmul.f32 v12, v60;
	[tilespmem:s12+$0x8020] =	vst v3  }
0x166: {  	v3 =	vld [tilespmem:s16+$0x3060];
	[tilespmem:s12+$0x8070] =	vst v1;
	v1 =	vmul.f32 v12, v61  }
0x167: {  	v22 =	vmov s22;
	v9 =	vld.idx.msk [tilespmem:v9+s23+$0x0], $0xffff;
	s8 =	sshll.u32 s13, $0x7;
	[tilespmem:s16+$0x8000] =	vst v2;
	v2 =	vmul.f32 v12, v63  }
0x168: {  	v10 =	vand.u32 $0x7C, v22;
	v23 =	vld [tilespmem:s8+$0x3000];
	[tilespmem:s16+$0x8010] =	vst v1;
	v1 =	vmul.f32 v12, v18  }
0x169: {  	v10 =	vor.u32 $0x100, v10;
	v24 =	vld [tilespmem:s8+$0x3010];
	[tilespmem:s16+$0x8020] =	vst v2;
	v2 =	vmul.f32 v12, v19  }
0x16a: {  	v10 =	vbroadcast v10, $0x0;
	v25 =	vld [tilespmem:s8+$0x3020];
	[tilespmem:s16+$0x8030] =	vst v1;
	v1 =	vmul.f32 v12, v20  }
0x16b: {  	v26 =	vld [tilespmem:s8+$0x3030];
	[tilespmem:s16+$0x8040] =	vst v2;
	v2 =	vmul.f32 v12, v3  }
0x16c: {  	v27 =	vld [tilespmem:s8+$0x3040];
	[tilespmem:s16+$0x8050] =	vst v1;
	v1 =	vmul.f32 v12, v21  }
0x16d: {  	v28 =	vld [tilespmem:s8+$0x3050];
	[tilespmem:s16+$0x8060] =	vst v2;
	v2 =	vmul.f32 v9, v23  }
0x16e: {  	v29 =	vld [tilespmem:s8+$0x3060];
	s12 =	sor.u32 $0xD, s20;
	[tilespmem:s16+$0x8070] =	vst v1;
	v1 =	vmul.f32 v9, v24  }
0x16f: {  	v3 =	vld [tilespmem:s8+$0x3070];
	v31 =	vmov s12;
	[tilespmem:s8+$0x8000] =	vst v2;
	v2 =	vmul.f32 v9, v25  }
0x170: {  	v30 =	vld.idx.msk [tilespmem:v10+s23+$0x0], $0xffff;
	v10 =	vand.u32 $0x7D, v31;
	[tilespmem:s8+$0x8010] =	vst v1;
	v1 =	vmul.f32 v9, v26  }
0x171: {  	v36 =	vld [tilespmem:s15+$0x3040];
	v10 =	vor.u32 $0x100, v10;
	[tilespmem:s8+$0x8020] =	vst v2;
	v2 =	vmul.f32 v9, v27  }
0x172: {  	s22 =	sor.u32 $0xE, s20;
	v37 =	vld [tilespmem:s15+$0x3050];
	v10 =	vbroadcast v10, $0x0;
	[tilespmem:s8+$0x8030] =	vst v1;
	v1 =	vmul.f32 v9, v28  }
0x173: {  	v38 =	vld [tilespmem:s15+$0x3060];
	v40 =	vmov s22;
	s22 =	sshll.u32 s22, $0x7;
	[tilespmem:s8+$0x8040] =	vst v2;
	v2 =	vmul.f32 v9, v29  }
0x174: {  	v50 =	vld [tilespmem:s22+$0x3000];
	[tilespmem:s8+$0x8050] =	vst v1;
	v1 =	vmul.f32 v9, v3  }
0x175: {  	v54 =	vld [tilespmem:s22+$0x3050];
	s13 =	sshll.u32 s12, $0x7;
	[tilespmem:s8+$0x8060] =	vst v2;
	v2 =	vmul.f32 v30, v32  }
0x176: {  	v41 =	vld [tilespmem:s13+$0x3000];
	[tilespmem:s8+$0x8070] =	vst v1;
	v1 =	vmul.f32 v30, v33  }
0x177: {  	[tilespmem:s15+$0x8000] =	vst v2;
	v2 =	vmul.f32 v30, v34;
	v3 =	vld [tilespmem:s15+$0x3070]  }
0x178: {  	v39 =	vld.idx.msk [tilespmem:v10+s23+$0x0], $0xffff;
	v9 =	vand.u32 $0x7E, v40;
	[tilespmem:s15+$0x8010] =	vst v1;
	v1 =	vmul.f32 v30, v35  }
0x179: {  	v42 =	vld [tilespmem:s13+$0x3010];
	v9 =	vor.u32 $0x100, v9;
	[tilespmem:s15+$0x8020] =	vst v2;
	v2 =	vmul.f32 v30, v36  }
0x17a: {  	v43 =	vld [tilespmem:s13+$0x3020];
	v9 =	vbroadcast v9, $0x0;
	[tilespmem:s15+$0x8030] =	vst v1;
	v1 =	vmul.f32 v30, v37  }
0x17b: {  	v44 =	vld [tilespmem:s13+$0x3030];
	[tilespmem:s15+$0x8040] =	vst v2;
	v2 =	vmul.f32 v30, v38  }
0x17c: {  	v45 =	vld [tilespmem:s13+$0x3040];
	[tilespmem:s15+$0x8050] =	vst v1;
	v1 =	vmul.f32 v30, v3  }
0x17d: {  	v46 =	vld [tilespmem:s13+$0x3050];
	[tilespmem:s15+$0x8060] =	vst v2;
	v2 =	vmul.f32 v39, v41  }
0x17e: {  	s16 =	sor.u32 $0xF, s20;
	v3 =	vld [tilespmem:s13+$0x3060];
	[tilespmem:s15+$0x8070] =	vst v1;
	v1 =	vmul.f32 v39, v42  }
0x17f: {  	v47 =	vld [tilespmem:s13+$0x3070];
	v49 =	vmov s16;
	[tilespmem:s13+$0x8000] =	vst v2;
	v2 =	vmul.f32 v39, v43  }
0x180: {  	v48 =	vld.idx.msk [tilespmem:v9+s23+$0x0], $0xffff;
	v9 =	vand.u32 $0x7F, v49;
	[tilespmem:s13+$0x8010] =	vst v1;
	v1 =	vmul.f32 v39, v44  }
0x181: {  	v51 =	vld [tilespmem:s22+$0x3010];
	v9 =	vor.u32 $0x100, v9;
	[tilespmem:s13+$0x8020] =	vst v2;
	v2 =	vmul.f32 v39, v45  }
0x182: {  	v52 =	vld [tilespmem:s22+$0x3020];
	v9 =	vbroadcast v9, $0x0;
	[tilespmem:s13+$0x8030] =	vst v1;
	v1 =	vmul.f32 v39, v46  }
0x183: {  	v53 =	vld [tilespmem:s22+$0x3030];
	[tilespmem:s13+$0x8040] =	vst v2;
	v2 =	vmul.f32 v39, v3  }
0x184: {  	v3 =	vld [tilespmem:s22+$0x3040];
	[tilespmem:s13+$0x8050] =	vst v1;
	v1 =	vmul.f32 v39, v47  }
0x185: {  	v55 =	vld [tilespmem:s22+$0x3060];
	[tilespmem:s13+$0x8060] =	vst v2;
	v2 =	vmul.f32 v48, v50  }
0x186: {  	v56 =	vld [tilespmem:s22+$0x3070];
	s8 =	sshll.u32 s16, $0x7;
	[tilespmem:s13+$0x8070] =	vst v1;
	v1 =	vmul.f32 v48, v51  }
0x187: {  	v58 =	vld [tilespmem:s8+$0x3000];
	[tilespmem:s22+$0x8000] =	vst v2;
	v2 =	vmul.f32 v48, v52  }
0x188: {  	v57 =	vld.idx.msk [tilespmem:v9+s23+$0x0], $0xffff;
	[tilespmem:s22+$0x8010] =	vst v1;
	v1 =	vmul.f32 v48, v53  }
0x189: {  	[tilespmem:s22+$0x8020] =	vst v2;
	v2 =	vmul.f32 v48, v3;
	v3 =	vld [tilespmem:s8+$0x3010]  }
0x18a: {  	v59 =	vld [tilespmem:s8+$0x3020];
	[tilespmem:s22+$0x8030] =	vst v1;
	v1 =	vmul.f32 v48, v54  }
0x18b: {  	v60 =	vld [tilespmem:s8+$0x3030];
	[tilespmem:s22+$0x8040] =	vst v2;
	v2 =	vmul.f32 v48, v55  }
0x18c: {  	v61 =	vld [tilespmem:s8+$0x3040];
	[tilespmem:s22+$0x8050] =	vst v1;
	v1 =	vmul.f32 v48, v56  }
0x18d: {  	v62 =	vld [tilespmem:s8+$0x3050];
	[tilespmem:s22+$0x8060] =	vst v2;
	v2 =	vmul.f32 v57, v58  }
0x18e: {  	[tilespmem:s22+$0x8070] =	vst v1;
	v1 =	vmul.f32 v57, v3;
	v3 =	vld [tilespmem:s8+$0x3060]  }
0x18f: {  	v63 =	vld [tilespmem:s8+$0x3070];
	[tilespmem:s8+$0x8000] =	vst v2;
	v2 =	vmul.f32 v57, v59  }
0x190: {  	[tilespmem:s8+$0x8010] =	vst v1;
	v1 =	vmul.f32 v57, v60  }
0x191: {  	p0 =	slt.u32 s20, $0x40;
	[tilespmem:s8+$0x8020] =	vst v2;
	v2 =	vmul.f32 v57, v61  }
.Ltmp2:
0x192: {  	[tilespmem:s8+$0x8030] =	vst v1;
	v1 =	vmul.f32 v57, v62;
	(pc) =	sbr.rel @p0 .LBB2_7-.Ltmp2, $4  }
0x193: {  	[tilespmem:s8+$0x8040] =	vst v2;
	v2 =	vmul.f32 v57, v3  }
0x194: {  	[tilespmem:s8+$0x8050] =	vst v1;
	v1 =	vmul.f32 v57, v63  }
0x195: {  	[tilespmem:s8+$0x8060] =	vst v2  }
0x196: {  	s20 =	sadd.s32 $0x10, s20;
	[tilespmem:s8+$0x8070] =	vst v1  }
0x197: {  	_ =	swait.ge [sflag:s24], $0x180  }
0x198: {  	[sflag:s24] =	ssyncset.done $0x0  }
0x199: {  	[sflag:s24] =	ssyncadd.s32 $0xFFFFFE80  }
0x19a: {  	[tilespmem:s28], [sflag:$0x2] =	stream.indirect.gather [hbm4b:s1+s25], $0x80, s7, s25, $0xb8;
	[tilespmem:$0x1E800] =	vst v63  }
0x19b: {  	s8 =	simm.s32 $0x280  }
0x19c: {  	[spmem:s3] =	stream.indirect.scatter.add.f32 [tilespmem:s11], [sflag:$0x4], $0x80, s8, s25, $0xb8;
	[tilespmem:$0x1E800] =	vst v63  }
0x19d: {  	_ =	swait.ge [sflag:s29], $0x2800  }
0x19e: {  	[sflag:s29] =	ssyncset.done $0x0  }
0x19f: {  	s22 =	sadd.s32 s19, s9;
	[sflag:s29] =	ssyncadd.s32 $0xFFFFD800  }
0x1a0: {  	s8 =	sshll.u32 s22, $0x6;
	_ =	swait.ge [sflag:s2], $0x2800  }
0x1a1: {  	s8 =	sand.u32 $0x1FFFFFC0, s8;
	[sflag:s2] =	ssyncset.done $0x0  }
0x1a2: {  	s20 =	simm.s32 $0x0;
	s8 =	sadd.s32 s6, s8;
	[sflag:s2] =	ssyncadd.s32 $0xFFFFD800  }
0x1a3: {  	[tilespmem:s20], [sflag:$0x5] =	stream.linear.gather [hbm4b:s8+s20], $0x180, $0x38;
	[tilespmem:$0x1E800] =	vst v63  }
.LBB2_9:
0x1a4: {  	s22 =	sshll.u32 s20, $0x7  }
0x1a5: {  	v3 =	vld [tilespmem:s22+$0x800]  }
0x1a6: {  	v4 =	vld [tilespmem:s22+$0x810]  }
0x1a7: {  	v5 =	vld [tilespmem:s22+$0x820]  }
0x1a8: {  	v6 =	vld [tilespmem:s22+$0x830]  }
0x1a9: {  	v7 =	vld [tilespmem:s22+$0x840]  }
0x1aa: {  	v8 =	vld [tilespmem:s22+$0x850]  }
0x1ab: {  	s8 =	sor.u32 $0x1, s20;
	v9 =	vld [tilespmem:s22+$0x860]  }
0x1ac: {  	v1 =	vmov s20;
	v2 =	vmov s8;
	v10 =	vld [tilespmem:s22+$0x870];
	s8 =	sshll.u32 s8, $0x7  }
0x1ad: {  	v1 =	vand.u32 $0x70, v1;
	v12 =	vld [tilespmem:s8+$0x800]  }
0x1ae: {  	v1 =	vor.u32 $0x100, v1;
	v13 =	vld [tilespmem:s8+$0x810]  }
0x1af: {  	v14 =	vld [tilespmem:s8+$0x820];
	v1 =	vbroadcast v1, $0x0  }
0x1b0: {  	v15 =	vld [tilespmem:s8+$0x830]  }
0x1b1: {  	v16 =	vld [tilespmem:s8+$0x840]  }
0x1b2: {  	v17 =	vld [tilespmem:s8+$0x850]  }
0x1b3: {  	v18 =	vld [tilespmem:s8+$0x860]  }
0x1b4: {  	s12 =	sor.u32 $0x2, s20;
	v19 =	vld [tilespmem:s8+$0x870]  }
0x1b5: {  	s16 =	sshll.u32 s12, $0x7;
	v2 =	vand.u32 $0x71, v2;
	v1 =	vld.idx.msk [tilespmem:v1+s31+$0x0], $0xffff  }
0x1b6: {  	v21 =	vld [tilespmem:s16+$0x800];
	v2 =	vor.u32 $0x100, v2  }
0x1b7: {  	v22 =	vld [tilespmem:s16+$0x810];
	v2 =	vbroadcast v2, $0x0  }
0x1b8: {  	v23 =	vld [tilespmem:s16+$0x820]  }
0x1b9: {  	v24 =	vld [tilespmem:s16+$0x830]  }
0x1ba: {  	v26 =	vld [tilespmem:s16+$0x840];
	v3 =	vmul.f32 v1, v3  }
0x1bb: {  	v28 =	vld [tilespmem:s16+$0x850];
	v4 =	vmul.f32 v1, v4  }
0x1bc: {  	v11 =	vmov s12;
	v29 =	vld [tilespmem:s16+$0x860];
	[tilespmem:s22+$0x5800] =	vst v3;
	v3 =	vmul.f32 v1, v5  }
0x1bd: {  	s13 =	sor.u32 $0x3, s20;
	v11 =	vand.u32 $0x72, v11;
	v2 =	vld.idx.msk [tilespmem:v2+s31+$0x0], $0xffff;
	v27 =	vmul.f32 v1, v6;
	[tilespmem:s22+$0x5810] =	vst v4  }
0x1be: {  	s12 =	sshll.u32 s13, $0x7;
	v31 =	vld [tilespmem:s16+$0x870];
	v11 =	vor.u32 $0x100, v11;
	[tilespmem:s22+$0x5820] =	vst v3;
	v3 =	vmul.f32 v1, v7  }
0x1bf: {  	v20 =	vmov s13;
	v34 =	vld [tilespmem:s12+$0x800];
	v11 =	vbroadcast v11, $0x0;
	v30 =	vmul.f32 v1, v8;
	[tilespmem:s22+$0x5830] =	vst v27  }
0x1c0: {  	v20 =	vand.u32 $0x73, v20;
	v36 =	vld [tilespmem:s12+$0x810];
	[tilespmem:s22+$0x5840] =	vst v3;
	v3 =	vmul.f32 v1, v9  }
0x1c1: {  	v37 =	vld [tilespmem:s12+$0x820];
	v20 =	vor.u32 $0x100, v20;
	[tilespmem:s22+$0x5850] =	vst v30;
	v1 =	vmul.f32 v1, v10  }
0x1c2: {  	v38 =	vld [tilespmem:s12+$0x830];
	v20 =	vbroadcast v20, $0x0;
	[tilespmem:s22+$0x5860] =	vst v3;
	v3 =	vmul.f32 v2, v12  }
0x1c3: {  	v39 =	vld [tilespmem:s12+$0x840];
	[tilespmem:s22+$0x5870] =	vst v1;
	v1 =	vmul.f32 v2, v13  }
0x1c4: {  	v40 =	vld [tilespmem:s12+$0x850];
	[tilespmem:s8+$0x5800] =	vst v3;
	v3 =	vmul.f32 v2, v14  }
0x1c5: {  	v11 =	vld.idx.msk [tilespmem:v11+s31+$0x0], $0xffff;
	[tilespmem:s8+$0x5810] =	vst v1;
	v1 =	vmul.f32 v2, v15  }
0x1c6: {  	v41 =	vld [tilespmem:s12+$0x860];
	[tilespmem:s8+$0x5820] =	vst v3;
	v3 =	vmul.f32 v2, v16  }
0x1c7: {  	s15 =	sor.u32 $0x4, s20;
	v42 =	vld [tilespmem:s12+$0x870];
	[tilespmem:s8+$0x5830] =	vst v1;
	v1 =	vmul.f32 v2, v17  }
0x1c8: {  	v33 =	vmov s15;
	v32 =	vld.idx.msk [tilespmem:v20+s31+$0x0], $0xffff;
	s22 =	sshll.u32 s15, $0x7;
	[tilespmem:s8+$0x5840] =	vst v3;
	v3 =	vmul.f32 v2, v18  }
0x1c9: {  	v35 =	vand.u32 $0x74, v33;
	v44 =	vld [tilespmem:s22+$0x800];
	[tilespmem:s8+$0x5850] =	vst v1;
	v1 =	vmul.f32 v2, v19  }
0x1ca: {  	v10 =	vor.u32 $0x100, v35;
	v45 =	vld [tilespmem:s22+$0x810];
	[tilespmem:s8+$0x5860] =	vst v3;
	v3 =	vmul.f32 v11, v21  }
0x1cb: {  	v10 =	vbroadcast v10, $0x0;
	v46 =	vld [tilespmem:s22+$0x820];
	[tilespmem:s8+$0x5870] =	vst v1;
	v1 =	vmul.f32 v11, v22  }
0x1cc: {  	v47 =	vld [tilespmem:s22+$0x830];
	[tilespmem:s16+$0x5800] =	vst v3;
	v3 =	vmul.f32 v11, v23  }
0x1cd: {  	v48 =	vld [tilespmem:s22+$0x840];
	[tilespmem:s16+$0x5810] =	vst v1;
	v1 =	vmul.f32 v11, v24  }
0x1ce: {  	v49 =	vld [tilespmem:s22+$0x850];
	[tilespmem:s16+$0x5820] =	vst v3;
	v3 =	vmul.f32 v11, v26  }
0x1cf: {  	v50 =	vld [tilespmem:s22+$0x860];
	[tilespmem:s16+$0x5830] =	vst v1;
	v1 =	vmul.f32 v11, v28  }
0x1d0: {  	s13 =	sor.u32 $0x5, s20;
	v51 =	vld [tilespmem:s22+$0x870];
	[tilespmem:s16+$0x5840] =	vst v3;
	v3 =	vmul.f32 v11, v29  }
0x1d1: {  	v43 =	vmov s13;
	v2 =	vld.idx.msk [tilespmem:v10+s31+$0x0], $0xffff;
	s8 =	sshll.u32 s13, $0x7;
	[tilespmem:s16+$0x5850] =	vst v1;
	v1 =	vmul.f32 v11, v31  }
0x1d2: {  	v10 =	vand.u32 $0x75, v43;
	v54 =	vld [tilespmem:s8+$0x800];
	[tilespmem:s16+$0x5860] =	vst v3;
	v3 =	vmul.f32 v32, v34  }
0x1d3: {  	v10 =	vor.u32 $0x100, v10;
	v55 =	vld [tilespmem:s8+$0x810];
	[tilespmem:s16+$0x5870] =	vst v1;
	v1 =	vmul.f32 v32, v36  }
0x1d4: {  	v10 =	vbroadcast v10, $0x0;
	v56 =	vld [tilespmem:s8+$0x820];
	[tilespmem:s12+$0x5800] =	vst v3;
	v3 =	vmul.f32 v32, v37  }
0x1d5: {  	v57 =	vld [tilespmem:s8+$0x830];
	[tilespmem:s12+$0x5810] =	vst v1;
	v1 =	vmul.f32 v32, v38  }
0x1d6: {  	v58 =	vld [tilespmem:s8+$0x840];
	[tilespmem:s12+$0x5820] =	vst v3;
	v3 =	vmul.f32 v32, v39  }
0x1d7: {  	v59 =	vld [tilespmem:s8+$0x850];
	[tilespmem:s12+$0x5830] =	vst v1;
	v1 =	vmul.f32 v32, v40  }
0x1d8: {  	s15 =	sor.u32 $0x6, s20;
	v60 =	vld [tilespmem:s8+$0x860];
	[tilespmem:s12+$0x5840] =	vst v3;
	v3 =	vmul.f32 v32, v41  }
0x1d9: {  	v53 =	vmov s15;
	v61 =	vld [tilespmem:s8+$0x870];
	s16 =	sor.u32 $0x7, s20;
	[tilespmem:s12+$0x5850] =	vst v1;
	v1 =	vmul.f32 v32, v42  }
0x1da: {  	v52 =	vld.idx.msk [tilespmem:v10+s31+$0x0], $0xffff;
	v10 =	vand.u32 $0x76, v53;
	v62 =	vmov s16;
	s16 =	sshll.u32 s16, $0x7;
	[tilespmem:s12+$0x5860] =	vst v3;
	v3 =	vmul.f32 v2, v44  }
0x1db: {  	v10 =	vor.u32 $0x100, v10;
	v33 =	vld [tilespmem:s16+$0x810];
	[tilespmem:s12+$0x5870] =	vst v1;
	v1 =	vmul.f32 v2, v45  }
0x1dc: {  	v10 =	vbroadcast v10, $0x0;
	v34 =	vld [tilespmem:s16+$0x820];
	[tilespmem:s22+$0x5800] =	vst v3;
	v3 =	vmul.f32 v2, v46  }
0x1dd: {  	v35 =	vld [tilespmem:s16+$0x830];
	[tilespmem:s22+$0x5810] =	vst v1;
	v1 =	vmul.f32 v2, v47  }
0x1de: {  	v36 =	vld [tilespmem:s16+$0x840];
	[tilespmem:s22+$0x5820] =	vst v3;
	v3 =	vmul.f32 v2, v48  }
0x1df: {  	v37 =	vld [tilespmem:s16+$0x850];
	[tilespmem:s22+$0x5830] =	vst v1;
	v1 =	vmul.f32 v2, v49  }
0x1e0: {  	v38 =	vld [tilespmem:s16+$0x860];
	[tilespmem:s22+$0x5840] =	vst v3;
	v3 =	vmul.f32 v2, v50  }
0x1e1: {  	v39 =	vld [tilespmem:s16+$0x870];
	[tilespmem:s22+$0x5850] =	vst v1;
	v1 =	vmul.f32 v2, v51  }
0x1e2: {  	v10 =	vld.idx.msk [tilespmem:v10+s31+$0x0], $0xffff;
	[tilespmem:s22+$0x5860] =	vst v3;
	v3 =	vmul.f32 v52, v54  }
0x1e3: {  	v32 =	vld [tilespmem:s16+$0x800];
	s12 =	sshll.u32 s15, $0x7;
	[tilespmem:s22+$0x5870] =	vst v1;
	v1 =	vmul.f32 v52, v55  }
0x1e4: {  	v18 =	vand.u32 $0x77, v62;
	v63 =	vld [tilespmem:s12+$0x800];
	[tilespmem:s8+$0x5800] =	vst v3;
	v3 =	vmul.f32 v52, v56  }
0x1e5: {  	v18 =	vor.u32 $0x100, v18;
	v24 =	vld [tilespmem:s12+$0x810];
	[tilespmem:s8+$0x5810] =	vst v1;
	v1 =	vmul.f32 v52, v57  }
0x1e6: {  	v18 =	vbroadcast v18, $0x0;
	v25 =	vld [tilespmem:s12+$0x820];
	[tilespmem:s8+$0x5820] =	vst v3;
	v3 =	vmul.f32 v52, v58  }
0x1e7: {  	v26 =	vld [tilespmem:s12+$0x830];
	[tilespmem:s8+$0x5830] =	vst v1;
	v1 =	vmul.f32 v52, v59  }
0x1e8: {  	v27 =	vld [tilespmem:s12+$0x840];
	s22 =	sor.u32 $0x8, s20;
	[tilespmem:s8+$0x5840] =	vst v3;
	v3 =	vmul.f32 v52, v60  }
0x1e9: {  	v28 =	vld [tilespmem:s12+$0x860];
	v31 =	vmov s22;
	[tilespmem:s8+$0x5850] =	vst v1;
	v1 =	vmul.f32 v52, v61  }
0x1ea: {  	v2 =	vld [tilespmem:s12+$0x850];
	v13 =	vand.u32 $0x78, v31;
	[tilespmem:s8+$0x5860] =	vst v3;
	v3 =	vmul.f32 v10, v63  }
0x1eb: {  	v29 =	vld [tilespmem:s12+$0x870];
	v13 =	vor.u32 $0x100, v13;
	[tilespmem:s8+$0x5870] =	vst v1;
	v1 =	vmul.f32 v10, v24  }
0x1ec: {  	v30 =	vld.idx.msk [tilespmem:v18+s31+$0x0], $0xffff;
	v13 =	vbroadcast v13, $0x0;
	s8 =	sshll.u32 s22, $0x7;
	[tilespmem:s12+$0x5800] =	vst v3;
	v3 =	vmul.f32 v10, v25  }
0x1ed: {  	v42 =	vld [tilespmem:s8+$0x800];
	[tilespmem:s12+$0x5810] =	vst v1;
	v1 =	vmul.f32 v10, v26  }
0x1ee: {  	v43 =	vld [tilespmem:s8+$0x820];
	[tilespmem:s12+$0x5820] =	vst v3;
	v3 =	vmul.f32 v10, v27  }
0x1ef: {  	v44 =	vld [tilespmem:s8+$0x830];
	[tilespmem:s12+$0x5830] =	vst v1;
	v1 =	vmul.f32 v10, v2  }
0x1f0: {  	s13 =	sor.u32 $0x9, s20;
	v45 =	vld [tilespmem:s8+$0x840];
	[tilespmem:s12+$0x5840] =	vst v3;
	v3 =	vmul.f32 v10, v28  }
0x1f1: {  	v41 =	vmov s13;
	v46 =	vld [tilespmem:s8+$0x850];
	[tilespmem:s12+$0x5850] =	vst v1;
	v1 =	vmul.f32 v10, v29  }
0x1f2: {  	v40 =	vld.idx.msk [tilespmem:v13+s31+$0x0], $0xffff;
	v13 =	vand.u32 $0x79, v41;
	[tilespmem:s12+$0x5860] =	vst v3;
	v3 =	vmul.f32 v30, v32  }
0x1f3: {  	v47 =	vld [tilespmem:s8+$0x860];
	v13 =	vor.u32 $0x100, v13;
	[tilespmem:s12+$0x5870] =	vst v1;
	v1 =	vmul.f32 v30, v33  }
0x1f4: {  	v48 =	vld [tilespmem:s8+$0x870];
	v13 =	vbroadcast v13, $0x0;
	[tilespmem:s16+$0x5800] =	vst v3;
	v3 =	vmul.f32 v30, v34  }
0x1f5: {  	v2 =	vld [tilespmem:s8+$0x810];
	s12 =	sshll.u32 s13, $0x7;
	[tilespmem:s16+$0x5810] =	vst v1;
	v1 =	vmul.f32 v30, v35  }
0x1f6: {  	v51 =	vld [tilespmem:s12+$0x800];
	[tilespmem:s16+$0x5820] =	vst v3;
	v3 =	vmul.f32 v30, v36  }
0x1f7: {  	v52 =	vld [tilespmem:s12+$0x810];
	[tilespmem:s16+$0x5830] =	vst v1;
	v1 =	vmul.f32 v30, v37  }
0x1f8: {  	v53 =	vld [tilespmem:s12+$0x820];
	[tilespmem:s16+$0x5840] =	vst v3;
	v3 =	vmul.f32 v30, v38  }
0x1f9: {  	v55 =	vld [tilespmem:s12+$0x830];
	[tilespmem:s16+$0x5850] =	vst v1;
	v1 =	vmul.f32 v30, v39  }
0x1fa: {  	v49 =	vld.idx.msk [tilespmem:v13+s31+$0x0], $0xffff;
	[tilespmem:s16+$0x5860] =	vst v3;
	v3 =	vmul.f32 v40, v42  }
0x1fb: {  	s22 =	sor.u32 $0xA, s20;
	[tilespmem:s16+$0x5870] =	vst v1;
	v1 =	vmul.f32 v40, v2;
	v2 =	vld [tilespmem:s12+$0x840]  }
0x1fc: {  	v50 =	vmov s22;
	v56 =	vld [tilespmem:s12+$0x850];
	[tilespmem:s8+$0x5800] =	vst v3;
	v3 =	vmul.f32 v40, v43  }
0x1fd: {  	v57 =	vld [tilespmem:s12+$0x860];
	v13 =	vand.u32 $0x7A, v50;
	[tilespmem:s8+$0x5810] =	vst v1;
	v1 =	vmul.f32 v40, v44  }
0x1fe: {  	v58 =	vld [tilespmem:s12+$0x870];
	v13 =	vor.u32 $0x100, v13;
	s16 =	sshll.u32 s22, $0x7;
	[tilespmem:s8+$0x5820] =	vst v3;
	v3 =	vmul.f32 v40, v45  }
0x1ff: {  	v54 =	vbroadcast v13, $0x0;
	v60 =	vld [tilespmem:s16+$0x800];
	[tilespmem:s8+$0x5830] =	vst v1;
	v1 =	vmul.f32 v40, v46  }
0x200: {  	v61 =	vld [tilespmem:s16+$0x810];
	v2 =	vmul.f32 v49, v2;
	[tilespmem:s8+$0x5840] =	vst v3  }
0x201: {  	v63 =	vld [tilespmem:s16+$0x820];
	[tilespmem:s8+$0x5850] =	vst v1;
	v1 =	vmul.f32 v40, v48  }
0x202: {  	s13 =	sor.u32 $0xB, s20;
	v18 =	vld [tilespmem:s16+$0x830];
	v3 =	vmul.f32 v40, v47;
	[tilespmem:s12+$0x5840] =	vst v2  }
0x203: {  	v59 =	vmov s13;
	v19 =	vld [tilespmem:s16+$0x840];
	[tilespmem:s8+$0x5870] =	vst v1;
	v1 =	vmul.f32 v49, v52  }
0x204: {  	v13 =	vand.u32 $0x7B, v59;
	v20 =	vld [tilespmem:s16+$0x850];
	v2 =	vmul.f32 v49, v57;
	[tilespmem:s8+$0x5860] =	vst v3  }
0x205: {  	v62 =	vor.u32 $0x100, v13;
	s22 =	sor.u32 $0xC, s20;
	v12 =	vld.idx.msk [tilespmem:v54+s31+$0x0], $0xffff;
	[tilespmem:s12+$0x5810] =	vst v1;
	v1 =	vmul.f32 v49, v55  }
0x206: {  	v9 =	vbroadcast v62, $0x0;
	v21 =	vld [tilespmem:s16+$0x870];
	s15 =	sshll.u32 s22, $0x7;
	v3 =	vmul.f32 v49, v51;
	[tilespmem:s12+$0x5860] =	vst v2  }
0x207: {  	v32 =	vld [tilespmem:s15+$0x800];
	[tilespmem:s12+$0x5830] =	vst v1;
	v1 =	vmul.f32 v49, v56  }
0x208: {  	v33 =	vld [tilespmem:s15+$0x810];
	[tilespmem:s12+$0x5800] =	vst v3;
	v3 =	vmul.f32 v49, v53  }
0x209: {  	v34 =	vld [tilespmem:s15+$0x820];
	[tilespmem:s12+$0x5850] =	vst v1;
	v1 =	vmul.f32 v49, v58  }
0x20a: {  	v35 =	vld [tilespmem:s15+$0x830];
	v2 =	vmul.f32 v12, v60;
	[tilespmem:s12+$0x5820] =	vst v3  }
0x20b: {  	v3 =	vld [tilespmem:s16+$0x860];
	[tilespmem:s12+$0x5870] =	vst v1;
	v1 =	vmul.f32 v12, v61  }
0x20c: {  	v22 =	vmov s22;
	v9 =	vld.idx.msk [tilespmem:v9+s31+$0x0], $0xffff;
	s8 =	sshll.u32 s13, $0x7;
	[tilespmem:s16+$0x5800] =	vst v2;
	v2 =	vmul.f32 v12, v63  }
0x20d: {  	v10 =	vand.u32 $0x7C, v22;
	v23 =	vld [tilespmem:s8+$0x800];
	[tilespmem:s16+$0x5810] =	vst v1;
	v1 =	vmul.f32 v12, v18  }
0x20e: {  	v10 =	vor.u32 $0x100, v10;
	v24 =	vld [tilespmem:s8+$0x810];
	[tilespmem:s16+$0x5820] =	vst v2;
	v2 =	vmul.f32 v12, v19  }
0x20f: {  	v10 =	vbroadcast v10, $0x0;
	v25 =	vld [tilespmem:s8+$0x820];
	[tilespmem:s16+$0x5830] =	vst v1;
	v1 =	vmul.f32 v12, v20  }
0x210: {  	v26 =	vld [tilespmem:s8+$0x830];
	[tilespmem:s16+$0x5840] =	vst v2;
	v2 =	vmul.f32 v12, v3  }
0x211: {  	v27 =	vld [tilespmem:s8+$0x840];
	[tilespmem:s16+$0x5850] =	vst v1;
	v1 =	vmul.f32 v12, v21  }
0x212: {  	v28 =	vld [tilespmem:s8+$0x850];
	[tilespmem:s16+$0x5860] =	vst v2;
	v2 =	vmul.f32 v9, v23  }
0x213: {  	v29 =	vld [tilespmem:s8+$0x860];
	s12 =	sor.u32 $0xD, s20;
	[tilespmem:s16+$0x5870] =	vst v1;
	v1 =	vmul.f32 v9, v24  }
0x214: {  	v3 =	vld [tilespmem:s8+$0x870];
	v31 =	vmov s12;
	[tilespmem:s8+$0x5800] =	vst v2;
	v2 =	vmul.f32 v9, v25  }
0x215: {  	v30 =	vld.idx.msk [tilespmem:v10+s31+$0x0], $0xffff;
	v10 =	vand.u32 $0x7D, v31;
	[tilespmem:s8+$0x5810] =	vst v1;
	v1 =	vmul.f32 v9, v26  }
0x216: {  	v36 =	vld [tilespmem:s15+$0x840];
	v10 =	vor.u32 $0x100, v10;
	[tilespmem:s8+$0x5820] =	vst v2;
	v2 =	vmul.f32 v9, v27  }
0x217: {  	s22 =	sor.u32 $0xE, s20;
	v37 =	vld [tilespmem:s15+$0x850];
	v10 =	vbroadcast v10, $0x0;
	[tilespmem:s8+$0x5830] =	vst v1;
	v1 =	vmul.f32 v9, v28  }
0x218: {  	v38 =	vld [tilespmem:s15+$0x860];
	v40 =	vmov s22;
	s22 =	sshll.u32 s22, $0x7;
	[tilespmem:s8+$0x5840] =	vst v2;
	v2 =	vmul.f32 v9, v29  }
0x219: {  	v50 =	vld [tilespmem:s22+$0x800];
	[tilespmem:s8+$0x5850] =	vst v1;
	v1 =	vmul.f32 v9, v3  }
0x21a: {  	v54 =	vld [tilespmem:s22+$0x850];
	s13 =	sshll.u32 s12, $0x7;
	[tilespmem:s8+$0x5860] =	vst v2;
	v2 =	vmul.f32 v30, v32  }
0x21b: {  	v41 =	vld [tilespmem:s13+$0x800];
	[tilespmem:s8+$0x5870] =	vst v1;
	v1 =	vmul.f32 v30, v33  }
0x21c: {  	[tilespmem:s15+$0x5800] =	vst v2;
	v2 =	vmul.f32 v30, v34;
	v3 =	vld [tilespmem:s15+$0x870]  }
0x21d: {  	v39 =	vld.idx.msk [tilespmem:v10+s31+$0x0], $0xffff;
	v9 =	vand.u32 $0x7E, v40;
	[tilespmem:s15+$0x5810] =	vst v1;
	v1 =	vmul.f32 v30, v35  }
0x21e: {  	v42 =	vld [tilespmem:s13+$0x810];
	v9 =	vor.u32 $0x100, v9;
	[tilespmem:s15+$0x5820] =	vst v2;
	v2 =	vmul.f32 v30, v36  }
0x21f: {  	v43 =	vld [tilespmem:s13+$0x820];
	v9 =	vbroadcast v9, $0x0;
	[tilespmem:s15+$0x5830] =	vst v1;
	v1 =	vmul.f32 v30, v37  }
0x220: {  	v44 =	vld [tilespmem:s13+$0x830];
	[tilespmem:s15+$0x5840] =	vst v2;
	v2 =	vmul.f32 v30, v38  }
0x221: {  	v45 =	vld [tilespmem:s13+$0x840];
	[tilespmem:s15+$0x5850] =	vst v1;
	v1 =	vmul.f32 v30, v3  }
0x222: {  	v46 =	vld [tilespmem:s13+$0x850];
	[tilespmem:s15+$0x5860] =	vst v2;
	v2 =	vmul.f32 v39, v41  }
0x223: {  	s16 =	sor.u32 $0xF, s20;
	v3 =	vld [tilespmem:s13+$0x860];
	[tilespmem:s15+$0x5870] =	vst v1;
	v1 =	vmul.f32 v39, v42  }
0x224: {  	v47 =	vld [tilespmem:s13+$0x870];
	v49 =	vmov s16;
	[tilespmem:s13+$0x5800] =	vst v2;
	v2 =	vmul.f32 v39, v43  }
0x225: {  	v48 =	vld.idx.msk [tilespmem:v9+s31+$0x0], $0xffff;
	v9 =	vand.u32 $0x7F, v49;
	[tilespmem:s13+$0x5810] =	vst v1;
	v1 =	vmul.f32 v39, v44  }
0x226: {  	v51 =	vld [tilespmem:s22+$0x810];
	v9 =	vor.u32 $0x100, v9;
	[tilespmem:s13+$0x5820] =	vst v2;
	v2 =	vmul.f32 v39, v45  }
0x227: {  	v52 =	vld [tilespmem:s22+$0x820];
	v9 =	vbroadcast v9, $0x0;
	[tilespmem:s13+$0x5830] =	vst v1;
	v1 =	vmul.f32 v39, v46  }
0x228: {  	v53 =	vld [tilespmem:s22+$0x830];
	[tilespmem:s13+$0x5840] =	vst v2;
	v2 =	vmul.f32 v39, v3  }
0x229: {  	v3 =	vld [tilespmem:s22+$0x840];
	[tilespmem:s13+$0x5850] =	vst v1;
	v1 =	vmul.f32 v39, v47  }
0x22a: {  	v55 =	vld [tilespmem:s22+$0x860];
	[tilespmem:s13+$0x5860] =	vst v2;
	v2 =	vmul.f32 v48, v50  }
0x22b: {  	v56 =	vld [tilespmem:s22+$0x870];
	s8 =	sshll.u32 s16, $0x7;
	[tilespmem:s13+$0x5870] =	vst v1;
	v1 =	vmul.f32 v48, v51  }
0x22c: {  	v58 =	vld [tilespmem:s8+$0x800];
	[tilespmem:s22+$0x5800] =	vst v2;
	v2 =	vmul.f32 v48, v52  }
0x22d: {  	v57 =	vld.idx.msk [tilespmem:v9+s31+$0x0], $0xffff;
	[tilespmem:s22+$0x5810] =	vst v1;
	v1 =	vmul.f32 v48, v53  }
0x22e: {  	[tilespmem:s22+$0x5820] =	vst v2;
	v2 =	vmul.f32 v48, v3;
	v3 =	vld [tilespmem:s8+$0x810]  }
0x22f: {  	v59 =	vld [tilespmem:s8+$0x820];
	[tilespmem:s22+$0x5830] =	vst v1;
	v1 =	vmul.f32 v48, v54  }
0x230: {  	v60 =	vld [tilespmem:s8+$0x830];
	[tilespmem:s22+$0x5840] =	vst v2;
	v2 =	vmul.f32 v48, v55  }
0x231: {  	v61 =	vld [tilespmem:s8+$0x840];
	[tilespmem:s22+$0x5850] =	vst v1;
	v1 =	vmul.f32 v48, v56  }
0x232: {  	v62 =	vld [tilespmem:s8+$0x850];
	[tilespmem:s22+$0x5860] =	vst v2;
	v2 =	vmul.f32 v57, v58  }
0x233: {  	[tilespmem:s22+$0x5870] =	vst v1;
	v1 =	vmul.f32 v57, v3;
	v3 =	vld [tilespmem:s8+$0x860]  }
0x234: {  	v63 =	vld [tilespmem:s8+$0x870];
	[tilespmem:s8+$0x5800] =	vst v2;
	v2 =	vmul.f32 v57, v59  }
0x235: {  	[tilespmem:s8+$0x5810] =	vst v1;
	v1 =	vmul.f32 v57, v60  }
0x236: {  	p0 =	slt.u32 s20, $0x40;
	[tilespmem:s8+$0x5820] =	vst v2;
	v2 =	vmul.f32 v57, v61  }
.Ltmp3:
0x237: {  	[tilespmem:s8+$0x5830] =	vst v1;
	v1 =	vmul.f32 v57, v62;
	(pc) =	sbr.rel @p0 .LBB2_9-.Ltmp3, $4  }
0x238: {  	[tilespmem:s8+$0x5840] =	vst v2;
	v2 =	vmul.f32 v57, v3  }
0x239: {  	[tilespmem:s8+$0x5850] =	vst v1;
	v1 =	vmul.f32 v57, v63  }
0x23a: {  	[tilespmem:s8+$0x5860] =	vst v2  }
0x23b: {  	s20 =	sadd.s32 $0x10, s20;
	[tilespmem:s8+$0x5870] =	vst v1  }
0x23c: {  	_ =	swait.ge [sflag:s24], $0x180  }
0x23d: {  	[sflag:s24] =	ssyncset.done $0x0  }
0x23e: {  	[sflag:s24] =	ssyncadd.s32 $0xFFFFFE80  }
0x23f: {  	[tilespmem:s26], [sflag:$0x1] =	stream.indirect.gather [hbm4b:s1+s25], $0x80, s4, s25, $0xb8;
	[tilespmem:$0x1E800] =	vst v63  }
0x240: {  	s8 =	simm.s32 $0x480  }
0x241: {  	[spmem:s3] =	stream.indirect.scatter.add.f32 [tilespmem:s21], [sflag:$0x3], $0x80, s8, s25, $0xb8;
	[tilespmem:$0x1E800] =	vst v63  }
0x242: {  	_ =	swait.ge [sflag:s30], $0x2800  }
0x243: {  	p0 =	seq.s32 s18, $0x1E;
	[sflag:s30] =	ssyncset.done $0x0  }
0x244: {  	s8 =	sadd.s32 @!p0 s19, s10;
	[sflag:s30] =	ssyncadd.s32 $0xFFFFD800  }
0x245: {  	s12 =	simm.s32 @!p0 $0x0;
	s8 =	sshll.u32 @!p0 s8, $0x6;
	_ =	swait.ge [sflag:s14], $0x2800  }
0x246: {  	s13 =	simm.s32 @!p0 $0x200;
	s8 =	sand.u32 @!p0 $0x1FFFFFC0, s8;
	[sflag:s14] =	ssyncset.done $0x0  }
0x247: {  	s19 =	simm.s32 $0x0;
	s8 =	sadd.s32 @!p0 s6, s8;
	[sflag:s14] =	ssyncadd.s32 $0xFFFFD800  }
0x248: {  	[tilespmem:s13], [sflag:$0x5] =	stream.linear.gather @!p0 [hbm4b:s8+s12], $0x180, $0x38;
	[tilespmem:$0x1E800] =	vst v63  }
.LBB2_11:
0x249: {  	s20 =	sshll.u32 s19, $0x7  }
0x24a: {  	v3 =	vld [tilespmem:s20+$0x3000]  }
0x24b: {  	v4 =	vld [tilespmem:s20+$0x3010]  }
0x24c: {  	v5 =	vld [tilespmem:s20+$0x3020]  }
0x24d: {  	v6 =	vld [tilespmem:s20+$0x3030]  }
0x24e: {  	v7 =	vld [tilespmem:s20+$0x3040]  }
0x24f: {  	v8 =	vld [tilespmem:s20+$0x3050]  }
0x250: {  	s8 =	sor.u32 $0x1, s19;
	v9 =	vld [tilespmem:s20+$0x3060]  }
0x251: {  	v1 =	vmov s19;
	v2 =	vmov s8;
	v10 =	vld [tilespmem:s20+$0x3070];
	s8 =	sshll.u32 s8, $0x7  }
0x252: {  	v1 =	vand.u32 $0x70, v1;
	v12 =	vld [tilespmem:s8+$0x3000]  }
0x253: {  	v1 =	vor.u32 $0x100, v1;
	v13 =	vld [tilespmem:s8+$0x3010]  }
0x254: {  	v14 =	vld [tilespmem:s8+$0x3020];
	v1 =	vbroadcast v1, $0x0  }
0x255: {  	v15 =	vld [tilespmem:s8+$0x3030]  }
0x256: {  	v16 =	vld [tilespmem:s8+$0x3040]  }
0x257: {  	v17 =	vld [tilespmem:s8+$0x3050]  }
0x258: {  	v18 =	vld [tilespmem:s8+$0x3060]  }
0x259: {  	s12 =	sor.u32 $0x2, s19;
	v19 =	vld [tilespmem:s8+$0x3070]  }
0x25a: {  	s16 =	sshll.u32 s12, $0x7;
	v2 =	vand.u32 $0x71, v2;
	v1 =	vld.idx.msk [tilespmem:v1+s7+$0x0], $0xffff  }
0x25b: {  	v21 =	vld [tilespmem:s16+$0x3000];
	v2 =	vor.u32 $0x100, v2  }
0x25c: {  	v22 =	vld [tilespmem:s16+$0x3010];
	v2 =	vbroadcast v2, $0x0  }
0x25d: {  	v23 =	vld [tilespmem:s16+$0x3020]  }
0x25e: {  	v24 =	vld [tilespmem:s16+$0x3030]  }
0x25f: {  	v26 =	vld [tilespmem:s16+$0x3040];
	v3 =	vmul.f32 v1, v3  }
0x260: {  	v28 =	vld [tilespmem:s16+$0x3050];
	v4 =	vmul.f32 v1, v4  }
0x261: {  	v11 =	vmov s12;
	v29 =	vld [tilespmem:s16+$0x3060];
	[tilespmem:s20+$0x8000] =	vst v3;
	v3 =	vmul.f32 v1, v5  }
0x262: {  	s13 =	sor.u32 $0x3, s19;
	v11 =	vand.u32 $0x72, v11;
	v2 =	vld.idx.msk [tilespmem:v2+s7+$0x0], $0xffff;
	v27 =	vmul.f32 v1, v6;
	[tilespmem:s20+$0x8010] =	vst v4  }
0x263: {  	s12 =	sshll.u32 s13, $0x7;
	v31 =	vld [tilespmem:s16+$0x3070];
	v11 =	vor.u32 $0x100, v11;
	[tilespmem:s20+$0x8020] =	vst v3;
	v3 =	vmul.f32 v1, v7  }
0x264: {  	v34 =	vld [tilespmem:s12+$0x3000];
	v11 =	vbroadcast v11, $0x0;
	v30 =	vmul.f32 v1, v8;
	[tilespmem:s20+$0x8030] =	vst v27  }
0x265: {  	v36 =	vld [tilespmem:s12+$0x3010];
	[tilespmem:s20+$0x8040] =	vst v3;
	v3 =	vmul.f32 v1, v9  }
0x266: {  	v37 =	vld [tilespmem:s12+$0x3020];
	[tilespmem:s20+$0x8050] =	vst v30;
	v1 =	vmul.f32 v1, v10  }
0x267: {  	v38 =	vld [tilespmem:s12+$0x3030];
	[tilespmem:s20+$0x8060] =	vst v3;
	v3 =	vmul.f32 v2, v12  }
0x268: {  	v39 =	vld [tilespmem:s12+$0x3040];
	[tilespmem:s20+$0x8070] =	vst v1;
	v1 =	vmul.f32 v2, v13  }
0x269: {  	v20 =	vmov s13;
	v40 =	vld [tilespmem:s12+$0x3050];
	[tilespmem:s8+$0x8000] =	vst v3;
	v3 =	vmul.f32 v2, v14  }
0x26a: {  	v20 =	vand.u32 $0x73, v20;
	v11 =	vld.idx.msk [tilespmem:v11+s7+$0x0], $0xffff;
	[tilespmem:s8+$0x8010] =	vst v1;
	v1 =	vmul.f32 v2, v15  }
0x26b: {  	s22 =	sor.u32 $0x5, s19;
	v41 =	vld [tilespmem:s12+$0x3060];
	v20 =	vor.u32 $0x100, v20;
	[tilespmem:s8+$0x8020] =	vst v3;
	v3 =	vmul.f32 v2, v16  }
0x26c: {  	v43 =	vmov s22;
	s22 =	sshll.u32 s22, $0x7;
	v42 =	vld [tilespmem:s12+$0x3070];
	v20 =	vbroadcast v20, $0x0;
	[tilespmem:s8+$0x8030] =	vst v1;
	v1 =	vmul.f32 v2, v17  }
0x26d: {  	s15 =	sor.u32 $0x4, s19;
	v54 =	vld [tilespmem:s22+$0x3000];
	[tilespmem:s8+$0x8040] =	vst v3;
	v3 =	vmul.f32 v2, v18  }
0x26e: {  	v33 =	vmov s15;
	v55 =	vld [tilespmem:s22+$0x3010];
	[tilespmem:s8+$0x8050] =	vst v1;
	v1 =	vmul.f32 v2, v19  }
0x26f: {  	v35 =	vand.u32 $0x74, v33;
	v56 =	vld [tilespmem:s22+$0x3020];
	[tilespmem:s8+$0x8060] =	vst v3;
	v3 =	vmul.f32 v11, v21  }
0x270: {  	v57 =	vld [tilespmem:s22+$0x3030];
	v10 =	vor.u32 $0x100, v35;
	[tilespmem:s8+$0x8070] =	vst v1;
	v1 =	vmul.f32 v11, v22  }
0x271: {  	v58 =	vld [tilespmem:s22+$0x3040];
	v10 =	vbroadcast v10, $0x0;
	[tilespmem:s16+$0x8000] =	vst v3;
	v3 =	vmul.f32 v11, v23  }
0x272: {  	v32 =	vld.idx.msk [tilespmem:v20+s7+$0x0], $0xffff;
	[tilespmem:s16+$0x8010] =	vst v1;
	v1 =	vmul.f32 v11, v24  }
0x273: {  	v59 =	vld [tilespmem:s22+$0x3050];
	[tilespmem:s16+$0x8020] =	vst v3;
	v3 =	vmul.f32 v11, v26  }
0x274: {  	v60 =	vld [tilespmem:s22+$0x3060];
	[tilespmem:s16+$0x8030] =	vst v1;
	v1 =	vmul.f32 v11, v28  }
0x275: {  	v61 =	vld [tilespmem:s22+$0x3070];
	s20 =	sshll.u32 s15, $0x7;
	[tilespmem:s16+$0x8040] =	vst v3;
	v3 =	vmul.f32 v11, v29  }
0x276: {  	v44 =	vld [tilespmem:s20+$0x3000];
	[tilespmem:s16+$0x8050] =	vst v1;
	v1 =	vmul.f32 v11, v31  }
0x277: {  	v2 =	vld.idx.msk [tilespmem:v10+s7+$0x0], $0xffff;
	v10 =	vand.u32 $0x75, v43;
	[tilespmem:s16+$0x8060] =	vst v3;
	v3 =	vmul.f32 v32, v34  }
0x278: {  	v45 =	vld [tilespmem:s20+$0x3010];
	v10 =	vor.u32 $0x100, v10;
	[tilespmem:s16+$0x8070] =	vst v1;
	v1 =	vmul.f32 v32, v36  }
0x279: {  	v46 =	vld [tilespmem:s20+$0x3020];
	v10 =	vbroadcast v10, $0x0;
	[tilespmem:s12+$0x8000] =	vst v3;
	v3 =	vmul.f32 v32, v37  }
0x27a: {  	v47 =	vld [tilespmem:s20+$0x3030];
	[tilespmem:s12+$0x8010] =	vst v1;
	v1 =	vmul.f32 v32, v38  }
0x27b: {  	v48 =	vld [tilespmem:s20+$0x3040];
	[tilespmem:s12+$0x8020] =	vst v3;
	v3 =	vmul.f32 v32, v39  }
0x27c: {  	v49 =	vld [tilespmem:s20+$0x3050];
	[tilespmem:s12+$0x8030] =	vst v1;
	v1 =	vmul.f32 v32, v40  }
0x27d: {  	v50 =	vld [tilespmem:s20+$0x3060];
	s8 =	sor.u32 $0x6, s19;
	[tilespmem:s12+$0x8040] =	vst v3;
	v3 =	vmul.f32 v32, v41  }
0x27e: {  	v51 =	vld [tilespmem:s20+$0x3070];
	v53 =	vmov s8;
	s16 =	sor.u32 $0x7, s19;
	[tilespmem:s12+$0x8050] =	vst v1;
	v1 =	vmul.f32 v32, v42  }
0x27f: {  	v52 =	vld.idx.msk [tilespmem:v10+s7+$0x0], $0xffff;
	v10 =	vand.u32 $0x76, v53;
	v62 =	vmov s16;
	s16 =	sshll.u32 s16, $0x7;
	[tilespmem:s12+$0x8060] =	vst v3;
	v3 =	vmul.f32 v2, v44  }
0x280: {  	v10 =	vor.u32 $0x100, v10;
	v33 =	vld [tilespmem:s16+$0x3010];
	[tilespmem:s12+$0x8070] =	vst v1;
	v1 =	vmul.f32 v2, v45  }
0x281: {  	v10 =	vbroadcast v10, $0x0;
	v34 =	vld [tilespmem:s16+$0x3020];
	[tilespmem:s20+$0x8000] =	vst v3;
	v3 =	vmul.f32 v2, v46  }
0x282: {  	v35 =	vld [tilespmem:s16+$0x3030];
	[tilespmem:s20+$0x8010] =	vst v1;
	v1 =	vmul.f32 v2, v47  }
0x283: {  	v36 =	vld [tilespmem:s16+$0x3040];
	[tilespmem:s20+$0x8020] =	vst v3;
	v3 =	vmul.f32 v2, v48  }
0x284: {  	v37 =	vld [tilespmem:s16+$0x3050];
	[tilespmem:s20+$0x8030] =	vst v1;
	v1 =	vmul.f32 v2, v49  }
0x285: {  	v38 =	vld [tilespmem:s16+$0x3060];
	[tilespmem:s20+$0x8040] =	vst v3;
	v3 =	vmul.f32 v2, v50  }
0x286: {  	v39 =	vld [tilespmem:s16+$0x3070];
	[tilespmem:s20+$0x8050] =	vst v1;
	v1 =	vmul.f32 v2, v51  }
0x287: {  	v10 =	vld.idx.msk [tilespmem:v10+s7+$0x0], $0xffff;
	[tilespmem:s20+$0x8060] =	vst v3;
	v3 =	vmul.f32 v52, v54  }
0x288: {  	v32 =	vld [tilespmem:s16+$0x3000];
	s12 =	sshll.u32 s8, $0x7;
	[tilespmem:s20+$0x8070] =	vst v1;
	v1 =	vmul.f32 v52, v55  }
0x289: {  	v18 =	vand.u32 $0x77, v62;
	v63 =	vld [tilespmem:s12+$0x3000];
	[tilespmem:s22+$0x8000] =	vst v3;
	v3 =	vmul.f32 v52, v56  }
0x28a: {  	v18 =	vor.u32 $0x100, v18;
	v24 =	vld [tilespmem:s12+$0x3010];
	[tilespmem:s22+$0x8010] =	vst v1;
	v1 =	vmul.f32 v52, v57  }
0x28b: {  	v18 =	vbroadcast v18, $0x0;
	v25 =	vld [tilespmem:s12+$0x3020];
	[tilespmem:s22+$0x8020] =	vst v3;
	v3 =	vmul.f32 v52, v58  }
0x28c: {  	v26 =	vld [tilespmem:s12+$0x3030];
	[tilespmem:s22+$0x8030] =	vst v1;
	v1 =	vmul.f32 v52, v59  }
0x28d: {  	v27 =	vld [tilespmem:s12+$0x3040];
	s20 =	sor.u32 $0x8, s19;
	[tilespmem:s22+$0x8040] =	vst v3;
	v3 =	vmul.f32 v52, v60  }
0x28e: {  	v28 =	vld [tilespmem:s12+$0x3060];
	v31 =	vmov s20;
	[tilespmem:s22+$0x8050] =	vst v1;
	v1 =	vmul.f32 v52, v61  }
0x28f: {  	v2 =	vld [tilespmem:s12+$0x3050];
	v13 =	vand.u32 $0x78, v31;
	[tilespmem:s22+$0x8060] =	vst v3;
	v3 =	vmul.f32 v10, v63  }
0x290: {  	v29 =	vld [tilespmem:s12+$0x3070];
	v13 =	vor.u32 $0x100, v13;
	[tilespmem:s22+$0x8070] =	vst v1;
	v1 =	vmul.f32 v10, v24  }
0x291: {  	v30 =	vld.idx.msk [tilespmem:v18+s7+$0x0], $0xffff;
	s8 =	sshll.u32 s20, $0x7;
	v13 =	vbroadcast v13, $0x0;
	[tilespmem:s12+$0x8000] =	vst v3;
	v3 =	vmul.f32 v10, v25  }
0x292: {  	v42 =	vld [tilespmem:s8+$0x3000];
	[tilespmem:s12+$0x8010] =	vst v1;
	v1 =	vmul.f32 v10, v26  }
0x293: {  	v43 =	vld [tilespmem:s8+$0x3020];
	[tilespmem:s12+$0x8020] =	vst v3;
	v3 =	vmul.f32 v10, v27  }
0x294: {  	v44 =	vld [tilespmem:s8+$0x3030];
	[tilespmem:s12+$0x8030] =	vst v1;
	v1 =	vmul.f32 v10, v2  }
0x295: {  	v45 =	vld [tilespmem:s8+$0x3040];
	s22 =	sor.u32 $0x9, s19;
	[tilespmem:s12+$0x8040] =	vst v3;
	v3 =	vmul.f32 v10, v28  }
0x296: {  	v46 =	vld [tilespmem:s8+$0x3050];
	v41 =	vmov s22;
	[tilespmem:s12+$0x8050] =	vst v1;
	v1 =	vmul.f32 v10, v29  }
0x297: {  	v40 =	vld.idx.msk [tilespmem:v13+s7+$0x0], $0xffff;
	v13 =	vand.u32 $0x79, v41;
	[tilespmem:s12+$0x8060] =	vst v3;
	v3 =	vmul.f32 v30, v32  }
0x298: {  	v47 =	vld [tilespmem:s8+$0x3060];
	v13 =	vor.u32 $0x100, v13;
	[tilespmem:s12+$0x8070] =	vst v1;
	v1 =	vmul.f32 v30, v33  }
0x299: {  	v48 =	vld [tilespmem:s8+$0x3070];
	v13 =	vbroadcast v13, $0x0;
	[tilespmem:s16+$0x8000] =	vst v3;
	v3 =	vmul.f32 v30, v34  }
0x29a: {  	v2 =	vld [tilespmem:s8+$0x3010];
	s12 =	sshll.u32 s22, $0x7;
	[tilespmem:s16+$0x8010] =	vst v1;
	v1 =	vmul.f32 v30, v35  }
0x29b: {  	v51 =	vld [tilespmem:s12+$0x3000];
	[tilespmem:s16+$0x8020] =	vst v3;
	v3 =	vmul.f32 v30, v36  }
0x29c: {  	v52 =	vld [tilespmem:s12+$0x3010];
	[tilespmem:s16+$0x8030] =	vst v1;
	v1 =	vmul.f32 v30, v37  }
0x29d: {  	v53 =	vld [tilespmem:s12+$0x3020];
	[tilespmem:s16+$0x8040] =	vst v3;
	v3 =	vmul.f32 v30, v38  }
0x29e: {  	v55 =	vld [tilespmem:s12+$0x3030];
	[tilespmem:s16+$0x8050] =	vst v1;
	v1 =	vmul.f32 v30, v39  }
0x29f: {  	v49 =	vld.idx.msk [tilespmem:v13+s7+$0x0], $0xffff;
	[tilespmem:s16+$0x8060] =	vst v3;
	v3 =	vmul.f32 v40, v42  }
0x2a0: {  	s20 =	sor.u32 $0xA, s19;
	[tilespmem:s16+$0x8070] =	vst v1;
	v1 =	vmul.f32 v40, v2;
	v2 =	vld [tilespmem:s12+$0x3040]  }
0x2a1: {  	v50 =	vmov s20;
	v56 =	vld [tilespmem:s12+$0x3050];
	[tilespmem:s8+$0x8000] =	vst v3;
	v3 =	vmul.f32 v40, v43  }
0x2a2: {  	s22 =	sor.u32 $0xB, s19;
	v57 =	vld [tilespmem:s12+$0x3060];
	v13 =	vand.u32 $0x7A, v50;
	[tilespmem:s8+$0x8010] =	vst v1;
	v1 =	vmul.f32 v40, v44  }
0x2a3: {  	v58 =	vld [tilespmem:s12+$0x3070];
	v59 =	vmov s22;
	s22 =	sshll.u32 s22, $0x7;
	v13 =	vor.u32 $0x100, v13;
	[tilespmem:s8+$0x8020] =	vst v3;
	v3 =	vmul.f32 v40, v45  }
0x2a4: {  	v23 =	vld [tilespmem:s22+$0x3000];
	v54 =	vbroadcast v13, $0x0;
	[tilespmem:s8+$0x8030] =	vst v1;
	v1 =	vmul.f32 v40, v46  }
0x2a5: {  	v24 =	vld [tilespmem:s22+$0x3010];
	v2 =	vmul.f32 v49, v2;
	[tilespmem:s8+$0x8040] =	vst v3  }
0x2a6: {  	v25 =	vld [tilespmem:s22+$0x3020];
	[tilespmem:s8+$0x8050] =	vst v1;
	v1 =	vmul.f32 v40, v48  }
0x2a7: {  	v26 =	vld [tilespmem:s22+$0x3030];
	v3 =	vmul.f32 v40, v47;
	[tilespmem:s12+$0x8040] =	vst v2  }
0x2a8: {  	v27 =	vld [tilespmem:s22+$0x3040];
	s16 =	sshll.u32 s20, $0x7;
	[tilespmem:s8+$0x8070] =	vst v1;
	v1 =	vmul.f32 v49, v52  }
0x2a9: {  	v60 =	vld [tilespmem:s16+$0x3000];
	v2 =	vmul.f32 v49, v57;
	[tilespmem:s8+$0x8060] =	vst v3  }
0x2aa: {  	v13 =	vand.u32 $0x7B, v59;
	v12 =	vld.idx.msk [tilespmem:v54+s7+$0x0], $0xffff;
	[tilespmem:s12+$0x8010] =	vst v1;
	v1 =	vmul.f32 v49, v55  }
0x2ab: {  	v62 =	vor.u32 $0x100, v13;
	v61 =	vld [tilespmem:s16+$0x3010];
	v3 =	vmul.f32 v49, v51;
	[tilespmem:s12+$0x8060] =	vst v2  }
0x2ac: {  	v9 =	vbroadcast v62, $0x0;
	v63 =	vld [tilespmem:s16+$0x3020];
	[tilespmem:s12+$0x8030] =	vst v1;
	v1 =	vmul.f32 v49, v56  }
0x2ad: {  	v18 =	vld [tilespmem:s16+$0x3030];
	[tilespmem:s12+$0x8000] =	vst v3;
	v3 =	vmul.f32 v49, v53  }
0x2ae: {  	v19 =	vld [tilespmem:s16+$0x3040];
	[tilespmem:s12+$0x8050] =	vst v1;
	v1 =	vmul.f32 v49, v58  }
0x2af: {  	v20 =	vld [tilespmem:s16+$0x3050];
	v2 =	vmul.f32 v12, v60;
	[tilespmem:s12+$0x8020] =	vst v3  }
0x2b0: {  	s20 =	sor.u32 $0xC, s19;
	v3 =	vld [tilespmem:s16+$0x3060];
	[tilespmem:s12+$0x8070] =	vst v1;
	v1 =	vmul.f32 v12, v61  }
0x2b1: {  	v21 =	vld [tilespmem:s16+$0x3070];
	v22 =	vmov s20;
	[tilespmem:s16+$0x8000] =	vst v2;
	v2 =	vmul.f32 v12, v63  }
0x2b2: {  	v10 =	vand.u32 $0x7C, v22;
	v9 =	vld.idx.msk [tilespmem:v9+s7+$0x0], $0xffff;
	[tilespmem:s16+$0x8010] =	vst v1;
	v1 =	vmul.f32 v12, v18  }
0x2b3: {  	v28 =	vld [tilespmem:s22+$0x3050];
	v10 =	vor.u32 $0x100, v10;
	[tilespmem:s16+$0x8020] =	vst v2;
	v2 =	vmul.f32 v12, v19  }
0x2b4: {  	v29 =	vld [tilespmem:s22+$0x3060];
	s15 =	sshll.u32 s20, $0x7;
	v10 =	vbroadcast v10, $0x0;
	[tilespmem:s16+$0x8030] =	vst v1;
	v1 =	vmul.f32 v12, v20  }
0x2b5: {  	v32 =	vld [tilespmem:s15+$0x3000];
	[tilespmem:s16+$0x8040] =	vst v2;
	v2 =	vmul.f32 v12, v3  }
0x2b6: {  	v33 =	vld [tilespmem:s15+$0x3010];
	[tilespmem:s16+$0x8050] =	vst v1;
	v1 =	vmul.f32 v12, v21  }
0x2b7: {  	v34 =	vld [tilespmem:s15+$0x3020];
	[tilespmem:s16+$0x8060] =	vst v2;
	v2 =	vmul.f32 v9, v23  }
0x2b8: {  	v35 =	vld [tilespmem:s15+$0x3030];
	s12 =	sor.u32 $0xD, s19;
	[tilespmem:s16+$0x8070] =	vst v1;
	v1 =	vmul.f32 v9, v24  }
0x2b9: {  	v3 =	vld [tilespmem:s22+$0x3070];
	v31 =	vmov s12;
	[tilespmem:s22+$0x8000] =	vst v2;
	v2 =	vmul.f32 v9, v25  }
0x2ba: {  	v30 =	vld.idx.msk [tilespmem:v10+s7+$0x0], $0xffff;
	v10 =	vand.u32 $0x7D, v31;
	[tilespmem:s22+$0x8010] =	vst v1;
	v1 =	vmul.f32 v9, v26  }
0x2bb: {  	v36 =	vld [tilespmem:s15+$0x3040];
	v10 =	vor.u32 $0x100, v10;
	[tilespmem:s22+$0x8020] =	vst v2;
	v2 =	vmul.f32 v9, v27  }
0x2bc: {  	s20 =	sor.u32 $0xF, s19;
	v37 =	vld [tilespmem:s15+$0x3050];
	v10 =	vbroadcast v10, $0x0;
	[tilespmem:s22+$0x8030] =	vst v1;
	v1 =	vmul.f32 v9, v28  }
0x2bd: {  	v38 =	vld [tilespmem:s15+$0x3060];
	s8 =	sshll.u32 s20, $0x7;
	[tilespmem:s22+$0x8040] =	vst v2;
	v2 =	vmul.f32 v9, v29  }
0x2be: {  	v58 =	vld [tilespmem:s8+$0x3000];
	s13 =	sshll.u32 s12, $0x7;
	[tilespmem:s22+$0x8050] =	vst v1;
	v1 =	vmul.f32 v9, v3  }
0x2bf: {  	v41 =	vld [tilespmem:s13+$0x3000];
	[tilespmem:s22+$0x8060] =	vst v2;
	v2 =	vmul.f32 v30, v32  }
0x2c0: {  	v42 =	vld [tilespmem:s13+$0x3010];
	s16 =	sor.u32 $0xE, s19;
	[tilespmem:s22+$0x8070] =	vst v1;
	v1 =	vmul.f32 v30, v33  }
0x2c1: {  	v40 =	vmov s16;
	[tilespmem:s15+$0x8000] =	vst v2;
	v2 =	vmul.f32 v30, v34;
	v3 =	vld [tilespmem:s15+$0x3070]  }
0x2c2: {  	v39 =	vld.idx.msk [tilespmem:v10+s7+$0x0], $0xffff;
	v9 =	vand.u32 $0x7E, v40;
	[tilespmem:s15+$0x8010] =	vst v1;
	v1 =	vmul.f32 v30, v35  }
0x2c3: {  	v43 =	vld [tilespmem:s13+$0x3020];
	v9 =	vor.u32 $0x100, v9;
	[tilespmem:s15+$0x8020] =	vst v2;
	v2 =	vmul.f32 v30, v36  }
0x2c4: {  	v44 =	vld [tilespmem:s13+$0x3030];
	v9 =	vbroadcast v9, $0x0;
	[tilespmem:s15+$0x8030] =	vst v1;
	v1 =	vmul.f32 v30, v37  }
0x2c5: {  	v45 =	vld [tilespmem:s13+$0x3040];
	[tilespmem:s15+$0x8040] =	vst v2;
	v2 =	vmul.f32 v30, v38  }
0x2c6: {  	v46 =	vld [tilespmem:s13+$0x3050];
	[tilespmem:s15+$0x8050] =	vst v1;
	v1 =	vmul.f32 v30, v3  }
0x2c7: {  	v47 =	vld [tilespmem:s13+$0x3070];
	[tilespmem:s15+$0x8060] =	vst v2;
	v2 =	vmul.f32 v39, v41  }
0x2c8: {  	s22 =	sshll.u32 s16, $0x7;
	v3 =	vld [tilespmem:s13+$0x3060];
	[tilespmem:s15+$0x8070] =	vst v1;
	v1 =	vmul.f32 v39, v42  }
0x2c9: {  	v49 =	vmov s20;
	v50 =	vld [tilespmem:s22+$0x3000];
	[tilespmem:s13+$0x8000] =	vst v2;
	v2 =	vmul.f32 v39, v43  }
0x2ca: {  	v48 =	vld.idx.msk [tilespmem:v9+s7+$0x0], $0xffff;
	v9 =	vand.u32 $0x7F, v49;
	[tilespmem:s13+$0x8010] =	vst v1;
	v1 =	vmul.f32 v39, v44  }
0x2cb: {  	v51 =	vld [tilespmem:s22+$0x3010];
	v9 =	vor.u32 $0x100, v9;
	[tilespmem:s13+$0x8020] =	vst v2;
	v2 =	vmul.f32 v39, v45  }
0x2cc: {  	v52 =	vld [tilespmem:s22+$0x3020];
	v9 =	vbroadcast v9, $0x0;
	[tilespmem:s13+$0x8030] =	vst v1;
	v1 =	vmul.f32 v39, v46  }
0x2cd: {  	v53 =	vld [tilespmem:s22+$0x3030];
	[tilespmem:s13+$0x8040] =	vst v2;
	v2 =	vmul.f32 v39, v3  }
0x2ce: {  	v3 =	vld [tilespmem:s22+$0x3040];
	[tilespmem:s13+$0x8050] =	vst v1;
	v1 =	vmul.f32 v39, v47  }
0x2cf: {  	v54 =	vld [tilespmem:s22+$0x3050];
	[tilespmem:s13+$0x8060] =	vst v2;
	v2 =	vmul.f32 v48, v50  }
0x2d0: {  	v55 =	vld [tilespmem:s22+$0x3060];
	[tilespmem:s13+$0x8070] =	vst v1;
	v1 =	vmul.f32 v48, v51  }
0x2d1: {  	v56 =	vld [tilespmem:s22+$0x3070];
	[tilespmem:s22+$0x8000] =	vst v2;
	v2 =	vmul.f32 v48, v52  }
0x2d2: {  	v57 =	vld.idx.msk [tilespmem:v9+s7+$0x0], $0xffff;
	[tilespmem:s22+$0x8010] =	vst v1;
	v1 =	vmul.f32 v48, v53  }
0x2d3: {  	[tilespmem:s22+$0x8020] =	vst v2;
	v2 =	vmul.f32 v48, v3;
	v3 =	vld [tilespmem:s8+$0x3010]  }
0x2d4: {  	v59 =	vld [tilespmem:s8+$0x3020];
	[tilespmem:s22+$0x8030] =	vst v1;
	v1 =	vmul.f32 v48, v54  }
0x2d5: {  	v60 =	vld [tilespmem:s8+$0x3030];
	[tilespmem:s22+$0x8040] =	vst v2;
	v2 =	vmul.f32 v48, v55  }
0x2d6: {  	v61 =	vld [tilespmem:s8+$0x3040];
	[tilespmem:s22+$0x8050] =	vst v1;
	v1 =	vmul.f32 v48, v56  }
0x2d7: {  	v62 =	vld [tilespmem:s8+$0x3050];
	[tilespmem:s22+$0x8060] =	vst v2;
	v2 =	vmul.f32 v57, v58  }
0x2d8: {  	[tilespmem:s22+$0x8070] =	vst v1;
	v1 =	vmul.f32 v57, v3;
	v3 =	vld [tilespmem:s8+$0x3060]  }
0x2d9: {  	v63 =	vld [tilespmem:s8+$0x3070];
	[tilespmem:s8+$0x8000] =	vst v2;
	v2 =	vmul.f32 v57, v59  }
0x2da: {  	[tilespmem:s8+$0x8010] =	vst v1;
	v1 =	vmul.f32 v57, v60  }
0x2db: {  	p1 =	slt.u32 s19, $0x40;
	[tilespmem:s8+$0x8020] =	vst v2;
	v2 =	vmul.f32 v57, v61  }
.Ltmp4:
0x2dc: {  	[tilespmem:s8+$0x8030] =	vst v1;
	v1 =	vmul.f32 v57, v62;
	(pc) =	sbr.rel @p1 .LBB2_11-.Ltmp4, $4  }
0x2dd: {  	[tilespmem:s8+$0x8040] =	vst v2;
	v2 =	vmul.f32 v57, v3  }
0x2de: {  	[tilespmem:s8+$0x8050] =	vst v1;
	v1 =	vmul.f32 v57, v63  }
0x2df: {  	[tilespmem:s8+$0x8060] =	vst v2  }
0x2e0: {  	s19 =	sadd.s32 $0x10, s19;
	[tilespmem:s8+$0x8070] =	vst v1  }
.Ltmp5:
0x2e1: {  	(pc) =	sbr.rel @p0 .LBB2_14-.Ltmp5, $1  }
0x2e2: {  	_ =	sdelay $0x3  }
0x2e3: {  	_ =	swait.ge [sflag:s24], $0x180  }
.Ltmp6:
0x2e4: {  	[sflag:s24] =	ssyncset.done $0x0;
	(pc) =	sbr.rel .LBB2_4-.Ltmp6, $4  }
0x2e5: {  	[sflag:s24] =	ssyncadd.s32 $0xFFFFFE80  }
0x2e6: {  	[tilespmem:s28], [sflag:$0x2] =	stream.indirect.gather [hbm4b:s1+s25], $0x80, s23, s25, $0xb8;
	[tilespmem:$0x1E800] =	vst v63  }
0x2e7: {  	s8 =	simm.s32 $0x680;
	s18 =	sadd.s32 $0x1, s18  }
0x2e8: {  	[spmem:s3] =	stream.indirect.scatter.add.f32 [tilespmem:s11], [sflag:$0x4], $0x80, s8, s25, $0xb8;
	[tilespmem:$0x1E800] =	vst v63  }
.LBB2_14:
0x2e9: {  	s8 =	simm.s32 $0x680  }
0x2ea: {  	[spmem:s3] =	stream.indirect.scatter.add.f32 [tilespmem:s11], [sflag:$0x4], $0x80, s8, s25, $0xb8;
	[tilespmem:$0x1E800] =	vst v63  }
0x2eb: {  	_ =	swait.ge [sflag:s29], $0x2800  }
0x2ec: {  	[sflag:s29] =	ssyncset.done $0x0  }
0x2ed: {  	[sflag:s29] =	ssyncadd.s32 $0xFFFFD800  }
0x2ee: {  	_ =	swait.ge [sflag:s2], $0x2800  }
0x2ef: {  	[sflag:s2] =	ssyncset.done $0x0  }
0x2f0: {  	s17 =	simm.s32 $0x0;
	[sflag:s2] =	ssyncadd.s32 $0xFFFFD800  }
.LBB2_15:
0x2f1: {  	s18 =	sshll.u32 s17, $0x7  }
0x2f2: {  	v3 =	vld [tilespmem:s18+$0x800]  }
0x2f3: {  	v4 =	vld [tilespmem:s18+$0x810]  }
0x2f4: {  	v5 =	vld [tilespmem:s18+$0x820]  }
0x2f5: {  	v6 =	vld [tilespmem:s18+$0x830]  }
0x2f6: {  	v7 =	vld [tilespmem:s18+$0x840]  }
0x2f7: {  	v8 =	vld [tilespmem:s18+$0x850]  }
0x2f8: {  	s8 =	sor.u32 $0x1, s17;
	v9 =	vld [tilespmem:s18+$0x860]  }
0x2f9: {  	v1 =	vmov s17;
	v2 =	vmov s8;
	v10 =	vld [tilespmem:s18+$0x870];
	s8 =	sshll.u32 s8, $0x7  }
0x2fa: {  	v1 =	vand.u32 $0x70, v1;
	v12 =	vld [tilespmem:s8+$0x800]  }
0x2fb: {  	v1 =	vor.u32 $0x100, v1;
	v13 =	vld [tilespmem:s8+$0x810]  }
0x2fc: {  	v14 =	vld [tilespmem:s8+$0x820];
	v1 =	vbroadcast v1, $0x0  }
0x2fd: {  	v15 =	vld [tilespmem:s8+$0x830]  }
0x2fe: {  	v16 =	vld [tilespmem:s8+$0x840]  }
0x2ff: {  	v17 =	vld [tilespmem:s8+$0x850]  }
0x300: {  	v18 =	vld [tilespmem:s8+$0x860]  }
0x301: {  	s12 =	sor.u32 $0x2, s17;
	v19 =	vld [tilespmem:s8+$0x870]  }
0x302: {  	s16 =	sshll.u32 s12, $0x7;
	v2 =	vand.u32 $0x71, v2;
	v1 =	vld.idx.msk [tilespmem:v1+s4+$0x0], $0xffff  }
0x303: {  	v21 =	vld [tilespmem:s16+$0x800];
	v2 =	vor.u32 $0x100, v2  }
0x304: {  	v22 =	vld [tilespmem:s16+$0x810];
	v2 =	vbroadcast v2, $0x0  }
0x305: {  	v23 =	vld [tilespmem:s16+$0x820]  }
0x306: {  	v24 =	vld [tilespmem:s16+$0x830]  }
0x307: {  	v26 =	vld [tilespmem:s16+$0x840];
	v3 =	vmul.f32 v1, v3  }
0x308: {  	v28 =	vld [tilespmem:s16+$0x850];
	v4 =	vmul.f32 v1, v4  }
0x309: {  	v11 =	vmov s12;
	v29 =	vld [tilespmem:s16+$0x860];
	[tilespmem:s18+$0x5800] =	vst v3;
	v3 =	vmul.f32 v1, v5  }
0x30a: {  	s13 =	sor.u32 $0x3, s17;
	v11 =	vand.u32 $0x72, v11;
	v2 =	vld.idx.msk [tilespmem:v2+s4+$0x0], $0xffff;
	v27 =	vmul.f32 v1, v6;
	[tilespmem:s18+$0x5810] =	vst v4  }
0x30b: {  	s12 =	sshll.u32 s13, $0x7;
	v31 =	vld [tilespmem:s16+$0x870];
	v11 =	vor.u32 $0x100, v11;
	[tilespmem:s18+$0x5820] =	vst v3;
	v3 =	vmul.f32 v1, v7  }
0x30c: {  	v34 =	vld [tilespmem:s12+$0x800];
	v11 =	vbroadcast v11, $0x0;
	v30 =	vmul.f32 v1, v8;
	[tilespmem:s18+$0x5830] =	vst v27  }
0x30d: {  	v36 =	vld [tilespmem:s12+$0x810];
	[tilespmem:s18+$0x5840] =	vst v3;
	v3 =	vmul.f32 v1, v9  }
0x30e: {  	v37 =	vld [tilespmem:s12+$0x820];
	[tilespmem:s18+$0x5850] =	vst v30;
	v1 =	vmul.f32 v1, v10  }
0x30f: {  	v38 =	vld [tilespmem:s12+$0x830];
	[tilespmem:s18+$0x5860] =	vst v3;
	v3 =	vmul.f32 v2, v12  }
0x310: {  	v39 =	vld [tilespmem:s12+$0x840];
	[tilespmem:s18+$0x5870] =	vst v1;
	v1 =	vmul.f32 v2, v13  }
0x311: {  	v20 =	vmov s13;
	v40 =	vld [tilespmem:s12+$0x850];
	[tilespmem:s8+$0x5800] =	vst v3;
	v3 =	vmul.f32 v2, v14  }
0x312: {  	v20 =	vand.u32 $0x73, v20;
	v11 =	vld.idx.msk [tilespmem:v11+s4+$0x0], $0xffff;
	[tilespmem:s8+$0x5810] =	vst v1;
	v1 =	vmul.f32 v2, v15  }
0x313: {  	s22 =	sor.u32 $0x5, s17;
	v41 =	vld [tilespmem:s12+$0x860];
	v20 =	vor.u32 $0x100, v20;
	[tilespmem:s8+$0x5820] =	vst v3;
	v3 =	vmul.f32 v2, v16  }
0x314: {  	s19 =	sshll.u32 s22, $0x7;
	v42 =	vld [tilespmem:s12+$0x870];
	v20 =	vbroadcast v20, $0x0;
	[tilespmem:s8+$0x5830] =	vst v1;
	v1 =	vmul.f32 v2, v17  }
0x315: {  	v54 =	vld [tilespmem:s19+$0x800];
	[tilespmem:s8+$0x5840] =	vst v3;
	v3 =	vmul.f32 v2, v18  }
0x316: {  	s15 =	sor.u32 $0x4, s17;
	v55 =	vld [tilespmem:s19+$0x810];
	[tilespmem:s8+$0x5850] =	vst v1;
	v1 =	vmul.f32 v2, v19  }
0x317: {  	v33 =	vmov s15;
	v56 =	vld [tilespmem:s19+$0x820];
	[tilespmem:s8+$0x5860] =	vst v3;
	v3 =	vmul.f32 v11, v21  }
0x318: {  	v35 =	vand.u32 $0x74, v33;
	v57 =	vld [tilespmem:s19+$0x830];
	[tilespmem:s8+$0x5870] =	vst v1;
	v1 =	vmul.f32 v11, v22  }
0x319: {  	v58 =	vld [tilespmem:s19+$0x840];
	v10 =	vor.u32 $0x100, v35;
	[tilespmem:s16+$0x5800] =	vst v3;
	v3 =	vmul.f32 v11, v23  }
0x31a: {  	v32 =	vld.idx.msk [tilespmem:v20+s4+$0x0], $0xffff;
	v10 =	vbroadcast v10, $0x0;
	[tilespmem:s16+$0x5810] =	vst v1;
	v1 =	vmul.f32 v11, v24  }
0x31b: {  	v59 =	vld [tilespmem:s19+$0x850];
	[tilespmem:s16+$0x5820] =	vst v3;
	v3 =	vmul.f32 v11, v26  }
0x31c: {  	v60 =	vld [tilespmem:s19+$0x860];
	[tilespmem:s16+$0x5830] =	vst v1;
	v1 =	vmul.f32 v11, v28  }
0x31d: {  	v61 =	vld [tilespmem:s19+$0x870];
	s18 =	sshll.u32 s15, $0x7;
	[tilespmem:s16+$0x5840] =	vst v3;
	v3 =	vmul.f32 v11, v29  }
0x31e: {  	v44 =	vld [tilespmem:s18+$0x800];
	[tilespmem:s16+$0x5850] =	vst v1;
	v1 =	vmul.f32 v11, v31  }
0x31f: {  	v43 =	vmov s22;
	v45 =	vld [tilespmem:s18+$0x810];
	[tilespmem:s16+$0x5860] =	vst v3;
	v3 =	vmul.f32 v32, v34  }
0x320: {  	v2 =	vld.idx.msk [tilespmem:v10+s4+$0x0], $0xffff;
	v10 =	vand.u32 $0x75, v43;
	[tilespmem:s16+$0x5870] =	vst v1;
	v1 =	vmul.f32 v32, v36  }
0x321: {  	v46 =	vld [tilespmem:s18+$0x820];
	v10 =	vor.u32 $0x100, v10;
	[tilespmem:s12+$0x5800] =	vst v3;
	v3 =	vmul.f32 v32, v37  }
0x322: {  	v47 =	vld [tilespmem:s18+$0x830];
	v10 =	vbroadcast v10, $0x0;
	[tilespmem:s12+$0x5810] =	vst v1;
	v1 =	vmul.f32 v32, v38  }
0x323: {  	s20 =	sor.u32 $0x7, s17;
	v48 =	vld [tilespmem:s18+$0x840];
	[tilespmem:s12+$0x5820] =	vst v3;
	v3 =	vmul.f32 v32, v39  }
0x324: {  	v62 =	vmov s20;
	v49 =	vld [tilespmem:s18+$0x850];
	[tilespmem:s12+$0x5830] =	vst v1;
	v1 =	vmul.f32 v32, v40  }
0x325: {  	v50 =	vld [tilespmem:s18+$0x860];
	v18 =	vand.u32 $0x77, v62;
	s8 =	sor.u32 $0x6, s17;
	[tilespmem:s12+$0x5840] =	vst v3;
	v3 =	vmul.f32 v32, v41  }
0x326: {  	v51 =	vld [tilespmem:s18+$0x870];
	v18 =	vor.u32 $0x100, v18;
	s22 =	sshll.u32 s8, $0x7;
	[tilespmem:s12+$0x5850] =	vst v1;
	v1 =	vmul.f32 v32, v42  }
0x327: {  	v18 =	vbroadcast v18, $0x0;
	v53 =	vmov s8;
	v63 =	vld [tilespmem:s22+$0x800];
	s16 =	sor.u32 $0x8, s17;
	[tilespmem:s12+$0x5860] =	vst v3;
	v3 =	vmul.f32 v2, v44  }
0x328: {  	v52 =	vld.idx.msk [tilespmem:v10+s4+$0x0], $0xffff;
	v10 =	vand.u32 $0x76, v53;
	v31 =	vmov s16;
	[tilespmem:s12+$0x5870] =	vst v1;
	v1 =	vmul.f32 v2, v45  }
0x329: {  	v24 =	vld [tilespmem:s22+$0x810];
	v10 =	vor.u32 $0x100, v10;
	v13 =	vand.u32 $0x78, v31;
	[tilespmem:s18+$0x5800] =	vst v3;
	v3 =	vmul.f32 v2, v46  }
0x32a: {  	v25 =	vld [tilespmem:s22+$0x820];
	v10 =	vbroadcast v10, $0x0;
	v13 =	vor.u32 $0x100, v13;
	[tilespmem:s18+$0x5810] =	vst v1;
	v1 =	vmul.f32 v2, v47  }
0x32b: {  	v27 =	vld [tilespmem:s22+$0x840];
	v13 =	vbroadcast v13, $0x0;
	[tilespmem:s18+$0x5820] =	vst v3;
	v3 =	vmul.f32 v2, v48  }
0x32c: {  	v26 =	vld [tilespmem:s22+$0x830];
	[tilespmem:s18+$0x5830] =	vst v1;
	v1 =	vmul.f32 v2, v49  }
0x32d: {  	v28 =	vld [tilespmem:s22+$0x860];
	[tilespmem:s18+$0x5840] =	vst v3;
	v3 =	vmul.f32 v2, v50  }
0x32e: {  	v29 =	vld [tilespmem:s22+$0x870];
	[tilespmem:s18+$0x5850] =	vst v1;
	v1 =	vmul.f32 v2, v51  }
0x32f: {  	v30 =	vld.idx.msk [tilespmem:v18+s4+$0x0], $0xffff;
	[tilespmem:s18+$0x5860] =	vst v3;
	v3 =	vmul.f32 v52, v54  }
0x330: {  	v10 =	vld.idx.msk [tilespmem:v10+s4+$0x0], $0xffff;
	[tilespmem:s18+$0x5870] =	vst v1;
	v1 =	vmul.f32 v52, v55  }
0x331: {  	v40 =	vld.idx.msk [tilespmem:v13+s4+$0x0], $0xffff;
	[tilespmem:s19+$0x5800] =	vst v3;
	v3 =	vmul.f32 v52, v56  }
0x332: {  	v2 =	vld [tilespmem:s22+$0x850];
	s18 =	sshll.u32 s20, $0x7;
	[tilespmem:s19+$0x5810] =	vst v1;
	v1 =	vmul.f32 v52, v57  }
0x333: {  	v32 =	vld [tilespmem:s18+$0x800];
	[tilespmem:s19+$0x5820] =	vst v3;
	v3 =	vmul.f32 v52, v58  }
0x334: {  	v33 =	vld [tilespmem:s18+$0x810];
	[tilespmem:s19+$0x5830] =	vst v1;
	v1 =	vmul.f32 v52, v59  }
0x335: {  	v34 =	vld [tilespmem:s18+$0x820];
	[tilespmem:s19+$0x5840] =	vst v3;
	v3 =	vmul.f32 v52, v60  }
0x336: {  	v35 =	vld [tilespmem:s18+$0x830];
	[tilespmem:s19+$0x5850] =	vst v1;
	v1 =	vmul.f32 v52, v61  }
0x337: {  	v36 =	vld [tilespmem:s18+$0x840];
	[tilespmem:s19+$0x5860] =	vst v3;
	v3 =	vmul.f32 v10, v63  }
0x338: {  	v37 =	vld [tilespmem:s18+$0x850];
	[tilespmem:s19+$0x5870] =	vst v1;
	v1 =	vmul.f32 v10, v24  }
0x339: {  	v38 =	vld [tilespmem:s18+$0x860];
	[tilespmem:s22+$0x5800] =	vst v3;
	v3 =	vmul.f32 v10, v25  }
0x33a: {  	s20 =	sshll.u32 s16, $0x7;
	v39 =	vld [tilespmem:s18+$0x870];
	[tilespmem:s22+$0x5810] =	vst v1;
	v1 =	vmul.f32 v10, v26  }
0x33b: {  	v42 =	vld [tilespmem:s20+$0x800];
	[tilespmem:s22+$0x5820] =	vst v3;
	v3 =	vmul.f32 v10, v27  }
0x33c: {  	v43 =	vld [tilespmem:s20+$0x820];
	[tilespmem:s22+$0x5830] =	vst v1;
	v1 =	vmul.f32 v10, v2  }
0x33d: {  	v44 =	vld [tilespmem:s20+$0x830];
	s19 =	sor.u32 $0x9, s17;
	[tilespmem:s22+$0x5840] =	vst v3;
	v3 =	vmul.f32 v10, v28  }
0x33e: {  	v45 =	vld [tilespmem:s20+$0x840];
	v41 =	vmov s19;
	[tilespmem:s22+$0x5850] =	vst v1;
	v1 =	vmul.f32 v10, v29  }
0x33f: {  	v46 =	vld [tilespmem:s20+$0x850];
	v13 =	vand.u32 $0x79, v41;
	[tilespmem:s22+$0x5860] =	vst v3;
	v3 =	vmul.f32 v30, v32  }
0x340: {  	v47 =	vld [tilespmem:s20+$0x860];
	v13 =	vor.u32 $0x100, v13;
	[tilespmem:s22+$0x5870] =	vst v1;
	v1 =	vmul.f32 v30, v33  }
0x341: {  	v48 =	vld [tilespmem:s20+$0x870];
	s12 =	sshll.u32 s19, $0x7;
	v13 =	vbroadcast v13, $0x0;
	[tilespmem:s18+$0x5800] =	vst v3;
	v3 =	vmul.f32 v30, v34  }
0x342: {  	v51 =	vld [tilespmem:s12+$0x800];
	[tilespmem:s18+$0x5810] =	vst v1;
	v1 =	vmul.f32 v30, v35  }
0x343: {  	v2 =	vld [tilespmem:s20+$0x810];
	[tilespmem:s18+$0x5820] =	vst v3;
	v3 =	vmul.f32 v30, v36  }
0x344: {  	v52 =	vld [tilespmem:s12+$0x810];
	[tilespmem:s18+$0x5830] =	vst v1;
	v1 =	vmul.f32 v30, v37  }
0x345: {  	v53 =	vld [tilespmem:s12+$0x820];
	[tilespmem:s18+$0x5840] =	vst v3;
	v3 =	vmul.f32 v30, v38  }
0x346: {  	v55 =	vld [tilespmem:s12+$0x830];
	[tilespmem:s18+$0x5850] =	vst v1;
	v1 =	vmul.f32 v30, v39  }
0x347: {  	v49 =	vld.idx.msk [tilespmem:v13+s4+$0x0], $0xffff;
	[tilespmem:s18+$0x5860] =	vst v3;
	v3 =	vmul.f32 v40, v42  }
0x348: {  	s22 =	sor.u32 $0xA, s17;
	[tilespmem:s18+$0x5870] =	vst v1;
	v1 =	vmul.f32 v40, v2;
	v2 =	vld [tilespmem:s12+$0x840]  }
0x349: {  	v56 =	vld [tilespmem:s12+$0x850];
	v50 =	vmov s22;
	[tilespmem:s20+$0x5800] =	vst v3;
	v3 =	vmul.f32 v40, v43  }
0x34a: {  	v57 =	vld [tilespmem:s12+$0x860];
	v13 =	vand.u32 $0x7A, v50;
	[tilespmem:s20+$0x5810] =	vst v1;
	v1 =	vmul.f32 v40, v44  }
0x34b: {  	v58 =	vld [tilespmem:s12+$0x870];
	s19 =	sshll.u32 s22, $0x7;
	v13 =	vor.u32 $0x100, v13;
	[tilespmem:s20+$0x5820] =	vst v3;
	v3 =	vmul.f32 v40, v45  }
0x34c: {  	v60 =	vld [tilespmem:s19+$0x800];
	v54 =	vbroadcast v13, $0x0;
	[tilespmem:s20+$0x5830] =	vst v1;
	v1 =	vmul.f32 v40, v46  }
0x34d: {  	v61 =	vld [tilespmem:s19+$0x810];
	v2 =	vmul.f32 v49, v2;
	[tilespmem:s20+$0x5840] =	vst v3  }
0x34e: {  	v63 =	vld [tilespmem:s19+$0x820];
	[tilespmem:s20+$0x5850] =	vst v1;
	v1 =	vmul.f32 v40, v48  }
0x34f: {  	v18 =	vld [tilespmem:s19+$0x830];
	v3 =	vmul.f32 v40, v47;
	[tilespmem:s12+$0x5840] =	vst v2  }
0x350: {  	v19 =	vld [tilespmem:s19+$0x840];
	s18 =	sor.u32 $0xB, s17;
	[tilespmem:s20+$0x5870] =	vst v1;
	v1 =	vmul.f32 v49, v52  }
0x351: {  	v20 =	vld [tilespmem:s19+$0x850];
	v59 =	vmov s18;
	v2 =	vmul.f32 v49, v57;
	[tilespmem:s20+$0x5860] =	vst v3  }
0x352: {  	v12 =	vld.idx.msk [tilespmem:v54+s4+$0x0], $0xffff;
	v13 =	vand.u32 $0x7B, v59;
	[tilespmem:s12+$0x5810] =	vst v1;
	v1 =	vmul.f32 v49, v55  }
0x353: {  	v21 =	vld [tilespmem:s19+$0x870];
	s22 =	sshll.u32 s18, $0x7;
	v62 =	vor.u32 $0x100, v13;
	v3 =	vmul.f32 v49, v51;
	[tilespmem:s12+$0x5860] =	vst v2  }
0x354: {  	v23 =	vld [tilespmem:s22+$0x800];
	v9 =	vbroadcast v62, $0x0;
	[tilespmem:s12+$0x5830] =	vst v1;
	v1 =	vmul.f32 v49, v56  }
0x355: {  	v24 =	vld [tilespmem:s22+$0x810];
	[tilespmem:s12+$0x5800] =	vst v3;
	v3 =	vmul.f32 v49, v53  }
0x356: {  	v25 =	vld [tilespmem:s22+$0x820];
	[tilespmem:s12+$0x5850] =	vst v1;
	v1 =	vmul.f32 v49, v58  }
0x357: {  	v26 =	vld [tilespmem:s22+$0x830];
	v2 =	vmul.f32 v12, v60;
	[tilespmem:s12+$0x5820] =	vst v3  }
0x358: {  	s20 =	sor.u32 $0xC, s17;
	v3 =	vld [tilespmem:s19+$0x860];
	[tilespmem:s12+$0x5870] =	vst v1;
	v1 =	vmul.f32 v12, v61  }
0x359: {  	v27 =	vld [tilespmem:s22+$0x840];
	v22 =	vmov s20;
	[tilespmem:s19+$0x5800] =	vst v2;
	v2 =	vmul.f32 v12, v63  }
0x35a: {  	v9 =	vld.idx.msk [tilespmem:v9+s4+$0x0], $0xffff;
	v10 =	vand.u32 $0x7C, v22;
	[tilespmem:s19+$0x5810] =	vst v1;
	v1 =	vmul.f32 v12, v18  }
0x35b: {  	v28 =	vld [tilespmem:s22+$0x850];
	v10 =	vor.u32 $0x100, v10;
	[tilespmem:s19+$0x5820] =	vst v2;
	v2 =	vmul.f32 v12, v19  }
0x35c: {  	v29 =	vld [tilespmem:s22+$0x860];
	s18 =	sshll.u32 s20, $0x7;
	v10 =	vbroadcast v10, $0x0;
	[tilespmem:s19+$0x5830] =	vst v1;
	v1 =	vmul.f32 v12, v20  }
0x35d: {  	v32 =	vld [tilespmem:s18+$0x800];
	[tilespmem:s19+$0x5840] =	vst v2;
	v2 =	vmul.f32 v12, v3  }
0x35e: {  	v33 =	vld [tilespmem:s18+$0x810];
	[tilespmem:s19+$0x5850] =	vst v1;
	v1 =	vmul.f32 v12, v21  }
0x35f: {  	v34 =	vld [tilespmem:s18+$0x820];
	[tilespmem:s19+$0x5860] =	vst v2;
	v2 =	vmul.f32 v9, v23  }
0x360: {  	v35 =	vld [tilespmem:s18+$0x830];
	s12 =	sor.u32 $0xD, s17;
	[tilespmem:s19+$0x5870] =	vst v1;
	v1 =	vmul.f32 v9, v24  }
0x361: {  	v3 =	vld [tilespmem:s22+$0x870];
	v31 =	vmov s12;
	[tilespmem:s22+$0x5800] =	vst v2;
	v2 =	vmul.f32 v9, v25  }
0x362: {  	v30 =	vld.idx.msk [tilespmem:v10+s4+$0x0], $0xffff;
	v10 =	vand.u32 $0x7D, v31;
	[tilespmem:s22+$0x5810] =	vst v1;
	v1 =	vmul.f32 v9, v26  }
0x363: {  	v36 =	vld [tilespmem:s18+$0x840];
	v10 =	vor.u32 $0x100, v10;
	[tilespmem:s22+$0x5820] =	vst v2;
	v2 =	vmul.f32 v9, v27  }
0x364: {  	s20 =	sor.u32 $0xF, s17;
	v37 =	vld [tilespmem:s18+$0x850];
	v10 =	vbroadcast v10, $0x0;
	[tilespmem:s22+$0x5830] =	vst v1;
	v1 =	vmul.f32 v9, v28  }
0x365: {  	v38 =	vld [tilespmem:s18+$0x860];
	s8 =	sshll.u32 s20, $0x7;
	[tilespmem:s22+$0x5840] =	vst v2;
	v2 =	vmul.f32 v9, v29  }
0x366: {  	v58 =	vld [tilespmem:s8+$0x800];
	s13 =	sshll.u32 s12, $0x7;
	[tilespmem:s22+$0x5850] =	vst v1;
	v1 =	vmul.f32 v9, v3  }
0x367: {  	v41 =	vld [tilespmem:s13+$0x800];
	[tilespmem:s22+$0x5860] =	vst v2;
	v2 =	vmul.f32 v30, v32  }
0x368: {  	v42 =	vld [tilespmem:s13+$0x810];
	s19 =	sor.u32 $0xE, s17;
	[tilespmem:s22+$0x5870] =	vst v1;
	v1 =	vmul.f32 v30, v33  }
0x369: {  	v40 =	vmov s19;
	[tilespmem:s18+$0x5800] =	vst v2;
	v2 =	vmul.f32 v30, v34;
	v3 =	vld [tilespmem:s18+$0x870]  }
0x36a: {  	v39 =	vld.idx.msk [tilespmem:v10+s4+$0x0], $0xffff;
	v9 =	vand.u32 $0x7E, v40;
	[tilespmem:s18+$0x5810] =	vst v1;
	v1 =	vmul.f32 v30, v35  }
0x36b: {  	v43 =	vld [tilespmem:s13+$0x820];
	v9 =	vor.u32 $0x100, v9;
	[tilespmem:s18+$0x5820] =	vst v2;
	v2 =	vmul.f32 v30, v36  }
0x36c: {  	v44 =	vld [tilespmem:s13+$0x830];
	v9 =	vbroadcast v9, $0x0;
	[tilespmem:s18+$0x5830] =	vst v1;
	v1 =	vmul.f32 v30, v37  }
0x36d: {  	v45 =	vld [tilespmem:s13+$0x840];
	[tilespmem:s18+$0x5840] =	vst v2;
	v2 =	vmul.f32 v30, v38  }
0x36e: {  	v46 =	vld [tilespmem:s13+$0x850];
	[tilespmem:s18+$0x5850] =	vst v1;
	v1 =	vmul.f32 v30, v3  }
0x36f: {  	v47 =	vld [tilespmem:s13+$0x870];
	[tilespmem:s18+$0x5860] =	vst v2;
	v2 =	vmul.f32 v39, v41  }
0x370: {  	s22 =	sshll.u32 s19, $0x7;
	v3 =	vld [tilespmem:s13+$0x860];
	[tilespmem:s18+$0x5870] =	vst v1;
	v1 =	vmul.f32 v39, v42  }
0x371: {  	v49 =	vmov s20;
	v50 =	vld [tilespmem:s22+$0x800];
	[tilespmem:s13+$0x5800] =	vst v2;
	v2 =	vmul.f32 v39, v43  }
0x372: {  	v48 =	vld.idx.msk [tilespmem:v9+s4+$0x0], $0xffff;
	v9 =	vand.u32 $0x7F, v49;
	[tilespmem:s13+$0x5810] =	vst v1;
	v1 =	vmul.f32 v39, v44  }
0x373: {  	v51 =	vld [tilespmem:s22+$0x810];
	v9 =	vor.u32 $0x100, v9;
	[tilespmem:s13+$0x5820] =	vst v2;
	v2 =	vmul.f32 v39, v45  }
0x374: {  	v52 =	vld [tilespmem:s22+$0x820];
	v9 =	vbroadcast v9, $0x0;
	[tilespmem:s13+$0x5830] =	vst v1;
	v1 =	vmul.f32 v39, v46  }
0x375: {  	v53 =	vld [tilespmem:s22+$0x830];
	[tilespmem:s13+$0x5840] =	vst v2;
	v2 =	vmul.f32 v39, v3  }
0x376: {  	v3 =	vld [tilespmem:s22+$0x840];
	[tilespmem:s13+$0x5850] =	vst v1;
	v1 =	vmul.f32 v39, v47  }
0x377: {  	v54 =	vld [tilespmem:s22+$0x850];
	[tilespmem:s13+$0x5860] =	vst v2;
	v2 =	vmul.f32 v48, v50  }
0x378: {  	v55 =	vld [tilespmem:s22+$0x860];
	[tilespmem:s13+$0x5870] =	vst v1;
	v1 =	vmul.f32 v48, v51  }
0x379: {  	v56 =	vld [tilespmem:s22+$0x870];
	[tilespmem:s22+$0x5800] =	vst v2;
	v2 =	vmul.f32 v48, v52  }
0x37a: {  	v57 =	vld.idx.msk [tilespmem:v9+s4+$0x0], $0xffff;
	[tilespmem:s22+$0x5810] =	vst v1;
	v1 =	vmul.f32 v48, v53  }
0x37b: {  	[tilespmem:s22+$0x5820] =	vst v2;
	v2 =	vmul.f32 v48, v3;
	v3 =	vld [tilespmem:s8+$0x810]  }
0x37c: {  	v59 =	vld [tilespmem:s8+$0x820];
	[tilespmem:s22+$0x5830] =	vst v1;
	v1 =	vmul.f32 v48, v54  }
0x37d: {  	v60 =	vld [tilespmem:s8+$0x830];
	[tilespmem:s22+$0x5840] =	vst v2;
	v2 =	vmul.f32 v48, v55  }
0x37e: {  	v61 =	vld [tilespmem:s8+$0x840];
	[tilespmem:s22+$0x5850] =	vst v1;
	v1 =	vmul.f32 v48, v56  }
0x37f: {  	v62 =	vld [tilespmem:s8+$0x850];
	[tilespmem:s22+$0x5860] =	vst v2;
	v2 =	vmul.f32 v57, v58  }
0x380: {  	[tilespmem:s22+$0x5870] =	vst v1;
	v1 =	vmul.f32 v57, v3;
	v3 =	vld [tilespmem:s8+$0x860]  }
0x381: {  	v63 =	vld [tilespmem:s8+$0x870];
	[tilespmem:s8+$0x5800] =	vst v2;
	v2 =	vmul.f32 v57, v59  }
0x382: {  	[tilespmem:s8+$0x5810] =	vst v1;
	v1 =	vmul.f32 v57, v60  }
0x383: {  	p0 =	slt.u32 s17, $0x40;
	[tilespmem:s8+$0x5820] =	vst v2;
	v2 =	vmul.f32 v57, v61  }
.Ltmp7:
0x384: {  	[tilespmem:s8+$0x5830] =	vst v1;
	v1 =	vmul.f32 v57, v62;
	(pc) =	sbr.rel @p0 .LBB2_15-.Ltmp7, $4  }
0x385: {  	[tilespmem:s8+$0x5840] =	vst v2;
	v2 =	vmul.f32 v57, v3  }
0x386: {  	[tilespmem:s8+$0x5850] =	vst v1;
	v1 =	vmul.f32 v57, v63  }
0x387: {  	[tilespmem:s8+$0x5860] =	vst v2  }
0x388: {  	s17 =	sadd.s32 $0x10, s17;
	[tilespmem:s8+$0x5870] =	vst v1  }
0x389: {  	[spmem:s3] =	stream.indirect.scatter.add.f32 [tilespmem:s21], [sflag:$0x3], $0x80, s0, s25, $0xb8;
	[tilespmem:$0x1E800] =	vst v63  }
0x38a: {  	_ =	swait.ge [sflag:s2], $0x2800  }
0x38b: {  	[sflag:s2] =	ssyncset.done $0x0  }
0x38c: {  	[sflag:s2] =	ssyncadd.s32 $0xFFFFD800  }
0x38d: {  	_ =	swait.ge [sflag:s14], $0x2800  }
0x38e: {  	[sflag:s14] =	ssyncset.done $0x0  }
0x38f: {  	[sflag:s14] =	ssyncadd.s32 $0xFFFFD800  }
0x390: {  	s8 =	stileid.u32;
	[bflag:$0x0] =	sbarrier.arrive $0xFFFF  }
0x391: {  	s8 =	sshll.u32 s8, $0x6;
	s15 =	rddreg [dreg:$0x7]  }
0x392: {  	s8 =	sor.u32 $0x1C06, s8;
	s13 =	rddreg [dreg:$0x6];
	s12 =	sshrl.u32 s15, $0x3  }
0x393: {  	[hbm:s13], [sflag:s8] =	dma.local [spmem:s12], $0x2800  }
0x394: {  	s13 =	simm.s32 $0x6  }
0x395: {  	_ =	swait.ge [sflag:s13], $0x2800  }
0x396: {  	s20 =	rddreg [dreg:$0x10]  }
0x397: {  	s22 =	rddreg [dreg:$0x8];
	s12 =	sadd.s32 $0x1, s20  }
0x398: {  	p0 =	sne.s32 s12, s22  }
.Ltmp8:
0x399: {  	_ = 	snop;
	(pc) =	sbr.rel @p0 .LBB2_1-.Ltmp8, $3  }
0x39a: {  	_ =	sdelay $0x1  }
0x39b: {  	[sflag:s13] =	ssyncset.done $0x0  }
0x39c: {  	[sflag:s13] =	ssyncadd.s32 $0xFFFFD800  }
0x39d: {  	_ =	sfence.sel $0x180000  }
0x39e: {  	[bflag:$0x0] =	sbarrier.arrive $0xFFFF  }
0x39f: {  	_ =	strace $0x9000004D  }
0x3a0: {  	s0 =	stileid.u32;
	[bflag:$0x2] =	sbarrier.arrive $0xFFFF  }
0x3a1: {  	p0 =	sne.s32 s0, $0x0;
	s0 =	rddreg [dreg:$0x3]  }
0x3a2: {  	s0 =	sadd.s32 @!p0 $0x100000, s0  }
0x3a3: {  	[sflag:s0] =	ssyncadd.tile.s32 @!p0 $0x1;
	_ =	shalt  }
.Lfunc_end2:
_tile_overlayer_lowered:
.L_overlay_start_2:
0x3a4: {  	(tag) =	ssettag $0x2  }
0x3a5: {  	s0 =	rddreg [dreg:$0x0];
	s2 =	stileid.u32  }
0x3a6: {  	s1 =	rddreg [dreg:$0x1];
	p0 =	sne.s32 s2, $0x0  }
0x3a7: {  	s3 =	rddreg [dreg:$0x2];
	[bflag:$0x3] =	sbarrier.arrive $0xFFFF;
	s2 =	simm.s32 @!p0 $0x1C06  }
0x3a8: {  	[timem:s3], [sflag:s2] =	dma.local @!p0 [hbm:s0], s1  }
0x3a9: {  	s0 =	simm.s32 @!p0 $0x6  }
0x3aa: {  	_ =	swait.ge @!p0 [sflag:s0], s1  }
0x3ab: {  	s1 =	ssub.s32 @!p0 $0x0, s1;
	[sflag:s0] =	ssyncset.done @!p0 $0x0  }
0x3ac: {  	[sflag:s0] =	ssyncadd.s32 @!p0 s1  }
0x3ad: {  	[bflag:$0x3] =	sbarrier.arrive $0xFFFF  }
0x3ae: {  	_ =	shalt  }

// kernel: kernel.8.cloned.1.call-start
scs
__scs_entry_jumppad:
0x0: {  	(pc) =	sbr.rel $0x88, $3  }
0x1: {  	(tag) =	ssettag $0x0;
	lr =	simm.s32 $0x1  }
0x2: {  	[smem:$0x3F99] =	sst lr;
	_ =	strace $0xD0000000  }
0x3: {  	_ = 	snop  }
0x4: {  	_ = 	snop  }
0x5: {  	_ = 	snop  }
0x6: {  	_ = 	snop  }
0x7: {  	_ = 	snop  }
__scs_overlays_trampoline_lowered:
0x8: {  	[smem:$0x3FA8] =	sst s0  }
0x9: {  	[smem:$0x3FA9] =	sst s1  }
0xa: {  	[smem:$0x3FAA] =	sst s2  }
0xb: {  	[smem:$0x3FAB] =	sst s3  }
0xc: {  	[smem:$0x3FAC] =	sst s4  }
0xd: {  	[smem:$0x3FAD] =	sst s5  }
0xe: {  	[smem:$0x3FAE] =	sst s6  }
0xf: {  	[smem:$0x3FAF] =	sst s7  }
0x10: {  	[smem:$0x3FB0] =	sst s8  }
0x11: {  	[smem:$0x3FB1] =	sst s9;
	s0 =	simm.s32 @!p0 $0x0  }
0x12: {  	s1 =	sld [smem:$0x3F97];
	s0 =	simm.s32 @p0 $0x1  }
0x13: {  	[smem:$0x3FB2] =	sst s0;
	s0 =	simm.s32 @!p1 $0x0  }
0x14: {  	s2 =	sld [smem:$0x3F96];
	s0 =	simm.s32 @p1 $0x1  }
0x15: {  	[smem:$0x3FB3] =	sst s0;
	s0 =	simm.s32 @!p2 $0x0  }
0x16: {  	s3 =	sld [smem:$0x3FDB];
	s0 =	simm.s32 @p2 $0x1  }
0x17: {  	s4 =	simm.s32 $0x1BF5;
	[smem:$0x3FB5] =	sst s0  }
0x18: {  	s0 =	sld [smem:$0x3F98];
	_ =	swait.ge [sflag:s4], $0x0  }
0x19: {  	s7 =	sld [smem:$0x3F99]  }
0x1a: {  	s8 =	sadd.s32 $0xFFFFE003, lr  }
0x1b: {  	s9 =	sadd.s32 $0xFFFFFEF7, lr;
	s5 =	simm.s32 $0xFFFFFFFF;
	p2 =	slt.u32 s8, $0xFFFFF086  }
0x1c: {  	p1 =	slt.u32 s9, $0xF7A;
	s5 =	simm.s32 @!p2 $0x0  }
0x1d: {  	s5 =	simm.s32 @p1 $0x1;
	p0 =	seq.s32 s7, s2  }
0x1e: {  	s7 =	smul.u32 @!p0 $0xF7A, s2;
	p2 =	seq.s32 @!p0 s5, $0x0  }
0x1f: {  	s9 =	smul.u32 $0xF7A, s1;
	s8 =	simm.s32 @!p0 $0x1BF5;
	p2 =	por !p2, p0  }
0x20: {  	[sflag:s8] =	ssyncset.s32 @!p0 $0xFFFFF086;
	s6 =	sadd.s32 @!p0 s3, s7;
	s7 =	simm.s32 @!p0 $0x108  }
0x21: {  	s3 =	sadd.s32 s3, s9;
	s6 =	sadd.s32 @!p0 $0x88, s6;
	s7 =	simm.s32 @p2 $0x1082  }
0x22: {  	[simem:s7], [sflag:s8] =	dma.local @!p0 [hbm:s6], $0xF7A  }
0x23: {  	s9 =	sor.u32 $0xD0000000, s2;
	s6 =	simm.s32 $0x108;
	_ =	swait.ge @!p0 [sflag:s8], $0x0  }
0x24: {  	s3 =	sadd.s32 $0x88, s3;
	s6 =	simm.s32 @!p1 $0x1082;
	[sflag:s4] =	ssyncset.s32 $0xFFFFF086  }
0x25: {  	[simem:s6], [sflag:s4] =	dma.local [hbm:s3], $0xF7A  }
0x26: {  	[smem:$0x3F99] =	sst s1;
	(tag) =	ssettag s2;
	_ =	strace s9  }
0x27: {  	s1 =	sld [smem:$0x3FA9]  }
0x28: {  	s2 =	sld [smem:$0x3FAA]  }
0x29: {  	s4 =	sld [smem:$0x3FAC]  }
0x2a: {  	p0 =	seq.s32 s5, $0x0;
	s5 =	sld [smem:$0x3FAD]  }
0x2b: {  	s6 =	sld [smem:$0x3FAE]  }
0x2c: {  	s7 =	sld [smem:$0x3FAF]  }
0x2d: {  	s3 =	simm.s32 $0x108;
	s8 =	sld [smem:$0x3FB0]  }
0x2e: {  	s3 =	simm.s32 @!p0 $0x1082;
	s9 =	sld [smem:$0x3FB1]  }
0x2f: {  	lr =	sadd.s32 s0, s3;
	s0 =	sld [smem:$0x3FA8]  }
0x30: {  	s3 =	sld [smem:$0x3FAB]  }
0x31: {  	[smem:$0x3FB4] =	sst s10  }
0x32: {  	s10 =	sld [smem:$0x3FB2];
	_ =	sdelay $0x3  }
0x33: {  	p0 =	seq.s32 s10, $0x1;
	s10 =	sld [smem:$0x3FB4];
	_ =	sdelay $0x3  }
0x34: {  	[smem:$0x3FB4] =	sst s10  }
0x35: {  	s10 =	sld [smem:$0x3FB3];
	_ =	sdelay $0x3  }
0x36: {  	p1 =	seq.s32 s10, $0x1;
	s10 =	sld [smem:$0x3FB4];
	_ =	sdelay $0x3  }
0x37: {  	[smem:$0x3FB4] =	sst s10  }
0x38: {  	s10 =	sld [smem:$0x3FB5]  }
0x39: {  	_ = 	snop;
	(pc) =	sbr.ind lr, $3  }
0x3a: {  	_ = 	snop  }
0x3b: {  	_ = 	snop  }
0x3c: {  	p2 =	seq.s32 s10, $0x1;
	s10 =	sld [smem:$0x3FB4]  }
0x3d: {  	_ =	shalt  }
0x3e: {  	_ =	shalt  }
0x3f: {  	_ =	shalt  }
0x40: {  	_ =	shalt  }
0x41: {  	_ =	shalt  }
0x42: {  	_ =	shalt  }
0x43: {  	_ =	shalt  }
0x44: {  	_ =	shalt  }
0x45: {  	_ =	shalt  }
0x46: {  	_ =	shalt  }
0x47: {  	_ =	shalt  }
0x48: {  	_ =	shalt  }
0x49: {  	_ =	shalt  }
0x4a: {  	_ =	shalt  }
0x4b: {  	_ =	shalt  }
0x4c: {  	_ =	shalt  }
0x4d: {  	_ =	shalt  }
0x4e: {  	_ =	shalt  }
0x4f: {  	_ =	shalt  }
0x50: {  	_ =	shalt  }
0x51: {  	_ =	shalt  }
0x52: {  	_ =	shalt  }
0x53: {  	_ =	shalt  }
0x54: {  	_ =	shalt  }
0x55: {  	_ =	shalt  }
0x56: {  	_ =	shalt  }
0x57: {  	_ =	shalt  }
0x58: {  	_ =	shalt  }
0x59: {  	_ =	shalt  }
0x5a: {  	_ =	shalt  }
0x5b: {  	_ =	shalt  }
0x5c: {  	_ =	shalt  }
0x5d: {  	_ =	shalt  }
0x5e: {  	_ =	shalt  }
0x5f: {  	_ =	shalt  }
0x60: {  	_ =	shalt  }
0x61: {  	_ =	shalt  }
0x62: {  	_ =	shalt  }
0x63: {  	_ =	shalt  }
0x64: {  	_ =	shalt  }
0x65: {  	_ =	shalt  }
0x66: {  	_ =	shalt  }
0x67: {  	_ =	shalt  }
0x68: {  	_ =	shalt  }
0x69: {  	_ =	shalt  }
0x6a: {  	_ =	shalt  }
0x6b: {  	_ =	shalt  }
0x6c: {  	_ =	shalt  }
0x6d: {  	_ =	shalt  }
0x6e: {  	_ =	shalt  }
0x6f: {  	_ =	shalt  }
0x70: {  	_ =	shalt  }
0x71: {  	_ =	shalt  }
0x72: {  	_ =	shalt  }
0x73: {  	_ =	shalt  }
0x74: {  	_ =	shalt  }
0x75: {  	_ =	shalt  }
0x76: {  	_ =	shalt  }
0x77: {  	_ =	shalt  }
0x78: {  	_ =	shalt  }
0x79: {  	_ =	shalt  }
0x7a: {  	_ =	shalt  }
0x7b: {  	_ =	shalt  }
0x7c: {  	_ =	shalt  }
0x7d: {  	_ =	shalt  }
0x7e: {  	_ =	shalt  }
0x7f: {  	_ =	shalt  }
0x80: {  	_ =	shalt  }
0x81: {  	_ =	shalt  }
0x82: {  	_ =	shalt  }
0x83: {  	_ =	shalt  }
0x84: {  	_ =	shalt  }
0x85: {  	_ =	shalt  }
0x86: {  	_ =	shalt  }
0x87: {  	_ =	shalt  }
.Lfunc_end0:
.L_simem_size_0:
called_computation_lowered:
.L_overlay_start_0:
0x88: {  	s2 =	sld [smem:$0x3FD9]  }
0x89: {  	s3 =	sld [smem:$0x3FFE];
	_ =	sdelay $0x1  }
0x8a: {  	s1 =	srdreg.scid  }
0x8b: {  	s0 =	sand.u32 $0x1, s1  }
0x8c: {  	s17 =	sshll.u32 s0, $0xA;
	s2 =	sadd.s32 s3, s2  }
0x8d: {  	s2 =	sadd.s32 s2, s17  }
0x8e: {  	[smem:$0x3FC0] =	sst s2  }
0x8f: {  	_ = 	snop  }
0x90: {  	s2 =	sld [smem:$0x3FC7]  }
0x91: {  	s18 =	sld [smem:$0x3FD0];
	(tm) =	ssettm $0x1  }
0x92: {  	s4 =	sld [smem:$0x3FFB];
	_ =	sdelay $0x3  }
0x93: {  	_ =	strace s4  }
0x94: {  	s4 =	sld [smem:$0x3FFC];
	_ =	sdelay $0x3  }
0x95: {  	_ =	strace s4  }
0x96: {  	s4 =	sld [smem:$0x3FFD];
	_ =	sdelay $0x3  }
0x97: {  	_ =	strace s4  }
0x98: {  	_ =	strace $0x8FFFFFFF  }
0x99: {  	s19 =	sld [smem:$0x3FDB];
	_ =	sdelay $0x1  }
0x9a: {  	s5 =	simm.s32 $_scs_section_size  }
0x9b: {  	s6 =	simm.s32 $_size__tile_overlayer_lowered;
	s7 =	simm.s32 $_tile_overlayer_lowered  }
0x9c: {  	s22 =	simm.s32 $0x1BFF;
	s21 =	sshll.u32 s7, $0x1;
	s4 =	sadd.s32 s5, s19  }
0x9d: {  	s8 =	simm.s32 $0x0;
	s20 =	sshll.u32 s6, $0x1;
	s6 =	sadd.s32 s21, s4  }
0x9e: {  	[timem:s8], [sflag:s22] =	dma.local [hbm:s6], s20  }
0x9f: {  	_ =	swait.ge [sflag:s22], s20  }
0xa0: {  	s5 =	ssub.s32 $0x0, s20;
	[sflag:s22] =	ssyncset.done $0x0  }
0xa1: {  	[sflag:s22] =	ssyncadd.s32 s5;
	_ =	sdelay $0x1  }
0xa2: {  	s23 =	simm.s32 $0x1B8B  }
0xa3: {  	_ =	swait.ge [sflag:s23], $0x1  }
0xa4: {  	[sflag:s23] =	ssyncset.done $0x0  }
0xa5: {  	s25 =	simm.s32 $0x1B8E;
	s24 =	sld [smem:$0x3FFE];
	[sflag:s23] =	ssyncadd.s32 $0xFFFFFFFF  }
0xa6: {  	s26 =	simm.s32 $execute0_lowered;
	[smem:$0x3FD2] =	sst s25  }
0xa7: {  	s6 =	sshll.u32 s26, $0x1;
	_ =	strace $0x80000046;
	[dreg:$0x1] =	wrdreg $0xFFFFFFFF  }
0xa8: {  	s28 =	simm.s32 $_size_execute0_lowered;
	s4 =	sadd.s32 s4, s6;
	[dreg:$0x0] =	wrdreg $0x0  }
0xa9: {  	s6 =	sshll.u32 s28, $0x1;
	[dreg:$0x2] =	wrdreg s4  }
0xaa: {  	[dreg:$0x3] =	wrdreg s6  }
0xab: {  	[dreg:$0x4] =	wrdreg $0xC0  }
0xac: {  	_ =	task [dreg:s8], $0x5FFFF  }
0xad: {  	[dreg:$0x1] =	wrdreg $0xFFFFFFFF  }
0xae: {  	[dreg:$0x0] =	wrdreg $0x60  }
0xaf: {  	[dreg:$0x2] =	wrdreg s18  }
0xb0: {  	[dreg:$0x3] =	wrdreg s2  }
0xb1: {  	[dreg:$0x4] =	wrdreg s24  }
0xb2: {  	[dreg:$0x5] =	wrdreg $0xA1800  }
0xb3: {  	[dreg:$0x6] =	wrdreg $0x9  }
0xb4: {  	_ =	task.clear_ibuf [dreg:s8], $0x7FFFF;
	_ =	strace $0x90000046  }
0xb5: {  	s29 =	simm.s32 $0x9;
	_ =	strace $0x80000048  }
0xb6: {  	_ =	swait.ge [sflag:s29], $0x1  }
0xb7: {  	[sflag:s29] =	ssyncadd.s32 $0xFFFFFFFF  }
0xb8: {  	_ =	strace $0x90000048  }
0xb9: {  	_ =	sfence  }
0xba: {  	s30 =	sld [smem:$0x0];
	_ =	sdelay $0x2  }
0xbb: {  	s31 =	sshll.u32 s1, $0xD;
	s1 =	sshrl.u32 s1, $0x2  }
0xbc: {  	s3 =	sand.u32 $0x4000, s31;
	s1 =	sadd.s32 s1, s30  }
0xbd: {  	s0 =	sor.u32 s3, s0;
	s1 =	sshll.u32 s1, $0x11  }
0xbe: {  	s0 =	sor.u32 s1, s0  }
0xbf: {  	s0 =	sadd.s32 $0x8F2B, s0  }
0xc0: {  	[sflag:s0] =	ssyncadd.remote.s32 $0x1  }
0xc1: {  	_ =	sfence.sel $0xFFFF  }
0xc2: {  	[dreg:$0x0] =	wrdreg $0xFFFFFFFF;
	(pc) =	sbr.abs _section_cstart, $3  }
0xc3: {  	[dreg:$0x1] =	wrdreg $0xFFFFFFFF  }
0xc4: {  	_ =	task.clear_ibuf [dreg:s8], $0x2FFFF;
	_ =	strace $0x9FFFFFFF  }
0xc5: {  	(tm) =	ssettm $0x7FFFFFFF  }
tec
execute0_lowered:
.L_overlay_start_1:
0x0: {  	(tag) =	ssettag $0x1  }
0x1: {  	s3 =	rddreg [dreg:$0x0]  }
0x2: {  	s4 =	rddreg [dreg:$0x1]  }
0x3: {  	s5 =	rddreg [dreg:$0x2]  }
0x4: {  	s6 =	rddreg [dreg:$0x3]  }
0x5: {  	s0 =	rddreg [dreg:$0x4]  }
0x6: {  	s7 =	srdreg.scid;
	s1 =	stileid.u32  }
0x7: {  	s2 =	simm.s32 $0x0;
	s13 =	simm.s32 $0x400;
	s14 =	simm.s32 $0x1400  }
0x8: {  	s15 =	simm.s32 $0x14000;
	s16 =	simm.s32 $0x7700;
	s17 =	simm.s32 $0x100  }
0x9: {  	s18 =	simm.s32 $0x9F00;
	s7 =	sand.u32 $0x1, s7;
	s8 =	smul.u32 $0x500, s1  }
0xa: {  	[smem:$0x7FF] =	sst s2;
	s29 =	sshrl.u32 s1, $0x3;
	s30 =	smul.u32 $0x5000, s1  }
0xb: {  	s31 =	sshll.u32 s1, $0x7;
	s9 =	sshll.u32 s7, $0x7;
	s10 =	sshll.u32 s7, $0x4  }
0xc: {  	_ =	strace $0x80000047;
	s7 =	ssub.s32 $0x2, s7;
	s8 =	sor.u32 s9, s8  }
0xd: {  	s28 =	sor.u32 s1, s10;
	s11 =	sshrl.u32 s7, $0x1;
	s10 =	smul.u32 $0x50000, s29  }
0xe: {  	s12 =	sshrl.u32 s30, $0x2;
	s9 =	smul.u32 $0x4E2, s28;
	s8 =	sshrl.u32 s8, $0x3  }
0xf: {  	s11 =	ssub.s32 s7, s11;
	s7 =	sand.u32 $0x380, s31;
	s10 =	sshrl.u32 s10, $0x2  }
0x10: {  	s8 =	sadd.s32 s8, s5;
	s3 =	sadd.s32 s3, s9;
	s10 =	sadd.s32 s10, s6  }
0x11: {  	s4 =	sadd.s32 s4, s9;
	s6 =	sadd.s32 s12, s6;
	s9 =	simm.s32 $0x1  }
0x12: {  	s12 =	simm.s32 $0x80;
	s5 =	sadd.s32 s7, s10;
	s7 =	sadd.s32 $0x2400, s8  }
0x13: {  	v0 =	vimm.f32 $0.0e+00;
	s8 =	smax.u32 s11, $0x1;
	s10 =	simm.s32 $0x2780;
	s11 =	simm.s32 $0x4F00  }
.LBB2_1:
0x14: {  	s19 =	simm.s32 $0x40;
	s20 =	simm.s32 $0x0  }
.LBB2_2:
0x15: {  	p0 =	sne.s32 s19, $0x9FC0;
	[tilespmem:s20+$0x4F00] =	vst v0;
	s20 =	smov.u32 s19;
	s19 =	sadd.s32 $0x40, s19  }
.Ltmp0:
0x16: {  	(pc) =	sbr.rel @p0 .LBB2_2-.Ltmp0, $2  }
0x17: {  	_ =	sdelay $0x2  }
0x18: {  	s20 =	sshra.s32 s20, $0x2  }
0x19: {  	[tilespmem:s20+$0x4F00] =	vst v0;
	s19 =	simm.s32 $0x0  }
0x1a: {  	[tilespmem:s19], [sflag:$0x1] =	stream.linear.gather [hbm4b:s3+s19], $0x2710, $0x38;
	[tilespmem:$0xC980] =	vst v63  }
0x1b: {  	_ =	swait.ge [sflag:s9], $0x2710  }
0x1c: {  	[sflag:s9] =	ssyncset.done $0x0  }
0x1d: {  	[sflag:s9] =	ssyncadd.s32 $0xFFFFD8F0  }
0x1e: {  	[tilespmem:s10], [sflag:$0x1] =	stream.linear.gather [hbm4b:s4+s19], $0x2710, $0x38;
	[tilespmem:$0xC980] =	vst v63  }
0x1f: {  	_ =	swait.ge [sflag:s9], $0x2710  }
0x20: {  	[sflag:s9] =	ssyncset.done $0x0  }
0x21: {  	s20 =	simm.s32 $0x0;
	s19 =	simm.s32 $0x40;
	[sflag:s9] =	ssyncadd.s32 $0xFFFFD8F0  }
.LBB2_4:
0x22: {  	p0 =	sne.s32 s19, $0x9C00;
	v1 =	vld [tilespmem:s20+$0x0];
	_ =	sdelay $0x2  }
0x23: {  	v2 =	vld [tilespmem:s20+$0x2780]  }
.Ltmp1:
0x24: {  	(pc) =	sbr.rel @p0 .LBB2_4-.Ltmp1, $2  }
0x25: {  	_ =	sdelay $0x2  }
0x26: {  	s20 =	sshra.s32 s19, $0x2;
	s19 =	sadd.s32 $0x40, s19;
	[tilespmem:v1+s11+$0x0] =	vst.idx.add.f32.msk $0xffff, v2  }
0x27: {  	v1 =	vld [tilespmem:s20+$0x0];
	_ =	sdelay $0x2  }
0x28: {  	v2 =	vld [tilespmem:s20+$0x2780];
	_ =	sdelay $0x4  }
0x29: {  	[tilespmem:v1+s11+$0x0] =	vst.idx.add.f32.msk $0xffff, v2  }
0x2a: {  	[spmem:s5] =	stream.strided.scatter [tilespmem:s11], [sflag:$0x1], $0x2800, s13, s12, $0x38;
	[tilespmem:$0xC980] =	vst v63  }
0x2b: {  	_ =	swait.ge [sflag:s9], $0x2800  }
0x2c: {  	[sflag:s9] =	ssyncset.done $0x0  }
0x2d: {  	[sflag:s9] =	ssyncadd.s32 $0xFFFFD800  }
0x2e: {  	[bflag:$0x0] =	sbarrier.arrive $0xFFFF  }
0x2f: {  	[tilespmem:s16], [sflag:$0x1] =	stream.strided.gather [spmem:s6], $0x2800, s15, s14, $0x38;
	[tilespmem:$0xC980] =	vst v63  }
0x30: {  	s19 =	simm.s32 $0x0;
	_ =	swait.ge [sflag:s9], $0x2800  }
0x31: {  	s30 =	sand.u32 $0x70, s19;
	s19 =	sand.u32 $0x1C00, s19;
	[sflag:s9] =	ssyncset.done $0x0  }
0x32: {  	s19 =	sor.u32 s30, s19;
	[sflag:s9] =	ssyncadd.s32 $0xFFFFD800  }
0x33: {  	v1 =	vld [tilespmem:s19+$0x7780]  }
0x34: {  	v2 =	vld [tilespmem:s19+$0x7700];
	_ =	sdelay $0x1  }
0x35: {  	v3 =	vld [tilespmem:s19+$0x7800];
	_ =	sdelay $0x1  }
0x36: {  	v4 =	vld [tilespmem:s19+$0x7880]  }
0x37: {  	v1 =	vadd.f32 v1, v2  }
0x38: {  	v2 =	vld [tilespmem:s19+$0x7900]  }
0x39: {  	v1 =	vadd.f32 v3, v1  }
0x3a: {  	v3 =	vld [tilespmem:s19+$0x7980]  }
0x3b: {  	v1 =	vadd.f32 v4, v1  }
0x3c: {  	v60 =	vld [tilespmem:s19+$0x7A00]  }
0x3d: {  	v1 =	vadd.f32 v2, v1  }
0x3e: {  	v2 =	vld [tilespmem:s19+$0x7A80]  }
0x3f: {  	v1 =	vadd.f32 v3, v1  }
0x40: {  	v3 =	vld [tilespmem:s19+$0x8B00]  }
0x41: {  	v1 =	vadd.f32 v60, v1  }
0x42: {  	v61 =	vld [tilespmem:s19+$0x8B80]  }
0x43: {  	v1 =	vadd.f32 v2, v1  }
0x44: {  	v2 =	vld [tilespmem:s19+$0x8C00]  }
0x45: {  	v1 =	vadd.f32 v3, v1  }
0x46: {  	v3 =	vld [tilespmem:s19+$0x8C80]  }
0x47: {  	v1 =	vadd.f32 v61, v1  }
0x48: {  	v62 =	vld [tilespmem:s19+$0x8D00]  }
0x49: {  	v1 =	vadd.f32 v2, v1  }
0x4a: {  	v2 =	vld [tilespmem:s19+$0x8D80]  }
0x4b: {  	v1 =	vadd.f32 v3, v1  }
0x4c: {  	v3 =	vld [tilespmem:s19+$0x8E00]  }
0x4d: {  	v1 =	vadd.f32 v62, v1  }
0x4e: {  	v63 =	vld [tilespmem:s19+$0x8E80]  }
0x4f: {  	v1 =	vadd.f32 v2, v1;
	_ =	sdelay $0x1  }
0x50: {  	v1 =	vadd.f32 v3, v1;
	_ =	sdelay $0x1  }
0x51: {  	s31 =	simm.s32 $0x10;
	s21 =	simm.s32 $0x80;
	v1 =	vadd.f32 v63, v1  }
0x52: {  	s20 =	sand.u32 $0x70, s31;
	s22 =	sand.u32 $0x1C00, s21;
	s19 =	simm.s32 $0x9F00  }
0x53: {  	s20 =	sor.u32 s20, s22;
	s22 =	simm.s32 $0x20;
	[tilespmem:s19+$0x0] =	vst v1  }
.LBB2_6:
0x54: {  	p0 =	sne.s32 s22, $0x270;
	v1 =	vld [tilespmem:s20+$0x7780]  }
0x55: {  	v2 =	vld [tilespmem:s20+$0x7700];
	_ =	sdelay $0x1  }
0x56: {  	v3 =	vld [tilespmem:s20+$0x7800];
	_ =	sdelay $0x1  }
0x57: {  	v4 =	vld [tilespmem:s20+$0x7880]  }
0x58: {  	v1 =	vadd.f32 v1, v2  }
0x59: {  	v2 =	vld [tilespmem:s20+$0x7900]  }
0x5a: {  	v1 =	vadd.f32 v3, v1  }
0x5b: {  	v3 =	vld [tilespmem:s20+$0x7980]  }
0x5c: {  	v1 =	vadd.f32 v4, v1  }
0x5d: {  	v4 =	vld [tilespmem:s20+$0x7A00]  }
0x5e: {  	v1 =	vadd.f32 v2, v1  }
0x5f: {  	v2 =	vld [tilespmem:s20+$0x7A80]  }
0x60: {  	v1 =	vadd.f32 v3, v1  }
0x61: {  	v3 =	vld [tilespmem:s20+$0x8B00]  }
0x62: {  	v1 =	vadd.f32 v4, v1  }
0x63: {  	v4 =	vld [tilespmem:s20+$0x8B80]  }
0x64: {  	v1 =	vadd.f32 v2, v1  }
0x65: {  	v2 =	vld [tilespmem:s20+$0x8C00]  }
0x66: {  	v1 =	vadd.f32 v3, v1  }
0x67: {  	v3 =	vld [tilespmem:s20+$0x8C80]  }
0x68: {  	v1 =	vadd.f32 v4, v1  }
0x69: {  	v4 =	vld [tilespmem:s20+$0x8D00]  }
0x6a: {  	v1 =	vadd.f32 v2, v1  }
0x6b: {  	v2 =	vld [tilespmem:s20+$0x8D80]  }
0x6c: {  	v1 =	vadd.f32 v3, v1  }
0x6d: {  	v3 =	vld [tilespmem:s20+$0x8E00]  }
0x6e: {  	v1 =	vadd.f32 v4, v1  }
0x6f: {  	v4 =	vld [tilespmem:s20+$0x8E80]  }
0x70: {  	v1 =	vadd.f32 v2, v1;
	_ =	sdelay $0x1  }
.Ltmp2:
0x71: {  	v1 =	vadd.f32 v3, v1;
	(pc) =	sbr.rel @p0 .LBB2_6-.Ltmp2, $4  }
0x72: {  	_ = 	snop  }
0x73: {  	s21 =	sadd.s32 $0x80, s21;
	v1 =	vadd.f32 v4, v1  }
0x74: {  	s19 =	sadd.s32 $0x10, s19;
	s23 =	sand.u32 $0x1C00, s21;
	s20 =	sand.u32 $0x70, s22  }
0x75: {  	s22 =	sadd.s32 $0x10, s22;
	s20 =	sor.u32 s20, s23;
	[tilespmem:s19+$0x0] =	vst v1  }
0x76: {  	v1 =	vld [tilespmem:s20+$0x7780]  }
0x77: {  	v2 =	vld [tilespmem:s20+$0x7700];
	_ =	sdelay $0x1  }
0x78: {  	v3 =	vld [tilespmem:s20+$0x7800];
	_ =	sdelay $0x1  }
0x79: {  	v4 =	vld [tilespmem:s20+$0x7880]  }
0x7a: {  	v1 =	vadd.f32 v1, v2  }
0x7b: {  	v2 =	vld [tilespmem:s20+$0x7900]  }
0x7c: {  	v1 =	vadd.f32 v3, v1  }
0x7d: {  	v3 =	vld [tilespmem:s20+$0x7980]  }
0x7e: {  	v1 =	vadd.f32 v4, v1  }
0x7f: {  	v60 =	vld [tilespmem:s20+$0x7A00]  }
0x80: {  	v1 =	vadd.f32 v2, v1  }
0x81: {  	v2 =	vld [tilespmem:s20+$0x7A80]  }
0x82: {  	v1 =	vadd.f32 v3, v1  }
0x83: {  	v3 =	vld [tilespmem:s20+$0x8B00]  }
0x84: {  	v1 =	vadd.f32 v60, v1  }
0x85: {  	v61 =	vld [tilespmem:s20+$0x8B80]  }
0x86: {  	v1 =	vadd.f32 v2, v1  }
0x87: {  	v2 =	vld [tilespmem:s20+$0x8C00]  }
0x88: {  	v1 =	vadd.f32 v3, v1  }
0x89: {  	v3 =	vld [tilespmem:s20+$0x8C80]  }
0x8a: {  	v1 =	vadd.f32 v61, v1  }
0x8b: {  	v62 =	vld [tilespmem:s20+$0x8D00]  }
0x8c: {  	v1 =	vadd.f32 v2, v1  }
0x8d: {  	v2 =	vld [tilespmem:s20+$0x8D80]  }
0x8e: {  	v1 =	vadd.f32 v3, v1  }
0x8f: {  	v3 =	vld [tilespmem:s20+$0x8E00]  }
0x90: {  	v1 =	vadd.f32 v62, v1  }
0x91: {  	v63 =	vld [tilespmem:s20+$0x8E80]  }
0x92: {  	v1 =	vadd.f32 v2, v1;
	_ =	sdelay $0x1  }
0x93: {  	v1 =	vadd.f32 v3, v1;
	_ =	sdelay $0x1  }
0x94: {  	s2 =	sadd.s32 $0x1, s2;
	v1 =	vadd.f32 v63, v1  }
0x95: {  	s19 =	sadd.s32 $0x10, s19;
	p0 =	sne.s32 s2, s8  }
.Ltmp3:
0x96: {  	[tilespmem:s19+$0x0] =	vst v1;
	(pc) =	sbr.rel @p0 .LBB2_1-.Ltmp3, $4  }
0x97: {  	[hbm4b:s7+s12] =	stream.strided.scatter [tilespmem:s18], [sflag:$0x1], $0x280, s17, s12, $0x38;
	[tilespmem:$0xC980] =	vst v63  }
0x98: {  	_ =	swait.ge [sflag:s9], $0x280  }
0x99: {  	[sflag:s9] =	ssyncset.done $0x0  }
0x9a: {  	[sflag:s9] =	ssyncadd.s32 $0xFFFFFD80  }
0x9b: {  	_ =	sfence.sel $0x180000  }
0x9c: {  	[bflag:$0x0] =	sbarrier.arrive $0xFFFF  }
0x9d: {  	p0 =	sne.s32 s1, $0x0;
	_ =	strace $0x90000047  }
0x9e: {  	s0 =	sadd.s32 @!p0 $0x100000, s0;
	[bflag:$0x2] =	sbarrier.arrive $0xFFFF  }
0x9f: {  	[sflag:s0] =	ssyncadd.tile.s32 @!p0 $0x1;
	_ =	shalt  }
.Lfunc_end2:
_tile_overlayer_lowered:
.L_overlay_start_2:
0xa0: {  	(tag) =	ssettag $0x2  }
0xa1: {  	s0 =	rddreg [dreg:$0x0];
	s2 =	stileid.u32  }
0xa2: {  	s1 =	rddreg [dreg:$0x1];
	p0 =	sne.s32 s2, $0x0  }
0xa3: {  	s3 =	rddreg [dreg:$0x2];
	[bflag:$0x3] =	sbarrier.arrive $0xFFFF;
	s2 =	simm.s32 @!p0 $0x1C01  }
0xa4: {  	[timem:s3], [sflag:s2] =	dma.local @!p0 [hbm:s0], s1  }
0xa5: {  	s0 =	simm.s32 @!p0 $0x1  }
0xa6: {  	_ =	swait.ge @!p0 [sflag:s0], s1  }
0xa7: {  	s1 =	ssub.s32 @!p0 $0x0, s1;
	[sflag:s0] =	ssyncset.done @!p0 $0x0  }
0xa8: {  	[sflag:s0] =	ssyncadd.s32 @!p0 s1  }
0xa9: {  	[bflag:$0x3] =	sbarrier.arrive $0xFFFF  }
0xaa: {  	_ =	shalt  }

</sc_bundles>
